<compile_context>
chip_gen: v7x
topology: tpu7x:2x2x1
jax: 0.10.2.dev20260603
libtpu: 0.0.44.dev20260713+nightly
codegen_flags: <defaults>
</compile_context>

<pallas_src>
import functools

import jax
import jax.numpy as jnp
from jax import lax
from jax.experimental import pallas as pl
from jax.experimental.pallas import tpu as pltpu
from jax.experimental.pallas import tpu_sc as plsc

N = 16384
D = 64
NUM_TABLES = 4
L = 16
WIN = 128
TAIL_BASE = 99968
NWIN = 782
SLOT_W = 98
CAP = N + WIN
SROWS = 160
TRASH = 152
PAD_ROWS = 16
NB = 16


@functools.cache
def _build(nc: int):
    mesh = plsc.VectorSubcoreMesh(core_axis_name="c", subcore_axis_name="s")

    @functools.partial(
        pl.kernel,
        out_type=jax.ShapeDtypeStruct((N + PAD_ROWS, 2 * D), jnp.float32),
        mesh=mesh,
        compiler_params=pltpu.CompilerParams(use_tc_tiling_on_sc=True,
                                             needs_layout_passes=False),
        scratch_types=[
            pltpu.VMEM((N,), jnp.int32),
            pltpu.VMEM((N,), jnp.int32),
            pltpu.VMEM((CAP,), jnp.int32),
            pltpu.VMEM((CAP,), jnp.int32),
            pltpu.VMEM((128,), jnp.int32),
            pltpu.VMEM((D, WIN), jnp.float32),
            pltpu.VMEM((D, WIN), jnp.float32),
            pltpu.VMEM((SROWS, 2 * D), jnp.float32),
            pltpu.VMEM((384,), jnp.int32),
            pltpu.VMEM((8, WIN), jnp.int32),
            pltpu.SemaphoreType.DMA,
            pltpu.SemaphoreType.DMA,
            pltpu.SemaphoreType.DMA,
        ],
    )
    def hetero_gather(x_hbm, t_hbm, w0, w1, w2, w3, tails_hbm, out_hbm,
                      x_v, t_v, xr_v, pos_v, off_v,
                      wva, wvb, rows_v, posf_v, pos2_v, sema, semb, semo):
        wid = lax.axis_index("s") * nc + lax.axis_index("c")
        my_t = wid % NUM_TABLES
        slot = wid // NUM_TABLES
        wlo = slot * SLOT_W
        whi = jnp.minimum(wlo + SLOT_W, NWIN)

        cp_x = pltpu.async_copy(x_hbm, x_v, sema)
        cp_t = pltpu.async_copy(t_hbm, t_v, semb)
        cp_x.wait()
        cp_t.wait()

        lanes = lax.iota(jnp.int32, L)
        tables = [w0, w1, w2, w3]

        def scan_body(i, cnt):
            s = pl.ds(i * L, L)
            xv = x_v[s]
            tv = t_v[s]
            xr = jnp.where(xv < TAIL_BASE, xv,
                           TAIL_BASE + my_t * (100000 - TAIL_BASE)
                           + xv - TAIL_BASE)
            wk = xr >> 7
            m = (tv == my_t) & (wk >= wlo) & (wk < whi)
            plsc.store_compressed(xr_v.at[pl.ds(cnt, L)], xr, mask=m)
            plsc.store_compressed(pos_v.at[pl.ds(cnt, L)], i * L + lanes,
                                  mask=m)
            return cnt + plsc.all_reduce_population_count(m)[0]
        cnt = lax.fori_loop(0, N // L, scan_body, jnp.int32(0), unroll=2)

        @pl.when(cnt < N)
        def _():
            xr_v[pl.ds(cnt, L)] = jnp.full((L,), 1 << 20, jnp.int32)
        ng = (cnt + L - 1) // L

        xr2_v, pos2b_v = x_v, t_v
        bcnt = [jnp.int32(0)] * NB
        def count_pass(g, carry):
            bv = (xr_v[pl.ds(g * L, L)] >> 7) & (NB - 1)
            out = []
            for b in range(NB):
                out.append(carry[b]
                           + plsc.all_reduce_population_count(bv == b)[0])
            return tuple(out)
        bcnt = lax.fori_loop(0, ng, count_pass, tuple(bcnt))
        boff = []
        acc = jnp.int32(0)
        for b in range(NB):
            boff.append(acc)
            acc = acc + bcnt[b]
        offv = jnp.zeros((L,), jnp.int32)
        limv = jnp.zeros((L,), jnp.int32)
        for b in range(NB):
            offv = jnp.where(lanes == b, boff[b], offv)
            limv = jnp.where(lanes == b, boff[b] + bcnt[b], limv)
        off_v[pl.ds(0, L)] = offv
        off_v[pl.ds(L, L)] = limv

        def place_pass(g, carry):
            s = pl.ds(g * L, L)
            xrv = xr_v[s]
            posv = pos_v[s]
            bv = (xrv >> 7) & (NB - 1)
            out = []
            for b in range(NB):
                m = bv == b
                plsc.store_compressed(xr2_v.at[pl.ds(carry[b], L)], xrv,
                                      mask=m)
                plsc.store_compressed(pos2b_v.at[pl.ds(carry[b], L)], posv,
                                      mask=m)
                out.append(carry[b]
                           + plsc.all_reduce_population_count(m)[0])
            return tuple(out)
        lax.fori_loop(0, ng, place_pass, tuple(boff))
        @pl.when(acc < N)
        def _():
            xr2_v[pl.ds(acc, L)] = jnp.full((L,), 1 << 20, jnp.int32)

        def start(w, buf, sem):
            @pl.when(w < NWIN - 1)
            def _():
                for tt in range(NUM_TABLES):
                    @pl.when(my_t == tt)
                    def _(tt=tt):
                        pltpu.async_copy(
                            tables[tt].at[:, pl.ds(w * WIN, WIN)], buf, sem)

            @pl.when(w == NWIN - 1)
            def _():
                pltpu.async_copy(tails_hbm, buf, sem)

        def wait(buf, sem):
            pltpu.make_async_copy(tails_hbm, buf, sem).wait()

        def extract(w, buf, flcnt):
            b = w & (NB - 1)
            blo = off_v[pl.ds(b, L)][0]
            bhi = off_v[pl.ds(L + b, L)][0]

            def group(g, fl):
                xrv = xr2_v[pl.ds(g * L, L)]
                m = (xrv >> 7) == w
                c16 = plsc.all_reduce_population_count(m)[0]

                @pl.when(c16 > 0)
                def _():
                    rcv = xrv & (WIN - 1)
                    posv = pos2b_v[pl.ds(g * L, L)]
                    cum = plsc.cumsum(m.astype(jnp.int32))
                    slotv = jnp.where(m, fl + cum - 1, TRASH)
                    plsc.store_scatter(posf_v, [slotv], posv)

                    def colb(c, _):
                        cv = jnp.full((L,), 0, jnp.int32) + c
                        v = plsc.load_gather(buf, [cv, rcv])
                        plsc.store_scatter(rows_v, [slotv, cv], v)
                        return 0
                    lax.fori_loop(0, D, colb, 0, unroll=4)

                fl2 = fl + c16

                @pl.when(fl2 >= WIN)
                def _():
                    for k in range(WIN // L):
                        s = pl.ds(k * L, L)
                        pos2_v[0, s] = posf_v[s]
                    pltpu.async_copy(rows_v.at[pl.ds(0, WIN)],
                                     out_hbm.at[pos2_v.at[0]], semo).wait()
                    ov = fl2 - WIN

                    def mv(j, _):
                        for k in range(2 * D // L):
                            s = pl.ds(k * L, L)
                            rows_v[j, s] = rows_v[WIN + j, s]
                        return 0
                    lax.fori_loop(0, ov, mv, 0)
                    posf_v[pl.ds(0, L)] = posf_v[pl.ds(WIN, L)]

                return jnp.where(fl2 >= WIN, fl2 - WIN, fl2)
            return lax.fori_loop(blo >> 4, (bhi + L - 1) >> 4, group, flcnt)

        npair = (whi - wlo) // 2
        start(wlo, wva, sema)
        start(wlo + 1, wvb, semb)

        def pair(j, flcnt):
            w = wlo + 2 * j
            wait(wva, sema)
            flcnt = extract(w, wva, flcnt)

            @pl.when(j + 1 < npair)
            def _():
                start(w + 2, wva, sema)
            wait(wvb, semb)
            flcnt = extract(w + 1, wvb, flcnt)

            @pl.when(j + 1 < npair)
            def _():
                start(w + 3, wvb, semb)
            return flcnt
        flcnt = lax.fori_loop(0, npair, pair, jnp.int32(0))

        def padp(k, _):
            posf_v[pl.ds(flcnt + k * L, L)] = N + (lanes & (PAD_ROWS - 1))
            return 0
        lax.fori_loop(0, WIN // L, padp, 0)
        for k in range(WIN // L):
            s = pl.ds(k * L, L)
            pos2_v[0, s] = posf_v[s]
        pltpu.async_copy(rows_v.at[pl.ds(0, WIN)],
                         out_hbm.at[pos2_v.at[0]], semo).wait()

    return hetero_gather


def kernel(x, types, W0, W1, W2, W3):
    info = plsc.get_sparse_core_info()
    fn = _build(info.num_cores)
    wts = [W.T for W in (W0, W1, W2, W3)]
    tails = jnp.concatenate(
        [W[TAIL_BASE:] for W in (W0, W1, W2, W3)], axis=0).T
    out = fn(x.astype(jnp.int32), types.astype(jnp.int32), *wts, tails)
    return out[:N, :D]

# --- scband reference (transcript-rebuilt; emitter-appended) ---
"""Pipeline reference for scband-hetero-embedding-77902116815496 (READ-ONLY COPY).

The authoritative reference and input builder live on the scoring server;
editing this copy changes nothing except your own understanding.
"""

import jax, jax.numpy as jnp
import numpy as np

NUM_TYPES = 4
VOCAB = 100000
EMBED = 64
N = 16384


def setup_inputs(seed: int = 0) -> dict:
    key = jax.random.key(seed)
    keys = jax.random.split(key, 2 + NUM_TYPES)
    kx, kt = keys[0], keys[1]
    x = jax.random.randint(kx, (N,), 0, VOCAB, dtype=jnp.int64 if jax.config.jax_enable_x64 else jnp.int32)
    types = jax.random.randint(kt, (N,), 0, NUM_TYPES, dtype=jnp.int64 if jax.config.jax_enable_x64 else jnp.int32)
    inp = {"x": x, "types": types}
    for i in range(NUM_TYPES):
        W = jax.random.normal(keys[2 + i], (VOCAB, EMBED), dtype=jnp.float32)
        # nn.Embedding(padding_idx=0) zero-initializes row 0
        W = W.at[0].set(0.0)
        inp[f"W{i}"] = W
    return inp


def reference(x, types, W0, W1, W2, W3):
    # Faithful translation of HeteroEmbedding.forward:
    #   out[mask] = embedding_i(x[mask]) for each node type i.
    # Implemented as per-table full gather + masked select (types partition the rows,
    # so every output row is written by exactly one table, matching torch semantics).
    tables = [W0, W1, W2, W3]
    out = jnp.zeros((x.shape[0], EMBED), dtype=jnp.float32)
    for i, W in enumerate(tables):
        emb = jnp.take(W, x, axis=0)  # embedding gather
        mask = (types == i)[:, None]
        out = jnp.where(mask, emb, out)
    return out

if __name__ == "__main__":
    import jax
    _d = setup_inputs()
    print(jax.jit(kernel)(*tuple(_d.values())))

</pallas_src>

<mosaic_0001>
#map = affine_map<(d0, d1) -> (0)>
#map1 = affine_map<(d0, d1) -> (0, 0)>
module attributes {stable_mosaic.version = 14 : i64} {
  func.func @hetero_gather(%arg0: i32, %arg1: i32, %arg2: memref<16384xi32, #tpu.memory_space<hbm>>, %arg3: memref<16384xi32, #tpu.memory_space<hbm>>, %arg4: memref<64x100000xf32, #tpu.memory_space<hbm>>, %arg5: memref<64x100000xf32, #tpu.memory_space<hbm>>, %arg6: memref<64x100000xf32, #tpu.memory_space<hbm>>, %arg7: memref<64x100000xf32, #tpu.memory_space<hbm>>, %arg8: memref<64x128xf32, #tpu.memory_space<hbm>>, %arg9: memref<16400x128xf32, #tpu.memory_space<hbm>>, %arg10: memref<16384xi32, #tpu.memory_space<vmem>>, %arg11: memref<16384xi32, #tpu.memory_space<vmem>>, %arg12: memref<16512xi32, #tpu.memory_space<vmem>>, %arg13: memref<16512xi32, #tpu.memory_space<vmem>>, %arg14: memref<128xi32, #tpu.memory_space<vmem>>, %arg15: memref<64x128xf32, #tpu.memory_space<vmem>>, %arg16: memref<64x128xf32, #tpu.memory_space<vmem>>, %arg17: memref<160x128xf32, #tpu.memory_space<vmem>>, %arg18: memref<384xi32, #tpu.memory_space<vmem>>, %arg19: memref<8x128xi32, #tpu.memory_space<vmem>>, %arg20: memref<!tpu.dma_semaphore, #tpu.memory_space<semaphore_mem>>, %arg21: memref<!tpu.dma_semaphore, #tpu.memory_space<semaphore_mem>>, %arg22: memref<!tpu.dma_semaphore, #tpu.memory_space<semaphore_mem>>) attributes {dimension_semantics = [#tpu.dimension_semantics<core_parallel>, #tpu.dimension_semantics<subcore_parallel>], iteration_bounds = array<i64: 2, 16>, scalar_prefetch = 0 : i64, scratch_operands = 13 : i64, tpu.core_type = #tpu.core_type<sc_vector_subcore>, window_params = [{transform_indices = #map}, {transform_indices = #map}, {transform_indices = #map1}, {transform_indices = #map1}, {transform_indices = #map1}, {transform_indices = #map1}, {transform_indices = #map1}, {transform_indices = #map1}]} {
    %mul3A = arith.constant 2 : i32
    %mul3A_0 = arith.muli %arg1, %mul3A : i32
    %add3A = arith.addi %mul3A_0, %arg0 : i32
    %jit3A = arith.constant 4 : i32
    %eq3A = arith.constant 0 : i32
    %eq3A_1 = arith.cmpi eq, %jit3A, %eq3A : i32
    %jit3A_2 = arith.constant 1 : i32
    %select_n3A = arith.select %eq3A_1, %jit3A_2, %jit3A : i32
    %rem3A = arith.remsi %add3A, %select_n3A : i32
    %ne3A = arith.constant 0 : i32
    %ne3A_3 = arith.cmpi ne, %rem3A, %ne3A : i32
    %lt3A = arith.constant 0 : i32
    %lt3A_4 = arith.cmpi slt, %rem3A, %lt3A : i32
    %lt3A_5 = arith.constant 0 : i32
    %lt3A_6 = arith.cmpi slt, %select_n3A, %lt3A_5 : i32
    %ne3A_7 = arith.xori %lt3A_4, %lt3A_6 : i1
    %and3A = arith.andi %ne3A_7, %ne3A_3 : i1
    %add3A_8 = arith.addi %rem3A, %select_n3A : i32
    %select_n3A_9 = arith.select %and3A, %add3A_8, %rem3A : i32
    %jit3A_10 = arith.constant 4 : i32
    %div3A = arith.divsi %add3A, %jit3A_10 : i32
    %sign3A = arith.constant 0 : i32
    %sign3A_11 = arith.cmpi sgt, %add3A, %sign3A : i32
    %sign3A_12 = arith.extui %sign3A_11 : i1 to i32
    %sign3A_13 = arith.constant 0 : i32
    %sign3A_14 = arith.cmpi slt, %add3A, %sign3A_13 : i32
    %sign3A_15 = arith.extui %sign3A_14 : i1 to i32
    %sign3A_16 = arith.subi %sign3A_12, %sign3A_15 : i32
    %sign3A_17 = arith.constant 0 : i32
    %sign3A_18 = arith.cmpi sgt, %jit3A_10, %sign3A_17 : i32
    %sign3A_19 = arith.extui %sign3A_18 : i1 to i32
    %sign3A_20 = arith.constant 0 : i32
    %sign3A_21 = arith.cmpi slt, %jit3A_10, %sign3A_20 : i32
    %sign3A_22 = arith.extui %sign3A_21 : i1 to i32
    %sign3A_23 = arith.subi %sign3A_19, %sign3A_22 : i32
    %ne3A_24 = arith.cmpi ne, %sign3A_16, %sign3A_23 : i32
    %rem3A_25 = arith.remsi %add3A, %jit3A_10 : i32
    %ne3A_26 = arith.constant 0 : i32
    %ne3A_27 = arith.cmpi ne, %rem3A_25, %ne3A_26 : i32
    %and3A_28 = arith.andi %ne3A_24, %ne3A_27 : i1
    %sub3A = arith.constant 1 : i32
    %sub3A_29 = arith.subi %div3A, %sub3A : i32
    %select_n3A_30 = arith.select %and3A_28, %sub3A_29, %div3A : i32
    %mul3A_31 = arith.constant 98 : i32
    %mul3A_32 = arith.muli %select_n3A_30, %mul3A_31 : i32
    %add3A_33 = arith.constant 98 : i32
    %add3A_34 = arith.addi %mul3A_32, %add3A_33 : i32
    %min3A = arith.constant 782 : i32
    %min3A_35 = arith.minsi %add3A_34, %min3A : i32
    tpu.enqueue_dma source(%arg2 : memref<16384xi32, #tpu.memory_space<hbm>>) target(%arg10 : memref<16384xi32, #tpu.memory_space<vmem>>) target_semaphore(%arg20 : memref<!tpu.dma_semaphore, #tpu.memory_space<semaphore_mem>>)
    tpu.enqueue_dma source(%arg3 : memref<16384xi32, #tpu.memory_space<hbm>>) target(%arg11 : memref<16384xi32, #tpu.memory_space<vmem>>) target_semaphore(%arg21 : memref<!tpu.dma_semaphore, #tpu.memory_space<semaphore_mem>>)
    tpu.wait_dma2 semaphore(%arg20 : memref<!tpu.dma_semaphore, #tpu.memory_space<semaphore_mem>>) src(%arg2 : memref<16384xi32, #tpu.memory_space<hbm>>) dst(%arg10 : memref<16384xi32, #tpu.memory_space<vmem>>)
    tpu.wait_dma2 semaphore(%arg21 : memref<!tpu.dma_semaphore, #tpu.memory_space<semaphore_mem>>) src(%arg3 : memref<16384xi32, #tpu.memory_space<hbm>>) dst(%arg11 : memref<16384xi32, #tpu.memory_space<vmem>>)
    %iota3A = tpu.iota {dimensions = array<i32: 0>} : vector<16xi32>
    %scan3A = arith.constant 0 : i32
    %scan3A_36 = arith.constant 0 : i32
    %scan3A_37 = arith.constant 1024 : i32
    %scan3A_38 = arith.addi %scan3A_36, %scan3A_37 : i32
    %scan3A_39 = arith.constant 2 : i32
    %scan3A_40 = scf.for %scan3A_448 = %scan3A_36 to %scan3A_38 step %scan3A_39 iter_args(%scan3A_449 = %scan3A) -> (i32)  : i32 {
      %mul3A_450 = arith.constant 16 : i32
      %mul3A_451 = arith.muli %scan3A_448, %mul3A_450 : i32
      %get3A_452 = arith.index_cast %mul3A_451 : i32 to index
      %get3A_453 = tpu.vector_load %arg10[%get3A_452] {strides = array<i32>} : memref<16384xi32, #tpu.memory_space<vmem>>, vector<16xi32>,
      %get3A_454 = arith.index_cast %mul3A_451 : i32 to index
      %get3A_455 = tpu.vector_load %arg11[%get3A_454] {strides = array<i32>} : memref<16384xi32, #tpu.memory_space<vmem>>, vector<16xi32>,
      %lt3A_456 = arith.constant 99968 : i32
      %lt3A_457 = vector.broadcast %lt3A_456 : i32 to vector<16xi32>
      %lt3A_458 = arith.cmpi slt, %get3A_453, %lt3A_457 : vector<16xi32>
      %mul3A_459 = arith.constant 32 : i32
      %mul3A_460 = arith.muli %select_n3A_9, %mul3A_459 : i32
      %add3A_461 = arith.constant 99968 : i32
      %add3A_462 = arith.addi %add3A_461, %mul3A_460 : i32
      %add3A_463 = vector.broadcast %add3A_462 : i32 to vector<16xi32>
      %add3A_464 = arith.addi %add3A_463, %get3A_453 : vector<16xi32>
      %sub3A_465 = arith.constant 99968 : i32
      %sub3A_466 = vector.broadcast %sub3A_465 : i32 to vector<16xi32>
      %sub3A_467 = arith.subi %add3A_464, %sub3A_466 : vector<16xi32>
      %select_n3A_468 = arith.select %lt3A_458, %get3A_453, %sub3A_467 : vector<16xi1>, vector<16xi32>
      %shift_right_arithmetic3A = arith.constant 7 : i32
      %shift_right_arithmetic3A_469 = vector.broadcast %shift_right_arithmetic3A : i32 to vector<16xi32>
      %shift_right_arithmetic3A_470 = arith.shrsi %select_n3A_468, %shift_right_arithmetic3A_469 : vector<16xi32>
      %eq3A_471 = vector.broadcast %select_n3A_9 : i32 to vector<16xi32>
      %eq3A_472 = arith.cmpi eq, %get3A_455, %eq3A_471 : vector<16xi32>
      %ge3A = vector.broadcast %mul3A_32 : i32 to vector<16xi32>
      %ge3A_473 = arith.cmpi sge, %shift_right_arithmetic3A_470, %ge3A : vector<16xi32>
      %and3A_474 = arith.andi %eq3A_472, %ge3A_473 : vector<16xi1>
      %lt3A_475 = vector.broadcast %min3A_35 : i32 to vector<16xi32>
      %lt3A_476 = arith.cmpi slt, %shift_right_arithmetic3A_470, %lt3A_475 : vector<16xi32>
      %and3A_477 = arith.andi %and3A_474, %lt3A_476 : vector<16xi1>
      %swap3A_478 = arith.index_cast %scan3A_449 : i32 to index
      %swap3A_479 = tpu.vector_load %arg12[%swap3A_478] masked %and3A_477 {strides = array<i32>} : memref<16512xi32, #tpu.memory_space<vmem>>, vector<16xi32>, vector<16xi1>
      tpu.vector_store %arg12[%swap3A_478], %select_n3A_468 masked %and3A_477 {strides = array<i32>} : memref<16512xi32, #tpu.memory_space<vmem>>, vector<16xi32>, vector<16xi1>
      %mul3A_480 = arith.constant 16 : i32
      %mul3A_481 = arith.muli %scan3A_448, %mul3A_480 : i32
      %add3A_482 = vector.broadcast %mul3A_481 : i32 to vector<16xi32>
      %add3A_483 = arith.addi %add3A_482, %iota3A : vector<16xi32>
      %swap3A_484 = arith.index_cast %scan3A_449 : i32 to index
      %swap3A_485 = tpu.vector_load %arg13[%swap3A_484] masked %and3A_477 {strides = array<i32>} : memref<16512xi32, #tpu.memory_space<vmem>>, vector<16xi32>, vector<16xi1>
      tpu.vector_store %arg13[%swap3A_484], %add3A_483 masked %and3A_477 {strides = array<i32>} : memref<16512xi32, #tpu.memory_space<vmem>>, vector<16xi32>, vector<16xi1>
      %all_reduce_population_count3A = tpu.all_reduce %and3A_477 {dim = 0 : i64, kind = #tpu.reduction_kind<sum>} : vector<16xi1> -> vector<16xi32>
      %slice3A = vector.extract_strided_slice %all_reduce_population_count3A {offsets = [0], sizes = [1], strides = [1]} : vector<16xi32> to vector<1xi32>
      %squeeze3A = vector.extract %slice3A[0] : i32 from vector<1xi32>
      %add3A_486 = arith.addi %scan3A_449, %squeeze3A : i32
      %scan3A_487 = arith.constant 1 : i32
      %scan3A_488 = arith.addi %scan3A_448, %scan3A_487 : i32
      %mul3A_489 = arith.constant 16 : i32
      %mul3A_490 = arith.muli %scan3A_488, %mul3A_489 : i32
      %get3A_491 = arith.index_cast %mul3A_490 : i32 to index
      %get3A_492 = tpu.vector_load %arg10[%get3A_491] {strides = array<i32>} : memref<16384xi32, #tpu.memory_space<vmem>>, vector<16xi32>,
      %get3A_493 = arith.index_cast %mul3A_490 : i32 to index
      %get3A_494 = tpu.vector_load %arg11[%get3A_493] {strides = array<i32>} : memref<16384xi32, #tpu.memory_space<vmem>>, vector<16xi32>,
      %lt3A_495 = arith.constant 99968 : i32
      %lt3A_496 = vector.broadcast %lt3A_495 : i32 to vector<16xi32>
      %lt3A_497 = arith.cmpi slt, %get3A_492, %lt3A_496 : vector<16xi32>
      %mul3A_498 = arith.constant 32 : i32
      %mul3A_499 = arith.muli %select_n3A_9, %mul3A_498 : i32
      %add3A_500 = arith.constant 99968 : i32
      %add3A_501 = arith.addi %add3A_500, %mul3A_499 : i32
      %add3A_502 = vector.broadcast %add3A_501 : i32 to vector<16xi32>
      %add3A_503 = arith.addi %add3A_502, %get3A_492 : vector<16xi32>
      %sub3A_504 = arith.constant 99968 : i32
      %sub3A_505 = vector.broadcast %sub3A_504 : i32 to vector<16xi32>
      %sub3A_506 = arith.subi %add3A_503, %sub3A_505 : vector<16xi32>
      %select_n3A_507 = arith.select %lt3A_497, %get3A_492, %sub3A_506 : vector<16xi1>, vector<16xi32>
      %shift_right_arithmetic3A_508 = arith.constant 7 : i32
      %shift_right_arithmetic3A_509 = vector.broadcast %shift_right_arithmetic3A_508 : i32 to vector<16xi32>
      %shift_right_arithmetic3A_510 = arith.shrsi %select_n3A_507, %shift_right_arithmetic3A_509 : vector<16xi32>
      %eq3A_511 = vector.broadcast %select_n3A_9 : i32 to vector<16xi32>
      %eq3A_512 = arith.cmpi eq, %get3A_494, %eq3A_511 : vector<16xi32>
      %ge3A_513 = vector.broadcast %mul3A_32 : i32 to vector<16xi32>
      %ge3A_514 = arith.cmpi sge, %shift_right_arithmetic3A_510, %ge3A_513 : vector<16xi32>
      %and3A_515 = arith.andi %eq3A_512, %ge3A_514 : vector<16xi1>
      %lt3A_516 = vector.broadcast %min3A_35 : i32 to vector<16xi32>
      %lt3A_517 = arith.cmpi slt, %shift_right_arithmetic3A_510, %lt3A_516 : vector<16xi32>
      %and3A_518 = arith.andi %and3A_515, %lt3A_517 : vector<16xi1>
      %swap3A_519 = arith.index_cast %add3A_486 : i32 to index
      %swap3A_520 = tpu.vector_load %arg12[%swap3A_519] masked %and3A_518 {strides = array<i32>} : memref<16512xi32, #tpu.memory_space<vmem>>, vector<16xi32>, vector<16xi1>
      tpu.vector_store %arg12[%swap3A_519], %select_n3A_507 masked %and3A_518 {strides = array<i32>} : memref<16512xi32, #tpu.memory_space<vmem>>, vector<16xi32>, vector<16xi1>
      %mul3A_521 = arith.constant 16 : i32
      %mul3A_522 = arith.muli %scan3A_488, %mul3A_521 : i32
      %add3A_523 = vector.broadcast %mul3A_522 : i32 to vector<16xi32>
      %add3A_524 = arith.addi %add3A_523, %iota3A : vector<16xi32>
      %swap3A_525 = arith.index_cast %add3A_486 : i32 to index
      %swap3A_526 = tpu.vector_load %arg13[%swap3A_525] masked %and3A_518 {strides = array<i32>} : memref<16512xi32, #tpu.memory_space<vmem>>, vector<16xi32>, vector<16xi1>
      tpu.vector_store %arg13[%swap3A_525], %add3A_524 masked %and3A_518 {strides = array<i32>} : memref<16512xi32, #tpu.memory_space<vmem>>, vector<16xi32>, vector<16xi1>
      %all_reduce_population_count3A_527 = tpu.all_reduce %and3A_518 {dim = 0 : i64, kind = #tpu.reduction_kind<sum>} : vector<16xi1> -> vector<16xi32>
      %slice3A_528 = vector.extract_strided_slice %all_reduce_population_count3A_527 {offsets = [0], sizes = [1], strides = [1]} : vector<16xi32> to vector<1xi32>
      %squeeze3A_529 = vector.extract %slice3A_528[0] : i32 from vector<1xi32>
      %add3A_530 = arith.addi %add3A_486, %squeeze3A_529 : i32
      scf.yield %add3A_530 : i32
    }
    %scan3A_41 = arith.constant 1024 : i32
    %lt3A_42 = arith.constant 16384 : i32
    %lt3A_43 = arith.cmpi slt, %scan3A_40, %lt3A_42 : i32
    %convert_element_type3A = arith.extui %lt3A_43 : i1 to i32
    %cond3A = arith.constant 0 : i32
    %cond3A_44 = arith.cmpi ne, %convert_element_type3A, %cond3A : i32
    scf.if %cond3A_44 {
      %broadcast_in_dim3A_448 = arith.constant 1048576 : i32
      %broadcast_in_dim3A_449 = vector.broadcast %broadcast_in_dim3A_448 : i32 to vector<16xi32>
      %swap3A_450 = arith.index_cast %scan3A_40 : i32 to index
      %swap3A_451 = tpu.vector_load %arg12[%swap3A_450] {strides = array<i32>} : memref<16512xi32, #tpu.memory_space<vmem>>, vector<16xi32>,
      tpu.vector_store %arg12[%swap3A_450], %broadcast_in_dim3A_449 {strides = array<i32>} : memref<16512xi32, #tpu.memory_space<vmem>>, vector<16xi32>,
    } else {
    }
    %add3A_45 = arith.constant 16 : i32
    %add3A_46 = arith.addi %scan3A_40, %add3A_45 : i32
    %sub3A_47 = arith.constant 1 : i32
    %sub3A_48 = arith.subi %add3A_46, %sub3A_47 : i32
    %jit3A_49 = arith.constant 16 : i32
    %div3A_50 = arith.divsi %sub3A_48, %jit3A_49 : i32
    %sign3A_51 = arith.constant 0 : i32
    %sign3A_52 = arith.cmpi sgt, %sub3A_48, %sign3A_51 : i32
    %sign3A_53 = arith.extui %sign3A_52 : i1 to i32
    %sign3A_54 = arith.constant 0 : i32
    %sign3A_55 = arith.cmpi slt, %sub3A_48, %sign3A_54 : i32
    %sign3A_56 = arith.extui %sign3A_55 : i1 to i32
    %sign3A_57 = arith.subi %sign3A_53, %sign3A_56 : i32
    %sign3A_58 = arith.constant 0 : i32
    %sign3A_59 = arith.cmpi sgt, %jit3A_49, %sign3A_58 : i32
    %sign3A_60 = arith.extui %sign3A_59 : i1 to i32
    %sign3A_61 = arith.constant 0 : i32
    %sign3A_62 = arith.cmpi slt, %jit3A_49, %sign3A_61 : i32
    %sign3A_63 = arith.extui %sign3A_62 : i1 to i32
    %sign3A_64 = arith.subi %sign3A_60, %sign3A_63 : i32
    %ne3A_65 = arith.cmpi ne, %sign3A_57, %sign3A_64 : i32
    %rem3A_66 = arith.remsi %sub3A_48, %jit3A_49 : i32
    %ne3A_67 = arith.constant 0 : i32
    %ne3A_68 = arith.cmpi ne, %rem3A_66, %ne3A_67 : i32
    %and3A_69 = arith.andi %ne3A_65, %ne3A_68 : i1
    %sub3A_70 = arith.constant 1 : i32
    %sub3A_71 = arith.subi %div3A_50, %sub3A_70 : i32
    %select_n3A_72 = arith.select %and3A_69, %sub3A_71, %div3A_50 : i32
    %while3A = arith.constant 0 : i32
    %while3A_73 = arith.constant 0 : i32
    %while3A_74 = arith.constant 0 : i32
    %while3A_75 = arith.constant 0 : i32
    %while3A_76 = arith.constant 0 : i32
    %while3A_77 = arith.constant 0 : i32
    %while3A_78 = arith.constant 0 : i32
    %while3A_79 = arith.constant 0 : i32
    %while3A_80 = arith.constant 0 : i32
    %while3A_81 = arith.constant 0 : i32
    %while3A_82 = arith.constant 0 : i32
    %while3A_83 = arith.constant 0 : i32
    %while3A_84 = arith.constant 0 : i32
    %while3A_85 = arith.constant 0 : i32
    %while3A_86 = arith.constant 0 : i32
    %while3A_87 = arith.constant 0 : i32
    %while3A_88 = arith.constant 0 : i32
    %while3A_89 = arith.subi %select_n3A_72, %while3A : i32
    %while3A_90 = arith.addi %while3A, %while3A_89 : i32
    %while3A_91 = arith.constant 1 : i32
    %while3A_92 = arith.divsi %while3A_89, %while3A_91 : i32
    %while3A_93 = arith.muli %while3A_92, %while3A_91 : i32
    %while3A_94 = arith.addi %while3A, %while3A_93 : i32
    %while3A_95 = arith.constant 1 : i32
    %while3A_96:16 = scf.for %while3A_448 = %while3A to %while3A_94 step %while3A_95 iter_args(%while3A_449 = %while3A_73, %while3A_450 = %while3A_74, %while3A_451 = %while3A_75, %while3A_452 = %while3A_76, %while3A_453 = %while3A_77, %while3A_454 = %while3A_78, %while3A_455 = %while3A_79, %while3A_456 = %while3A_80, %while3A_457 = %while3A_81, %while3A_458 = %while3A_82, %while3A_459 = %while3A_83, %while3A_460 = %while3A_84, %while3A_461 = %while3A_85, %while3A_462 = %while3A_86, %while3A_463 = %while3A_87, %while3A_464 = %while3A_88) -> (i32, i32, i32, i32, i32, i32, i32, i32, i32, i32, i32, i32, i32, i32, i32, i32)  : i32 {
      %mul3A_465 = arith.constant 16 : i32
      %mul3A_466 = arith.muli %while3A_448, %mul3A_465 : i32
      %get3A_467 = arith.index_cast %mul3A_466 : i32 to index
      %get3A_468 = tpu.vector_load %arg12[%get3A_467] {strides = array<i32>} : memref<16512xi32, #tpu.memory_space<vmem>>, vector<16xi32>,
      %shift_right_arithmetic3A = arith.constant 7 : i32
      %shift_right_arithmetic3A_469 = vector.broadcast %shift_right_arithmetic3A : i32 to vector<16xi32>
      %shift_right_arithmetic3A_470 = arith.shrsi %get3A_468, %shift_right_arithmetic3A_469 : vector<16xi32>
      %and3A_471 = arith.constant 15 : i32
      %and3A_472 = vector.broadcast %and3A_471 : i32 to vector<16xi32>
      %and3A_473 = arith.andi %shift_right_arithmetic3A_470, %and3A_472 : vector<16xi32>
      %eq3A_474 = arith.constant 0 : i32
      %eq3A_475 = vector.broadcast %eq3A_474 : i32 to vector<16xi32>
      %eq3A_476 = arith.cmpi eq, %and3A_473, %eq3A_475 : vector<16xi32>
      %all_reduce_population_count3A = tpu.all_reduce %eq3A_476 {dim = 0 : i64, kind = #tpu.reduction_kind<sum>} : vector<16xi1> -> vector<16xi32>
      %slice3A = vector.extract_strided_slice %all_reduce_population_count3A {offsets = [0], sizes = [1], strides = [1]} : vector<16xi32> to vector<1xi32>
      %squeeze3A = vector.extract %slice3A[0] : i32 from vector<1xi32>
      %add3A_477 = arith.addi %while3A_449, %squeeze3A : i32
      %eq3A_478 = arith.constant 1 : i32
      %eq3A_479 = vector.broadcast %eq3A_478 : i32 to vector<16xi32>
      %eq3A_480 = arith.cmpi eq, %and3A_473, %eq3A_479 : vector<16xi32>
      %all_reduce_population_count3A_481 = tpu.all_reduce %eq3A_480 {dim = 0 : i64, kind = #tpu.reduction_kind<sum>} : vector<16xi1> -> vector<16xi32>
      %slice3A_482 = vector.extract_strided_slice %all_reduce_population_count3A_481 {offsets = [0], sizes = [1], strides = [1]} : vector<16xi32> to vector<1xi32>
      %squeeze3A_483 = vector.extract %slice3A_482[0] : i32 from vector<1xi32>
      %add3A_484 = arith.addi %while3A_450, %squeeze3A_483 : i32
      %eq3A_485 = arith.constant 2 : i32
      %eq3A_486 = vector.broadcast %eq3A_485 : i32 to vector<16xi32>
      %eq3A_487 = arith.cmpi eq, %and3A_473, %eq3A_486 : vector<16xi32>
      %all_reduce_population_count3A_488 = tpu.all_reduce %eq3A_487 {dim = 0 : i64, kind = #tpu.reduction_kind<sum>} : vector<16xi1> -> vector<16xi32>
      %slice3A_489 = vector.extract_strided_slice %all_reduce_population_count3A_488 {offsets = [0], sizes = [1], strides = [1]} : vector<16xi32> to vector<1xi32>
      %squeeze3A_490 = vector.extract %slice3A_489[0] : i32 from vector<1xi32>
      %add3A_491 = arith.addi %while3A_451, %squeeze3A_490 : i32
      %eq3A_492 = arith.constant 3 : i32
      %eq3A_493 = vector.broadcast %eq3A_492 : i32 to vector<16xi32>
      %eq3A_494 = arith.cmpi eq, %and3A_473, %eq3A_493 : vector<16xi32>
      %all_reduce_population_count3A_495 = tpu.all_reduce %eq3A_494 {dim = 0 : i64, kind = #tpu.reduction_kind<sum>} : vector<16xi1> -> vector<16xi32>
      %slice3A_496 = vector.extract_strided_slice %all_reduce_population_count3A_495 {offsets = [0], sizes = [1], strides = [1]} : vector<16xi32> to vector<1xi32>
      %squeeze3A_497 = vector.extract %slice3A_496[0] : i32 from vector<1xi32>
      %add3A_498 = arith.addi %while3A_452, %squeeze3A_497 : i32
      %eq3A_499 = arith.constant 4 : i32
      %eq3A_500 = vector.broadcast %eq3A_499 : i32 to vector<16xi32>
      %eq3A_501 = arith.cmpi eq, %and3A_473, %eq3A_500 : vector<16xi32>
      %all_reduce_population_count3A_502 = tpu.all_reduce %eq3A_501 {dim = 0 : i64, kind = #tpu.reduction_kind<sum>} : vector<16xi1> -> vector<16xi32>
      %slice3A_503 = vector.extract_strided_slice %all_reduce_population_count3A_502 {offsets = [0], sizes = [1], strides = [1]} : vector<16xi32> to vector<1xi32>
      %squeeze3A_504 = vector.extract %slice3A_503[0] : i32 from vector<1xi32>
      %add3A_505 = arith.addi %while3A_453, %squeeze3A_504 : i32
      %eq3A_506 = arith.constant 5 : i32
      %eq3A_507 = vector.broadcast %eq3A_506 : i32 to vector<16xi32>
      %eq3A_508 = arith.cmpi eq, %and3A_473, %eq3A_507 : vector<16xi32>
      %all_reduce_population_count3A_509 = tpu.all_reduce %eq3A_508 {dim = 0 : i64, kind = #tpu.reduction_kind<sum>} : vector<16xi1> -> vector<16xi32>
      %slice3A_510 = vector.extract_strided_slice %all_reduce_population_count3A_509 {offsets = [0], sizes = [1], strides = [1]} : vector<16xi32> to vector<1xi32>
      %squeeze3A_511 = vector.extract %slice3A_510[0] : i32 from vector<1xi32>
      %add3A_512 = arith.addi %while3A_454, %squeeze3A_511 : i32
      %eq3A_513 = arith.constant 6 : i32
      %eq3A_514 = vector.broadcast %eq3A_513 : i32 to vector<16xi32>
      %eq3A_515 = arith.cmpi eq, %and3A_473, %eq3A_514 : vector<16xi32>
      %all_reduce_population_count3A_516 = tpu.all_reduce %eq3A_515 {dim = 0 : i64, kind = #tpu.reduction_kind<sum>} : vector<16xi1> -> vector<16xi32>
      %slice3A_517 = vector.extract_strided_slice %all_reduce_population_count3A_516 {offsets = [0], sizes = [1], strides = [1]} : vector<16xi32> to vector<1xi32>
      %squeeze3A_518 = vector.extract %slice3A_517[0] : i32 from vector<1xi32>
      %add3A_519 = arith.addi %while3A_455, %squeeze3A_518 : i32
      %eq3A_520 = arith.constant 7 : i32
      %eq3A_521 = vector.broadcast %eq3A_520 : i32 to vector<16xi32>
      %eq3A_522 = arith.cmpi eq, %and3A_473, %eq3A_521 : vector<16xi32>
      %all_reduce_population_count3A_523 = tpu.all_reduce %eq3A_522 {dim = 0 : i64, kind = #tpu.reduction_kind<sum>} : vector<16xi1> -> vector<16xi32>
      %slice3A_524 = vector.extract_strided_slice %all_reduce_population_count3A_523 {offsets = [0], sizes = [1], strides = [1]} : vector<16xi32> to vector<1xi32>
      %squeeze3A_525 = vector.extract %slice3A_524[0] : i32 from vector<1xi32>
      %add3A_526 = arith.addi %while3A_456, %squeeze3A_525 : i32
      %eq3A_527 = arith.constant 8 : i32
      %eq3A_528 = vector.broadcast %eq3A_527 : i32 to vector<16xi32>
      %eq3A_529 = arith.cmpi eq, %and3A_473, %eq3A_528 : vector<16xi32>
      %all_reduce_population_count3A_530 = tpu.all_reduce %eq3A_529 {dim = 0 : i64, kind = #tpu.reduction_kind<sum>} : vector<16xi1> -> vector<16xi32>
      %slice3A_531 = vector.extract_strided_slice %all_reduce_population_count3A_530 {offsets = [0], sizes = [1], strides = [1]} : vector<16xi32> to vector<1xi32>
      %squeeze3A_532 = vector.extract %slice3A_531[0] : i32 from vector<1xi32>
      %add3A_533 = arith.addi %while3A_457, %squeeze3A_532 : i32
      %eq3A_534 = arith.constant 9 : i32
      %eq3A_535 = vector.broadcast %eq3A_534 : i32 to vector<16xi32>
      %eq3A_536 = arith.cmpi eq, %and3A_473, %eq3A_535 : vector<16xi32>
      %all_reduce_population_count3A_537 = tpu.all_reduce %eq3A_536 {dim = 0 : i64, kind = #tpu.reduction_kind<sum>} : vector<16xi1> -> vector<16xi32>
      %slice3A_538 = vector.extract_strided_slice %all_reduce_population_count3A_537 {offsets = [0], sizes = [1], strides = [1]} : vector<16xi32> to vector<1xi32>
      %squeeze3A_539 = vector.extract %slice3A_538[0] : i32 from vector<1xi32>
      %add3A_540 = arith.addi %while3A_458, %squeeze3A_539 : i32
      %eq3A_541 = arith.constant 10 : i32
      %eq3A_542 = vector.broadcast %eq3A_541 : i32 to vector<16xi32>
      %eq3A_543 = arith.cmpi eq, %and3A_473, %eq3A_542 : vector<16xi32>
      %all_reduce_population_count3A_544 = tpu.all_reduce %eq3A_543 {dim = 0 : i64, kind = #tpu.reduction_kind<sum>} : vector<16xi1> -> vector<16xi32>
      %slice3A_545 = vector.extract_strided_slice %all_reduce_population_count3A_544 {offsets = [0], sizes = [1], strides = [1]} : vector<16xi32> to vector<1xi32>
      %squeeze3A_546 = vector.extract %slice3A_545[0] : i32 from vector<1xi32>
      %add3A_547 = arith.addi %while3A_459, %squeeze3A_546 : i32
      %eq3A_548 = arith.constant 11 : i32
      %eq3A_549 = vector.broadcast %eq3A_548 : i32 to vector<16xi32>
      %eq3A_550 = arith.cmpi eq, %and3A_473, %eq3A_549 : vector<16xi32>
      %all_reduce_population_count3A_551 = tpu.all_reduce %eq3A_550 {dim = 0 : i64, kind = #tpu.reduction_kind<sum>} : vector<16xi1> -> vector<16xi32>
      %slice3A_552 = vector.extract_strided_slice %all_reduce_population_count3A_551 {offsets = [0], sizes = [1], strides = [1]} : vector<16xi32> to vector<1xi32>
      %squeeze3A_553 = vector.extract %slice3A_552[0] : i32 from vector<1xi32>
      %add3A_554 = arith.addi %while3A_460, %squeeze3A_553 : i32
      %eq3A_555 = arith.constant 12 : i32
      %eq3A_556 = vector.broadcast %eq3A_555 : i32 to vector<16xi32>
      %eq3A_557 = arith.cmpi eq, %and3A_473, %eq3A_556 : vector<16xi32>
      %all_reduce_population_count3A_558 = tpu.all_reduce %eq3A_557 {dim = 0 : i64, kind = #tpu.reduction_kind<sum>} : vector<16xi1> -> vector<16xi32>
      %slice3A_559 = vector.extract_strided_slice %all_reduce_population_count3A_558 {offsets = [0], sizes = [1], strides = [1]} : vector<16xi32> to vector<1xi32>
      %squeeze3A_560 = vector.extract %slice3A_559[0] : i32 from vector<1xi32>
      %add3A_561 = arith.addi %while3A_461, %squeeze3A_560 : i32
      %eq3A_562 = arith.constant 13 : i32
      %eq3A_563 = vector.broadcast %eq3A_562 : i32 to vector<16xi32>
      %eq3A_564 = arith.cmpi eq, %and3A_473, %eq3A_563 : vector<16xi32>
      %all_reduce_population_count3A_565 = tpu.all_reduce %eq3A_564 {dim = 0 : i64, kind = #tpu.reduction_kind<sum>} : vector<16xi1> -> vector<16xi32>
      %slice3A_566 = vector.extract_strided_slice %all_reduce_population_count3A_565 {offsets = [0], sizes = [1], strides = [1]} : vector<16xi32> to vector<1xi32>
      %squeeze3A_567 = vector.extract %slice3A_566[0] : i32 from vector<1xi32>
      %add3A_568 = arith.addi %while3A_462, %squeeze3A_567 : i32
      %eq3A_569 = arith.constant 14 : i32
      %eq3A_570 = vector.broadcast %eq3A_569 : i32 to vector<16xi32>
      %eq3A_571 = arith.cmpi eq, %and3A_473, %eq3A_570 : vector<16xi32>
      %all_reduce_population_count3A_572 = tpu.all_reduce %eq3A_571 {dim = 0 : i64, kind = #tpu.reduction_kind<sum>} : vector<16xi1> -> vector<16xi32>
      %slice3A_573 = vector.extract_strided_slice %all_reduce_population_count3A_572 {offsets = [0], sizes = [1], strides = [1]} : vector<16xi32> to vector<1xi32>
      %squeeze3A_574 = vector.extract %slice3A_573[0] : i32 from vector<1xi32>
      %add3A_575 = arith.addi %while3A_463, %squeeze3A_574 : i32
      %eq3A_576 = arith.constant 15 : i32
      %eq3A_577 = vector.broadcast %eq3A_576 : i32 to vector<16xi32>
      %eq3A_578 = arith.cmpi eq, %and3A_473, %eq3A_577 : vector<16xi32>
      %all_reduce_population_count3A_579 = tpu.all_reduce %eq3A_578 {dim = 0 : i64, kind = #tpu.reduction_kind<sum>} : vector<16xi1> -> vector<16xi32>
      %slice3A_580 = vector.extract_strided_slice %all_reduce_population_count3A_579 {offsets = [0], sizes = [1], strides = [1]} : vector<16xi32> to vector<1xi32>
      %squeeze3A_581 = vector.extract %slice3A_580[0] : i32 from vector<1xi32>
      %add3A_582 = arith.addi %while3A_464, %squeeze3A_581 : i32
      scf.yield %add3A_477, %add3A_484, %add3A_491, %add3A_498, %add3A_505, %add3A_512, %add3A_519, %add3A_526, %add3A_533, %add3A_540, %add3A_547, %add3A_554, %add3A_561, %add3A_568, %add3A_575, %add3A_582 : i32, i32, i32, i32, i32, i32, i32, i32, i32, i32, i32, i32, i32, i32, i32, i32
    }
    %while3A_97 = arith.constant 1 : i32
    %while3A_98:16 = scf.for %while3A_448 = %while3A_94 to %while3A_90 step %while3A_97 iter_args(%while3A_449 = %while3A_96#0, %while3A_450 = %while3A_96#1, %while3A_451 = %while3A_96#2, %while3A_452 = %while3A_96#3, %while3A_453 = %while3A_96#4, %while3A_454 = %while3A_96#5, %while3A_455 = %while3A_96#6, %while3A_456 = %while3A_96#7, %while3A_457 = %while3A_96#8, %while3A_458 = %while3A_96#9, %while3A_459 = %while3A_96#10, %while3A_460 = %while3A_96#11, %while3A_461 = %while3A_96#12, %while3A_462 = %while3A_96#13, %while3A_463 = %while3A_96#14, %while3A_464 = %while3A_96#15) -> (i32, i32, i32, i32, i32, i32, i32, i32, i32, i32, i32, i32, i32, i32, i32, i32)  : i32 {
      %mul3A_465 = arith.constant 16 : i32
      %mul3A_466 = arith.muli %while3A_448, %mul3A_465 : i32
      %get3A_467 = arith.index_cast %mul3A_466 : i32 to index
      %get3A_468 = tpu.vector_load %arg12[%get3A_467] {strides = array<i32>} : memref<16512xi32, #tpu.memory_space<vmem>>, vector<16xi32>,
      %shift_right_arithmetic3A = arith.constant 7 : i32
      %shift_right_arithmetic3A_469 = vector.broadcast %shift_right_arithmetic3A : i32 to vector<16xi32>
      %shift_right_arithmetic3A_470 = arith.shrsi %get3A_468, %shift_right_arithmetic3A_469 : vector<16xi32>
      %and3A_471 = arith.constant 15 : i32
      %and3A_472 = vector.broadcast %and3A_471 : i32 to vector<16xi32>
      %and3A_473 = arith.andi %shift_right_arithmetic3A_470, %and3A_472 : vector<16xi32>
      %eq3A_474 = arith.constant 0 : i32
      %eq3A_475 = vector.broadcast %eq3A_474 : i32 to vector<16xi32>
      %eq3A_476 = arith.cmpi eq, %and3A_473, %eq3A_475 : vector<16xi32>
      %all_reduce_population_count3A = tpu.all_reduce %eq3A_476 {dim = 0 : i64, kind = #tpu.reduction_kind<sum>} : vector<16xi1> -> vector<16xi32>
      %slice3A = vector.extract_strided_slice %all_reduce_population_count3A {offsets = [0], sizes = [1], strides = [1]} : vector<16xi32> to vector<1xi32>
      %squeeze3A = vector.extract %slice3A[0] : i32 from vector<1xi32>
      %add3A_477 = arith.addi %while3A_449, %squeeze3A : i32
      %eq3A_478 = arith.constant 1 : i32
      %eq3A_479 = vector.broadcast %eq3A_478 : i32 to vector<16xi32>
      %eq3A_480 = arith.cmpi eq, %and3A_473, %eq3A_479 : vector<16xi32>
      %all_reduce_population_count3A_481 = tpu.all_reduce %eq3A_480 {dim = 0 : i64, kind = #tpu.reduction_kind<sum>} : vector<16xi1> -> vector<16xi32>
      %slice3A_482 = vector.extract_strided_slice %all_reduce_population_count3A_481 {offsets = [0], sizes = [1], strides = [1]} : vector<16xi32> to vector<1xi32>
      %squeeze3A_483 = vector.extract %slice3A_482[0] : i32 from vector<1xi32>
      %add3A_484 = arith.addi %while3A_450, %squeeze3A_483 : i32
      %eq3A_485 = arith.constant 2 : i32
      %eq3A_486 = vector.broadcast %eq3A_485 : i32 to vector<16xi32>
      %eq3A_487 = arith.cmpi eq, %and3A_473, %eq3A_486 : vector<16xi32>
      %all_reduce_population_count3A_488 = tpu.all_reduce %eq3A_487 {dim = 0 : i64, kind = #tpu.reduction_kind<sum>} : vector<16xi1> -> vector<16xi32>
      %slice3A_489 = vector.extract_strided_slice %all_reduce_population_count3A_488 {offsets = [0], sizes = [1], strides = [1]} : vector<16xi32> to vector<1xi32>
      %squeeze3A_490 = vector.extract %slice3A_489[0] : i32 from vector<1xi32>
      %add3A_491 = arith.addi %while3A_451, %squeeze3A_490 : i32
      %eq3A_492 = arith.constant 3 : i32
      %eq3A_493 = vector.broadcast %eq3A_492 : i32 to vector<16xi32>
      %eq3A_494 = arith.cmpi eq, %and3A_473, %eq3A_493 : vector<16xi32>
      %all_reduce_population_count3A_495 = tpu.all_reduce %eq3A_494 {dim = 0 : i64, kind = #tpu.reduction_kind<sum>} : vector<16xi1> -> vector<16xi32>
      %slice3A_496 = vector.extract_strided_slice %all_reduce_population_count3A_495 {offsets = [0], sizes = [1], strides = [1]} : vector<16xi32> to vector<1xi32>
      %squeeze3A_497 = vector.extract %slice3A_496[0] : i32 from vector<1xi32>
      %add3A_498 = arith.addi %while3A_452, %squeeze3A_497 : i32
      %eq3A_499 = arith.constant 4 : i32
      %eq3A_500 = vector.broadcast %eq3A_499 : i32 to vector<16xi32>
      %eq3A_501 = arith.cmpi eq, %and3A_473, %eq3A_500 : vector<16xi32>
      %all_reduce_population_count3A_502 = tpu.all_reduce %eq3A_501 {dim = 0 : i64, kind = #tpu.reduction_kind<sum>} : vector<16xi1> -> vector<16xi32>
      %slice3A_503 = vector.extract_strided_slice %all_reduce_population_count3A_502 {offsets = [0], sizes = [1], strides = [1]} : vector<16xi32> to vector<1xi32>
      %squeeze3A_504 = vector.extract %slice3A_503[0] : i32 from vector<1xi32>
      %add3A_505 = arith.addi %while3A_453, %squeeze3A_504 : i32
      %eq3A_506 = arith.constant 5 : i32
      %eq3A_507 = vector.broadcast %eq3A_506 : i32 to vector<16xi32>
      %eq3A_508 = arith.cmpi eq, %and3A_473, %eq3A_507 : vector<16xi32>
      %all_reduce_population_count3A_509 = tpu.all_reduce %eq3A_508 {dim = 0 : i64, kind = #tpu.reduction_kind<sum>} : vector<16xi1> -> vector<16xi32>
      %slice3A_510 = vector.extract_strided_slice %all_reduce_population_count3A_509 {offsets = [0], sizes = [1], strides = [1]} : vector<16xi32> to vector<1xi32>
      %squeeze3A_511 = vector.extract %slice3A_510[0] : i32 from vector<1xi32>
      %add3A_512 = arith.addi %while3A_454, %squeeze3A_511 : i32
      %eq3A_513 = arith.constant 6 : i32
      %eq3A_514 = vector.broadcast %eq3A_513 : i32 to vector<16xi32>
      %eq3A_515 = arith.cmpi eq, %and3A_473, %eq3A_514 : vector<16xi32>
      %all_reduce_population_count3A_516 = tpu.all_reduce %eq3A_515 {dim = 0 : i64, kind = #tpu.reduction_kind<sum>} : vector<16xi1> -> vector<16xi32>
      %slice3A_517 = vector.extract_strided_slice %all_reduce_population_count3A_516 {offsets = [0], sizes = [1], strides = [1]} : vector<16xi32> to vector<1xi32>
      %squeeze3A_518 = vector.extract %slice3A_517[0] : i32 from vector<1xi32>
      %add3A_519 = arith.addi %while3A_455, %squeeze3A_518 : i32
      %eq3A_520 = arith.constant 7 : i32
      %eq3A_521 = vector.broadcast %eq3A_520 : i32 to vector<16xi32>
      %eq3A_522 = arith.cmpi eq, %and3A_473, %eq3A_521 : vector<16xi32>
      %all_reduce_population_count3A_523 = tpu.all_reduce %eq3A_522 {dim = 0 : i64, kind = #tpu.reduction_kind<sum>} : vector<16xi1> -> vector<16xi32>
      %slice3A_524 = vector.extract_strided_slice %all_reduce_population_count3A_523 {offsets = [0], sizes = [1], strides = [1]} : vector<16xi32> to vector<1xi32>
      %squeeze3A_525 = vector.extract %slice3A_524[0] : i32 from vector<1xi32>
      %add3A_526 = arith.addi %while3A_456, %squeeze3A_525 : i32
      %eq3A_527 = arith.constant 8 : i32
      %eq3A_528 = vector.broadcast %eq3A_527 : i32 to vector<16xi32>
      %eq3A_529 = arith.cmpi eq, %and3A_473, %eq3A_528 : vector<16xi32>
      %all_reduce_population_count3A_530 = tpu.all_reduce %eq3A_529 {dim = 0 : i64, kind = #tpu.reduction_kind<sum>} : vector<16xi1> -> vector<16xi32>
      %slice3A_531 = vector.extract_strided_slice %all_reduce_population_count3A_530 {offsets = [0], sizes = [1], strides = [1]} : vector<16xi32> to vector<1xi32>
      %squeeze3A_532 = vector.extract %slice3A_531[0] : i32 from vector<1xi32>
      %add3A_533 = arith.addi %while3A_457, %squeeze3A_532 : i32
      %eq3A_534 = arith.constant 9 : i32
      %eq3A_535 = vector.broadcast %eq3A_534 : i32 to vector<16xi32>
      %eq3A_536 = arith.cmpi eq, %and3A_473, %eq3A_535 : vector<16xi32>
      %all_reduce_population_count3A_537 = tpu.all_reduce %eq3A_536 {dim = 0 : i64, kind = #tpu.reduction_kind<sum>} : vector<16xi1> -> vector<16xi32>
      %slice3A_538 = vector.extract_strided_slice %all_reduce_population_count3A_537 {offsets = [0], sizes = [1], strides = [1]} : vector<16xi32> to vector<1xi32>
      %squeeze3A_539 = vector.extract %slice3A_538[0] : i32 from vector<1xi32>
      %add3A_540 = arith.addi %while3A_458, %squeeze3A_539 : i32
      %eq3A_541 = arith.constant 10 : i32
      %eq3A_542 = vector.broadcast %eq3A_541 : i32 to vector<16xi32>
      %eq3A_543 = arith.cmpi eq, %and3A_473, %eq3A_542 : vector<16xi32>
      %all_reduce_population_count3A_544 = tpu.all_reduce %eq3A_543 {dim = 0 : i64, kind = #tpu.reduction_kind<sum>} : vector<16xi1> -> vector<16xi32>
      %slice3A_545 = vector.extract_strided_slice %all_reduce_population_count3A_544 {offsets = [0], sizes = [1], strides = [1]} : vector<16xi32> to vector<1xi32>
      %squeeze3A_546 = vector.extract %slice3A_545[0] : i32 from vector<1xi32>
      %add3A_547 = arith.addi %while3A_459, %squeeze3A_546 : i32
      %eq3A_548 = arith.constant 11 : i32
      %eq3A_549 = vector.broadcast %eq3A_548 : i32 to vector<16xi32>
      %eq3A_550 = arith.cmpi eq, %and3A_473, %eq3A_549 : vector<16xi32>
      %all_reduce_population_count3A_551 = tpu.all_reduce %eq3A_550 {dim = 0 : i64, kind = #tpu.reduction_kind<sum>} : vector<16xi1> -> vector<16xi32>
      %slice3A_552 = vector.extract_strided_slice %all_reduce_population_count3A_551 {offsets = [0], sizes = [1], strides = [1]} : vector<16xi32> to vector<1xi32>
      %squeeze3A_553 = vector.extract %slice3A_552[0] : i32 from vector<1xi32>
      %add3A_554 = arith.addi %while3A_460, %squeeze3A_553 : i32
      %eq3A_555 = arith.constant 12 : i32
      %eq3A_556 = vector.broadcast %eq3A_555 : i32 to vector<16xi32>
      %eq3A_557 = arith.cmpi eq, %and3A_473, %eq3A_556 : vector<16xi32>
      %all_reduce_population_count3A_558 = tpu.all_reduce %eq3A_557 {dim = 0 : i64, kind = #tpu.reduction_kind<sum>} : vector<16xi1> -> vector<16xi32>
      %slice3A_559 = vector.extract_strided_slice %all_reduce_population_count3A_558 {offsets = [0], sizes = [1], strides = [1]} : vector<16xi32> to vector<1xi32>
      %squeeze3A_560 = vector.extract %slice3A_559[0] : i32 from vector<1xi32>
      %add3A_561 = arith.addi %while3A_461, %squeeze3A_560 : i32
      %eq3A_562 = arith.constant 13 : i32
      %eq3A_563 = vector.broadcast %eq3A_562 : i32 to vector<16xi32>
      %eq3A_564 = arith.cmpi eq, %and3A_473, %eq3A_563 : vector<16xi32>
      %all_reduce_population_count3A_565 = tpu.all_reduce %eq3A_564 {dim = 0 : i64, kind = #tpu.reduction_kind<sum>} : vector<16xi1> -> vector<16xi32>
      %slice3A_566 = vector.extract_strided_slice %all_reduce_population_count3A_565 {offsets = [0], sizes = [1], strides = [1]} : vector<16xi32> to vector<1xi32>
      %squeeze3A_567 = vector.extract %slice3A_566[0] : i32 from vector<1xi32>
      %add3A_568 = arith.addi %while3A_462, %squeeze3A_567 : i32
      %eq3A_569 = arith.constant 14 : i32
      %eq3A_570 = vector.broadcast %eq3A_569 : i32 to vector<16xi32>
      %eq3A_571 = arith.cmpi eq, %and3A_473, %eq3A_570 : vector<16xi32>
      %all_reduce_population_count3A_572 = tpu.all_reduce %eq3A_571 {dim = 0 : i64, kind = #tpu.reduction_kind<sum>} : vector<16xi1> -> vector<16xi32>
      %slice3A_573 = vector.extract_strided_slice %all_reduce_population_count3A_572 {offsets = [0], sizes = [1], strides = [1]} : vector<16xi32> to vector<1xi32>
      %squeeze3A_574 = vector.extract %slice3A_573[0] : i32 from vector<1xi32>
      %add3A_575 = arith.addi %while3A_463, %squeeze3A_574 : i32
      %eq3A_576 = arith.constant 15 : i32
      %eq3A_577 = vector.broadcast %eq3A_576 : i32 to vector<16xi32>
      %eq3A_578 = arith.cmpi eq, %and3A_473, %eq3A_577 : vector<16xi32>
      %all_reduce_population_count3A_579 = tpu.all_reduce %eq3A_578 {dim = 0 : i64, kind = #tpu.reduction_kind<sum>} : vector<16xi1> -> vector<16xi32>
      %slice3A_580 = vector.extract_strided_slice %all_reduce_population_count3A_579 {offsets = [0], sizes = [1], strides = [1]} : vector<16xi32> to vector<1xi32>
      %squeeze3A_581 = vector.extract %slice3A_580[0] : i32 from vector<1xi32>
      %add3A_582 = arith.addi %while3A_464, %squeeze3A_581 : i32
      scf.yield %add3A_477, %add3A_484, %add3A_491, %add3A_498, %add3A_505, %add3A_512, %add3A_519, %add3A_526, %add3A_533, %add3A_540, %add3A_547, %add3A_554, %add3A_561, %add3A_568, %add3A_575, %add3A_582 : i32, i32, i32, i32, i32, i32, i32, i32, i32, i32, i32, i32, i32, i32, i32, i32
    }
    %add3A_99 = arith.constant 0 : i32
    %add3A_100 = arith.addi %add3A_99, %while3A_98#0 : i32
    %add3A_101 = arith.addi %add3A_100, %while3A_98#1 : i32
    %add3A_102 = arith.addi %add3A_101, %while3A_98#2 : i32
    %add3A_103 = arith.addi %add3A_102, %while3A_98#3 : i32
    %add3A_104 = arith.addi %add3A_103, %while3A_98#4 : i32
    %add3A_105 = arith.addi %add3A_104, %while3A_98#5 : i32
    %add3A_106 = arith.addi %add3A_105, %while3A_98#6 : i32
    %add3A_107 = arith.addi %add3A_106, %while3A_98#7 : i32
    %add3A_108 = arith.addi %add3A_107, %while3A_98#8 : i32
    %add3A_109 = arith.addi %add3A_108, %while3A_98#9 : i32
    %add3A_110 = arith.addi %add3A_109, %while3A_98#10 : i32
    %add3A_111 = arith.addi %add3A_110, %while3A_98#11 : i32
    %add3A_112 = arith.addi %add3A_111, %while3A_98#12 : i32
    %add3A_113 = arith.addi %add3A_112, %while3A_98#13 : i32
    %add3A_114 = arith.addi %add3A_113, %while3A_98#14 : i32
    %add3A_115 = arith.addi %add3A_114, %while3A_98#15 : i32
    %broadcast_in_dim3A = arith.constant 0 : i32
    %broadcast_in_dim3A_116 = vector.broadcast %broadcast_in_dim3A : i32 to vector<16xi32>
    %broadcast_in_dim3A_117 = arith.constant 0 : i32
    %broadcast_in_dim3A_118 = vector.broadcast %broadcast_in_dim3A_117 : i32 to vector<16xi32>
    %eq3A_119 = arith.constant 0 : i32
    %eq3A_120 = vector.broadcast %eq3A_119 : i32 to vector<16xi32>
    %eq3A_121 = arith.cmpi eq, %iota3A, %eq3A_120 : vector<16xi32>
    %jit3A_122 = arith.constant 0 : i32
    %broadcast_in_dim3A_123 = vector.broadcast %jit3A_122 : i32 to vector<16xi32>
    %select_n3A_124 = arith.select %eq3A_121, %broadcast_in_dim3A_123, %broadcast_in_dim3A_116 : vector<16xi1>, vector<16xi32>
    %eq3A_125 = arith.constant 0 : i32
    %eq3A_126 = vector.broadcast %eq3A_125 : i32 to vector<16xi32>
    %eq3A_127 = arith.cmpi eq, %iota3A, %eq3A_126 : vector<16xi32>
    %add3A_128 = arith.constant 0 : i32
    %add3A_129 = arith.addi %add3A_128, %while3A_98#0 : i32
    %broadcast_in_dim3A_130 = vector.broadcast %add3A_129 : i32 to vector<16xi32>
    %select_n3A_131 = arith.select %eq3A_127, %broadcast_in_dim3A_130, %broadcast_in_dim3A_118 : vector<16xi1>, vector<16xi32>
    %eq3A_132 = arith.constant 1 : i32
    %eq3A_133 = vector.broadcast %eq3A_132 : i32 to vector<16xi32>
    %eq3A_134 = arith.cmpi eq, %iota3A, %eq3A_133 : vector<16xi32>
    %broadcast_in_dim3A_135 = vector.broadcast %add3A_100 : i32 to vector<16xi32>
    %select_n3A_136 = arith.select %eq3A_134, %broadcast_in_dim3A_135, %select_n3A_124 : vector<16xi1>, vector<16xi32>
    %eq3A_137 = arith.constant 1 : i32
    %eq3A_138 = vector.broadcast %eq3A_137 : i32 to vector<16xi32>
    %eq3A_139 = arith.cmpi eq, %iota3A, %eq3A_138 : vector<16xi32>
    %add3A_140 = arith.addi %add3A_100, %while3A_98#1 : i32
    %broadcast_in_dim3A_141 = vector.broadcast %add3A_140 : i32 to vector<16xi32>
    %select_n3A_142 = arith.select %eq3A_139, %broadcast_in_dim3A_141, %select_n3A_131 : vector<16xi1>, vector<16xi32>
    %eq3A_143 = arith.constant 2 : i32
    %eq3A_144 = vector.broadcast %eq3A_143 : i32 to vector<16xi32>
    %eq3A_145 = arith.cmpi eq, %iota3A, %eq3A_144 : vector<16xi32>
    %broadcast_in_dim3A_146 = vector.broadcast %add3A_101 : i32 to vector<16xi32>
    %select_n3A_147 = arith.select %eq3A_145, %broadcast_in_dim3A_146, %select_n3A_136 : vector<16xi1>, vector<16xi32>
    %eq3A_148 = arith.constant 2 : i32
    %eq3A_149 = vector.broadcast %eq3A_148 : i32 to vector<16xi32>
    %eq3A_150 = arith.cmpi eq, %iota3A, %eq3A_149 : vector<16xi32>
    %add3A_151 = arith.addi %add3A_101, %while3A_98#2 : i32
    %broadcast_in_dim3A_152 = vector.broadcast %add3A_151 : i32 to vector<16xi32>
    %select_n3A_153 = arith.select %eq3A_150, %broadcast_in_dim3A_152, %select_n3A_142 : vector<16xi1>, vector<16xi32>
    %eq3A_154 = arith.constant 3 : i32
    %eq3A_155 = vector.broadcast %eq3A_154 : i32 to vector<16xi32>
    %eq3A_156 = arith.cmpi eq, %iota3A, %eq3A_155 : vector<16xi32>
    %broadcast_in_dim3A_157 = vector.broadcast %add3A_102 : i32 to vector<16xi32>
    %select_n3A_158 = arith.select %eq3A_156, %broadcast_in_dim3A_157, %select_n3A_147 : vector<16xi1>, vector<16xi32>
    %eq3A_159 = arith.constant 3 : i32
    %eq3A_160 = vector.broadcast %eq3A_159 : i32 to vector<16xi32>
    %eq3A_161 = arith.cmpi eq, %iota3A, %eq3A_160 : vector<16xi32>
    %add3A_162 = arith.addi %add3A_102, %while3A_98#3 : i32
    %broadcast_in_dim3A_163 = vector.broadcast %add3A_162 : i32 to vector<16xi32>
    %select_n3A_164 = arith.select %eq3A_161, %broadcast_in_dim3A_163, %select_n3A_153 : vector<16xi1>, vector<16xi32>
    %eq3A_165 = arith.constant 4 : i32
    %eq3A_166 = vector.broadcast %eq3A_165 : i32 to vector<16xi32>
    %eq3A_167 = arith.cmpi eq, %iota3A, %eq3A_166 : vector<16xi32>
    %broadcast_in_dim3A_168 = vector.broadcast %add3A_103 : i32 to vector<16xi32>
    %select_n3A_169 = arith.select %eq3A_167, %broadcast_in_dim3A_168, %select_n3A_158 : vector<16xi1>, vector<16xi32>
    %eq3A_170 = arith.constant 4 : i32
    %eq3A_171 = vector.broadcast %eq3A_170 : i32 to vector<16xi32>
    %eq3A_172 = arith.cmpi eq, %iota3A, %eq3A_171 : vector<16xi32>
    %add3A_173 = arith.addi %add3A_103, %while3A_98#4 : i32
    %broadcast_in_dim3A_174 = vector.broadcast %add3A_173 : i32 to vector<16xi32>
    %select_n3A_175 = arith.select %eq3A_172, %broadcast_in_dim3A_174, %select_n3A_164 : vector<16xi1>, vector<16xi32>
    %eq3A_176 = arith.constant 5 : i32
    %eq3A_177 = vector.broadcast %eq3A_176 : i32 to vector<16xi32>
    %eq3A_178 = arith.cmpi eq, %iota3A, %eq3A_177 : vector<16xi32>
    %broadcast_in_dim3A_179 = vector.broadcast %add3A_104 : i32 to vector<16xi32>
    %select_n3A_180 = arith.select %eq3A_178, %broadcast_in_dim3A_179, %select_n3A_169 : vector<16xi1>, vector<16xi32>
    %eq3A_181 = arith.constant 5 : i32
    %eq3A_182 = vector.broadcast %eq3A_181 : i32 to vector<16xi32>
    %eq3A_183 = arith.cmpi eq, %iota3A, %eq3A_182 : vector<16xi32>
    %add3A_184 = arith.addi %add3A_104, %while3A_98#5 : i32
    %broadcast_in_dim3A_185 = vector.broadcast %add3A_184 : i32 to vector<16xi32>
    %select_n3A_186 = arith.select %eq3A_183, %broadcast_in_dim3A_185, %select_n3A_175 : vector<16xi1>, vector<16xi32>
    %eq3A_187 = arith.constant 6 : i32
    %eq3A_188 = vector.broadcast %eq3A_187 : i32 to vector<16xi32>
    %eq3A_189 = arith.cmpi eq, %iota3A, %eq3A_188 : vector<16xi32>
    %broadcast_in_dim3A_190 = vector.broadcast %add3A_105 : i32 to vector<16xi32>
    %select_n3A_191 = arith.select %eq3A_189, %broadcast_in_dim3A_190, %select_n3A_180 : vector<16xi1>, vector<16xi32>
    %eq3A_192 = arith.constant 6 : i32
    %eq3A_193 = vector.broadcast %eq3A_192 : i32 to vector<16xi32>
    %eq3A_194 = arith.cmpi eq, %iota3A, %eq3A_193 : vector<16xi32>
    %add3A_195 = arith.addi %add3A_105, %while3A_98#6 : i32
    %broadcast_in_dim3A_196 = vector.broadcast %add3A_195 : i32 to vector<16xi32>
    %select_n3A_197 = arith.select %eq3A_194, %broadcast_in_dim3A_196, %select_n3A_186 : vector<16xi1>, vector<16xi32>
    %eq3A_198 = arith.constant 7 : i32
    %eq3A_199 = vector.broadcast %eq3A_198 : i32 to vector<16xi32>
    %eq3A_200 = arith.cmpi eq, %iota3A, %eq3A_199 : vector<16xi32>
    %broadcast_in_dim3A_201 = vector.broadcast %add3A_106 : i32 to vector<16xi32>
    %select_n3A_202 = arith.select %eq3A_200, %broadcast_in_dim3A_201, %select_n3A_191 : vector<16xi1>, vector<16xi32>
    %eq3A_203 = arith.constant 7 : i32
    %eq3A_204 = vector.broadcast %eq3A_203 : i32 to vector<16xi32>
    %eq3A_205 = arith.cmpi eq, %iota3A, %eq3A_204 : vector<16xi32>
    %add3A_206 = arith.addi %add3A_106, %while3A_98#7 : i32
    %broadcast_in_dim3A_207 = vector.broadcast %add3A_206 : i32 to vector<16xi32>
    %select_n3A_208 = arith.select %eq3A_205, %broadcast_in_dim3A_207, %select_n3A_197 : vector<16xi1>, vector<16xi32>
    %eq3A_209 = arith.constant 8 : i32
    %eq3A_210 = vector.broadcast %eq3A_209 : i32 to vector<16xi32>
    %eq3A_211 = arith.cmpi eq, %iota3A, %eq3A_210 : vector<16xi32>
    %broadcast_in_dim3A_212 = vector.broadcast %add3A_107 : i32 to vector<16xi32>
    %select_n3A_213 = arith.select %eq3A_211, %broadcast_in_dim3A_212, %select_n3A_202 : vector<16xi1>, vector<16xi32>
    %eq3A_214 = arith.constant 8 : i32
    %eq3A_215 = vector.broadcast %eq3A_214 : i32 to vector<16xi32>
    %eq3A_216 = arith.cmpi eq, %iota3A, %eq3A_215 : vector<16xi32>
    %add3A_217 = arith.addi %add3A_107, %while3A_98#8 : i32
    %broadcast_in_dim3A_218 = vector.broadcast %add3A_217 : i32 to vector<16xi32>
    %select_n3A_219 = arith.select %eq3A_216, %broadcast_in_dim3A_218, %select_n3A_208 : vector<16xi1>, vector<16xi32>
    %eq3A_220 = arith.constant 9 : i32
    %eq3A_221 = vector.broadcast %eq3A_220 : i32 to vector<16xi32>
    %eq3A_222 = arith.cmpi eq, %iota3A, %eq3A_221 : vector<16xi32>
    %broadcast_in_dim3A_223 = vector.broadcast %add3A_108 : i32 to vector<16xi32>
    %select_n3A_224 = arith.select %eq3A_222, %broadcast_in_dim3A_223, %select_n3A_213 : vector<16xi1>, vector<16xi32>
    %eq3A_225 = arith.constant 9 : i32
    %eq3A_226 = vector.broadcast %eq3A_225 : i32 to vector<16xi32>
    %eq3A_227 = arith.cmpi eq, %iota3A, %eq3A_226 : vector<16xi32>
    %add3A_228 = arith.addi %add3A_108, %while3A_98#9 : i32
    %broadcast_in_dim3A_229 = vector.broadcast %add3A_228 : i32 to vector<16xi32>
    %select_n3A_230 = arith.select %eq3A_227, %broadcast_in_dim3A_229, %select_n3A_219 : vector<16xi1>, vector<16xi32>
    %eq3A_231 = arith.constant 10 : i32
    %eq3A_232 = vector.broadcast %eq3A_231 : i32 to vector<16xi32>
    %eq3A_233 = arith.cmpi eq, %iota3A, %eq3A_232 : vector<16xi32>
    %broadcast_in_dim3A_234 = vector.broadcast %add3A_109 : i32 to vector<16xi32>
    %select_n3A_235 = arith.select %eq3A_233, %broadcast_in_dim3A_234, %select_n3A_224 : vector<16xi1>, vector<16xi32>
    %eq3A_236 = arith.constant 10 : i32
    %eq3A_237 = vector.broadcast %eq3A_236 : i32 to vector<16xi32>
    %eq3A_238 = arith.cmpi eq, %iota3A, %eq3A_237 : vector<16xi32>
    %add3A_239 = arith.addi %add3A_109, %while3A_98#10 : i32
    %broadcast_in_dim3A_240 = vector.broadcast %add3A_239 : i32 to vector<16xi32>
    %select_n3A_241 = arith.select %eq3A_238, %broadcast_in_dim3A_240, %select_n3A_230 : vector<16xi1>, vector<16xi32>
    %eq3A_242 = arith.constant 11 : i32
    %eq3A_243 = vector.broadcast %eq3A_242 : i32 to vector<16xi32>
    %eq3A_244 = arith.cmpi eq, %iota3A, %eq3A_243 : vector<16xi32>
    %broadcast_in_dim3A_245 = vector.broadcast %add3A_110 : i32 to vector<16xi32>
    %select_n3A_246 = arith.select %eq3A_244, %broadcast_in_dim3A_245, %select_n3A_235 : vector<16xi1>, vector<16xi32>
    %eq3A_247 = arith.constant 11 : i32
    %eq3A_248 = vector.broadcast %eq3A_247 : i32 to vector<16xi32>
    %eq3A_249 = arith.cmpi eq, %iota3A, %eq3A_248 : vector<16xi32>
    %add3A_250 = arith.addi %add3A_110, %while3A_98#11 : i32
    %broadcast_in_dim3A_251 = vector.broadcast %add3A_250 : i32 to vector<16xi32>
    %select_n3A_252 = arith.select %eq3A_249, %broadcast_in_dim3A_251, %select_n3A_241 : vector<16xi1>, vector<16xi32>
    %eq3A_253 = arith.constant 12 : i32
    %eq3A_254 = vector.broadcast %eq3A_253 : i32 to vector<16xi32>
    %eq3A_255 = arith.cmpi eq, %iota3A, %eq3A_254 : vector<16xi32>
    %broadcast_in_dim3A_256 = vector.broadcast %add3A_111 : i32 to vector<16xi32>
    %select_n3A_257 = arith.select %eq3A_255, %broadcast_in_dim3A_256, %select_n3A_246 : vector<16xi1>, vector<16xi32>
    %eq3A_258 = arith.constant 12 : i32
    %eq3A_259 = vector.broadcast %eq3A_258 : i32 to vector<16xi32>
    %eq3A_260 = arith.cmpi eq, %iota3A, %eq3A_259 : vector<16xi32>
    %add3A_261 = arith.addi %add3A_111, %while3A_98#12 : i32
    %broadcast_in_dim3A_262 = vector.broadcast %add3A_261 : i32 to vector<16xi32>
    %select_n3A_263 = arith.select %eq3A_260, %broadcast_in_dim3A_262, %select_n3A_252 : vector<16xi1>, vector<16xi32>
    %eq3A_264 = arith.constant 13 : i32
    %eq3A_265 = vector.broadcast %eq3A_264 : i32 to vector<16xi32>
    %eq3A_266 = arith.cmpi eq, %iota3A, %eq3A_265 : vector<16xi32>
    %broadcast_in_dim3A_267 = vector.broadcast %add3A_112 : i32 to vector<16xi32>
    %select_n3A_268 = arith.select %eq3A_266, %broadcast_in_dim3A_267, %select_n3A_257 : vector<16xi1>, vector<16xi32>
    %eq3A_269 = arith.constant 13 : i32
    %eq3A_270 = vector.broadcast %eq3A_269 : i32 to vector<16xi32>
    %eq3A_271 = arith.cmpi eq, %iota3A, %eq3A_270 : vector<16xi32>
    %add3A_272 = arith.addi %add3A_112, %while3A_98#13 : i32
    %broadcast_in_dim3A_273 = vector.broadcast %add3A_272 : i32 to vector<16xi32>
    %select_n3A_274 = arith.select %eq3A_271, %broadcast_in_dim3A_273, %select_n3A_263 : vector<16xi1>, vector<16xi32>
    %eq3A_275 = arith.constant 14 : i32
    %eq3A_276 = vector.broadcast %eq3A_275 : i32 to vector<16xi32>
    %eq3A_277 = arith.cmpi eq, %iota3A, %eq3A_276 : vector<16xi32>
    %broadcast_in_dim3A_278 = vector.broadcast %add3A_113 : i32 to vector<16xi32>
    %select_n3A_279 = arith.select %eq3A_277, %broadcast_in_dim3A_278, %select_n3A_268 : vector<16xi1>, vector<16xi32>
    %eq3A_280 = arith.constant 14 : i32
    %eq3A_281 = vector.broadcast %eq3A_280 : i32 to vector<16xi32>
    %eq3A_282 = arith.cmpi eq, %iota3A, %eq3A_281 : vector<16xi32>
    %add3A_283 = arith.addi %add3A_113, %while3A_98#14 : i32
    %broadcast_in_dim3A_284 = vector.broadcast %add3A_283 : i32 to vector<16xi32>
    %select_n3A_285 = arith.select %eq3A_282, %broadcast_in_dim3A_284, %select_n3A_274 : vector<16xi1>, vector<16xi32>
    %eq3A_286 = arith.constant 15 : i32
    %eq3A_287 = vector.broadcast %eq3A_286 : i32 to vector<16xi32>
    %eq3A_288 = arith.cmpi eq, %iota3A, %eq3A_287 : vector<16xi32>
    %broadcast_in_dim3A_289 = vector.broadcast %add3A_114 : i32 to vector<16xi32>
    %select_n3A_290 = arith.select %eq3A_288, %broadcast_in_dim3A_289, %select_n3A_279 : vector<16xi1>, vector<16xi32>
    %eq3A_291 = arith.constant 15 : i32
    %eq3A_292 = vector.broadcast %eq3A_291 : i32 to vector<16xi32>
    %eq3A_293 = arith.cmpi eq, %iota3A, %eq3A_292 : vector<16xi32>
    %add3A_294 = arith.addi %add3A_114, %while3A_98#15 : i32
    %broadcast_in_dim3A_295 = vector.broadcast %add3A_294 : i32 to vector<16xi32>
    %select_n3A_296 = arith.select %eq3A_293, %broadcast_in_dim3A_295, %select_n3A_285 : vector<16xi1>, vector<16xi32>
    %swap3A = arith.constant 0 : index
    %swap3A_297 = tpu.vector_load %arg14[%swap3A] {strides = array<i32>} : memref<128xi32, #tpu.memory_space<vmem>>, vector<16xi32>,
    tpu.vector_store %arg14[%swap3A], %select_n3A_290 {strides = array<i32>} : memref<128xi32, #tpu.memory_space<vmem>>, vector<16xi32>,
    %swap3A_298 = arith.constant 16 : index
    %swap3A_299 = tpu.vector_load %arg14[%swap3A_298] {strides = array<i32>} : memref<128xi32, #tpu.memory_space<vmem>>, vector<16xi32>,
    tpu.vector_store %arg14[%swap3A_298], %select_n3A_296 {strides = array<i32>} : memref<128xi32, #tpu.memory_space<vmem>>, vector<16xi32>,
    %while3A_300 = arith.constant 0 : i32
    %while3A_301 = arith.constant 0 : i32
    %while3A_302 = arith.subi %select_n3A_72, %while3A_300 : i32
    %while3A_303 = arith.addi %while3A_300, %while3A_302 : i32
    %while3A_304 = arith.constant 1 : i32
    %while3A_305 = arith.divsi %while3A_302, %while3A_304 : i32
    %while3A_306 = arith.muli %while3A_305, %while3A_304 : i32
    %while3A_307 = arith.addi %while3A_300, %while3A_306 : i32
    %while3A_308 = arith.constant 1 : i32
    %while3A_309:16 = scf.for %while3A_448 = %while3A_300 to %while3A_307 step %while3A_308 iter_args(%while3A_449 = %while3A_301, %while3A_450 = %add3A_100, %while3A_451 = %add3A_101, %while3A_452 = %add3A_102, %while3A_453 = %add3A_103, %while3A_454 = %add3A_104, %while3A_455 = %add3A_105, %while3A_456 = %add3A_106, %while3A_457 = %add3A_107, %while3A_458 = %add3A_108, %while3A_459 = %add3A_109, %while3A_460 = %add3A_110, %while3A_461 = %add3A_111, %while3A_462 = %add3A_112, %while3A_463 = %add3A_113, %while3A_464 = %add3A_114) -> (i32, i32, i32, i32, i32, i32, i32, i32, i32, i32, i32, i32, i32, i32, i32, i32)  : i32 {
      %mul3A_465 = arith.constant 16 : i32
      %mul3A_466 = arith.muli %while3A_448, %mul3A_465 : i32
      %get3A_467 = arith.index_cast %mul3A_466 : i32 to index
      %get3A_468 = tpu.vector_load %arg12[%get3A_467] {strides = array<i32>} : memref<16512xi32, #tpu.memory_space<vmem>>, vector<16xi32>,
      %get3A_469 = arith.index_cast %mul3A_466 : i32 to index
      %get3A_470 = tpu.vector_load %arg13[%get3A_469] {strides = array<i32>} : memref<16512xi32, #tpu.memory_space<vmem>>, vector<16xi32>,
      %shift_right_arithmetic3A = arith.constant 7 : i32
      %shift_right_arithmetic3A_471 = vector.broadcast %shift_right_arithmetic3A : i32 to vector<16xi32>
      %shift_right_arithmetic3A_472 = arith.shrsi %get3A_468, %shift_right_arithmetic3A_471 : vector<16xi32>
      %and3A_473 = arith.constant 15 : i32
      %and3A_474 = vector.broadcast %and3A_473 : i32 to vector<16xi32>
      %and3A_475 = arith.andi %shift_right_arithmetic3A_472, %and3A_474 : vector<16xi32>
      %eq3A_476 = arith.constant 0 : i32
      %eq3A_477 = vector.broadcast %eq3A_476 : i32 to vector<16xi32>
      %eq3A_478 = arith.cmpi eq, %and3A_475, %eq3A_477 : vector<16xi32>
      %swap3A_479 = arith.index_cast %while3A_449 : i32 to index
      %swap3A_480 = tpu.vector_load %arg10[%swap3A_479] masked %eq3A_478 {strides = array<i32>} : memref<16384xi32, #tpu.memory_space<vmem>>, vector<16xi32>, vector<16xi1>
      tpu.vector_store %arg10[%swap3A_479], %get3A_468 masked %eq3A_478 {strides = array<i32>} : memref<16384xi32, #tpu.memory_space<vmem>>, vector<16xi32>, vector<16xi1>
      %swap3A_481 = arith.index_cast %while3A_449 : i32 to index
      %swap3A_482 = tpu.vector_load %arg11[%swap3A_481] masked %eq3A_478 {strides = array<i32>} : memref<16384xi32, #tpu.memory_space<vmem>>, vector<16xi32>, vector<16xi1>
      tpu.vector_store %arg11[%swap3A_481], %get3A_470 masked %eq3A_478 {strides = array<i32>} : memref<16384xi32, #tpu.memory_space<vmem>>, vector<16xi32>, vector<16xi1>
      %all_reduce_population_count3A = tpu.all_reduce %eq3A_478 {dim = 0 : i64, kind = #tpu.reduction_kind<sum>} : vector<16xi1> -> vector<16xi32>
      %slice3A = vector.extract_strided_slice %all_reduce_population_count3A {offsets = [0], sizes = [1], strides = [1]} : vector<16xi32> to vector<1xi32>
      %squeeze3A = vector.extract %slice3A[0] : i32 from vector<1xi32>
      %add3A_483 = arith.addi %while3A_449, %squeeze3A : i32
      %eq3A_484 = arith.constant 1 : i32
      %eq3A_485 = vector.broadcast %eq3A_484 : i32 to vector<16xi32>
      %eq3A_486 = arith.cmpi eq, %and3A_475, %eq3A_485 : vector<16xi32>
      %swap3A_487 = arith.index_cast %while3A_450 : i32 to index
      %swap3A_488 = tpu.vector_load %arg10[%swap3A_487] masked %eq3A_486 {strides = array<i32>} : memref<16384xi32, #tpu.memory_space<vmem>>, vector<16xi32>, vector<16xi1>
      tpu.vector_store %arg10[%swap3A_487], %get3A_468 masked %eq3A_486 {strides = array<i32>} : memref<16384xi32, #tpu.memory_space<vmem>>, vector<16xi32>, vector<16xi1>
      %swap3A_489 = arith.index_cast %while3A_450 : i32 to index
      %swap3A_490 = tpu.vector_load %arg11[%swap3A_489] masked %eq3A_486 {strides = array<i32>} : memref<16384xi32, #tpu.memory_space<vmem>>, vector<16xi32>, vector<16xi1>
      tpu.vector_store %arg11[%swap3A_489], %get3A_470 masked %eq3A_486 {strides = array<i32>} : memref<16384xi32, #tpu.memory_space<vmem>>, vector<16xi32>, vector<16xi1>
      %all_reduce_population_count3A_491 = tpu.all_reduce %eq3A_486 {dim = 0 : i64, kind = #tpu.reduction_kind<sum>} : vector<16xi1> -> vector<16xi32>
      %slice3A_492 = vector.extract_strided_slice %all_reduce_population_count3A_491 {offsets = [0], sizes = [1], strides = [1]} : vector<16xi32> to vector<1xi32>
      %squeeze3A_493 = vector.extract %slice3A_492[0] : i32 from vector<1xi32>
      %add3A_494 = arith.addi %while3A_450, %squeeze3A_493 : i32
      %eq3A_495 = arith.constant 2 : i32
      %eq3A_496 = vector.broadcast %eq3A_495 : i32 to vector<16xi32>
      %eq3A_497 = arith.cmpi eq, %and3A_475, %eq3A_496 : vector<16xi32>
      %swap3A_498 = arith.index_cast %while3A_451 : i32 to index
      %swap3A_499 = tpu.vector_load %arg10[%swap3A_498] masked %eq3A_497 {strides = array<i32>} : memref<16384xi32, #tpu.memory_space<vmem>>, vector<16xi32>, vector<16xi1>
      tpu.vector_store %arg10[%swap3A_498], %get3A_468 masked %eq3A_497 {strides = array<i32>} : memref<16384xi32, #tpu.memory_space<vmem>>, vector<16xi32>, vector<16xi1>
      %swap3A_500 = arith.index_cast %while3A_451 : i32 to index
      %swap3A_501 = tpu.vector_load %arg11[%swap3A_500] masked %eq3A_497 {strides = array<i32>} : memref<16384xi32, #tpu.memory_space<vmem>>, vector<16xi32>, vector<16xi1>
      tpu.vector_store %arg11[%swap3A_500], %get3A_470 masked %eq3A_497 {strides = array<i32>} : memref<16384xi32, #tpu.memory_space<vmem>>, vector<16xi32>, vector<16xi1>
      %all_reduce_population_count3A_502 = tpu.all_reduce %eq3A_497 {dim = 0 : i64, kind = #tpu.reduction_kind<sum>} : vector<16xi1> -> vector<16xi32>
      %slice3A_503 = vector.extract_strided_slice %all_reduce_population_count3A_502 {offsets = [0], sizes = [1], strides = [1]} : vector<16xi32> to vector<1xi32>
      %squeeze3A_504 = vector.extract %slice3A_503[0] : i32 from vector<1xi32>
      %add3A_505 = arith.addi %while3A_451, %squeeze3A_504 : i32
      %eq3A_506 = arith.constant 3 : i32
      %eq3A_507 = vector.broadcast %eq3A_506 : i32 to vector<16xi32>
      %eq3A_508 = arith.cmpi eq, %and3A_475, %eq3A_507 : vector<16xi32>
      %swap3A_509 = arith.index_cast %while3A_452 : i32 to index
      %swap3A_510 = tpu.vector_load %arg10[%swap3A_509] masked %eq3A_508 {strides = array<i32>} : memref<16384xi32, #tpu.memory_space<vmem>>, vector<16xi32>, vector<16xi1>
      tpu.vector_store %arg10[%swap3A_509], %get3A_468 masked %eq3A_508 {strides = array<i32>} : memref<16384xi32, #tpu.memory_space<vmem>>, vector<16xi32>, vector<16xi1>
      %swap3A_511 = arith.index_cast %while3A_452 : i32 to index
      %swap3A_512 = tpu.vector_load %arg11[%swap3A_511] masked %eq3A_508 {strides = array<i32>} : memref<16384xi32, #tpu.memory_space<vmem>>, vector<16xi32>, vector<16xi1>
      tpu.vector_store %arg11[%swap3A_511], %get3A_470 masked %eq3A_508 {strides = array<i32>} : memref<16384xi32, #tpu.memory_space<vmem>>, vector<16xi32>, vector<16xi1>
      %all_reduce_population_count3A_513 = tpu.all_reduce %eq3A_508 {dim = 0 : i64, kind = #tpu.reduction_kind<sum>} : vector<16xi1> -> vector<16xi32>
      %slice3A_514 = vector.extract_strided_slice %all_reduce_population_count3A_513 {offsets = [0], sizes = [1], strides = [1]} : vector<16xi32> to vector<1xi32>
      %squeeze3A_515 = vector.extract %slice3A_514[0] : i32 from vector<1xi32>
      %add3A_516 = arith.addi %while3A_452, %squeeze3A_515 : i32
      %eq3A_517 = arith.constant 4 : i32
      %eq3A_518 = vector.broadcast %eq3A_517 : i32 to vector<16xi32>
      %eq3A_519 = arith.cmpi eq, %and3A_475, %eq3A_518 : vector<16xi32>
      %swap3A_520 = arith.index_cast %while3A_453 : i32 to index
      %swap3A_521 = tpu.vector_load %arg10[%swap3A_520] masked %eq3A_519 {strides = array<i32>} : memref<16384xi32, #tpu.memory_space<vmem>>, vector<16xi32>, vector<16xi1>
      tpu.vector_store %arg10[%swap3A_520], %get3A_468 masked %eq3A_519 {strides = array<i32>} : memref<16384xi32, #tpu.memory_space<vmem>>, vector<16xi32>, vector<16xi1>
      %swap3A_522 = arith.index_cast %while3A_453 : i32 to index
      %swap3A_523 = tpu.vector_load %arg11[%swap3A_522] masked %eq3A_519 {strides = array<i32>} : memref<16384xi32, #tpu.memory_space<vmem>>, vector<16xi32>, vector<16xi1>
      tpu.vector_store %arg11[%swap3A_522], %get3A_470 masked %eq3A_519 {strides = array<i32>} : memref<16384xi32, #tpu.memory_space<vmem>>, vector<16xi32>, vector<16xi1>
      %all_reduce_population_count3A_524 = tpu.all_reduce %eq3A_519 {dim = 0 : i64, kind = #tpu.reduction_kind<sum>} : vector<16xi1> -> vector<16xi32>
      %slice3A_525 = vector.extract_strided_slice %all_reduce_population_count3A_524 {offsets = [0], sizes = [1], strides = [1]} : vector<16xi32> to vector<1xi32>
      %squeeze3A_526 = vector.extract %slice3A_525[0] : i32 from vector<1xi32>
      %add3A_527 = arith.addi %while3A_453, %squeeze3A_526 : i32
      %eq3A_528 = arith.constant 5 : i32
      %eq3A_529 = vector.broadcast %eq3A_528 : i32 to vector<16xi32>
      %eq3A_530 = arith.cmpi eq, %and3A_475, %eq3A_529 : vector<16xi32>
      %swap3A_531 = arith.index_cast %while3A_454 : i32 to index
      %swap3A_532 = tpu.vector_load %arg10[%swap3A_531] masked %eq3A_530 {strides = array<i32>} : memref<16384xi32, #tpu.memory_space<vmem>>, vector<16xi32>, vector<16xi1>
      tpu.vector_store %arg10[%swap3A_531], %get3A_468 masked %eq3A_530 {strides = array<i32>} : memref<16384xi32, #tpu.memory_space<vmem>>, vector<16xi32>, vector<16xi1>
      %swap3A_533 = arith.index_cast %while3A_454 : i32 to index
      %swap3A_534 = tpu.vector_load %arg11[%swap3A_533] masked %eq3A_530 {strides = array<i32>} : memref<16384xi32, #tpu.memory_space<vmem>>, vector<16xi32>, vector<16xi1>
      tpu.vector_store %arg11[%swap3A_533], %get3A_470 masked %eq3A_530 {strides = array<i32>} : memref<16384xi32, #tpu.memory_space<vmem>>, vector<16xi32>, vector<16xi1>
      %all_reduce_population_count3A_535 = tpu.all_reduce %eq3A_530 {dim = 0 : i64, kind = #tpu.reduction_kind<sum>} : vector<16xi1> -> vector<16xi32>
      %slice3A_536 = vector.extract_strided_slice %all_reduce_population_count3A_535 {offsets = [0], sizes = [1], strides = [1]} : vector<16xi32> to vector<1xi32>
      %squeeze3A_537 = vector.extract %slice3A_536[0] : i32 from vector<1xi32>
      %add3A_538 = arith.addi %while3A_454, %squeeze3A_537 : i32
      %eq3A_539 = arith.constant 6 : i32
      %eq3A_540 = vector.broadcast %eq3A_539 : i32 to vector<16xi32>
      %eq3A_541 = arith.cmpi eq, %and3A_475, %eq3A_540 : vector<16xi32>
      %swap3A_542 = arith.index_cast %while3A_455 : i32 to index
      %swap3A_543 = tpu.vector_load %arg10[%swap3A_542] masked %eq3A_541 {strides = array<i32>} : memref<16384xi32, #tpu.memory_space<vmem>>, vector<16xi32>, vector<16xi1>
      tpu.vector_store %arg10[%swap3A_542], %get3A_468 masked %eq3A_541 {strides = array<i32>} : memref<16384xi32, #tpu.memory_space<vmem>>, vector<16xi32>, vector<16xi1>
      %swap3A_544 = arith.index_cast %while3A_455 : i32 to index
      %swap3A_545 = tpu.vector_load %arg11[%swap3A_544] masked %eq3A_541 {strides = array<i32>} : memref<16384xi32, #tpu.memory_space<vmem>>, vector<16xi32>, vector<16xi1>
      tpu.vector_store %arg11[%swap3A_544], %get3A_470 masked %eq3A_541 {strides = array<i32>} : memref<16384xi32, #tpu.memory_space<vmem>>, vector<16xi32>, vector<16xi1>
      %all_reduce_population_count3A_546 = tpu.all_reduce %eq3A_541 {dim = 0 : i64, kind = #tpu.reduction_kind<sum>} : vector<16xi1> -> vector<16xi32>
      %slice3A_547 = vector.extract_strided_slice %all_reduce_population_count3A_546 {offsets = [0], sizes = [1], strides = [1]} : vector<16xi32> to vector<1xi32>
      %squeeze3A_548 = vector.extract %slice3A_547[0] : i32 from vector<1xi32>
      %add3A_549 = arith.addi %while3A_455, %squeeze3A_548 : i32
      %eq3A_550 = arith.constant 7 : i32
      %eq3A_551 = vector.broadcast %eq3A_550 : i32 to vector<16xi32>
      %eq3A_552 = arith.cmpi eq, %and3A_475, %eq3A_551 : vector<16xi32>
      %swap3A_553 = arith.index_cast %while3A_456 : i32 to index
      %swap3A_554 = tpu.vector_load %arg10[%swap3A_553] masked %eq3A_552 {strides = array<i32>} : memref<16384xi32, #tpu.memory_space<vmem>>, vector<16xi32>, vector<16xi1>
      tpu.vector_store %arg10[%swap3A_553], %get3A_468 masked %eq3A_552 {strides = array<i32>} : memref<16384xi32, #tpu.memory_space<vmem>>, vector<16xi32>, vector<16xi1>
      %swap3A_555 = arith.index_cast %while3A_456 : i32 to index
      %swap3A_556 = tpu.vector_load %arg11[%swap3A_555] masked %eq3A_552 {strides = array<i32>} : memref<16384xi32, #tpu.memory_space<vmem>>, vector<16xi32>, vector<16xi1>
      tpu.vector_store %arg11[%swap3A_555], %get3A_470 masked %eq3A_552 {strides = array<i32>} : memref<16384xi32, #tpu.memory_space<vmem>>, vector<16xi32>, vector<16xi1>
      %all_reduce_population_count3A_557 = tpu.all_reduce %eq3A_552 {dim = 0 : i64, kind = #tpu.reduction_kind<sum>} : vector<16xi1> -> vector<16xi32>
      %slice3A_558 = vector.extract_strided_slice %all_reduce_population_count3A_557 {offsets = [0], sizes = [1], strides = [1]} : vector<16xi32> to vector<1xi32>
      %squeeze3A_559 = vector.extract %slice3A_558[0] : i32 from vector<1xi32>
      %add3A_560 = arith.addi %while3A_456, %squeeze3A_559 : i32
      %eq3A_561 = arith.constant 8 : i32
      %eq3A_562 = vector.broadcast %eq3A_561 : i32 to vector<16xi32>
      %eq3A_563 = arith.cmpi eq, %and3A_475, %eq3A_562 : vector<16xi32>
      %swap3A_564 = arith.index_cast %while3A_457 : i32 to index
      %swap3A_565 = tpu.vector_load %arg10[%swap3A_564] masked %eq3A_563 {strides = array<i32>} : memref<16384xi32, #tpu.memory_space<vmem>>, vector<16xi32>, vector<16xi1>
      tpu.vector_store %arg10[%swap3A_564], %get3A_468 masked %eq3A_563 {strides = array<i32>} : memref<16384xi32, #tpu.memory_space<vmem>>, vector<16xi32>, vector<16xi1>
      %swap3A_566 = arith.index_cast %while3A_457 : i32 to index
      %swap3A_567 = tpu.vector_load %arg11[%swap3A_566] masked %eq3A_563 {strides = array<i32>} : memref<16384xi32, #tpu.memory_space<vmem>>, vector<16xi32>, vector<16xi1>
      tpu.vector_store %arg11[%swap3A_566], %get3A_470 masked %eq3A_563 {strides = array<i32>} : memref<16384xi32, #tpu.memory_space<vmem>>, vector<16xi32>, vector<16xi1>
      %all_reduce_population_count3A_568 = tpu.all_reduce %eq3A_563 {dim = 0 : i64, kind = #tpu.reduction_kind<sum>} : vector<16xi1> -> vector<16xi32>
      %slice3A_569 = vector.extract_strided_slice %all_reduce_population_count3A_568 {offsets = [0], sizes = [1], strides = [1]} : vector<16xi32> to vector<1xi32>
      %squeeze3A_570 = vector.extract %slice3A_569[0] : i32 from vector<1xi32>
      %add3A_571 = arith.addi %while3A_457, %squeeze3A_570 : i32
      %eq3A_572 = arith.constant 9 : i32
      %eq3A_573 = vector.broadcast %eq3A_572 : i32 to vector<16xi32>
      %eq3A_574 = arith.cmpi eq, %and3A_475, %eq3A_573 : vector<16xi32>
      %swap3A_575 = arith.index_cast %while3A_458 : i32 to index
      %swap3A_576 = tpu.vector_load %arg10[%swap3A_575] masked %eq3A_574 {strides = array<i32>} : memref<16384xi32, #tpu.memory_space<vmem>>, vector<16xi32>, vector<16xi1>
      tpu.vector_store %arg10[%swap3A_575], %get3A_468 masked %eq3A_574 {strides = array<i32>} : memref<16384xi32, #tpu.memory_space<vmem>>, vector<16xi32>, vector<16xi1>
      %swap3A_577 = arith.index_cast %while3A_458 : i32 to index
      %swap3A_578 = tpu.vector_load %arg11[%swap3A_577] masked %eq3A_574 {strides = array<i32>} : memref<16384xi32, #tpu.memory_space<vmem>>, vector<16xi32>, vector<16xi1>
      tpu.vector_store %arg11[%swap3A_577], %get3A_470 masked %eq3A_574 {strides = array<i32>} : memref<16384xi32, #tpu.memory_space<vmem>>, vector<16xi32>, vector<16xi1>
      %all_reduce_population_count3A_579 = tpu.all_reduce %eq3A_574 {dim = 0 : i64, kind = #tpu.reduction_kind<sum>} : vector<16xi1> -> vector<16xi32>
      %slice3A_580 = vector.extract_strided_slice %all_reduce_population_count3A_579 {offsets = [0], sizes = [1], strides = [1]} : vector<16xi32> to vector<1xi32>
      %squeeze3A_581 = vector.extract %slice3A_580[0] : i32 from vector<1xi32>
      %add3A_582 = arith.addi %while3A_458, %squeeze3A_581 : i32
      %eq3A_583 = arith.constant 10 : i32
      %eq3A_584 = vector.broadcast %eq3A_583 : i32 to vector<16xi32>
      %eq3A_585 = arith.cmpi eq, %and3A_475, %eq3A_584 : vector<16xi32>
      %swap3A_586 = arith.index_cast %while3A_459 : i32 to index
      %swap3A_587 = tpu.vector_load %arg10[%swap3A_586] masked %eq3A_585 {strides = array<i32>} : memref<16384xi32, #tpu.memory_space<vmem>>, vector<16xi32>, vector<16xi1>
      tpu.vector_store %arg10[%swap3A_586], %get3A_468 masked %eq3A_585 {strides = array<i32>} : memref<16384xi32, #tpu.memory_space<vmem>>, vector<16xi32>, vector<16xi1>
      %swap3A_588 = arith.index_cast %while3A_459 : i32 to index
      %swap3A_589 = tpu.vector_load %arg11[%swap3A_588] masked %eq3A_585 {strides = array<i32>} : memref<16384xi32, #tpu.memory_space<vmem>>, vector<16xi32>, vector<16xi1>
      tpu.vector_store %arg11[%swap3A_588], %get3A_470 masked %eq3A_585 {strides = array<i32>} : memref<16384xi32, #tpu.memory_space<vmem>>, vector<16xi32>, vector<16xi1>
      %all_reduce_population_count3A_590 = tpu.all_reduce %eq3A_585 {dim = 0 : i64, kind = #tpu.reduction_kind<sum>} : vector<16xi1> -> vector<16xi32>
      %slice3A_591 = vector.extract_strided_slice %all_reduce_population_count3A_590 {offsets = [0], sizes = [1], strides = [1]} : vector<16xi32> to vector<1xi32>
      %squeeze3A_592 = vector.extract %slice3A_591[0] : i32 from vector<1xi32>
      %add3A_593 = arith.addi %while3A_459, %squeeze3A_592 : i32
      %eq3A_594 = arith.constant 11 : i32
      %eq3A_595 = vector.broadcast %eq3A_594 : i32 to vector<16xi32>
      %eq3A_596 = arith.cmpi eq, %and3A_475, %eq3A_595 : vector<16xi32>
      %swap3A_597 = arith.index_cast %while3A_460 : i32 to index
      %swap3A_598 = tpu.vector_load %arg10[%swap3A_597] masked %eq3A_596 {strides = array<i32>} : memref<16384xi32, #tpu.memory_space<vmem>>, vector<16xi32>, vector<16xi1>
      tpu.vector_store %arg10[%swap3A_597], %get3A_468 masked %eq3A_596 {strides = array<i32>} : memref<16384xi32, #tpu.memory_space<vmem>>, vector<16xi32>, vector<16xi1>
      %swap3A_599 = arith.index_cast %while3A_460 : i32 to index
      %swap3A_600 = tpu.vector_load %arg11[%swap3A_599] masked %eq3A_596 {strides = array<i32>} : memref<16384xi32, #tpu.memory_space<vmem>>, vector<16xi32>, vector<16xi1>
      tpu.vector_store %arg11[%swap3A_599], %get3A_470 masked %eq3A_596 {strides = array<i32>} : memref<16384xi32, #tpu.memory_space<vmem>>, vector<16xi32>, vector<16xi1>
      %all_reduce_population_count3A_601 = tpu.all_reduce %eq3A_596 {dim = 0 : i64, kind = #tpu.reduction_kind<sum>} : vector<16xi1> -> vector<16xi32>
      %slice3A_602 = vector.extract_strided_slice %all_reduce_population_count3A_601 {offsets = [0], sizes = [1], strides = [1]} : vector<16xi32> to vector<1xi32>
      %squeeze3A_603 = vector.extract %slice3A_602[0] : i32 from vector<1xi32>
      %add3A_604 = arith.addi %while3A_460, %squeeze3A_603 : i32
      %eq3A_605 = arith.constant 12 : i32
      %eq3A_606 = vector.broadcast %eq3A_605 : i32 to vector<16xi32>
      %eq3A_607 = arith.cmpi eq, %and3A_475, %eq3A_606 : vector<16xi32>
      %swap3A_608 = arith.index_cast %while3A_461 : i32 to index
      %swap3A_609 = tpu.vector_load %arg10[%swap3A_608] masked %eq3A_607 {strides = array<i32>} : memref<16384xi32, #tpu.memory_space<vmem>>, vector<16xi32>, vector<16xi1>
      tpu.vector_store %arg10[%swap3A_608], %get3A_468 masked %eq3A_607 {strides = array<i32>} : memref<16384xi32, #tpu.memory_space<vmem>>, vector<16xi32>, vector<16xi1>
      %swap3A_610 = arith.index_cast %while3A_461 : i32 to index
      %swap3A_611 = tpu.vector_load %arg11[%swap3A_610] masked %eq3A_607 {strides = array<i32>} : memref<16384xi32, #tpu.memory_space<vmem>>, vector<16xi32>, vector<16xi1>
      tpu.vector_store %arg11[%swap3A_610], %get3A_470 masked %eq3A_607 {strides = array<i32>} : memref<16384xi32, #tpu.memory_space<vmem>>, vector<16xi32>, vector<16xi1>
      %all_reduce_population_count3A_612 = tpu.all_reduce %eq3A_607 {dim = 0 : i64, kind = #tpu.reduction_kind<sum>} : vector<16xi1> -> vector<16xi32>
      %slice3A_613 = vector.extract_strided_slice %all_reduce_population_count3A_612 {offsets = [0], sizes = [1], strides = [1]} : vector<16xi32> to vector<1xi32>
      %squeeze3A_614 = vector.extract %slice3A_613[0] : i32 from vector<1xi32>
      %add3A_615 = arith.addi %while3A_461, %squeeze3A_614 : i32
      %eq3A_616 = arith.constant 13 : i32
      %eq3A_617 = vector.broadcast %eq3A_616 : i32 to vector<16xi32>
      %eq3A_618 = arith.cmpi eq, %and3A_475, %eq3A_617 : vector<16xi32>
      %swap3A_619 = arith.index_cast %while3A_462 : i32 to index
      %swap3A_620 = tpu.vector_load %arg10[%swap3A_619] masked %eq3A_618 {strides = array<i32>} : memref<16384xi32, #tpu.memory_space<vmem>>, vector<16xi32>, vector<16xi1>
      tpu.vector_store %arg10[%swap3A_619], %get3A_468 masked %eq3A_618 {strides = array<i32>} : memref<16384xi32, #tpu.memory_space<vmem>>, vector<16xi32>, vector<16xi1>
      %swap3A_621 = arith.index_cast %while3A_462 : i32 to index
      %swap3A_622 = tpu.vector_load %arg11[%swap3A_621] masked %eq3A_618 {strides = array<i32>} : memref<16384xi32, #tpu.memory_space<vmem>>, vector<16xi32>, vector<16xi1>
      tpu.vector_store %arg11[%swap3A_621], %get3A_470 masked %eq3A_618 {strides = array<i32>} : memref<16384xi32, #tpu.memory_space<vmem>>, vector<16xi32>, vector<16xi1>
      %all_reduce_population_count3A_623 = tpu.all_reduce %eq3A_618 {dim = 0 : i64, kind = #tpu.reduction_kind<sum>} : vector<16xi1> -> vector<16xi32>
      %slice3A_624 = vector.extract_strided_slice %all_reduce_population_count3A_623 {offsets = [0], sizes = [1], strides = [1]} : vector<16xi32> to vector<1xi32>
      %squeeze3A_625 = vector.extract %slice3A_624[0] : i32 from vector<1xi32>
      %add3A_626 = arith.addi %while3A_462, %squeeze3A_625 : i32
      %eq3A_627 = arith.constant 14 : i32
      %eq3A_628 = vector.broadcast %eq3A_627 : i32 to vector<16xi32>
      %eq3A_629 = arith.cmpi eq, %and3A_475, %eq3A_628 : vector<16xi32>
      %swap3A_630 = arith.index_cast %while3A_463 : i32 to index
      %swap3A_631 = tpu.vector_load %arg10[%swap3A_630] masked %eq3A_629 {strides = array<i32>} : memref<16384xi32, #tpu.memory_space<vmem>>, vector<16xi32>, vector<16xi1>
      tpu.vector_store %arg10[%swap3A_630], %get3A_468 masked %eq3A_629 {strides = array<i32>} : memref<16384xi32, #tpu.memory_space<vmem>>, vector<16xi32>, vector<16xi1>
      %swap3A_632 = arith.index_cast %while3A_463 : i32 to index
      %swap3A_633 = tpu.vector_load %arg11[%swap3A_632] masked %eq3A_629 {strides = array<i32>} : memref<16384xi32, #tpu.memory_space<vmem>>, vector<16xi32>, vector<16xi1>
      tpu.vector_store %arg11[%swap3A_632], %get3A_470 masked %eq3A_629 {strides = array<i32>} : memref<16384xi32, #tpu.memory_space<vmem>>, vector<16xi32>, vector<16xi1>
      %all_reduce_population_count3A_634 = tpu.all_reduce %eq3A_629 {dim = 0 : i64, kind = #tpu.reduction_kind<sum>} : vector<16xi1> -> vector<16xi32>
      %slice3A_635 = vector.extract_strided_slice %all_reduce_population_count3A_634 {offsets = [0], sizes = [1], strides = [1]} : vector<16xi32> to vector<1xi32>
      %squeeze3A_636 = vector.extract %slice3A_635[0] : i32 from vector<1xi32>
      %add3A_637 = arith.addi %while3A_463, %squeeze3A_636 : i32
      %eq3A_638 = arith.constant 15 : i32
      %eq3A_639 = vector.broadcast %eq3A_638 : i32 to vector<16xi32>
      %eq3A_640 = arith.cmpi eq, %and3A_475, %eq3A_639 : vector<16xi32>
      %swap3A_641 = arith.index_cast %while3A_464 : i32 to index
      %swap3A_642 = tpu.vector_load %arg10[%swap3A_641] masked %eq3A_640 {strides = array<i32>} : memref<16384xi32, #tpu.memory_space<vmem>>, vector<16xi32>, vector<16xi1>
      tpu.vector_store %arg10[%swap3A_641], %get3A_468 masked %eq3A_640 {strides = array<i32>} : memref<16384xi32, #tpu.memory_space<vmem>>, vector<16xi32>, vector<16xi1>
      %swap3A_643 = arith.index_cast %while3A_464 : i32 to index
      %swap3A_644 = tpu.vector_load %arg11[%swap3A_643] masked %eq3A_640 {strides = array<i32>} : memref<16384xi32, #tpu.memory_space<vmem>>, vector<16xi32>, vector<16xi1>
      tpu.vector_store %arg11[%swap3A_643], %get3A_470 masked %eq3A_640 {strides = array<i32>} : memref<16384xi32, #tpu.memory_space<vmem>>, vector<16xi32>, vector<16xi1>
      %all_reduce_population_count3A_645 = tpu.all_reduce %eq3A_640 {dim = 0 : i64, kind = #tpu.reduction_kind<sum>} : vector<16xi1> -> vector<16xi32>
      %slice3A_646 = vector.extract_strided_slice %all_reduce_population_count3A_645 {offsets = [0], sizes = [1], strides = [1]} : vector<16xi32> to vector<1xi32>
      %squeeze3A_647 = vector.extract %slice3A_646[0] : i32 from vector<1xi32>
      %add3A_648 = arith.addi %while3A_464, %squeeze3A_647 : i32
      scf.yield %add3A_483, %add3A_494, %add3A_505, %add3A_516, %add3A_527, %add3A_538, %add3A_549, %add3A_560, %add3A_571, %add3A_582, %add3A_593, %add3A_604, %add3A_615, %add3A_626, %add3A_637, %add3A_648 : i32, i32, i32, i32, i32, i32, i32, i32, i32, i32, i32, i32, i32, i32, i32, i32
    }
    %while3A_310 = arith.constant 1 : i32
    %while3A_311:16 = scf.for %while3A_448 = %while3A_307 to %while3A_303 step %while3A_310 iter_args(%while3A_449 = %while3A_309#0, %while3A_450 = %while3A_309#1, %while3A_451 = %while3A_309#2, %while3A_452 = %while3A_309#3, %while3A_453 = %while3A_309#4, %while3A_454 = %while3A_309#5, %while3A_455 = %while3A_309#6, %while3A_456 = %while3A_309#7, %while3A_457 = %while3A_309#8, %while3A_458 = %while3A_309#9, %while3A_459 = %while3A_309#10, %while3A_460 = %while3A_309#11, %while3A_461 = %while3A_309#12, %while3A_462 = %while3A_309#13, %while3A_463 = %while3A_309#14, %while3A_464 = %while3A_309#15) -> (i32, i32, i32, i32, i32, i32, i32, i32, i32, i32, i32, i32, i32, i32, i32, i32)  : i32 {
      %mul3A_465 = arith.constant 16 : i32
      %mul3A_466 = arith.muli %while3A_448, %mul3A_465 : i32
      %get3A_467 = arith.index_cast %mul3A_466 : i32 to index
      %get3A_468 = tpu.vector_load %arg12[%get3A_467] {strides = array<i32>} : memref<16512xi32, #tpu.memory_space<vmem>>, vector<16xi32>,
      %get3A_469 = arith.index_cast %mul3A_466 : i32 to index
      %get3A_470 = tpu.vector_load %arg13[%get3A_469] {strides = array<i32>} : memref<16512xi32, #tpu.memory_space<vmem>>, vector<16xi32>,
      %shift_right_arithmetic3A = arith.constant 7 : i32
      %shift_right_arithmetic3A_471 = vector.broadcast %shift_right_arithmetic3A : i32 to vector<16xi32>
      %shift_right_arithmetic3A_472 = arith.shrsi %get3A_468, %shift_right_arithmetic3A_471 : vector<16xi32>
      %and3A_473 = arith.constant 15 : i32
      %and3A_474 = vector.broadcast %and3A_473 : i32 to vector<16xi32>
      %and3A_475 = arith.andi %shift_right_arithmetic3A_472, %and3A_474 : vector<16xi32>
      %eq3A_476 = arith.constant 0 : i32
      %eq3A_477 = vector.broadcast %eq3A_476 : i32 to vector<16xi32>
      %eq3A_478 = arith.cmpi eq, %and3A_475, %eq3A_477 : vector<16xi32>
      %swap3A_479 = arith.index_cast %while3A_449 : i32 to index
      %swap3A_480 = tpu.vector_load %arg10[%swap3A_479] masked %eq3A_478 {strides = array<i32>} : memref<16384xi32, #tpu.memory_space<vmem>>, vector<16xi32>, vector<16xi1>
      tpu.vector_store %arg10[%swap3A_479], %get3A_468 masked %eq3A_478 {strides = array<i32>} : memref<16384xi32, #tpu.memory_space<vmem>>, vector<16xi32>, vector<16xi1>
      %swap3A_481 = arith.index_cast %while3A_449 : i32 to index
      %swap3A_482 = tpu.vector_load %arg11[%swap3A_481] masked %eq3A_478 {strides = array<i32>} : memref<16384xi32, #tpu.memory_space<vmem>>, vector<16xi32>, vector<16xi1>
      tpu.vector_store %arg11[%swap3A_481], %get3A_470 masked %eq3A_478 {strides = array<i32>} : memref<16384xi32, #tpu.memory_space<vmem>>, vector<16xi32>, vector<16xi1>
      %all_reduce_population_count3A = tpu.all_reduce %eq3A_478 {dim = 0 : i64, kind = #tpu.reduction_kind<sum>} : vector<16xi1> -> vector<16xi32>
      %slice3A = vector.extract_strided_slice %all_reduce_population_count3A {offsets = [0], sizes = [1], strides = [1]} : vector<16xi32> to vector<1xi32>
      %squeeze3A = vector.extract %slice3A[0] : i32 from vector<1xi32>
      %add3A_483 = arith.addi %while3A_449, %squeeze3A : i32
      %eq3A_484 = arith.constant 1 : i32
      %eq3A_485 = vector.broadcast %eq3A_484 : i32 to vector<16xi32>
      %eq3A_486 = arith.cmpi eq, %and3A_475, %eq3A_485 : vector<16xi32>
      %swap3A_487 = arith.index_cast %while3A_450 : i32 to index
      %swap3A_488 = tpu.vector_load %arg10[%swap3A_487] masked %eq3A_486 {strides = array<i32>} : memref<16384xi32, #tpu.memory_space<vmem>>, vector<16xi32>, vector<16xi1>
      tpu.vector_store %arg10[%swap3A_487], %get3A_468 masked %eq3A_486 {strides = array<i32>} : memref<16384xi32, #tpu.memory_space<vmem>>, vector<16xi32>, vector<16xi1>
      %swap3A_489 = arith.index_cast %while3A_450 : i32 to index
      %swap3A_490 = tpu.vector_load %arg11[%swap3A_489] masked %eq3A_486 {strides = array<i32>} : memref<16384xi32, #tpu.memory_space<vmem>>, vector<16xi32>, vector<16xi1>
      tpu.vector_store %arg11[%swap3A_489], %get3A_470 masked %eq3A_486 {strides = array<i32>} : memref<16384xi32, #tpu.memory_space<vmem>>, vector<16xi32>, vector<16xi1>
      %all_reduce_population_count3A_491 = tpu.all_reduce %eq3A_486 {dim = 0 : i64, kind = #tpu.reduction_kind<sum>} : vector<16xi1> -> vector<16xi32>
      %slice3A_492 = vector.extract_strided_slice %all_reduce_population_count3A_491 {offsets = [0], sizes = [1], strides = [1]} : vector<16xi32> to vector<1xi32>
      %squeeze3A_493 = vector.extract %slice3A_492[0] : i32 from vector<1xi32>
      %add3A_494 = arith.addi %while3A_450, %squeeze3A_493 : i32
      %eq3A_495 = arith.constant 2 : i32
      %eq3A_496 = vector.broadcast %eq3A_495 : i32 to vector<16xi32>
      %eq3A_497 = arith.cmpi eq, %and3A_475, %eq3A_496 : vector<16xi32>
      %swap3A_498 = arith.index_cast %while3A_451 : i32 to index
      %swap3A_499 = tpu.vector_load %arg10[%swap3A_498] masked %eq3A_497 {strides = array<i32>} : memref<16384xi32, #tpu.memory_space<vmem>>, vector<16xi32>, vector<16xi1>
      tpu.vector_store %arg10[%swap3A_498], %get3A_468 masked %eq3A_497 {strides = array<i32>} : memref<16384xi32, #tpu.memory_space<vmem>>, vector<16xi32>, vector<16xi1>
      %swap3A_500 = arith.index_cast %while3A_451 : i32 to index
      %swap3A_501 = tpu.vector_load %arg11[%swap3A_500] masked %eq3A_497 {strides = array<i32>} : memref<16384xi32, #tpu.memory_space<vmem>>, vector<16xi32>, vector<16xi1>
      tpu.vector_store %arg11[%swap3A_500], %get3A_470 masked %eq3A_497 {strides = array<i32>} : memref<16384xi32, #tpu.memory_space<vmem>>, vector<16xi32>, vector<16xi1>
      %all_reduce_population_count3A_502 = tpu.all_reduce %eq3A_497 {dim = 0 : i64, kind = #tpu.reduction_kind<sum>} : vector<16xi1> -> vector<16xi32>
      %slice3A_503 = vector.extract_strided_slice %all_reduce_population_count3A_502 {offsets = [0], sizes = [1], strides = [1]} : vector<16xi32> to vector<1xi32>
      %squeeze3A_504 = vector.extract %slice3A_503[0] : i32 from vector<1xi32>
      %add3A_505 = arith.addi %while3A_451, %squeeze3A_504 : i32
      %eq3A_506 = arith.constant 3 : i32
      %eq3A_507 = vector.broadcast %eq3A_506 : i32 to vector<16xi32>
      %eq3A_508 = arith.cmpi eq, %and3A_475, %eq3A_507 : vector<16xi32>
      %swap3A_509 = arith.index_cast %while3A_452 : i32 to index
      %swap3A_510 = tpu.vector_load %arg10[%swap3A_509] masked %eq3A_508 {strides = array<i32>} : memref<16384xi32, #tpu.memory_space<vmem>>, vector<16xi32>, vector<16xi1>
      tpu.vector_store %arg10[%swap3A_509], %get3A_468 masked %eq3A_508 {strides = array<i32>} : memref<16384xi32, #tpu.memory_space<vmem>>, vector<16xi32>, vector<16xi1>
      %swap3A_511 = arith.index_cast %while3A_452 : i32 to index
      %swap3A_512 = tpu.vector_load %arg11[%swap3A_511] masked %eq3A_508 {strides = array<i32>} : memref<16384xi32, #tpu.memory_space<vmem>>, vector<16xi32>, vector<16xi1>
      tpu.vector_store %arg11[%swap3A_511], %get3A_470 masked %eq3A_508 {strides = array<i32>} : memref<16384xi32, #tpu.memory_space<vmem>>, vector<16xi32>, vector<16xi1>
      %all_reduce_population_count3A_513 = tpu.all_reduce %eq3A_508 {dim = 0 : i64, kind = #tpu.reduction_kind<sum>} : vector<16xi1> -> vector<16xi32>
      %slice3A_514 = vector.extract_strided_slice %all_reduce_population_count3A_513 {offsets = [0], sizes = [1], strides = [1]} : vector<16xi32> to vector<1xi32>
      %squeeze3A_515 = vector.extract %slice3A_514[0] : i32 from vector<1xi32>
      %add3A_516 = arith.addi %while3A_452, %squeeze3A_515 : i32
      %eq3A_517 = arith.constant 4 : i32
      %eq3A_518 = vector.broadcast %eq3A_517 : i32 to vector<16xi32>
      %eq3A_519 = arith.cmpi eq, %and3A_475, %eq3A_518 : vector<16xi32>
      %swap3A_520 = arith.index_cast %while3A_453 : i32 to index
      %swap3A_521 = tpu.vector_load %arg10[%swap3A_520] masked %eq3A_519 {strides = array<i32>} : memref<16384xi32, #tpu.memory_space<vmem>>, vector<16xi32>, vector<16xi1>
      tpu.vector_store %arg10[%swap3A_520], %get3A_468 masked %eq3A_519 {strides = array<i32>} : memref<16384xi32, #tpu.memory_space<vmem>>, vector<16xi32>, vector<16xi1>
      %swap3A_522 = arith.index_cast %while3A_453 : i32 to index
      %swap3A_523 = tpu.vector_load %arg11[%swap3A_522] masked %eq3A_519 {strides = array<i32>} : memref<16384xi32, #tpu.memory_space<vmem>>, vector<16xi32>, vector<16xi1>
      tpu.vector_store %arg11[%swap3A_522], %get3A_470 masked %eq3A_519 {strides = array<i32>} : memref<16384xi32, #tpu.memory_space<vmem>>, vector<16xi32>, vector<16xi1>
      %all_reduce_population_count3A_524 = tpu.all_reduce %eq3A_519 {dim = 0 : i64, kind = #tpu.reduction_kind<sum>} : vector<16xi1> -> vector<16xi32>
      %slice3A_525 = vector.extract_strided_slice %all_reduce_population_count3A_524 {offsets = [0], sizes = [1], strides = [1]} : vector<16xi32> to vector<1xi32>
      %squeeze3A_526 = vector.extract %slice3A_525[0] : i32 from vector<1xi32>
      %add3A_527 = arith.addi %while3A_453, %squeeze3A_526 : i32
      %eq3A_528 = arith.constant 5 : i32
      %eq3A_529 = vector.broadcast %eq3A_528 : i32 to vector<16xi32>
      %eq3A_530 = arith.cmpi eq, %and3A_475, %eq3A_529 : vector<16xi32>
      %swap3A_531 = arith.index_cast %while3A_454 : i32 to index
      %swap3A_532 = tpu.vector_load %arg10[%swap3A_531] masked %eq3A_530 {strides = array<i32>} : memref<16384xi32, #tpu.memory_space<vmem>>, vector<16xi32>, vector<16xi1>
      tpu.vector_store %arg10[%swap3A_531], %get3A_468 masked %eq3A_530 {strides = array<i32>} : memref<16384xi32, #tpu.memory_space<vmem>>, vector<16xi32>, vector<16xi1>
      %swap3A_533 = arith.index_cast %while3A_454 : i32 to index
      %swap3A_534 = tpu.vector_load %arg11[%swap3A_533] masked %eq3A_530 {strides = array<i32>} : memref<16384xi32, #tpu.memory_space<vmem>>, vector<16xi32>, vector<16xi1>
      tpu.vector_store %arg11[%swap3A_533], %get3A_470 masked %eq3A_530 {strides = array<i32>} : memref<16384xi32, #tpu.memory_space<vmem>>, vector<16xi32>, vector<16xi1>
      %all_reduce_population_count3A_535 = tpu.all_reduce %eq3A_530 {dim = 0 : i64, kind = #tpu.reduction_kind<sum>} : vector<16xi1> -> vector<16xi32>
      %slice3A_536 = vector.extract_strided_slice %all_reduce_population_count3A_535 {offsets = [0], sizes = [1], strides = [1]} : vector<16xi32> to vector<1xi32>
      %squeeze3A_537 = vector.extract %slice3A_536[0] : i32 from vector<1xi32>
      %add3A_538 = arith.addi %while3A_454, %squeeze3A_537 : i32
      %eq3A_539 = arith.constant 6 : i32
      %eq3A_540 = vector.broadcast %eq3A_539 : i32 to vector<16xi32>
      %eq3A_541 = arith.cmpi eq, %and3A_475, %eq3A_540 : vector<16xi32>
      %swap3A_542 = arith.index_cast %while3A_455 : i32 to index
      %swap3A_543 = tpu.vector_load %arg10[%swap3A_542] masked %eq3A_541 {strides = array<i32>} : memref<16384xi32, #tpu.memory_space<vmem>>, vector<16xi32>, vector<16xi1>
      tpu.vector_store %arg10[%swap3A_542], %get3A_468 masked %eq3A_541 {strides = array<i32>} : memref<16384xi32, #tpu.memory_space<vmem>>, vector<16xi32>, vector<16xi1>
      %swap3A_544 = arith.index_cast %while3A_455 : i32 to index
      %swap3A_545 = tpu.vector_load %arg11[%swap3A_544] masked %eq3A_541 {strides = array<i32>} : memref<16384xi32, #tpu.memory_space<vmem>>, vector<16xi32>, vector<16xi1>
      tpu.vector_store %arg11[%swap3A_544], %get3A_470 masked %eq3A_541 {strides = array<i32>} : memref<16384xi32, #tpu.memory_space<vmem>>, vector<16xi32>, vector<16xi1>
      %all_reduce_population_count3A_546 = tpu.all_reduce %eq3A_541 {dim = 0 : i64, kind = #tpu.reduction_kind<sum>} : vector<16xi1> -> vector<16xi32>
      %slice3A_547 = vector.extract_strided_slice %all_reduce_population_count3A_546 {offsets = [0], sizes = [1], strides = [1]} : vector<16xi32> to vector<1xi32>
      %squeeze3A_548 = vector.extract %slice3A_547[0] : i32 from vector<1xi32>
      %add3A_549 = arith.addi %while3A_455, %squeeze3A_548 : i32
      %eq3A_550 = arith.constant 7 : i32
      %eq3A_551 = vector.broadcast %eq3A_550 : i32 to vector<16xi32>
      %eq3A_552 = arith.cmpi eq, %and3A_475, %eq3A_551 : vector<16xi32>
      %swap3A_553 = arith.index_cast %while3A_456 : i32 to index
      %swap3A_554 = tpu.vector_load %arg10[%swap3A_553] masked %eq3A_552 {strides = array<i32>} : memref<16384xi32, #tpu.memory_space<vmem>>, vector<16xi32>, vector<16xi1>
      tpu.vector_store %arg10[%swap3A_553], %get3A_468 masked %eq3A_552 {strides = array<i32>} : memref<16384xi32, #tpu.memory_space<vmem>>, vector<16xi32>, vector<16xi1>
      %swap3A_555 = arith.index_cast %while3A_456 : i32 to index
      %swap3A_556 = tpu.vector_load %arg11[%swap3A_555] masked %eq3A_552 {strides = array<i32>} : memref<16384xi32, #tpu.memory_space<vmem>>, vector<16xi32>, vector<16xi1>
      tpu.vector_store %arg11[%swap3A_555], %get3A_470 masked %eq3A_552 {strides = array<i32>} : memref<16384xi32, #tpu.memory_space<vmem>>, vector<16xi32>, vector<16xi1>
      %all_reduce_population_count3A_557 = tpu.all_reduce %eq3A_552 {dim = 0 : i64, kind = #tpu.reduction_kind<sum>} : vector<16xi1> -> vector<16xi32>
      %slice3A_558 = vector.extract_strided_slice %all_reduce_population_count3A_557 {offsets = [0], sizes = [1], strides = [1]} : vector<16xi32> to vector<1xi32>
      %squeeze3A_559 = vector.extract %slice3A_558[0] : i32 from vector<1xi32>
      %add3A_560 = arith.addi %while3A_456, %squeeze3A_559 : i32
      %eq3A_561 = arith.constant 8 : i32
      %eq3A_562 = vector.broadcast %eq3A_561 : i32 to vector<16xi32>
      %eq3A_563 = arith.cmpi eq, %and3A_475, %eq3A_562 : vector<16xi32>
      %swap3A_564 = arith.index_cast %while3A_457 : i32 to index
      %swap3A_565 = tpu.vector_load %arg10[%swap3A_564] masked %eq3A_563 {strides = array<i32>} : memref<16384xi32, #tpu.memory_space<vmem>>, vector<16xi32>, vector<16xi1>
      tpu.vector_store %arg10[%swap3A_564], %get3A_468 masked %eq3A_563 {strides = array<i32>} : memref<16384xi32, #tpu.memory_space<vmem>>, vector<16xi32>, vector<16xi1>
      %swap3A_566 = arith.index_cast %while3A_457 : i32 to index
      %swap3A_567 = tpu.vector_load %arg11[%swap3A_566] masked %eq3A_563 {strides = array<i32>} : memref<16384xi32, #tpu.memory_space<vmem>>, vector<16xi32>, vector<16xi1>
      tpu.vector_store %arg11[%swap3A_566], %get3A_470 masked %eq3A_563 {strides = array<i32>} : memref<16384xi32, #tpu.memory_space<vmem>>, vector<16xi32>, vector<16xi1>
      %all_reduce_population_count3A_568 = tpu.all_reduce %eq3A_563 {dim = 0 : i64, kind = #tpu.reduction_kind<sum>} : vector<16xi1> -> vector<16xi32>
      %slice3A_569 = vector.extract_strided_slice %all_reduce_population_count3A_568 {offsets = [0], sizes = [1], strides = [1]} : vector<16xi32> to vector<1xi32>
      %squeeze3A_570 = vector.extract %slice3A_569[0] : i32 from vector<1xi32>
      %add3A_571 = arith.addi %while3A_457, %squeeze3A_570 : i32
      %eq3A_572 = arith.constant 9 : i32
      %eq3A_573 = vector.broadcast %eq3A_572 : i32 to vector<16xi32>
      %eq3A_574 = arith.cmpi eq, %and3A_475, %eq3A_573 : vector<16xi32>
      %swap3A_575 = arith.index_cast %while3A_458 : i32 to index
      %swap3A_576 = tpu.vector_load %arg10[%swap3A_575] masked %eq3A_574 {strides = array<i32>} : memref<16384xi32, #tpu.memory_space<vmem>>, vector<16xi32>, vector<16xi1>
      tpu.vector_store %arg10[%swap3A_575], %get3A_468 masked %eq3A_574 {strides = array<i32>} : memref<16384xi32, #tpu.memory_space<vmem>>, vector<16xi32>, vector<16xi1>
      %swap3A_577 = arith.index_cast %while3A_458 : i32 to index
      %swap3A_578 = tpu.vector_load %arg11[%swap3A_577] masked %eq3A_574 {strides = array<i32>} : memref<16384xi32, #tpu.memory_space<vmem>>, vector<16xi32>, vector<16xi1>
      tpu.vector_store %arg11[%swap3A_577], %get3A_470 masked %eq3A_574 {strides = array<i32>} : memref<16384xi32, #tpu.memory_space<vmem>>, vector<16xi32>, vector<16xi1>
      %all_reduce_population_count3A_579 = tpu.all_reduce %eq3A_574 {dim = 0 : i64, kind = #tpu.reduction_kind<sum>} : vector<16xi1> -> vector<16xi32>
      %slice3A_580 = vector.extract_strided_slice %all_reduce_population_count3A_579 {offsets = [0], sizes = [1], strides = [1]} : vector<16xi32> to vector<1xi32>
      %squeeze3A_581 = vector.extract %slice3A_580[0] : i32 from vector<1xi32>
      %add3A_582 = arith.addi %while3A_458, %squeeze3A_581 : i32
      %eq3A_583 = arith.constant 10 : i32
      %eq3A_584 = vector.broadcast %eq3A_583 : i32 to vector<16xi32>
      %eq3A_585 = arith.cmpi eq, %and3A_475, %eq3A_584 : vector<16xi32>
      %swap3A_586 = arith.index_cast %while3A_459 : i32 to index
      %swap3A_587 = tpu.vector_load %arg10[%swap3A_586] masked %eq3A_585 {strides = array<i32>} : memref<16384xi32, #tpu.memory_space<vmem>>, vector<16xi32>, vector<16xi1>
      tpu.vector_store %arg10[%swap3A_586], %get3A_468 masked %eq3A_585 {strides = array<i32>} : memref<16384xi32, #tpu.memory_space<vmem>>, vector<16xi32>, vector<16xi1>
      %swap3A_588 = arith.index_cast %while3A_459 : i32 to index
      %swap3A_589 = tpu.vector_load %arg11[%swap3A_588] masked %eq3A_585 {strides = array<i32>} : memref<16384xi32, #tpu.memory_space<vmem>>, vector<16xi32>, vector<16xi1>
      tpu.vector_store %arg11[%swap3A_588], %get3A_470 masked %eq3A_585 {strides = array<i32>} : memref<16384xi32, #tpu.memory_space<vmem>>, vector<16xi32>, vector<16xi1>
      %all_reduce_population_count3A_590 = tpu.all_reduce %eq3A_585 {dim = 0 : i64, kind = #tpu.reduction_kind<sum>} : vector<16xi1> -> vector<16xi32>
      %slice3A_591 = vector.extract_strided_slice %all_reduce_population_count3A_590 {offsets = [0], sizes = [1], strides = [1]} : vector<16xi32> to vector<1xi32>
      %squeeze3A_592 = vector.extract %slice3A_591[0] : i32 from vector<1xi32>
      %add3A_593 = arith.addi %while3A_459, %squeeze3A_592 : i32
      %eq3A_594 = arith.constant 11 : i32
      %eq3A_595 = vector.broadcast %eq3A_594 : i32 to vector<16xi32>
      %eq3A_596 = arith.cmpi eq, %and3A_475, %eq3A_595 : vector<16xi32>
      %swap3A_597 = arith.index_cast %while3A_460 : i32 to index
      %swap3A_598 = tpu.vector_load %arg10[%swap3A_597] masked %eq3A_596 {strides = array<i32>} : memref<16384xi32, #tpu.memory_space<vmem>>, vector<16xi32>, vector<16xi1>
      tpu.vector_store %arg10[%swap3A_597], %get3A_468 masked %eq3A_596 {strides = array<i32>} : memref<16384xi32, #tpu.memory_space<vmem>>, vector<16xi32>, vector<16xi1>
      %swap3A_599 = arith.index_cast %while3A_460 : i32 to index
      %swap3A_600 = tpu.vector_load %arg11[%swap3A_599] masked %eq3A_596 {strides = array<i32>} : memref<16384xi32, #tpu.memory_space<vmem>>, vector<16xi32>, vector<16xi1>
      tpu.vector_store %arg11[%swap3A_599], %get3A_470 masked %eq3A_596 {strides = array<i32>} : memref<16384xi32, #tpu.memory_space<vmem>>, vector<16xi32>, vector<16xi1>
      %all_reduce_population_count3A_601 = tpu.all_reduce %eq3A_596 {dim = 0 : i64, kind = #tpu.reduction_kind<sum>} : vector<16xi1> -> vector<16xi32>
      %slice3A_602 = vector.extract_strided_slice %all_reduce_population_count3A_601 {offsets = [0], sizes = [1], strides = [1]} : vector<16xi32> to vector<1xi32>
      %squeeze3A_603 = vector.extract %slice3A_602[0] : i32 from vector<1xi32>
      %add3A_604 = arith.addi %while3A_460, %squeeze3A_603 : i32
      %eq3A_605 = arith.constant 12 : i32
      %eq3A_606 = vector.broadcast %eq3A_605 : i32 to vector<16xi32>
      %eq3A_607 = arith.cmpi eq, %and3A_475, %eq3A_606 : vector<16xi32>
      %swap3A_608 = arith.index_cast %while3A_461 : i32 to index
      %swap3A_609 = tpu.vector_load %arg10[%swap3A_608] masked %eq3A_607 {strides = array<i32>} : memref<16384xi32, #tpu.memory_space<vmem>>, vector<16xi32>, vector<16xi1>
      tpu.vector_store %arg10[%swap3A_608], %get3A_468 masked %eq3A_607 {strides = array<i32>} : memref<16384xi32, #tpu.memory_space<vmem>>, vector<16xi32>, vector<16xi1>
      %swap3A_610 = arith.index_cast %while3A_461 : i32 to index
      %swap3A_611 = tpu.vector_load %arg11[%swap3A_610] masked %eq3A_607 {strides = array<i32>} : memref<16384xi32, #tpu.memory_space<vmem>>, vector<16xi32>, vector<16xi1>
      tpu.vector_store %arg11[%swap3A_610], %get3A_470 masked %eq3A_607 {strides = array<i32>} : memref<16384xi32, #tpu.memory_space<vmem>>, vector<16xi32>, vector<16xi1>
      %all_reduce_population_count3A_612 = tpu.all_reduce %eq3A_607 {dim = 0 : i64, kind = #tpu.reduction_kind<sum>} : vector<16xi1> -> vector<16xi32>
      %slice3A_613 = vector.extract_strided_slice %all_reduce_population_count3A_612 {offsets = [0], sizes = [1], strides = [1]} : vector<16xi32> to vector<1xi32>
      %squeeze3A_614 = vector.extract %slice3A_613[0] : i32 from vector<1xi32>
      %add3A_615 = arith.addi %while3A_461, %squeeze3A_614 : i32
      %eq3A_616 = arith.constant 13 : i32
      %eq3A_617 = vector.broadcast %eq3A_616 : i32 to vector<16xi32>
      %eq3A_618 = arith.cmpi eq, %and3A_475, %eq3A_617 : vector<16xi32>
      %swap3A_619 = arith.index_cast %while3A_462 : i32 to index
      %swap3A_620 = tpu.vector_load %arg10[%swap3A_619] masked %eq3A_618 {strides = array<i32>} : memref<16384xi32, #tpu.memory_space<vmem>>, vector<16xi32>, vector<16xi1>
      tpu.vector_store %arg10[%swap3A_619], %get3A_468 masked %eq3A_618 {strides = array<i32>} : memref<16384xi32, #tpu.memory_space<vmem>>, vector<16xi32>, vector<16xi1>
      %swap3A_621 = arith.index_cast %while3A_462 : i32 to index
      %swap3A_622 = tpu.vector_load %arg11[%swap3A_621] masked %eq3A_618 {strides = array<i32>} : memref<16384xi32, #tpu.memory_space<vmem>>, vector<16xi32>, vector<16xi1>
      tpu.vector_store %arg11[%swap3A_621], %get3A_470 masked %eq3A_618 {strides = array<i32>} : memref<16384xi32, #tpu.memory_space<vmem>>, vector<16xi32>, vector<16xi1>
      %all_reduce_population_count3A_623 = tpu.all_reduce %eq3A_618 {dim = 0 : i64, kind = #tpu.reduction_kind<sum>} : vector<16xi1> -> vector<16xi32>
      %slice3A_624 = vector.extract_strided_slice %all_reduce_population_count3A_623 {offsets = [0], sizes = [1], strides = [1]} : vector<16xi32> to vector<1xi32>
      %squeeze3A_625 = vector.extract %slice3A_624[0] : i32 from vector<1xi32>
      %add3A_626 = arith.addi %while3A_462, %squeeze3A_625 : i32
      %eq3A_627 = arith.constant 14 : i32
      %eq3A_628 = vector.broadcast %eq3A_627 : i32 to vector<16xi32>
      %eq3A_629 = arith.cmpi eq, %and3A_475, %eq3A_628 : vector<16xi32>
      %swap3A_630 = arith.index_cast %while3A_463 : i32 to index
      %swap3A_631 = tpu.vector_load %arg10[%swap3A_630] masked %eq3A_629 {strides = array<i32>} : memref<16384xi32, #tpu.memory_space<vmem>>, vector<16xi32>, vector<16xi1>
      tpu.vector_store %arg10[%swap3A_630], %get3A_468 masked %eq3A_629 {strides = array<i32>} : memref<16384xi32, #tpu.memory_space<vmem>>, vector<16xi32>, vector<16xi1>
      %swap3A_632 = arith.index_cast %while3A_463 : i32 to index
      %swap3A_633 = tpu.vector_load %arg11[%swap3A_632] masked %eq3A_629 {strides = array<i32>} : memref<16384xi32, #tpu.memory_space<vmem>>, vector<16xi32>, vector<16xi1>
      tpu.vector_store %arg11[%swap3A_632], %get3A_470 masked %eq3A_629 {strides = array<i32>} : memref<16384xi32, #tpu.memory_space<vmem>>, vector<16xi32>, vector<16xi1>
      %all_reduce_population_count3A_634 = tpu.all_reduce %eq3A_629 {dim = 0 : i64, kind = #tpu.reduction_kind<sum>} : vector<16xi1> -> vector<16xi32>
      %slice3A_635 = vector.extract_strided_slice %all_reduce_population_count3A_634 {offsets = [0], sizes = [1], strides = [1]} : vector<16xi32> to vector<1xi32>
      %squeeze3A_636 = vector.extract %slice3A_635[0] : i32 from vector<1xi32>
      %add3A_637 = arith.addi %while3A_463, %squeeze3A_636 : i32
      %eq3A_638 = arith.constant 15 : i32
      %eq3A_639 = vector.broadcast %eq3A_638 : i32 to vector<16xi32>
      %eq3A_640 = arith.cmpi eq, %and3A_475, %eq3A_639 : vector<16xi32>
      %swap3A_641 = arith.index_cast %while3A_464 : i32 to index
      %swap3A_642 = tpu.vector_load %arg10[%swap3A_641] masked %eq3A_640 {strides = array<i32>} : memref<16384xi32, #tpu.memory_space<vmem>>, vector<16xi32>, vector<16xi1>
      tpu.vector_store %arg10[%swap3A_641], %get3A_468 masked %eq3A_640 {strides = array<i32>} : memref<16384xi32, #tpu.memory_space<vmem>>, vector<16xi32>, vector<16xi1>
      %swap3A_643 = arith.index_cast %while3A_464 : i32 to index
      %swap3A_644 = tpu.vector_load %arg11[%swap3A_643] masked %eq3A_640 {strides = array<i32>} : memref<16384xi32, #tpu.memory_space<vmem>>, vector<16xi32>, vector<16xi1>
      tpu.vector_store %arg11[%swap3A_643], %get3A_470 masked %eq3A_640 {strides = array<i32>} : memref<16384xi32, #tpu.memory_space<vmem>>, vector<16xi32>, vector<16xi1>
      %all_reduce_population_count3A_645 = tpu.all_reduce %eq3A_640 {dim = 0 : i64, kind = #tpu.reduction_kind<sum>} : vector<16xi1> -> vector<16xi32>
      %slice3A_646 = vector.extract_strided_slice %all_reduce_population_count3A_645 {offsets = [0], sizes = [1], strides = [1]} : vector<16xi32> to vector<1xi32>
      %squeeze3A_647 = vector.extract %slice3A_646[0] : i32 from vector<1xi32>
      %add3A_648 = arith.addi %while3A_464, %squeeze3A_647 : i32
      scf.yield %add3A_483, %add3A_494, %add3A_505, %add3A_516, %add3A_527, %add3A_538, %add3A_549, %add3A_560, %add3A_571, %add3A_582, %add3A_593, %add3A_604, %add3A_615, %add3A_626, %add3A_637, %add3A_648 : i32, i32, i32, i32, i32, i32, i32, i32, i32, i32, i32, i32, i32, i32, i32, i32
    }
    %lt3A_312 = arith.constant 16384 : i32
    %lt3A_313 = arith.cmpi slt, %add3A_115, %lt3A_312 : i32
    %convert_element_type3A_314 = arith.extui %lt3A_313 : i1 to i32
    %cond3A_315 = arith.constant 0 : i32
    %cond3A_316 = arith.cmpi ne, %convert_element_type3A_314, %cond3A_315 : i32
    scf.if %cond3A_316 {
      %broadcast_in_dim3A_448 = arith.constant 1048576 : i32
      %broadcast_in_dim3A_449 = vector.broadcast %broadcast_in_dim3A_448 : i32 to vector<16xi32>
      %swap3A_450 = arith.index_cast %add3A_115 : i32 to index
      %swap3A_451 = tpu.vector_load %arg10[%swap3A_450] {strides = array<i32>} : memref<16384xi32, #tpu.memory_space<vmem>>, vector<16xi32>,
      tpu.vector_store %arg10[%swap3A_450], %broadcast_in_dim3A_449 {strides = array<i32>} : memref<16384xi32, #tpu.memory_space<vmem>>, vector<16xi32>,
    } else {
    }
    %sub3A_317 = arith.subi %min3A_35, %mul3A_32 : i32
    %jit3A_318 = arith.constant 2 : i32
    %div3A_319 = arith.divsi %sub3A_317, %jit3A_318 : i32
    %sign3A_320 = arith.constant 0 : i32
    %sign3A_321 = arith.cmpi sgt, %sub3A_317, %sign3A_320 : i32
    %sign3A_322 = arith.extui %sign3A_321 : i1 to i32
    %sign3A_323 = arith.constant 0 : i32
    %sign3A_324 = arith.cmpi slt, %sub3A_317, %sign3A_323 : i32
    %sign3A_325 = arith.extui %sign3A_324 : i1 to i32
    %sign3A_326 = arith.subi %sign3A_322, %sign3A_325 : i32
    %sign3A_327 = arith.constant 0 : i32
    %sign3A_328 = arith.cmpi sgt, %jit3A_318, %sign3A_327 : i32
    %sign3A_329 = arith.extui %sign3A_328 : i1 to i32
    %sign3A_330 = arith.constant 0 : i32
    %sign3A_331 = arith.cmpi slt, %jit3A_318, %sign3A_330 : i32
    %sign3A_332 = arith.extui %sign3A_331 : i1 to i32
    %sign3A_333 = arith.subi %sign3A_329, %sign3A_332 : i32
    %ne3A_334 = arith.cmpi ne, %sign3A_326, %sign3A_333 : i32
    %rem3A_335 = arith.remsi %sub3A_317, %jit3A_318 : i32
    %ne3A_336 = arith.constant 0 : i32
    %ne3A_337 = arith.cmpi ne, %rem3A_335, %ne3A_336 : i32
    %and3A_338 = arith.andi %ne3A_334, %ne3A_337 : i1
    %sub3A_339 = arith.constant 1 : i32
    %sub3A_340 = arith.subi %div3A_319, %sub3A_339 : i32
    %select_n3A_341 = arith.select %and3A_338, %sub3A_340, %div3A_319 : i32
    %lt3A_342 = arith.constant 781 : i32
    %lt3A_343 = arith.cmpi slt, %mul3A_32, %lt3A_342 : i32
    %convert_element_type3A_344 = arith.extui %lt3A_343 : i1 to i32
    %cond3A_345 = arith.constant 0 : i32
    %cond3A_346 = arith.cmpi ne, %convert_element_type3A_344, %cond3A_345 : i32
    scf.if %cond3A_346 {
      %eq3A_448 = arith.constant 0 : i32
      %eq3A_449 = arith.cmpi eq, %select_n3A_9, %eq3A_448 : i32
      %convert_element_type3A_450 = arith.extui %eq3A_449 : i1 to i32
      %cond3A_451 = arith.constant 0 : i32
      %cond3A_452 = arith.cmpi ne, %convert_element_type3A_450, %cond3A_451 : i32
      scf.if %cond3A_452 {
        %mul3A_468 = arith.constant 128 : i32
        %mul3A_469 = arith.muli %mul3A_32, %mul3A_468 : i32
        %dma_start3A_470 = arith.constant 0 : i32
        %dma_start3A_471 = tpu.memref_slice %arg4[%dma_start3A_470, %mul3A_469] : memref<64x100000xf32, #tpu.memory_space<hbm>> -> memref<64x128xf32, #tpu.memory_space<hbm>>
        %dma_start3A_472 = arith.constant 0 : i32
        %dma_start3A_473 = tpu.memref_slice %arg4[%dma_start3A_472, %mul3A_469] : memref<64x100000xf32, #tpu.memory_space<hbm>> -> memref<64x128xf32, #tpu.memory_space<hbm>>
        tpu.enqueue_dma source(%dma_start3A_473 : memref<64x128xf32, #tpu.memory_space<hbm>>) target(%arg15 : memref<64x128xf32, #tpu.memory_space<vmem>>) target_semaphore(%arg20 : memref<!tpu.dma_semaphore, #tpu.memory_space<semaphore_mem>>)
      } else {
      }
      %eq3A_453 = arith.constant 1 : i32
      %eq3A_454 = arith.cmpi eq, %select_n3A_9, %eq3A_453 : i32
      %convert_element_type3A_455 = arith.extui %eq3A_454 : i1 to i32
      %cond3A_456 = arith.constant 0 : i32
      %cond3A_457 = arith.cmpi ne, %convert_element_type3A_455, %cond3A_456 : i32
      scf.if %cond3A_457 {
        %mul3A_468 = arith.constant 128 : i32
        %mul3A_469 = arith.muli %mul3A_32, %mul3A_468 : i32
        %dma_start3A_470 = arith.constant 0 : i32
        %dma_start3A_471 = tpu.memref_slice %arg5[%dma_start3A_470, %mul3A_469] : memref<64x100000xf32, #tpu.memory_space<hbm>> -> memref<64x128xf32, #tpu.memory_space<hbm>>
        %dma_start3A_472 = arith.constant 0 : i32
        %dma_start3A_473 = tpu.memref_slice %arg5[%dma_start3A_472, %mul3A_469] : memref<64x100000xf32, #tpu.memory_space<hbm>> -> memref<64x128xf32, #tpu.memory_space<hbm>>
        tpu.enqueue_dma source(%dma_start3A_473 : memref<64x128xf32, #tpu.memory_space<hbm>>) target(%arg15 : memref<64x128xf32, #tpu.memory_space<vmem>>) target_semaphore(%arg20 : memref<!tpu.dma_semaphore, #tpu.memory_space<semaphore_mem>>)
      } else {
      }
      %eq3A_458 = arith.constant 2 : i32
      %eq3A_459 = arith.cmpi eq, %select_n3A_9, %eq3A_458 : i32
      %convert_element_type3A_460 = arith.extui %eq3A_459 : i1 to i32
      %cond3A_461 = arith.constant 0 : i32
      %cond3A_462 = arith.cmpi ne, %convert_element_type3A_460, %cond3A_461 : i32
      scf.if %cond3A_462 {
        %mul3A_468 = arith.constant 128 : i32
        %mul3A_469 = arith.muli %mul3A_32, %mul3A_468 : i32
        %dma_start3A_470 = arith.constant 0 : i32
        %dma_start3A_471 = tpu.memref_slice %arg6[%dma_start3A_470, %mul3A_469] : memref<64x100000xf32, #tpu.memory_space<hbm>> -> memref<64x128xf32, #tpu.memory_space<hbm>>
        %dma_start3A_472 = arith.constant 0 : i32
        %dma_start3A_473 = tpu.memref_slice %arg6[%dma_start3A_472, %mul3A_469] : memref<64x100000xf32, #tpu.memory_space<hbm>> -> memref<64x128xf32, #tpu.memory_space<hbm>>
        tpu.enqueue_dma source(%dma_start3A_473 : memref<64x128xf32, #tpu.memory_space<hbm>>) target(%arg15 : memref<64x128xf32, #tpu.memory_space<vmem>>) target_semaphore(%arg20 : memref<!tpu.dma_semaphore, #tpu.memory_space<semaphore_mem>>)
      } else {
      }
      %eq3A_463 = arith.constant 3 : i32
      %eq3A_464 = arith.cmpi eq, %select_n3A_9, %eq3A_463 : i32
      %convert_element_type3A_465 = arith.extui %eq3A_464 : i1 to i32
      %cond3A_466 = arith.constant 0 : i32
      %cond3A_467 = arith.cmpi ne, %convert_element_type3A_465, %cond3A_466 : i32
      scf.if %cond3A_467 {
        %mul3A_468 = arith.constant 128 : i32
        %mul3A_469 = arith.muli %mul3A_32, %mul3A_468 : i32
        %dma_start3A_470 = arith.constant 0 : i32
        %dma_start3A_471 = tpu.memref_slice %arg7[%dma_start3A_470, %mul3A_469] : memref<64x100000xf32, #tpu.memory_space<hbm>> -> memref<64x128xf32, #tpu.memory_space<hbm>>
        %dma_start3A_472 = arith.constant 0 : i32
        %dma_start3A_473 = tpu.memref_slice %arg7[%dma_start3A_472, %mul3A_469] : memref<64x100000xf32, #tpu.memory_space<hbm>> -> memref<64x128xf32, #tpu.memory_space<hbm>>
        tpu.enqueue_dma source(%dma_start3A_473 : memref<64x128xf32, #tpu.memory_space<hbm>>) target(%arg15 : memref<64x128xf32, #tpu.memory_space<vmem>>) target_semaphore(%arg20 : memref<!tpu.dma_semaphore, #tpu.memory_space<semaphore_mem>>)
      } else {
      }
    } else {
    }
    %eq3A_347 = arith.constant 781 : i32
    %eq3A_348 = arith.cmpi eq, %mul3A_32, %eq3A_347 : i32
    %convert_element_type3A_349 = arith.extui %eq3A_348 : i1 to i32
    %cond3A_350 = arith.constant 0 : i32
    %cond3A_351 = arith.cmpi ne, %convert_element_type3A_349, %cond3A_350 : i32
    scf.if %cond3A_351 {
      tpu.enqueue_dma source(%arg8 : memref<64x128xf32, #tpu.memory_space<hbm>>) target(%arg15 : memref<64x128xf32, #tpu.memory_space<vmem>>) target_semaphore(%arg20 : memref<!tpu.dma_semaphore, #tpu.memory_space<semaphore_mem>>)
    } else {
    }
    %add3A_352 = arith.constant 1 : i32
    %add3A_353 = arith.addi %mul3A_32, %add3A_352 : i32
    %lt3A_354 = arith.constant 781 : i32
    %lt3A_355 = arith.cmpi slt, %add3A_353, %lt3A_354 : i32
    %convert_element_type3A_356 = arith.extui %lt3A_355 : i1 to i32
    %cond3A_357 = arith.constant 0 : i32
    %cond3A_358 = arith.cmpi ne, %convert_element_type3A_356, %cond3A_357 : i32
    scf.if %cond3A_358 {
      %eq3A_448 = arith.constant 0 : i32
      %eq3A_449 = arith.cmpi eq, %select_n3A_9, %eq3A_448 : i32
      %convert_element_type3A_450 = arith.extui %eq3A_449 : i1 to i32
      %cond3A_451 = arith.constant 0 : i32
      %cond3A_452 = arith.cmpi ne, %convert_element_type3A_450, %cond3A_451 : i32
      scf.if %cond3A_452 {
        %mul3A_468 = arith.constant 128 : i32
        %mul3A_469 = arith.muli %add3A_353, %mul3A_468 : i32
        %dma_start3A_470 = arith.constant 0 : i32
        %dma_start3A_471 = tpu.memref_slice %arg4[%dma_start3A_470, %mul3A_469] : memref<64x100000xf32, #tpu.memory_space<hbm>> -> memref<64x128xf32, #tpu.memory_space<hbm>>
        %dma_start3A_472 = arith.constant 0 : i32
        %dma_start3A_473 = tpu.memref_slice %arg4[%dma_start3A_472, %mul3A_469] : memref<64x100000xf32, #tpu.memory_space<hbm>> -> memref<64x128xf32, #tpu.memory_space<hbm>>
        tpu.enqueue_dma source(%dma_start3A_473 : memref<64x128xf32, #tpu.memory_space<hbm>>) target(%arg16 : memref<64x128xf32, #tpu.memory_space<vmem>>) target_semaphore(%arg21 : memref<!tpu.dma_semaphore, #tpu.memory_space<semaphore_mem>>)
      } else {
      }
      %eq3A_453 = arith.constant 1 : i32
      %eq3A_454 = arith.cmpi eq, %select_n3A_9, %eq3A_453 : i32
      %convert_element_type3A_455 = arith.extui %eq3A_454 : i1 to i32
      %cond3A_456 = arith.constant 0 : i32
      %cond3A_457 = arith.cmpi ne, %convert_element_type3A_455, %cond3A_456 : i32
      scf.if %cond3A_457 {
        %mul3A_468 = arith.constant 128 : i32
        %mul3A_469 = arith.muli %add3A_353, %mul3A_468 : i32
        %dma_start3A_470 = arith.constant 0 : i32
        %dma_start3A_471 = tpu.memref_slice %arg5[%dma_start3A_470, %mul3A_469] : memref<64x100000xf32, #tpu.memory_space<hbm>> -> memref<64x128xf32, #tpu.memory_space<hbm>>
        %dma_start3A_472 = arith.constant 0 : i32
        %dma_start3A_473 = tpu.memref_slice %arg5[%dma_start3A_472, %mul3A_469] : memref<64x100000xf32, #tpu.memory_space<hbm>> -> memref<64x128xf32, #tpu.memory_space<hbm>>
        tpu.enqueue_dma source(%dma_start3A_473 : memref<64x128xf32, #tpu.memory_space<hbm>>) target(%arg16 : memref<64x128xf32, #tpu.memory_space<vmem>>) target_semaphore(%arg21 : memref<!tpu.dma_semaphore, #tpu.memory_space<semaphore_mem>>)
      } else {
      }
      %eq3A_458 = arith.constant 2 : i32
      %eq3A_459 = arith.cmpi eq, %select_n3A_9, %eq3A_458 : i32
      %convert_element_type3A_460 = arith.extui %eq3A_459 : i1 to i32
      %cond3A_461 = arith.constant 0 : i32
      %cond3A_462 = arith.cmpi ne, %convert_element_type3A_460, %cond3A_461 : i32
      scf.if %cond3A_462 {
        %mul3A_468 = arith.constant 128 : i32
        %mul3A_469 = arith.muli %add3A_353, %mul3A_468 : i32
        %dma_start3A_470 = arith.constant 0 : i32
        %dma_start3A_471 = tpu.memref_slice %arg6[%dma_start3A_470, %mul3A_469] : memref<64x100000xf32, #tpu.memory_space<hbm>> -> memref<64x128xf32, #tpu.memory_space<hbm>>
        %dma_start3A_472 = arith.constant 0 : i32
        %dma_start3A_473 = tpu.memref_slice %arg6[%dma_start3A_472, %mul3A_469] : memref<64x100000xf32, #tpu.memory_space<hbm>> -> memref<64x128xf32, #tpu.memory_space<hbm>>
        tpu.enqueue_dma source(%dma_start3A_473 : memref<64x128xf32, #tpu.memory_space<hbm>>) target(%arg16 : memref<64x128xf32, #tpu.memory_space<vmem>>) target_semaphore(%arg21 : memref<!tpu.dma_semaphore, #tpu.memory_space<semaphore_mem>>)
      } else {
      }
      %eq3A_463 = arith.constant 3 : i32
      %eq3A_464 = arith.cmpi eq, %select_n3A_9, %eq3A_463 : i32
      %convert_element_type3A_465 = arith.extui %eq3A_464 : i1 to i32
      %cond3A_466 = arith.constant 0 : i32
      %cond3A_467 = arith.cmpi ne, %convert_element_type3A_465, %cond3A_466 : i32
      scf.if %cond3A_467 {
        %mul3A_468 = arith.constant 128 : i32
        %mul3A_469 = arith.muli %add3A_353, %mul3A_468 : i32
        %dma_start3A_470 = arith.constant 0 : i32
        %dma_start3A_471 = tpu.memref_slice %arg7[%dma_start3A_470, %mul3A_469] : memref<64x100000xf32, #tpu.memory_space<hbm>> -> memref<64x128xf32, #tpu.memory_space<hbm>>
        %dma_start3A_472 = arith.constant 0 : i32
        %dma_start3A_473 = tpu.memref_slice %arg7[%dma_start3A_472, %mul3A_469] : memref<64x100000xf32, #tpu.memory_space<hbm>> -> memref<64x128xf32, #tpu.memory_space<hbm>>
        tpu.enqueue_dma source(%dma_start3A_473 : memref<64x128xf32, #tpu.memory_space<hbm>>) target(%arg16 : memref<64x128xf32, #tpu.memory_space<vmem>>) target_semaphore(%arg21 : memref<!tpu.dma_semaphore, #tpu.memory_space<semaphore_mem>>)
      } else {
      }
    } else {
    }
    %eq3A_359 = arith.constant 781 : i32
    %eq3A_360 = arith.cmpi eq, %add3A_353, %eq3A_359 : i32
    %convert_element_type3A_361 = arith.extui %eq3A_360 : i1 to i32
    %cond3A_362 = arith.constant 0 : i32
    %cond3A_363 = arith.cmpi ne, %convert_element_type3A_361, %cond3A_362 : i32
    scf.if %cond3A_363 {
      tpu.enqueue_dma source(%arg8 : memref<64x128xf32, #tpu.memory_space<hbm>>) target(%arg16 : memref<64x128xf32, #tpu.memory_space<vmem>>) target_semaphore(%arg21 : memref<!tpu.dma_semaphore, #tpu.memory_space<semaphore_mem>>)
    } else {
    }
    %while3A_364 = arith.constant 0 : i32
    %while3A_365 = arith.constant 0 : i32
    %while3A_366 = arith.subi %select_n3A_341, %while3A_364 : i32
    %while3A_367 = arith.addi %while3A_364, %while3A_366 : i32
    %while3A_368 = arith.constant 1 : i32
    %while3A_369 = arith.divsi %while3A_366, %while3A_368 : i32
    %while3A_370 = arith.muli %while3A_369, %while3A_368 : i32
    %while3A_371 = arith.addi %while3A_364, %while3A_370 : i32
    %while3A_372 = arith.constant 1 : i32
    %while3A_373 = scf.for %while3A_448 = %while3A_364 to %while3A_371 step %while3A_372 iter_args(%while3A_449 = %while3A_365) -> (i32)  : i32 {
      %mul3A_450 = arith.constant 2 : i32
      %mul3A_451 = arith.muli %mul3A_450, %while3A_448 : i32
      %add3A_452 = arith.addi %mul3A_32, %mul3A_451 : i32
      tpu.wait_dma2 semaphore(%arg20 : memref<!tpu.dma_semaphore, #tpu.memory_space<semaphore_mem>>) src(%arg8 : memref<64x128xf32, #tpu.memory_space<hbm>>) dst(%arg15 : memref<64x128xf32, #tpu.memory_space<vmem>>)
      %and3A_453 = arith.constant 15 : i32
      %and3A_454 = arith.andi %add3A_452, %and3A_453 : i32
      %get3A_455 = arith.index_cast %and3A_454 : i32 to index
      %get3A_456 = tpu.vector_load %arg14[%get3A_455] {strides = array<i32>} : memref<128xi32, #tpu.memory_space<vmem>>, vector<16xi32>,
      %slice3A = vector.extract_strided_slice %get3A_456 {offsets = [0], sizes = [1], strides = [1]} : vector<16xi32> to vector<1xi32>
      %squeeze3A = vector.extract %slice3A[0] : i32 from vector<1xi32>
      %add3A_457 = arith.constant 16 : i32
      %add3A_458 = arith.addi %add3A_457, %and3A_454 : i32
      %get3A_459 = arith.index_cast %add3A_458 : i32 to index
      %get3A_460 = tpu.vector_load %arg14[%get3A_459] {strides = array<i32>} : memref<128xi32, #tpu.memory_space<vmem>>, vector<16xi32>,
      %slice3A_461 = vector.extract_strided_slice %get3A_460 {offsets = [0], sizes = [1], strides = [1]} : vector<16xi32> to vector<1xi32>
      %squeeze3A_462 = vector.extract %slice3A_461[0] : i32 from vector<1xi32>
      %shift_right_arithmetic3A = arith.constant 4 : i32
      %shift_right_arithmetic3A_463 = arith.shrsi %squeeze3A, %shift_right_arithmetic3A : i32
      %add3A_464 = arith.constant 16 : i32
      %add3A_465 = arith.addi %squeeze3A_462, %add3A_464 : i32
      %sub3A_466 = arith.constant 1 : i32
      %sub3A_467 = arith.subi %add3A_465, %sub3A_466 : i32
      %shift_right_arithmetic3A_468 = arith.constant 4 : i32
      %shift_right_arithmetic3A_469 = arith.shrsi %sub3A_467, %shift_right_arithmetic3A_468 : i32
      %while3A_470 = arith.subi %shift_right_arithmetic3A_469, %shift_right_arithmetic3A_463 : i32
      %while3A_471 = arith.addi %shift_right_arithmetic3A_463, %while3A_470 : i32
      %while3A_472 = arith.constant 1 : i32
      %while3A_473 = arith.divsi %while3A_470, %while3A_472 : i32
      %while3A_474 = arith.muli %while3A_473, %while3A_472 : i32
      %while3A_475 = arith.addi %shift_right_arithmetic3A_463, %while3A_474 : i32
      %while3A_476 = arith.constant 1 : i32
      %while3A_477 = scf.for %while3A_524 = %shift_right_arithmetic3A_463 to %while3A_475 step %while3A_476 iter_args(%while3A_525 = %while3A_449) -> (i32)  : i32 {
        %mul3A_526 = arith.constant 16 : i32
        %mul3A_527 = arith.muli %while3A_524, %mul3A_526 : i32
        %get3A_528 = arith.index_cast %mul3A_527 : i32 to index
        %get3A_529 = tpu.vector_load %arg10[%get3A_528] {strides = array<i32>} : memref<16384xi32, #tpu.memory_space<vmem>>, vector<16xi32>,
        %shift_right_arithmetic3A_530 = arith.constant 7 : i32
        %shift_right_arithmetic3A_531 = vector.broadcast %shift_right_arithmetic3A_530 : i32 to vector<16xi32>
        %shift_right_arithmetic3A_532 = arith.shrsi %get3A_529, %shift_right_arithmetic3A_531 : vector<16xi32>
        %eq3A_533 = vector.broadcast %add3A_452 : i32 to vector<16xi32>
        %eq3A_534 = arith.cmpi eq, %shift_right_arithmetic3A_532, %eq3A_533 : vector<16xi32>
        %all_reduce_population_count3A = tpu.all_reduce %eq3A_534 {dim = 0 : i64, kind = #tpu.reduction_kind<sum>} : vector<16xi1> -> vector<16xi32>
        %slice3A_535 = vector.extract_strided_slice %all_reduce_population_count3A {offsets = [0], sizes = [1], strides = [1]} : vector<16xi32> to vector<1xi32>
        %squeeze3A_536 = vector.extract %slice3A_535[0] : i32 from vector<1xi32>
        %gt3A = arith.constant 0 : i32
        %gt3A_537 = arith.cmpi sgt, %squeeze3A_536, %gt3A : i32
        %convert_element_type3A_538 = arith.extui %gt3A_537 : i1 to i32
        %cond3A_539 = arith.constant 0 : i32
        %cond3A_540 = arith.cmpi ne, %convert_element_type3A_538, %cond3A_539 : i32
        scf.if %cond3A_540 {
          %and3A_551 = arith.constant 127 : i32
          %and3A_552 = vector.broadcast %and3A_551 : i32 to vector<16xi32>
          %and3A_553 = arith.andi %get3A_529, %and3A_552 : vector<16xi32>
          %mul3A_554 = arith.constant 16 : i32
          %mul3A_555 = arith.muli %while3A_524, %mul3A_554 : i32
          %get3A_556 = arith.index_cast %mul3A_555 : i32 to index
          %get3A_557 = tpu.vector_load %arg11[%get3A_556] {strides = array<i32>} : memref<16384xi32, #tpu.memory_space<vmem>>, vector<16xi32>,
          %convert_element_type3A_558 = arith.extui %eq3A_534 : vector<16xi1> to vector<16xi32>
          %broadcast_in_dim3A_559 = arith.constant true
          %broadcast_in_dim3A_560 = vector.broadcast %broadcast_in_dim3A_559 : i1 to vector<16xi1>
          %masked_cumsum3A = tpu.scan <sum>, %convert_element_type3A_558 masked %broadcast_in_dim3A_560 : vector<16xi32>, vector<16xi1> -> vector<16xi32>
          %add3A_561 = vector.broadcast %while3A_525 : i32 to vector<16xi32>
          %add3A_562 = arith.addi %add3A_561, %masked_cumsum3A : vector<16xi32>
          %sub3A_563 = arith.constant 1 : i32
          %sub3A_564 = vector.broadcast %sub3A_563 : i32 to vector<16xi32>
          %sub3A_565 = arith.subi %add3A_562, %sub3A_564 : vector<16xi32>
          %jit3A_566 = arith.constant 152 : i32
          %broadcast_in_dim3A_567 = vector.broadcast %jit3A_566 : i32 to vector<16xi32>
          %select_n3A_568 = arith.select %eq3A_534, %sub3A_565, %broadcast_in_dim3A_567 : vector<16xi1>, vector<16xi32>
          tpu.vector_store_idx %arg18[%select_n3A_568], %get3A_557 : memref<384xi32, #tpu.memory_space<vmem>>[vector<16xi32>], vector<16xi32>,
          %scan3A_569 = arith.constant 0 : i32
          %scan3A_570 = arith.constant 0 : i32
          %scan3A_571 = arith.constant 64 : i32
          %scan3A_572 = arith.addi %scan3A_570, %scan3A_571 : i32
          %scan3A_573 = arith.constant 4 : i32
          %scan3A_574 = scf.for %scan3A_576 = %scan3A_570 to %scan3A_572 step %scan3A_573 iter_args(%scan3A_577 = %scan3A_569) -> (i32)  : i32 {
            %broadcast_in_dim3A_578 = arith.constant 0 : i32
            %broadcast_in_dim3A_579 = vector.broadcast %broadcast_in_dim3A_578 : i32 to vector<16xi32>
            %add3A_580 = vector.broadcast %scan3A_576 : i32 to vector<16xi32>
            %add3A_581 = arith.addi %broadcast_in_dim3A_579, %add3A_580 : vector<16xi32>
            %gather3A = tpu.vector_load_idx %arg15[%add3A_581, %and3A_553] : memref<64x128xf32, #tpu.memory_space<vmem>>[vector<16xi32>, vector<16xi32>], vector<16xf32>,
            tpu.vector_store_idx %arg17[%select_n3A_568, %add3A_581], %gather3A : memref<160x128xf32, #tpu.memory_space<vmem>>[vector<16xi32>, vector<16xi32>], vector<16xf32>,
            %scan3A_582 = arith.constant 0 : i32
            %scan3A_583 = arith.constant 1 : i32
            %scan3A_584 = arith.addi %scan3A_576, %scan3A_583 : i32
            %broadcast_in_dim3A_585 = arith.constant 0 : i32
            %broadcast_in_dim3A_586 = vector.broadcast %broadcast_in_dim3A_585 : i32 to vector<16xi32>
            %add3A_587 = vector.broadcast %scan3A_584 : i32 to vector<16xi32>
            %add3A_588 = arith.addi %broadcast_in_dim3A_586, %add3A_587 : vector<16xi32>
            %gather3A_589 = tpu.vector_load_idx %arg15[%add3A_588, %and3A_553] : memref<64x128xf32, #tpu.memory_space<vmem>>[vector<16xi32>, vector<16xi32>], vector<16xf32>,
            tpu.vector_store_idx %arg17[%select_n3A_568, %add3A_588], %gather3A_589 : memref<160x128xf32, #tpu.memory_space<vmem>>[vector<16xi32>, vector<16xi32>], vector<16xf32>,
            %scan3A_590 = arith.constant 0 : i32
            %scan3A_591 = arith.constant 2 : i32
            %scan3A_592 = arith.addi %scan3A_576, %scan3A_591 : i32
            %broadcast_in_dim3A_593 = arith.constant 0 : i32
            %broadcast_in_dim3A_594 = vector.broadcast %broadcast_in_dim3A_593 : i32 to vector<16xi32>
            %add3A_595 = vector.broadcast %scan3A_592 : i32 to vector<16xi32>
            %add3A_596 = arith.addi %broadcast_in_dim3A_594, %add3A_595 : vector<16xi32>
            %gather3A_597 = tpu.vector_load_idx %arg15[%add3A_596, %and3A_553] : memref<64x128xf32, #tpu.memory_space<vmem>>[vector<16xi32>, vector<16xi32>], vector<16xf32>,
            tpu.vector_store_idx %arg17[%select_n3A_568, %add3A_596], %gather3A_597 : memref<160x128xf32, #tpu.memory_space<vmem>>[vector<16xi32>, vector<16xi32>], vector<16xf32>,
            %scan3A_598 = arith.constant 0 : i32
            %scan3A_599 = arith.constant 3 : i32
            %scan3A_600 = arith.addi %scan3A_576, %scan3A_599 : i32
            %broadcast_in_dim3A_601 = arith.constant 0 : i32
            %broadcast_in_dim3A_602 = vector.broadcast %broadcast_in_dim3A_601 : i32 to vector<16xi32>
            %add3A_603 = vector.broadcast %scan3A_600 : i32 to vector<16xi32>
            %add3A_604 = arith.addi %broadcast_in_dim3A_602, %add3A_603 : vector<16xi32>
            %gather3A_605 = tpu.vector_load_idx %arg15[%add3A_604, %and3A_553] : memref<64x128xf32, #tpu.memory_space<vmem>>[vector<16xi32>, vector<16xi32>], vector<16xf32>,
            tpu.vector_store_idx %arg17[%select_n3A_568, %add3A_604], %gather3A_605 : memref<160x128xf32, #tpu.memory_space<vmem>>[vector<16xi32>, vector<16xi32>], vector<16xf32>,
            %scan3A_606 = arith.constant 0 : i32
            scf.yield %scan3A_606 : i32
          }
          %scan3A_575 = arith.constant 64 : i32
        } else {
        }
        %add3A_541 = arith.addi %while3A_525, %squeeze3A_536 : i32
        %ge3A = arith.constant 128 : i32
        %ge3A_542 = arith.cmpi sge, %add3A_541, %ge3A : i32
        %convert_element_type3A_543 = arith.extui %ge3A_542 : i1 to i32
        %cond3A_544 = arith.constant 0 : i32
        %cond3A_545 = arith.cmpi ne, %convert_element_type3A_543, %cond3A_544 : i32
        scf.if %cond3A_545 {
          %get3A_551 = arith.constant 0 : index
          %get3A_552 = tpu.vector_load %arg18[%get3A_551] {strides = array<i32>} : memref<384xi32, #tpu.memory_space<vmem>>, vector<16xi32>,
          %swap3A_553 = arith.constant 0 : i32
          %swap3A_554 = arith.index_cast %swap3A_553 : i32 to index
          %swap3A_555 = arith.constant 0 : index
          %swap3A_556 = tpu.vector_load %arg19[%swap3A_554, %swap3A_555] {strides = array<i32>} : memref<8x128xi32, #tpu.memory_space<vmem>>, vector<16xi32>,
          tpu.vector_store %arg19[%swap3A_554, %swap3A_555], %get3A_552 {strides = array<i32>} : memref<8x128xi32, #tpu.memory_space<vmem>>, vector<16xi32>,
          %get3A_557 = arith.constant 16 : index
          %get3A_558 = tpu.vector_load %arg18[%get3A_557] {strides = array<i32>} : memref<384xi32, #tpu.memory_space<vmem>>, vector<16xi32>,
          %swap3A_559 = arith.constant 0 : i32
          %swap3A_560 = arith.index_cast %swap3A_559 : i32 to index
          %swap3A_561 = arith.constant 16 : index
          %swap3A_562 = tpu.vector_load %arg19[%swap3A_560, %swap3A_561] {strides = array<i32>} : memref<8x128xi32, #tpu.memory_space<vmem>>, vector<16xi32>,
          tpu.vector_store %arg19[%swap3A_560, %swap3A_561], %get3A_558 {strides = array<i32>} : memref<8x128xi32, #tpu.memory_space<vmem>>, vector<16xi32>,
          %get3A_563 = arith.constant 32 : index
          %get3A_564 = tpu.vector_load %arg18[%get3A_563] {strides = array<i32>} : memref<384xi32, #tpu.memory_space<vmem>>, vector<16xi32>,
          %swap3A_565 = arith.constant 0 : i32
          %swap3A_566 = arith.index_cast %swap3A_565 : i32 to index
          %swap3A_567 = arith.constant 32 : index
          %swap3A_568 = tpu.vector_load %arg19[%swap3A_566, %swap3A_567] {strides = array<i32>} : memref<8x128xi32, #tpu.memory_space<vmem>>, vector<16xi32>,
          tpu.vector_store %arg19[%swap3A_566, %swap3A_567], %get3A_564 {strides = array<i32>} : memref<8x128xi32, #tpu.memory_space<vmem>>, vector<16xi32>,
          %get3A_569 = arith.constant 48 : index
          %get3A_570 = tpu.vector_load %arg18[%get3A_569] {strides = array<i32>} : memref<384xi32, #tpu.memory_space<vmem>>, vector<16xi32>,
          %swap3A_571 = arith.constant 0 : i32
          %swap3A_572 = arith.index_cast %swap3A_571 : i32 to index
          %swap3A_573 = arith.constant 48 : index
          %swap3A_574 = tpu.vector_load %arg19[%swap3A_572, %swap3A_573] {strides = array<i32>} : memref<8x128xi32, #tpu.memory_space<vmem>>, vector<16xi32>,
          tpu.vector_store %arg19[%swap3A_572, %swap3A_573], %get3A_570 {strides = array<i32>} : memref<8x128xi32, #tpu.memory_space<vmem>>, vector<16xi32>,
          %get3A_575 = arith.constant 64 : index
          %get3A_576 = tpu.vector_load %arg18[%get3A_575] {strides = array<i32>} : memref<384xi32, #tpu.memory_space<vmem>>, vector<16xi32>,
          %swap3A_577 = arith.constant 0 : i32
          %swap3A_578 = arith.index_cast %swap3A_577 : i32 to index
          %swap3A_579 = arith.constant 64 : index
          %swap3A_580 = tpu.vector_load %arg19[%swap3A_578, %swap3A_579] {strides = array<i32>} : memref<8x128xi32, #tpu.memory_space<vmem>>, vector<16xi32>,
          tpu.vector_store %arg19[%swap3A_578, %swap3A_579], %get3A_576 {strides = array<i32>} : memref<8x128xi32, #tpu.memory_space<vmem>>, vector<16xi32>,
          %get3A_581 = arith.constant 80 : index
          %get3A_582 = tpu.vector_load %arg18[%get3A_581] {strides = array<i32>} : memref<384xi32, #tpu.memory_space<vmem>>, vector<16xi32>,
          %swap3A_583 = arith.constant 0 : i32
          %swap3A_584 = arith.index_cast %swap3A_583 : i32 to index
          %swap3A_585 = arith.constant 80 : index
          %swap3A_586 = tpu.vector_load %arg19[%swap3A_584, %swap3A_585] {strides = array<i32>} : memref<8x128xi32, #tpu.memory_space<vmem>>, vector<16xi32>,
          tpu.vector_store %arg19[%swap3A_584, %swap3A_585], %get3A_582 {strides = array<i32>} : memref<8x128xi32, #tpu.memory_space<vmem>>, vector<16xi32>,
          %get3A_587 = arith.constant 96 : index
          %get3A_588 = tpu.vector_load %arg18[%get3A_587] {strides = array<i32>} : memref<384xi32, #tpu.memory_space<vmem>>, vector<16xi32>,
          %swap3A_589 = arith.constant 0 : i32
          %swap3A_590 = arith.index_cast %swap3A_589 : i32 to index
          %swap3A_591 = arith.constant 96 : index
          %swap3A_592 = tpu.vector_load %arg19[%swap3A_590, %swap3A_591] {strides = array<i32>} : memref<8x128xi32, #tpu.memory_space<vmem>>, vector<16xi32>,
          tpu.vector_store %arg19[%swap3A_590, %swap3A_591], %get3A_588 {strides = array<i32>} : memref<8x128xi32, #tpu.memory_space<vmem>>, vector<16xi32>,
          %get3A_593 = arith.constant 112 : index
          %get3A_594 = tpu.vector_load %arg18[%get3A_593] {strides = array<i32>} : memref<384xi32, #tpu.memory_space<vmem>>, vector<16xi32>,
          %swap3A_595 = arith.constant 0 : i32
          %swap3A_596 = arith.index_cast %swap3A_595 : i32 to index
          %swap3A_597 = arith.constant 112 : index
          %swap3A_598 = tpu.vector_load %arg19[%swap3A_596, %swap3A_597] {strides = array<i32>} : memref<8x128xi32, #tpu.memory_space<vmem>>, vector<16xi32>,
          tpu.vector_store %arg19[%swap3A_596, %swap3A_597], %get3A_594 {strides = array<i32>} : memref<8x128xi32, #tpu.memory_space<vmem>>, vector<16xi32>,
          %dma_start3A_599 = arith.constant 0 : i32
          %dma_start3A_600 = arith.constant 0 : i32
          %dma_start3A_601 = arith.constant 0 : i32
          %dma_start3A_602 = tpu.memref_slice %arg17[%dma_start3A_600, %dma_start3A_601] : memref<160x128xf32, #tpu.memory_space<vmem>> -> memref<128x128xf32, #tpu.memory_space<vmem>>
          %dma_start3A_603 = arith.constant 0 : i32
          %dma_start3A_604 = tpu.memref_slice %arg19[%dma_start3A_599, %dma_start3A_603] : memref<8x128xi32, #tpu.memory_space<vmem>> -> memref<1x128xi32, #tpu.memory_space<vmem>>
          %dma_start3A_605 = tpu.memref_squeeze %dma_start3A_604 : memref<1x128xi32, #tpu.memory_space<vmem>> -> memref<128xi32, #tpu.memory_space<vmem>>
          %dma_start3A_606 = arith.constant 0 : i32
          %dma_start3A_607 = arith.constant 0 : i32
          %dma_start3A_608 = tpu.memref_slice %arg9[%dma_start3A_606, %dma_start3A_607] : memref<16400x128xf32, #tpu.memory_space<hbm>> -> memref<16400x128xf32, #tpu.memory_space<hbm>>
          tpu.enqueue_indirect_dma source(%dma_start3A_602 : memref<128x128xf32, #tpu.memory_space<vmem>>) target(%dma_start3A_608 : memref<16400x128xf32, #tpu.memory_space<hbm>>) offsets(%dma_start3A_605 : memref<128xi32, #tpu.memory_space<vmem>>) semaphore(%arg22 : memref<!tpu.dma_semaphore, #tpu.memory_space<semaphore_mem>>)
          %dma_wait3A_609 = arith.constant 0 : i32
          %dma_wait3A_610 = arith.constant 0 : i32
          %dma_wait3A_611 = arith.constant 0 : i32
          %dma_wait3A_612 = tpu.memref_slice %arg17[%dma_wait3A_610, %dma_wait3A_611] : memref<160x128xf32, #tpu.memory_space<vmem>> -> memref<128x128xf32, #tpu.memory_space<vmem>>
          %dma_wait3A_613 = arith.constant 0 : i32
          %dma_wait3A_614 = tpu.memref_slice %arg19[%dma_wait3A_609, %dma_wait3A_613] : memref<8x128xi32, #tpu.memory_space<vmem>> -> memref<1x128xi32, #tpu.memory_space<vmem>>
          %dma_wait3A_615 = tpu.memref_squeeze %dma_wait3A_614 : memref<1x128xi32, #tpu.memory_space<vmem>> -> memref<128xi32, #tpu.memory_space<vmem>>
          %dma_wait3A_616 = arith.constant 0 : i32
          %dma_wait3A_617 = arith.constant 0 : i32
          %dma_wait3A_618 = tpu.memref_slice %arg9[%dma_wait3A_616, %dma_wait3A_617] : memref<16400x128xf32, #tpu.memory_space<hbm>> -> memref<16400x128xf32, #tpu.memory_space<hbm>>
          tpu.wait_indirect_dma semaphore(%arg22 : memref<!tpu.dma_semaphore, #tpu.memory_space<semaphore_mem>>) src(%dma_wait3A_612 : memref<128x128xf32, #tpu.memory_space<vmem>>) dst(%dma_wait3A_618 : memref<16400x128xf32, #tpu.memory_space<hbm>>)
          %sub3A_619 = arith.constant 128 : i32
          %sub3A_620 = arith.subi %add3A_541, %sub3A_619 : i32
          %while3A_621 = arith.constant 0 : i32
          %while3A_622 = arith.constant 0 : i32
          %while3A_623 = arith.subi %sub3A_620, %while3A_621 : i32
          %while3A_624 = arith.addi %while3A_621, %while3A_623 : i32
          %while3A_625 = arith.constant 1 : i32
          %while3A_626 = arith.divsi %while3A_623, %while3A_625 : i32
          %while3A_627 = arith.muli %while3A_626, %while3A_625 : i32
          %while3A_628 = arith.addi %while3A_621, %while3A_627 : i32
          %while3A_629 = arith.constant 1 : i32
          %while3A_630 = scf.for %while3A_637 = %while3A_621 to %while3A_628 step %while3A_629 iter_args(%while3A_638 = %while3A_622) -> (i32)  : i32 {
            %add3A_639 = arith.constant 128 : i32
            %add3A_640 = arith.addi %add3A_639, %while3A_637 : i32
            %get3A_641 = arith.index_cast %add3A_640 : i32 to index
            %get3A_642 = arith.constant 0 : index
            %get3A_643 = tpu.vector_load %arg17[%get3A_641, %get3A_642] {strides = array<i32>} : memref<160x128xf32, #tpu.memory_space<vmem>>, vector<16xf32>,
            %swap3A_644 = arith.index_cast %while3A_637 : i32 to index
            %swap3A_645 = arith.constant 0 : index
            %swap3A_646 = tpu.vector_load %arg17[%swap3A_644, %swap3A_645] {strides = array<i32>} : memref<160x128xf32, #tpu.memory_space<vmem>>, vector<16xf32>,
            tpu.vector_store %arg17[%swap3A_644, %swap3A_645], %get3A_643 {strides = array<i32>} : memref<160x128xf32, #tpu.memory_space<vmem>>, vector<16xf32>,
            %add3A_647 = arith.constant 128 : i32
            %add3A_648 = arith.addi %add3A_647, %while3A_637 : i32
            %get3A_649 = arith.index_cast %add3A_648 : i32 to index
            %get3A_650 = arith.constant 16 : index
            %get3A_651 = tpu.vector_load %arg17[%get3A_649, %get3A_650] {strides = array<i32>} : memref<160x128xf32, #tpu.memory_space<vmem>>, vector<16xf32>,
            %swap3A_652 = arith.index_cast %while3A_637 : i32 to index
            %swap3A_653 = arith.constant 16 : index
            %swap3A_654 = tpu.vector_load %arg17[%swap3A_652, %swap3A_653] {strides = array<i32>} : memref<160x128xf32, #tpu.memory_space<vmem>>, vector<16xf32>,
            tpu.vector_store %arg17[%swap3A_652, %swap3A_653], %get3A_651 {strides = array<i32>} : memref<160x128xf32, #tpu.memory_space<vmem>>, vector<16xf32>,
            %add3A_655 = arith.constant 128 : i32
            %add3A_656 = arith.addi %add3A_655, %while3A_637 : i32
            %get3A_657 = arith.index_cast %add3A_656 : i32 to index
            %get3A_658 = arith.constant 32 : index
            %get3A_659 = tpu.vector_load %arg17[%get3A_657, %get3A_658] {strides = array<i32>} : memref<160x128xf32, #tpu.memory_space<vmem>>, vector<16xf32>,
            %swap3A_660 = arith.index_cast %while3A_637 : i32 to index
            %swap3A_661 = arith.constant 32 : index
            %swap3A_662 = tpu.vector_load %arg17[%swap3A_660, %swap3A_661] {strides = array<i32>} : memref<160x128xf32, #tpu.memory_space<vmem>>, vector<16xf32>,
            tpu.vector_store %arg17[%swap3A_660, %swap3A_661], %get3A_659 {strides = array<i32>} : memref<160x128xf32, #tpu.memory_space<vmem>>, vector<16xf32>,
            %add3A_663 = arith.constant 128 : i32
            %add3A_664 = arith.addi %add3A_663, %while3A_637 : i32
            %get3A_665 = arith.index_cast %add3A_664 : i32 to index
            %get3A_666 = arith.constant 48 : index
            %get3A_667 = tpu.vector_load %arg17[%get3A_665, %get3A_666] {strides = array<i32>} : memref<160x128xf32, #tpu.memory_space<vmem>>, vector<16xf32>,
            %swap3A_668 = arith.index_cast %while3A_637 : i32 to index
            %swap3A_669 = arith.constant 48 : index
            %swap3A_670 = tpu.vector_load %arg17[%swap3A_668, %swap3A_669] {strides = array<i32>} : memref<160x128xf32, #tpu.memory_space<vmem>>, vector<16xf32>,
            tpu.vector_store %arg17[%swap3A_668, %swap3A_669], %get3A_667 {strides = array<i32>} : memref<160x128xf32, #tpu.memory_space<vmem>>, vector<16xf32>,
            %add3A_671 = arith.constant 128 : i32
            %add3A_672 = arith.addi %add3A_671, %while3A_637 : i32
            %get3A_673 = arith.index_cast %add3A_672 : i32 to index
            %get3A_674 = arith.constant 64 : index
            %get3A_675 = tpu.vector_load %arg17[%get3A_673, %get3A_674] {strides = array<i32>} : memref<160x128xf32, #tpu.memory_space<vmem>>, vector<16xf32>,
            %swap3A_676 = arith.index_cast %while3A_637 : i32 to index
            %swap3A_677 = arith.constant 64 : index
            %swap3A_678 = tpu.vector_load %arg17[%swap3A_676, %swap3A_677] {strides = array<i32>} : memref<160x128xf32, #tpu.memory_space<vmem>>, vector<16xf32>,
            tpu.vector_store %arg17[%swap3A_676, %swap3A_677], %get3A_675 {strides = array<i32>} : memref<160x128xf32, #tpu.memory_space<vmem>>, vector<16xf32>,
            %add3A_679 = arith.constant 128 : i32
            %add3A_680 = arith.addi %add3A_679, %while3A_637 : i32
            %get3A_681 = arith.index_cast %add3A_680 : i32 to index
            %get3A_682 = arith.constant 80 : index
            %get3A_683 = tpu.vector_load %arg17[%get3A_681, %get3A_682] {strides = array<i32>} : memref<160x128xf32, #tpu.memory_space<vmem>>, vector<16xf32>,
            %swap3A_684 = arith.index_cast %while3A_637 : i32 to index
            %swap3A_685 = arith.constant 80 : index
            %swap3A_686 = tpu.vector_load %arg17[%swap3A_684, %swap3A_685] {strides = array<i32>} : memref<160x128xf32, #tpu.memory_space<vmem>>, vector<16xf32>,
            tpu.vector_store %arg17[%swap3A_684, %swap3A_685], %get3A_683 {strides = array<i32>} : memref<160x128xf32, #tpu.memory_space<vmem>>, vector<16xf32>,
            %add3A_687 = arith.constant 128 : i32
            %add3A_688 = arith.addi %add3A_687, %while3A_637 : i32
            %get3A_689 = arith.index_cast %add3A_688 : i32 to index
            %get3A_690 = arith.constant 96 : index
            %get3A_691 = tpu.vector_load %arg17[%get3A_689, %get3A_690] {strides = array<i32>} : memref<160x128xf32, #tpu.memory_space<vmem>>, vector<16xf32>,
            %swap3A_692 = arith.index_cast %while3A_637 : i32 to index
            %swap3A_693 = arith.constant 96 : index
            %swap3A_694 = tpu.vector_load %arg17[%swap3A_692, %swap3A_693] {strides = array<i32>} : memref<160x128xf32, #tpu.memory_space<vmem>>, vector<16xf32>,
            tpu.vector_store %arg17[%swap3A_692, %swap3A_693], %get3A_691 {strides = array<i32>} : memref<160x128xf32, #tpu.memory_space<vmem>>, vector<16xf32>,
            %add3A_695 = arith.constant 128 : i32
            %add3A_696 = arith.addi %add3A_695, %while3A_637 : i32
            %get3A_697 = arith.index_cast %add3A_696 : i32 to index
            %get3A_698 = arith.constant 112 : index
            %get3A_699 = tpu.vector_load %arg17[%get3A_697, %get3A_698] {strides = array<i32>} : memref<160x128xf32, #tpu.memory_space<vmem>>, vector<16xf32>,
            %swap3A_700 = arith.index_cast %while3A_637 : i32 to index
            %swap3A_701 = arith.constant 112 : index
            %swap3A_702 = tpu.vector_load %arg17[%swap3A_700, %swap3A_701] {strides = array<i32>} : memref<160x128xf32, #tpu.memory_space<vmem>>, vector<16xf32>,
            tpu.vector_store %arg17[%swap3A_700, %swap3A_701], %get3A_699 {strides = array<i32>} : memref<160x128xf32, #tpu.memory_space<vmem>>, vector<16xf32>,
            %while3A_703 = arith.constant 0 : i32
            scf.yield %while3A_703 : i32
          }
          %while3A_631 = arith.constant 1 : i32
          %while3A_632 = scf.for %while3A_637 = %while3A_628 to %while3A_624 step %while3A_631 iter_args(%while3A_638 = %while3A_630) -> (i32)  : i32 {
            %add3A_639 = arith.constant 128 : i32
            %add3A_640 = arith.addi %add3A_639, %while3A_637 : i32
            %get3A_641 = arith.index_cast %add3A_640 : i32 to index
            %get3A_642 = arith.constant 0 : index
            %get3A_643 = tpu.vector_load %arg17[%get3A_641, %get3A_642] {strides = array<i32>} : memref<160x128xf32, #tpu.memory_space<vmem>>, vector<16xf32>,
            %swap3A_644 = arith.index_cast %while3A_637 : i32 to index
            %swap3A_645 = arith.constant 0 : index
            %swap3A_646 = tpu.vector_load %arg17[%swap3A_644, %swap3A_645] {strides = array<i32>} : memref<160x128xf32, #tpu.memory_space<vmem>>, vector<16xf32>,
            tpu.vector_store %arg17[%swap3A_644, %swap3A_645], %get3A_643 {strides = array<i32>} : memref<160x128xf32, #tpu.memory_space<vmem>>, vector<16xf32>,
            %add3A_647 = arith.constant 128 : i32
            %add3A_648 = arith.addi %add3A_647, %while3A_637 : i32
            %get3A_649 = arith.index_cast %add3A_648 : i32 to index
            %get3A_650 = arith.constant 16 : index
            %get3A_651 = tpu.vector_load %arg17[%get3A_649, %get3A_650] {strides = array<i32>} : memref<160x128xf32, #tpu.memory_space<vmem>>, vector<16xf32>,
            %swap3A_652 = arith.index_cast %while3A_637 : i32 to index
            %swap3A_653 = arith.constant 16 : index
            %swap3A_654 = tpu.vector_load %arg17[%swap3A_652, %swap3A_653] {strides = array<i32>} : memref<160x128xf32, #tpu.memory_space<vmem>>, vector<16xf32>,
            tpu.vector_store %arg17[%swap3A_652, %swap3A_653], %get3A_651 {strides = array<i32>} : memref<160x128xf32, #tpu.memory_space<vmem>>, vector<16xf32>,
            %add3A_655 = arith.constant 128 : i32
            %add3A_656 = arith.addi %add3A_655, %while3A_637 : i32
            %get3A_657 = arith.index_cast %add3A_656 : i32 to index
            %get3A_658 = arith.constant 32 : index
            %get3A_659 = tpu.vector_load %arg17[%get3A_657, %get3A_658] {strides = array<i32>} : memref<160x128xf32, #tpu.memory_space<vmem>>, vector<16xf32>,
            %swap3A_660 = arith.index_cast %while3A_637 : i32 to index
            %swap3A_661 = arith.constant 32 : index
            %swap3A_662 = tpu.vector_load %arg17[%swap3A_660, %swap3A_661] {strides = array<i32>} : memref<160x128xf32, #tpu.memory_space<vmem>>, vector<16xf32>,
            tpu.vector_store %arg17[%swap3A_660, %swap3A_661], %get3A_659 {strides = array<i32>} : memref<160x128xf32, #tpu.memory_space<vmem>>, vector<16xf32>,
            %add3A_663 = arith.constant 128 : i32
            %add3A_664 = arith.addi %add3A_663, %while3A_637 : i32
            %get3A_665 = arith.index_cast %add3A_664 : i32 to index
            %get3A_666 = arith.constant 48 : index
            %get3A_667 = tpu.vector_load %arg17[%get3A_665, %get3A_666] {strides = array<i32>} : memref<160x128xf32, #tpu.memory_space<vmem>>, vector<16xf32>,
            %swap3A_668 = arith.index_cast %while3A_637 : i32 to index
            %swap3A_669 = arith.constant 48 : index
            %swap3A_670 = tpu.vector_load %arg17[%swap3A_668, %swap3A_669] {strides = array<i32>} : memref<160x128xf32, #tpu.memory_space<vmem>>, vector<16xf32>,
            tpu.vector_store %arg17[%swap3A_668, %swap3A_669], %get3A_667 {strides = array<i32>} : memref<160x128xf32, #tpu.memory_space<vmem>>, vector<16xf32>,
            %add3A_671 = arith.constant 128 : i32
            %add3A_672 = arith.addi %add3A_671, %while3A_637 : i32
            %get3A_673 = arith.index_cast %add3A_672 : i32 to index
            %get3A_674 = arith.constant 64 : index
            %get3A_675 = tpu.vector_load %arg17[%get3A_673, %get3A_674] {strides = array<i32>} : memref<160x128xf32, #tpu.memory_space<vmem>>, vector<16xf32>,
            %swap3A_676 = arith.index_cast %while3A_637 : i32 to index
            %swap3A_677 = arith.constant 64 : index
            %swap3A_678 = tpu.vector_load %arg17[%swap3A_676, %swap3A_677] {strides = array<i32>} : memref<160x128xf32, #tpu.memory_space<vmem>>, vector<16xf32>,
            tpu.vector_store %arg17[%swap3A_676, %swap3A_677], %get3A_675 {strides = array<i32>} : memref<160x128xf32, #tpu.memory_space<vmem>>, vector<16xf32>,
            %add3A_679 = arith.constant 128 : i32
            %add3A_680 = arith.addi %add3A_679, %while3A_637 : i32
            %get3A_681 = arith.index_cast %add3A_680 : i32 to index
            %get3A_682 = arith.constant 80 : index
            %get3A_683 = tpu.vector_load %arg17[%get3A_681, %get3A_682] {strides = array<i32>} : memref<160x128xf32, #tpu.memory_space<vmem>>, vector<16xf32>,
            %swap3A_684 = arith.index_cast %while3A_637 : i32 to index
            %swap3A_685 = arith.constant 80 : index
            %swap3A_686 = tpu.vector_load %arg17[%swap3A_684, %swap3A_685] {strides = array<i32>} : memref<160x128xf32, #tpu.memory_space<vmem>>, vector<16xf32>,
            tpu.vector_store %arg17[%swap3A_684, %swap3A_685], %get3A_683 {strides = array<i32>} : memref<160x128xf32, #tpu.memory_space<vmem>>, vector<16xf32>,
            %add3A_687 = arith.constant 128 : i32
            %add3A_688 = arith.addi %add3A_687, %while3A_637 : i32
            %get3A_689 = arith.index_cast %add3A_688 : i32 to index
            %get3A_690 = arith.constant 96 : index
            %get3A_691 = tpu.vector_load %arg17[%get3A_689, %get3A_690] {strides = array<i32>} : memref<160x128xf32, #tpu.memory_space<vmem>>, vector<16xf32>,
            %swap3A_692 = arith.index_cast %while3A_637 : i32 to index
            %swap3A_693 = arith.constant 96 : index
            %swap3A_694 = tpu.vector_load %arg17[%swap3A_692, %swap3A_693] {strides = array<i32>} : memref<160x128xf32, #tpu.memory_space<vmem>>, vector<16xf32>,
            tpu.vector_store %arg17[%swap3A_692, %swap3A_693], %get3A_691 {strides = array<i32>} : memref<160x128xf32, #tpu.memory_space<vmem>>, vector<16xf32>,
            %add3A_695 = arith.constant 128 : i32
            %add3A_696 = arith.addi %add3A_695, %while3A_637 : i32
            %get3A_697 = arith.index_cast %add3A_696 : i32 to index
            %get3A_698 = arith.constant 112 : index
            %get3A_699 = tpu.vector_load %arg17[%get3A_697, %get3A_698] {strides = array<i32>} : memref<160x128xf32, #tpu.memory_space<vmem>>, vector<16xf32>,
            %swap3A_700 = arith.index_cast %while3A_637 : i32 to index
            %swap3A_701 = arith.constant 112 : index
            %swap3A_702 = tpu.vector_load %arg17[%swap3A_700, %swap3A_701] {strides = array<i32>} : memref<160x128xf32, #tpu.memory_space<vmem>>, vector<16xf32>,
            tpu.vector_store %arg17[%swap3A_700, %swap3A_701], %get3A_699 {strides = array<i32>} : memref<160x128xf32, #tpu.memory_space<vmem>>, vector<16xf32>,
            %while3A_703 = arith.constant 0 : i32
            scf.yield %while3A_703 : i32
          }
          %get3A_633 = arith.constant 128 : index
          %get3A_634 = tpu.vector_load %arg18[%get3A_633] {strides = array<i32>} : memref<384xi32, #tpu.memory_space<vmem>>, vector<16xi32>,
          %swap3A_635 = arith.constant 0 : index
          %swap3A_636 = tpu.vector_load %arg18[%swap3A_635] {strides = array<i32>} : memref<384xi32, #tpu.memory_space<vmem>>, vector<16xi32>,
          tpu.vector_store %arg18[%swap3A_635], %get3A_634 {strides = array<i32>} : memref<384xi32, #tpu.memory_space<vmem>>, vector<16xi32>,
        } else {
        }
        %ge3A_546 = arith.constant 128 : i32
        %ge3A_547 = arith.cmpi sge, %add3A_541, %ge3A_546 : i32
        %sub3A_548 = arith.constant 128 : i32
        %sub3A_549 = arith.subi %add3A_541, %sub3A_548 : i32
        %select_n3A_550 = arith.select %ge3A_547, %sub3A_549, %add3A_541 : i32
        scf.yield %select_n3A_550 : i32
      }
      %while3A_478 = arith.constant 1 : i32
      %while3A_479 = scf.for %while3A_524 = %while3A_475 to %while3A_471 step %while3A_478 iter_args(%while3A_525 = %while3A_477) -> (i32)  : i32 {
        %mul3A_526 = arith.constant 16 : i32
        %mul3A_527 = arith.muli %while3A_524, %mul3A_526 : i32
        %get3A_528 = arith.index_cast %mul3A_527 : i32 to index
        %get3A_529 = tpu.vector_load %arg10[%get3A_528] {strides = array<i32>} : memref<16384xi32, #tpu.memory_space<vmem>>, vector<16xi32>,
        %shift_right_arithmetic3A_530 = arith.constant 7 : i32
        %shift_right_arithmetic3A_531 = vector.broadcast %shift_right_arithmetic3A_530 : i32 to vector<16xi32>
        %shift_right_arithmetic3A_532 = arith.shrsi %get3A_529, %shift_right_arithmetic3A_531 : vector<16xi32>
        %eq3A_533 = vector.broadcast %add3A_452 : i32 to vector<16xi32>
        %eq3A_534 = arith.cmpi eq, %shift_right_arithmetic3A_532, %eq3A_533 : vector<16xi32>
        %all_reduce_population_count3A = tpu.all_reduce %eq3A_534 {dim = 0 : i64, kind = #tpu.reduction_kind<sum>} : vector<16xi1> -> vector<16xi32>
        %slice3A_535 = vector.extract_strided_slice %all_reduce_population_count3A {offsets = [0], sizes = [1], strides = [1]} : vector<16xi32> to vector<1xi32>
        %squeeze3A_536 = vector.extract %slice3A_535[0] : i32 from vector<1xi32>
        %gt3A = arith.constant 0 : i32
        %gt3A_537 = arith.cmpi sgt, %squeeze3A_536, %gt3A : i32
        %convert_element_type3A_538 = arith.extui %gt3A_537 : i1 to i32
        %cond3A_539 = arith.constant 0 : i32
        %cond3A_540 = arith.cmpi ne, %convert_element_type3A_538, %cond3A_539 : i32
        scf.if %cond3A_540 {
          %and3A_551 = arith.constant 127 : i32
          %and3A_552 = vector.broadcast %and3A_551 : i32 to vector<16xi32>
          %and3A_553 = arith.andi %get3A_529, %and3A_552 : vector<16xi32>
          %mul3A_554 = arith.constant 16 : i32
          %mul3A_555 = arith.muli %while3A_524, %mul3A_554 : i32
          %get3A_556 = arith.index_cast %mul3A_555 : i32 to index
          %get3A_557 = tpu.vector_load %arg11[%get3A_556] {strides = array<i32>} : memref<16384xi32, #tpu.memory_space<vmem>>, vector<16xi32>,
          %convert_element_type3A_558 = arith.extui %eq3A_534 : vector<16xi1> to vector<16xi32>
          %broadcast_in_dim3A_559 = arith.constant true
          %broadcast_in_dim3A_560 = vector.broadcast %broadcast_in_dim3A_559 : i1 to vector<16xi1>
          %masked_cumsum3A = tpu.scan <sum>, %convert_element_type3A_558 masked %broadcast_in_dim3A_560 : vector<16xi32>, vector<16xi1> -> vector<16xi32>
          %add3A_561 = vector.broadcast %while3A_525 : i32 to vector<16xi32>
          %add3A_562 = arith.addi %add3A_561, %masked_cumsum3A : vector<16xi32>
          %sub3A_563 = arith.constant 1 : i32
          %sub3A_564 = vector.broadcast %sub3A_563 : i32 to vector<16xi32>
          %sub3A_565 = arith.subi %add3A_562, %sub3A_564 : vector<16xi32>
          %jit3A_566 = arith.constant 152 : i32
          %broadcast_in_dim3A_567 = vector.broadcast %jit3A_566 : i32 to vector<16xi32>
          %select_n3A_568 = arith.select %eq3A_534, %sub3A_565, %broadcast_in_dim3A_567 : vector<16xi1>, vector<16xi32>
          tpu.vector_store_idx %arg18[%select_n3A_568], %get3A_557 : memref<384xi32, #tpu.memory_space<vmem>>[vector<16xi32>], vector<16xi32>,
          %scan3A_569 = arith.constant 0 : i32
          %scan3A_570 = arith.constant 0 : i32
          %scan3A_571 = arith.constant 64 : i32
          %scan3A_572 = arith.addi %scan3A_570, %scan3A_571 : i32
          %scan3A_573 = arith.constant 4 : i32
          %scan3A_574 = scf.for %scan3A_576 = %scan3A_570 to %scan3A_572 step %scan3A_573 iter_args(%scan3A_577 = %scan3A_569) -> (i32)  : i32 {
            %broadcast_in_dim3A_578 = arith.constant 0 : i32
            %broadcast_in_dim3A_579 = vector.broadcast %broadcast_in_dim3A_578 : i32 to vector<16xi32>
            %add3A_580 = vector.broadcast %scan3A_576 : i32 to vector<16xi32>
            %add3A_581 = arith.addi %broadcast_in_dim3A_579, %add3A_580 : vector<16xi32>
            %gather3A = tpu.vector_load_idx %arg15[%add3A_581, %and3A_553] : memref<64x128xf32, #tpu.memory_space<vmem>>[vector<16xi32>, vector<16xi32>], vector<16xf32>,
            tpu.vector_store_idx %arg17[%select_n3A_568, %add3A_581], %gather3A : memref<160x128xf32, #tpu.memory_space<vmem>>[vector<16xi32>, vector<16xi32>], vector<16xf32>,
            %scan3A_582 = arith.constant 0 : i32
            %scan3A_583 = arith.constant 1 : i32
            %scan3A_584 = arith.addi %scan3A_576, %scan3A_583 : i32
            %broadcast_in_dim3A_585 = arith.constant 0 : i32
            %broadcast_in_dim3A_586 = vector.broadcast %broadcast_in_dim3A_585 : i32 to vector<16xi32>
            %add3A_587 = vector.broadcast %scan3A_584 : i32 to vector<16xi32>
            %add3A_588 = arith.addi %broadcast_in_dim3A_586, %add3A_587 : vector<16xi32>
            %gather3A_589 = tpu.vector_load_idx %arg15[%add3A_588, %and3A_553] : memref<64x128xf32, #tpu.memory_space<vmem>>[vector<16xi32>, vector<16xi32>], vector<16xf32>,
            tpu.vector_store_idx %arg17[%select_n3A_568, %add3A_588], %gather3A_589 : memref<160x128xf32, #tpu.memory_space<vmem>>[vector<16xi32>, vector<16xi32>], vector<16xf32>,
            %scan3A_590 = arith.constant 0 : i32
            %scan3A_591 = arith.constant 2 : i32
            %scan3A_592 = arith.addi %scan3A_576, %scan3A_591 : i32
            %broadcast_in_dim3A_593 = arith.constant 0 : i32
            %broadcast_in_dim3A_594 = vector.broadcast %broadcast_in_dim3A_593 : i32 to vector<16xi32>
            %add3A_595 = vector.broadcast %scan3A_592 : i32 to vector<16xi32>
            %add3A_596 = arith.addi %broadcast_in_dim3A_594, %add3A_595 : vector<16xi32>
            %gather3A_597 = tpu.vector_load_idx %arg15[%add3A_596, %and3A_553] : memref<64x128xf32, #tpu.memory_space<vmem>>[vector<16xi32>, vector<16xi32>], vector<16xf32>,
            tpu.vector_store_idx %arg17[%select_n3A_568, %add3A_596], %gather3A_597 : memref<160x128xf32, #tpu.memory_space<vmem>>[vector<16xi32>, vector<16xi32>], vector<16xf32>,
            %scan3A_598 = arith.constant 0 : i32
            %scan3A_599 = arith.constant 3 : i32
            %scan3A_600 = arith.addi %scan3A_576, %scan3A_599 : i32
            %broadcast_in_dim3A_601 = arith.constant 0 : i32
            %broadcast_in_dim3A_602 = vector.broadcast %broadcast_in_dim3A_601 : i32 to vector<16xi32>
            %add3A_603 = vector.broadcast %scan3A_600 : i32 to vector<16xi32>
            %add3A_604 = arith.addi %broadcast_in_dim3A_602, %add3A_603 : vector<16xi32>
            %gather3A_605 = tpu.vector_load_idx %arg15[%add3A_604, %and3A_553] : memref<64x128xf32, #tpu.memory_space<vmem>>[vector<16xi32>, vector<16xi32>], vector<16xf32>,
            tpu.vector_store_idx %arg17[%select_n3A_568, %add3A_604], %gather3A_605 : memref<160x128xf32, #tpu.memory_space<vmem>>[vector<16xi32>, vector<16xi32>], vector<16xf32>,
            %scan3A_606 = arith.constant 0 : i32
            scf.yield %scan3A_606 : i32
          }
          %scan3A_575 = arith.constant 64 : i32
        } else {
        }
        %add3A_541 = arith.addi %while3A_525, %squeeze3A_536 : i32
        %ge3A = arith.constant 128 : i32
        %ge3A_542 = arith.cmpi sge, %add3A_541, %ge3A : i32
        %convert_element_type3A_543 = arith.extui %ge3A_542 : i1 to i32
        %cond3A_544 = arith.constant 0 : i32
        %cond3A_545 = arith.cmpi ne, %convert_element_type3A_543, %cond3A_544 : i32
        scf.if %cond3A_545 {
          %get3A_551 = arith.constant 0 : index
          %get3A_552 = tpu.vector_load %arg18[%get3A_551] {strides = array<i32>} : memref<384xi32, #tpu.memory_space<vmem>>, vector<16xi32>,
          %swap3A_553 = arith.constant 0 : i32
          %swap3A_554 = arith.index_cast %swap3A_553 : i32 to index
          %swap3A_555 = arith.constant 0 : index
          %swap3A_556 = tpu.vector_load %arg19[%swap3A_554, %swap3A_555] {strides = array<i32>} : memref<8x128xi32, #tpu.memory_space<vmem>>, vector<16xi32>,
          tpu.vector_store %arg19[%swap3A_554, %swap3A_555], %get3A_552 {strides = array<i32>} : memref<8x128xi32, #tpu.memory_space<vmem>>, vector<16xi32>,
          %get3A_557 = arith.constant 16 : index
          %get3A_558 = tpu.vector_load %arg18[%get3A_557] {strides = array<i32>} : memref<384xi32, #tpu.memory_space<vmem>>, vector<16xi32>,
          %swap3A_559 = arith.constant 0 : i32
          %swap3A_560 = arith.index_cast %swap3A_559 : i32 to index
          %swap3A_561 = arith.constant 16 : index
          %swap3A_562 = tpu.vector_load %arg19[%swap3A_560, %swap3A_561] {strides = array<i32>} : memref<8x128xi32, #tpu.memory_space<vmem>>, vector<16xi32>,
          tpu.vector_store %arg19[%swap3A_560, %swap3A_561], %get3A_558 {strides = array<i32>} : memref<8x128xi32, #tpu.memory_space<vmem>>, vector<16xi32>,
          %get3A_563 = arith.constant 32 : index
          %get3A_564 = tpu.vector_load %arg18[%get3A_563] {strides = array<i32>} : memref<384xi32, #tpu.memory_space<vmem>>, vector<16xi32>,
          %swap3A_565 = arith.constant 0 : i32
          %swap3A_566 = arith.index_cast %swap3A_565 : i32 to index
          %swap3A_567 = arith.constant 32 : index
          %swap3A_568 = tpu.vector_load %arg19[%swap3A_566, %swap3A_567] {strides = array<i32>} : memref<8x128xi32, #tpu.memory_space<vmem>>, vector<16xi32>,
          tpu.vector_store %arg19[%swap3A_566, %swap3A_567], %get3A_564 {strides = array<i32>} : memref<8x128xi32, #tpu.memory_space<vmem>>, vector<16xi32>,
          %get3A_569 = arith.constant 48 : index
          %get3A_570 = tpu.vector_load %arg18[%get3A_569] {strides = array<i32>} : memref<384xi32, #tpu.memory_space<vmem>>, vector<16xi32>,
          %swap3A_571 = arith.constant 0 : i32
          %swap3A_572 = arith.index_cast %swap3A_571 : i32 to index
          %swap3A_573 = arith.constant 48 : index
          %swap3A_574 = tpu.vector_load %arg19[%swap3A_572, %swap3A_573] {strides = array<i32>} : memref<8x128xi32, #tpu.memory_space<vmem>>, vector<16xi32>,
          tpu.vector_store %arg19[%swap3A_572, %swap3A_573], %get3A_570 {strides = array<i32>} : memref<8x128xi32, #tpu.memory_space<vmem>>, vector<16xi32>,
          %get3A_575 = arith.constant 64 : index
          %get3A_576 = tpu.vector_load %arg18[%get3A_575] {strides = array<i32>} : memref<384xi32, #tpu.memory_space<vmem>>, vector<16xi32>,
          %swap3A_577 = arith.constant 0 : i32
          %swap3A_578 = arith.index_cast %swap3A_577 : i32 to index
          %swap3A_579 = arith.constant 64 : index
          %swap3A_580 = tpu.vector_load %arg19[%swap3A_578, %swap3A_579] {strides = array<i32>} : memref<8x128xi32, #tpu.memory_space<vmem>>, vector<16xi32>,
          tpu.vector_store %arg19[%swap3A_578, %swap3A_579], %get3A_576 {strides = array<i32>} : memref<8x128xi32, #tpu.memory_space<vmem>>, vector<16xi32>,
          %get3A_581 = arith.constant 80 : index
          %get3A_582 = tpu.vector_load %arg18[%get3A_581] {strides = array<i32>} : memref<384xi32, #tpu.memory_space<vmem>>, vector<16xi32>,
          %swap3A_583 = arith.constant 0 : i32
          %swap3A_584 = arith.index_cast %swap3A_583 : i32 to index
          %swap3A_585 = arith.constant 80 : index
          %swap3A_586 = tpu.vector_load %arg19[%swap3A_584, %swap3A_585] {strides = array<i32>} : memref<8x128xi32, #tpu.memory_space<vmem>>, vector<16xi32>,
          tpu.vector_store %arg19[%swap3A_584, %swap3A_585], %get3A_582 {strides = array<i32>} : memref<8x128xi32, #tpu.memory_space<vmem>>, vector<16xi32>,
          %get3A_587 = arith.constant 96 : index
          %get3A_588 = tpu.vector_load %arg18[%get3A_587] {strides = array<i32>} : memref<384xi32, #tpu.memory_space<vmem>>, vector<16xi32>,
          %swap3A_589 = arith.constant 0 : i32
          %swap3A_590 = arith.index_cast %swap3A_589 : i32 to index
          %swap3A_591 = arith.constant 96 : index
          %swap3A_592 = tpu.vector_load %arg19[%swap3A_590, %swap3A_591] {strides = array<i32>} : memref<8x128xi32, #tpu.memory_space<vmem>>, vector<16xi32>,
          tpu.vector_store %arg19[%swap3A_590, %swap3A_591], %get3A_588 {strides = array<i32>} : memref<8x128xi32, #tpu.memory_space<vmem>>, vector<16xi32>,
          %get3A_593 = arith.constant 112 : index
          %get3A_594 = tpu.vector_load %arg18[%get3A_593] {strides = array<i32>} : memref<384xi32, #tpu.memory_space<vmem>>, vector<16xi32>,
          %swap3A_595 = arith.constant 0 : i32
          %swap3A_596 = arith.index_cast %swap3A_595 : i32 to index
          %swap3A_597 = arith.constant 112 : index
          %swap3A_598 = tpu.vector_load %arg19[%swap3A_596, %swap3A_597] {strides = array<i32>} : memref<8x128xi32, #tpu.memory_space<vmem>>, vector<16xi32>,
          tpu.vector_store %arg19[%swap3A_596, %swap3A_597], %get3A_594 {strides = array<i32>} : memref<8x128xi32, #tpu.memory_space<vmem>>, vector<16xi32>,
          %dma_start3A_599 = arith.constant 0 : i32
          %dma_start3A_600 = arith.constant 0 : i32
          %dma_start3A_601 = arith.constant 0 : i32
          %dma_start3A_602 = tpu.memref_slice %arg17[%dma_start3A_600, %dma_start3A_601] : memref<160x128xf32, #tpu.memory_space<vmem>> -> memref<128x128xf32, #tpu.memory_space<vmem>>
          %dma_start3A_603 = arith.constant 0 : i32
          %dma_start3A_604 = tpu.memref_slice %arg19[%dma_start3A_599, %dma_start3A_603] : memref<8x128xi32, #tpu.memory_space<vmem>> -> memref<1x128xi32, #tpu.memory_space<vmem>>
          %dma_start3A_605 = tpu.memref_squeeze %dma_start3A_604 : memref<1x128xi32, #tpu.memory_space<vmem>> -> memref<128xi32, #tpu.memory_space<vmem>>
          %dma_start3A_606 = arith.constant 0 : i32
          %dma_start3A_607 = arith.constant 0 : i32
          %dma_start3A_608 = tpu.memref_slice %arg9[%dma_start3A_606, %dma_start3A_607] : memref<16400x128xf32, #tpu.memory_space<hbm>> -> memref<16400x128xf32, #tpu.memory_space<hbm>>
          tpu.enqueue_indirect_dma source(%dma_start3A_602 : memref<128x128xf32, #tpu.memory_space<vmem>>) target(%dma_start3A_608 : memref<16400x128xf32, #tpu.memory_space<hbm>>) offsets(%dma_start3A_605 : memref<128xi32, #tpu.memory_space<vmem>>) semaphore(%arg22 : memref<!tpu.dma_semaphore, #tpu.memory_space<semaphore_mem>>)
          %dma_wait3A_609 = arith.constant 0 : i32
          %dma_wait3A_610 = arith.constant 0 : i32
          %dma_wait3A_611 = arith.constant 0 : i32
          %dma_wait3A_612 = tpu.memref_slice %arg17[%dma_wait3A_610, %dma_wait3A_611] : memref<160x128xf32, #tpu.memory_space<vmem>> -> memref<128x128xf32, #tpu.memory_space<vmem>>
          %dma_wait3A_613 = arith.constant 0 : i32
          %dma_wait3A_614 = tpu.memref_slice %arg19[%dma_wait3A_609, %dma_wait3A_613] : memref<8x128xi32, #tpu.memory_space<vmem>> -> memref<1x128xi32, #tpu.memory_space<vmem>>
          %dma_wait3A_615 = tpu.memref_squeeze %dma_wait3A_614 : memref<1x128xi32, #tpu.memory_space<vmem>> -> memref<128xi32, #tpu.memory_space<vmem>>
          %dma_wait3A_616 = arith.constant 0 : i32
          %dma_wait3A_617 = arith.constant 0 : i32
          %dma_wait3A_618 = tpu.memref_slice %arg9[%dma_wait3A_616, %dma_wait3A_617] : memref<16400x128xf32, #tpu.memory_space<hbm>> -> memref<16400x128xf32, #tpu.memory_space<hbm>>
          tpu.wait_indirect_dma semaphore(%arg22 : memref<!tpu.dma_semaphore, #tpu.memory_space<semaphore_mem>>) src(%dma_wait3A_612 : memref<128x128xf32, #tpu.memory_space<vmem>>) dst(%dma_wait3A_618 : memref<16400x128xf32, #tpu.memory_space<hbm>>)
          %sub3A_619 = arith.constant 128 : i32
          %sub3A_620 = arith.subi %add3A_541, %sub3A_619 : i32
          %while3A_621 = arith.constant 0 : i32
          %while3A_622 = arith.constant 0 : i32
          %while3A_623 = arith.subi %sub3A_620, %while3A_621 : i32
          %while3A_624 = arith.addi %while3A_621, %while3A_623 : i32
          %while3A_625 = arith.constant 1 : i32
          %while3A_626 = arith.divsi %while3A_623, %while3A_625 : i32
          %while3A_627 = arith.muli %while3A_626, %while3A_625 : i32
          %while3A_628 = arith.addi %while3A_621, %while3A_627 : i32
          %while3A_629 = arith.constant 1 : i32
          %while3A_630 = scf.for %while3A_637 = %while3A_621 to %while3A_628 step %while3A_629 iter_args(%while3A_638 = %while3A_622) -> (i32)  : i32 {
            %add3A_639 = arith.constant 128 : i32
            %add3A_640 = arith.addi %add3A_639, %while3A_637 : i32
            %get3A_641 = arith.index_cast %add3A_640 : i32 to index
            %get3A_642 = arith.constant 0 : index
            %get3A_643 = tpu.vector_load %arg17[%get3A_641, %get3A_642] {strides = array<i32>} : memref<160x128xf32, #tpu.memory_space<vmem>>, vector<16xf32>,
            %swap3A_644 = arith.index_cast %while3A_637 : i32 to index
            %swap3A_645 = arith.constant 0 : index
            %swap3A_646 = tpu.vector_load %arg17[%swap3A_644, %swap3A_645] {strides = array<i32>} : memref<160x128xf32, #tpu.memory_space<vmem>>, vector<16xf32>,
            tpu.vector_store %arg17[%swap3A_644, %swap3A_645], %get3A_643 {strides = array<i32>} : memref<160x128xf32, #tpu.memory_space<vmem>>, vector<16xf32>,
            %add3A_647 = arith.constant 128 : i32
            %add3A_648 = arith.addi %add3A_647, %while3A_637 : i32
            %get3A_649 = arith.index_cast %add3A_648 : i32 to index
            %get3A_650 = arith.constant 16 : index
            %get3A_651 = tpu.vector_load %arg17[%get3A_649, %get3A_650] {strides = array<i32>} : memref<160x128xf32, #tpu.memory_space<vmem>>, vector<16xf32>,
            %swap3A_652 = arith.index_cast %while3A_637 : i32 to index
            %swap3A_653 = arith.constant 16 : index
            %swap3A_654 = tpu.vector_load %arg17[%swap3A_652, %swap3A_653] {strides = array<i32>} : memref<160x128xf32, #tpu.memory_space<vmem>>, vector<16xf32>,
            tpu.vector_store %arg17[%swap3A_652, %swap3A_653], %get3A_651 {strides = array<i32>} : memref<160x128xf32, #tpu.memory_space<vmem>>, vector<16xf32>,
            %add3A_655 = arith.constant 128 : i32
            %add3A_656 = arith.addi %add3A_655, %while3A_637 : i32
            %get3A_657 = arith.index_cast %add3A_656 : i32 to index
            %get3A_658 = arith.constant 32 : index
            %get3A_659 = tpu.vector_load %arg17[%get3A_657, %get3A_658] {strides = array<i32>} : memref<160x128xf32, #tpu.memory_space<vmem>>, vector<16xf32>,
            %swap3A_660 = arith.index_cast %while3A_637 : i32 to index
            %swap3A_661 = arith.constant 32 : index
            %swap3A_662 = tpu.vector_load %arg17[%swap3A_660, %swap3A_661] {strides = array<i32>} : memref<160x128xf32, #tpu.memory_space<vmem>>, vector<16xf32>,
            tpu.vector_store %arg17[%swap3A_660, %swap3A_661], %get3A_659 {strides = array<i32>} : memref<160x128xf32, #tpu.memory_space<vmem>>, vector<16xf32>,
            %add3A_663 = arith.constant 128 : i32
            %add3A_664 = arith.addi %add3A_663, %while3A_637 : i32
            %get3A_665 = arith.index_cast %add3A_664 : i32 to index
            %get3A_666 = arith.constant 48 : index
            %get3A_667 = tpu.vector_load %arg17[%get3A_665, %get3A_666] {strides = array<i32>} : memref<160x128xf32, #tpu.memory_space<vmem>>, vector<16xf32>,
            %swap3A_668 = arith.index_cast %while3A_637 : i32 to index
            %swap3A_669 = arith.constant 48 : index
            %swap3A_670 = tpu.vector_load %arg17[%swap3A_668, %swap3A_669] {strides = array<i32>} : memref<160x128xf32, #tpu.memory_space<vmem>>, vector<16xf32>,
            tpu.vector_store %arg17[%swap3A_668, %swap3A_669], %get3A_667 {strides = array<i32>} : memref<160x128xf32, #tpu.memory_space<vmem>>, vector<16xf32>,
            %add3A_671 = arith.constant 128 : i32
            %add3A_672 = arith.addi %add3A_671, %while3A_637 : i32
            %get3A_673 = arith.index_cast %add3A_672 : i32 to index
            %get3A_674 = arith.constant 64 : index
            %get3A_675 = tpu.vector_load %arg17[%get3A_673, %get3A_674] {strides = array<i32>} : memref<160x128xf32, #tpu.memory_space<vmem>>, vector<16xf32>,
            %swap3A_676 = arith.index_cast %while3A_637 : i32 to index
            %swap3A_677 = arith.constant 64 : index
            %swap3A_678 = tpu.vector_load %arg17[%swap3A_676, %swap3A_677] {strides = array<i32>} : memref<160x128xf32, #tpu.memory_space<vmem>>, vector<16xf32>,
            tpu.vector_store %arg17[%swap3A_676, %swap3A_677], %get3A_675 {strides = array<i32>} : memref<160x128xf32, #tpu.memory_space<vmem>>, vector<16xf32>,
            %add3A_679 = arith.constant 128 : i32
            %add3A_680 = arith.addi %add3A_679, %while3A_637 : i32
            %get3A_681 = arith.index_cast %add3A_680 : i32 to index
            %get3A_682 = arith.constant 80 : index
            %get3A_683 = tpu.vector_load %arg17[%get3A_681, %get3A_682] {strides = array<i32>} : memref<160x128xf32, #tpu.memory_space<vmem>>, vector<16xf32>,
            %swap3A_684 = arith.index_cast %while3A_637 : i32 to index
            %swap3A_685 = arith.constant 80 : index
            %swap3A_686 = tpu.vector_load %arg17[%swap3A_684, %swap3A_685] {strides = array<i32>} : memref<160x128xf32, #tpu.memory_space<vmem>>, vector<16xf32>,
            tpu.vector_store %arg17[%swap3A_684, %swap3A_685], %get3A_683 {strides = array<i32>} : memref<160x128xf32, #tpu.memory_space<vmem>>, vector<16xf32>,
            %add3A_687 = arith.constant 128 : i32
            %add3A_688 = arith.addi %add3A_687, %while3A_637 : i32
            %get3A_689 = arith.index_cast %add3A_688 : i32 to index
            %get3A_690 = arith.constant 96 : index
            %get3A_691 = tpu.vector_load %arg17[%get3A_689, %get3A_690] {strides = array<i32>} : memref<160x128xf32, #tpu.memory_space<vmem>>, vector<16xf32>,
            %swap3A_692 = arith.index_cast %while3A_637 : i32 to index
            %swap3A_693 = arith.constant 96 : index
            %swap3A_694 = tpu.vector_load %arg17[%swap3A_692, %swap3A_693] {strides = array<i32>} : memref<160x128xf32, #tpu.memory_space<vmem>>, vector<16xf32>,
            tpu.vector_store %arg17[%swap3A_692, %swap3A_693], %get3A_691 {strides = array<i32>} : memref<160x128xf32, #tpu.memory_space<vmem>>, vector<16xf32>,
            %add3A_695 = arith.constant 128 : i32
            %add3A_696 = arith.addi %add3A_695, %while3A_637 : i32
            %get3A_697 = arith.index_cast %add3A_696 : i32 to index
            %get3A_698 = arith.constant 112 : index
            %get3A_699 = tpu.vector_load %arg17[%get3A_697, %get3A_698] {strides = array<i32>} : memref<160x128xf32, #tpu.memory_space<vmem>>, vector<16xf32>,
            %swap3A_700 = arith.index_cast %while3A_637 : i32 to index
            %swap3A_701 = arith.constant 112 : index
            %swap3A_702 = tpu.vector_load %arg17[%swap3A_700, %swap3A_701] {strides = array<i32>} : memref<160x128xf32, #tpu.memory_space<vmem>>, vector<16xf32>,
            tpu.vector_store %arg17[%swap3A_700, %swap3A_701], %get3A_699 {strides = array<i32>} : memref<160x128xf32, #tpu.memory_space<vmem>>, vector<16xf32>,
            %while3A_703 = arith.constant 0 : i32
            scf.yield %while3A_703 : i32
          }
          %while3A_631 = arith.constant 1 : i32
          %while3A_632 = scf.for %while3A_637 = %while3A_628 to %while3A_624 step %while3A_631 iter_args(%while3A_638 = %while3A_630) -> (i32)  : i32 {
            %add3A_639 = arith.constant 128 : i32
            %add3A_640 = arith.addi %add3A_639, %while3A_637 : i32
            %get3A_641 = arith.index_cast %add3A_640 : i32 to index
            %get3A_642 = arith.constant 0 : index
            %get3A_643 = tpu.vector_load %arg17[%get3A_641, %get3A_642] {strides = array<i32>} : memref<160x128xf32, #tpu.memory_space<vmem>>, vector<16xf32>,
            %swap3A_644 = arith.index_cast %while3A_637 : i32 to index
            %swap3A_645 = arith.constant 0 : index
            %swap3A_646 = tpu.vector_load %arg17[%swap3A_644, %swap3A_645] {strides = array<i32>} : memref<160x128xf32, #tpu.memory_space<vmem>>, vector<16xf32>,
            tpu.vector_store %arg17[%swap3A_644, %swap3A_645], %get3A_643 {strides = array<i32>} : memref<160x128xf32, #tpu.memory_space<vmem>>, vector<16xf32>,
            %add3A_647 = arith.constant 128 : i32
            %add3A_648 = arith.addi %add3A_647, %while3A_637 : i32
            %get3A_649 = arith.index_cast %add3A_648 : i32 to index
            %get3A_650 = arith.constant 16 : index
            %get3A_651 = tpu.vector_load %arg17[%get3A_649, %get3A_650] {strides = array<i32>} : memref<160x128xf32, #tpu.memory_space<vmem>>, vector<16xf32>,
            %swap3A_652 = arith.index_cast %while3A_637 : i32 to index
            %swap3A_653 = arith.constant 16 : index
            %swap3A_654 = tpu.vector_load %arg17[%swap3A_652, %swap3A_653] {strides = array<i32>} : memref<160x128xf32, #tpu.memory_space<vmem>>, vector<16xf32>,
            tpu.vector_store %arg17[%swap3A_652, %swap3A_653], %get3A_651 {strides = array<i32>} : memref<160x128xf32, #tpu.memory_space<vmem>>, vector<16xf32>,
            %add3A_655 = arith.constant 128 : i32
            %add3A_656 = arith.addi %add3A_655, %while3A_637 : i32
            %get3A_657 = arith.index_cast %add3A_656 : i32 to index
            %get3A_658 = arith.constant 32 : index
            %get3A_659 = tpu.vector_load %arg17[%get3A_657, %get3A_658] {strides = array<i32>} : memref<160x128xf32, #tpu.memory_space<vmem>>, vector<16xf32>,
            %swap3A_660 = arith.index_cast %while3A_637 : i32 to index
            %swap3A_661 = arith.constant 32 : index
            %swap3A_662 = tpu.vector_load %arg17[%swap3A_660, %swap3A_661] {strides = array<i32>} : memref<160x128xf32, #tpu.memory_space<vmem>>, vector<16xf32>,
            tpu.vector_store %arg17[%swap3A_660, %swap3A_661], %get3A_659 {strides = array<i32>} : memref<160x128xf32, #tpu.memory_space<vmem>>, vector<16xf32>,
            %add3A_663 = arith.constant 128 : i32
            %add3A_664 = arith.addi %add3A_663, %while3A_637 : i32
            %get3A_665 = arith.index_cast %add3A_664 : i32 to index
            %get3A_666 = arith.constant 48 : index
            %get3A_667 = tpu.vector_load %arg17[%get3A_665, %get3A_666] {strides = array<i32>} : memref<160x128xf32, #tpu.memory_space<vmem>>, vector<16xf32>,
            %swap3A_668 = arith.index_cast %while3A_637 : i32 to index
            %swap3A_669 = arith.constant 48 : index
            %swap3A_670 = tpu.vector_load %arg17[%swap3A_668, %swap3A_669] {strides = array<i32>} : memref<160x128xf32, #tpu.memory_space<vmem>>, vector<16xf32>,
            tpu.vector_store %arg17[%swap3A_668, %swap3A_669], %get3A_667 {strides = array<i32>} : memref<160x128xf32, #tpu.memory_space<vmem>>, vector<16xf32>,
            %add3A_671 = arith.constant 128 : i32
            %add3A_672 = arith.addi %add3A_671, %while3A_637 : i32
            %get3A_673 = arith.index_cast %add3A_672 : i32 to index
            %get3A_674 = arith.constant 64 : index
            %get3A_675 = tpu.vector_load %arg17[%get3A_673, %get3A_674] {strides = array<i32>} : memref<160x128xf32, #tpu.memory_space<vmem>>, vector<16xf32>,
            %swap3A_676 = arith.index_cast %while3A_637 : i32 to index
            %swap3A_677 = arith.constant 64 : index
            %swap3A_678 = tpu.vector_load %arg17[%swap3A_676, %swap3A_677] {strides = array<i32>} : memref<160x128xf32, #tpu.memory_space<vmem>>, vector<16xf32>,
            tpu.vector_store %arg17[%swap3A_676, %swap3A_677], %get3A_675 {strides = array<i32>} : memref<160x128xf32, #tpu.memory_space<vmem>>, vector<16xf32>,
            %add3A_679 = arith.constant 128 : i32
            %add3A_680 = arith.addi %add3A_679, %while3A_637 : i32
            %get3A_681 = arith.index_cast %add3A_680 : i32 to index
            %get3A_682 = arith.constant 80 : index
            %get3A_683 = tpu.vector_load %arg17[%get3A_681, %get3A_682] {strides = array<i32>} : memref<160x128xf32, #tpu.memory_space<vmem>>, vector<16xf32>,
            %swap3A_684 = arith.index_cast %while3A_637 : i32 to index
            %swap3A_685 = arith.constant 80 : index
            %swap3A_686 = tpu.vector_load %arg17[%swap3A_684, %swap3A_685] {strides = array<i32>} : memref<160x128xf32, #tpu.memory_space<vmem>>, vector<16xf32>,
            tpu.vector_store %arg17[%swap3A_684, %swap3A_685], %get3A_683 {strides = array<i32>} : memref<160x128xf32, #tpu.memory_space<vmem>>, vector<16xf32>,
            %add3A_687 = arith.constant 128 : i32
            %add3A_688 = arith.addi %add3A_687, %while3A_637 : i32
            %get3A_689 = arith.index_cast %add3A_688 : i32 to index
            %get3A_690 = arith.constant 96 : index
            %get3A_691 = tpu.vector_load %arg17[%get3A_689, %get3A_690] {strides = array<i32>} : memref<160x128xf32, #tpu.memory_space<vmem>>, vector<16xf32>,
            %swap3A_692 = arith.index_cast %while3A_637 : i32 to index
            %swap3A_693 = arith.constant 96 : index
            %swap3A_694 = tpu.vector_load %arg17[%swap3A_692, %swap3A_693] {strides = array<i32>} : memref<160x128xf32, #tpu.memory_space<vmem>>, vector<16xf32>,
            tpu.vector_store %arg17[%swap3A_692, %swap3A_693], %get3A_691 {strides = array<i32>} : memref<160x128xf32, #tpu.memory_space<vmem>>, vector<16xf32>,
            %add3A_695 = arith.constant 128 : i32
            %add3A_696 = arith.addi %add3A_695, %while3A_637 : i32
            %get3A_697 = arith.index_cast %add3A_696 : i32 to index
            %get3A_698 = arith.constant 112 : index
            %get3A_699 = tpu.vector_load %arg17[%get3A_697, %get3A_698] {strides = array<i32>} : memref<160x128xf32, #tpu.memory_space<vmem>>, vector<16xf32>,
            %swap3A_700 = arith.index_cast %while3A_637 : i32 to index
            %swap3A_701 = arith.constant 112 : index
            %swap3A_702 = tpu.vector_load %arg17[%swap3A_700, %swap3A_701] {strides = array<i32>} : memref<160x128xf32, #tpu.memory_space<vmem>>, vector<16xf32>,
            tpu.vector_store %arg17[%swap3A_700, %swap3A_701], %get3A_699 {strides = array<i32>} : memref<160x128xf32, #tpu.memory_space<vmem>>, vector<16xf32>,
            %while3A_703 = arith.constant 0 : i32
            scf.yield %while3A_703 : i32
          }
          %get3A_633 = arith.constant 128 : index
          %get3A_634 = tpu.vector_load %arg18[%get3A_633] {strides = array<i32>} : memref<384xi32, #tpu.memory_space<vmem>>, vector<16xi32>,
          %swap3A_635 = arith.constant 0 : index
          %swap3A_636 = tpu.vector_load %arg18[%swap3A_635] {strides = array<i32>} : memref<384xi32, #tpu.memory_space<vmem>>, vector<16xi32>,
          tpu.vector_store %arg18[%swap3A_635], %get3A_634 {strides = array<i32>} : memref<384xi32, #tpu.memory_space<vmem>>, vector<16xi32>,
        } else {
        }
        %ge3A_546 = arith.constant 128 : i32
        %ge3A_547 = arith.cmpi sge, %add3A_541, %ge3A_546 : i32
        %sub3A_548 = arith.constant 128 : i32
        %sub3A_549 = arith.subi %add3A_541, %sub3A_548 : i32
        %select_n3A_550 = arith.select %ge3A_547, %sub3A_549, %add3A_541 : i32
        scf.yield %select_n3A_550 : i32
      }
      %add3A_480 = arith.constant 1 : i32
      %add3A_481 = arith.addi %while3A_448, %add3A_480 : i32
      %lt3A_482 = arith.cmpi slt, %add3A_481, %select_n3A_341 : i32
      %convert_element_type3A_483 = arith.extui %lt3A_482 : i1 to i32
      %cond3A_484 = arith.constant 0 : i32
      %cond3A_485 = arith.cmpi ne, %convert_element_type3A_483, %cond3A_484 : i32
      scf.if %cond3A_485 {
        %add3A_524 = arith.constant 2 : i32
        %add3A_525 = arith.addi %add3A_452, %add3A_524 : i32
        %lt3A_526 = arith.constant 781 : i32
        %lt3A_527 = arith.cmpi slt, %add3A_525, %lt3A_526 : i32
        %convert_element_type3A_528 = arith.extui %lt3A_527 : i1 to i32
        %cond3A_529 = arith.constant 0 : i32
        %cond3A_530 = arith.cmpi ne, %convert_element_type3A_528, %cond3A_529 : i32
        scf.if %cond3A_530 {
          %eq3A_536 = arith.constant 0 : i32
          %eq3A_537 = arith.cmpi eq, %select_n3A_9, %eq3A_536 : i32
          %convert_element_type3A_538 = arith.extui %eq3A_537 : i1 to i32
          %cond3A_539 = arith.constant 0 : i32
          %cond3A_540 = arith.cmpi ne, %convert_element_type3A_538, %cond3A_539 : i32
          scf.if %cond3A_540 {
            %mul3A_556 = arith.constant 128 : i32
            %mul3A_557 = arith.muli %add3A_525, %mul3A_556 : i32
            %dma_start3A_558 = arith.constant 0 : i32
            %dma_start3A_559 = tpu.memref_slice %arg4[%dma_start3A_558, %mul3A_557] : memref<64x100000xf32, #tpu.memory_space<hbm>> -> memref<64x128xf32, #tpu.memory_space<hbm>>
            %dma_start3A_560 = arith.constant 0 : i32
            %dma_start3A_561 = tpu.memref_slice %arg4[%dma_start3A_560, %mul3A_557] : memref<64x100000xf32, #tpu.memory_space<hbm>> -> memref<64x128xf32, #tpu.memory_space<hbm>>
            tpu.enqueue_dma source(%dma_start3A_561 : memref<64x128xf32, #tpu.memory_space<hbm>>) target(%arg15 : memref<64x128xf32, #tpu.memory_space<vmem>>) target_semaphore(%arg20 : memref<!tpu.dma_semaphore, #tpu.memory_space<semaphore_mem>>)
          } else {
          }
          %eq3A_541 = arith.constant 1 : i32
          %eq3A_542 = arith.cmpi eq, %select_n3A_9, %eq3A_541 : i32
          %convert_element_type3A_543 = arith.extui %eq3A_542 : i1 to i32
          %cond3A_544 = arith.constant 0 : i32
          %cond3A_545 = arith.cmpi ne, %convert_element_type3A_543, %cond3A_544 : i32
          scf.if %cond3A_545 {
            %mul3A_556 = arith.constant 128 : i32
            %mul3A_557 = arith.muli %add3A_525, %mul3A_556 : i32
            %dma_start3A_558 = arith.constant 0 : i32
            %dma_start3A_559 = tpu.memref_slice %arg5[%dma_start3A_558, %mul3A_557] : memref<64x100000xf32, #tpu.memory_space<hbm>> -> memref<64x128xf32, #tpu.memory_space<hbm>>
            %dma_start3A_560 = arith.constant 0 : i32
            %dma_start3A_561 = tpu.memref_slice %arg5[%dma_start3A_560, %mul3A_557] : memref<64x100000xf32, #tpu.memory_space<hbm>> -> memref<64x128xf32, #tpu.memory_space<hbm>>
            tpu.enqueue_dma source(%dma_start3A_561 : memref<64x128xf32, #tpu.memory_space<hbm>>) target(%arg15 : memref<64x128xf32, #tpu.memory_space<vmem>>) target_semaphore(%arg20 : memref<!tpu.dma_semaphore, #tpu.memory_space<semaphore_mem>>)
          } else {
          }
          %eq3A_546 = arith.constant 2 : i32
          %eq3A_547 = arith.cmpi eq, %select_n3A_9, %eq3A_546 : i32
          %convert_element_type3A_548 = arith.extui %eq3A_547 : i1 to i32
          %cond3A_549 = arith.constant 0 : i32
          %cond3A_550 = arith.cmpi ne, %convert_element_type3A_548, %cond3A_549 : i32
          scf.if %cond3A_550 {
            %mul3A_556 = arith.constant 128 : i32
            %mul3A_557 = arith.muli %add3A_525, %mul3A_556 : i32
            %dma_start3A_558 = arith.constant 0 : i32
            %dma_start3A_559 = tpu.memref_slice %arg6[%dma_start3A_558, %mul3A_557] : memref<64x100000xf32, #tpu.memory_space<hbm>> -> memref<64x128xf32, #tpu.memory_space<hbm>>
            %dma_start3A_560 = arith.constant 0 : i32
            %dma_start3A_561 = tpu.memref_slice %arg6[%dma_start3A_560, %mul3A_557] : memref<64x100000xf32, #tpu.memory_space<hbm>> -> memref<64x128xf32, #tpu.memory_space<hbm>>
            tpu.enqueue_dma source(%dma_start3A_561 : memref<64x128xf32, #tpu.memory_space<hbm>>) target(%arg15 : memref<64x128xf32, #tpu.memory_space<vmem>>) target_semaphore(%arg20 : memref<!tpu.dma_semaphore, #tpu.memory_space<semaphore_mem>>)
          } else {
          }
          %eq3A_551 = arith.constant 3 : i32
          %eq3A_552 = arith.cmpi eq, %select_n3A_9, %eq3A_551 : i32
          %convert_element_type3A_553 = arith.extui %eq3A_552 : i1 to i32
          %cond3A_554 = arith.constant 0 : i32
          %cond3A_555 = arith.cmpi ne, %convert_element_type3A_553, %cond3A_554 : i32
          scf.if %cond3A_555 {
            %mul3A_556 = arith.constant 128 : i32
            %mul3A_557 = arith.muli %add3A_525, %mul3A_556 : i32
            %dma_start3A_558 = arith.constant 0 : i32
            %dma_start3A_559 = tpu.memref_slice %arg7[%dma_start3A_558, %mul3A_557] : memref<64x100000xf32, #tpu.memory_space<hbm>> -> memref<64x128xf32, #tpu.memory_space<hbm>>
            %dma_start3A_560 = arith.constant 0 : i32
            %dma_start3A_561 = tpu.memref_slice %arg7[%dma_start3A_560, %mul3A_557] : memref<64x100000xf32, #tpu.memory_space<hbm>> -> memref<64x128xf32, #tpu.memory_space<hbm>>
            tpu.enqueue_dma source(%dma_start3A_561 : memref<64x128xf32, #tpu.memory_space<hbm>>) target(%arg15 : memref<64x128xf32, #tpu.memory_space<vmem>>) target_semaphore(%arg20 : memref<!tpu.dma_semaphore, #tpu.memory_space<semaphore_mem>>)
          } else {
          }
        } else {
        }
        %eq3A_531 = arith.constant 781 : i32
        %eq3A_532 = arith.cmpi eq, %add3A_525, %eq3A_531 : i32
        %convert_element_type3A_533 = arith.extui %eq3A_532 : i1 to i32
        %cond3A_534 = arith.constant 0 : i32
        %cond3A_535 = arith.cmpi ne, %convert_element_type3A_533, %cond3A_534 : i32
        scf.if %cond3A_535 {
          tpu.enqueue_dma source(%arg8 : memref<64x128xf32, #tpu.memory_space<hbm>>) target(%arg15 : memref<64x128xf32, #tpu.memory_space<vmem>>) target_semaphore(%arg20 : memref<!tpu.dma_semaphore, #tpu.memory_space<semaphore_mem>>)
        } else {
        }
      } else {
      }
      tpu.wait_dma2 semaphore(%arg21 : memref<!tpu.dma_semaphore, #tpu.memory_space<semaphore_mem>>) src(%arg8 : memref<64x128xf32, #tpu.memory_space<hbm>>) dst(%arg16 : memref<64x128xf32, #tpu.memory_space<vmem>>)
      %add3A_486 = arith.constant 1 : i32
      %add3A_487 = arith.addi %add3A_452, %add3A_486 : i32
      %and3A_488 = arith.constant 15 : i32
      %and3A_489 = arith.andi %add3A_487, %and3A_488 : i32
      %get3A_490 = arith.index_cast %and3A_489 : i32 to index
      %get3A_491 = tpu.vector_load %arg14[%get3A_490] {strides = array<i32>} : memref<128xi32, #tpu.memory_space<vmem>>, vector<16xi32>,
      %slice3A_492 = vector.extract_strided_slice %get3A_491 {offsets = [0], sizes = [1], strides = [1]} : vector<16xi32> to vector<1xi32>
      %squeeze3A_493 = vector.extract %slice3A_492[0] : i32 from vector<1xi32>
      %add3A_494 = arith.constant 16 : i32
      %add3A_495 = arith.addi %add3A_494, %and3A_489 : i32
      %get3A_496 = arith.index_cast %add3A_495 : i32 to index
      %get3A_497 = tpu.vector_load %arg14[%get3A_496] {strides = array<i32>} : memref<128xi32, #tpu.memory_space<vmem>>, vector<16xi32>,
      %slice3A_498 = vector.extract_strided_slice %get3A_497 {offsets = [0], sizes = [1], strides = [1]} : vector<16xi32> to vector<1xi32>
      %squeeze3A_499 = vector.extract %slice3A_498[0] : i32 from vector<1xi32>
      %shift_right_arithmetic3A_500 = arith.constant 4 : i32
      %shift_right_arithmetic3A_501 = arith.shrsi %squeeze3A_493, %shift_right_arithmetic3A_500 : i32
      %add3A_502 = arith.constant 16 : i32
      %add3A_503 = arith.addi %squeeze3A_499, %add3A_502 : i32
      %sub3A_504 = arith.constant 1 : i32
      %sub3A_505 = arith.subi %add3A_503, %sub3A_504 : i32
      %shift_right_arithmetic3A_506 = arith.constant 4 : i32
      %shift_right_arithmetic3A_507 = arith.shrsi %sub3A_505, %shift_right_arithmetic3A_506 : i32
      %while3A_508 = arith.subi %shift_right_arithmetic3A_507, %shift_right_arithmetic3A_501 : i32
      %while3A_509 = arith.addi %shift_right_arithmetic3A_501, %while3A_508 : i32
      %while3A_510 = arith.constant 1 : i32
      %while3A_511 = arith.divsi %while3A_508, %while3A_510 : i32
      %while3A_512 = arith.muli %while3A_511, %while3A_510 : i32
      %while3A_513 = arith.addi %shift_right_arithmetic3A_501, %while3A_512 : i32
      %while3A_514 = arith.constant 1 : i32
      %while3A_515 = scf.for %while3A_524 = %shift_right_arithmetic3A_501 to %while3A_513 step %while3A_514 iter_args(%while3A_525 = %while3A_479) -> (i32)  : i32 {
        %mul3A_526 = arith.constant 16 : i32
        %mul3A_527 = arith.muli %while3A_524, %mul3A_526 : i32
        %get3A_528 = arith.index_cast %mul3A_527 : i32 to index
        %get3A_529 = tpu.vector_load %arg10[%get3A_528] {strides = array<i32>} : memref<16384xi32, #tpu.memory_space<vmem>>, vector<16xi32>,
        %shift_right_arithmetic3A_530 = arith.constant 7 : i32
        %shift_right_arithmetic3A_531 = vector.broadcast %shift_right_arithmetic3A_530 : i32 to vector<16xi32>
        %shift_right_arithmetic3A_532 = arith.shrsi %get3A_529, %shift_right_arithmetic3A_531 : vector<16xi32>
        %eq3A_533 = vector.broadcast %add3A_487 : i32 to vector<16xi32>
        %eq3A_534 = arith.cmpi eq, %shift_right_arithmetic3A_532, %eq3A_533 : vector<16xi32>
        %all_reduce_population_count3A = tpu.all_reduce %eq3A_534 {dim = 0 : i64, kind = #tpu.reduction_kind<sum>} : vector<16xi1> -> vector<16xi32>
        %slice3A_535 = vector.extract_strided_slice %all_reduce_population_count3A {offsets = [0], sizes = [1], strides = [1]} : vector<16xi32> to vector<1xi32>
        %squeeze3A_536 = vector.extract %slice3A_535[0] : i32 from vector<1xi32>
        %gt3A = arith.constant 0 : i32
        %gt3A_537 = arith.cmpi sgt, %squeeze3A_536, %gt3A : i32
        %convert_element_type3A_538 = arith.extui %gt3A_537 : i1 to i32
        %cond3A_539 = arith.constant 0 : i32
        %cond3A_540 = arith.cmpi ne, %convert_element_type3A_538, %cond3A_539 : i32
        scf.if %cond3A_540 {
          %and3A_551 = arith.constant 127 : i32
          %and3A_552 = vector.broadcast %and3A_551 : i32 to vector<16xi32>
          %and3A_553 = arith.andi %get3A_529, %and3A_552 : vector<16xi32>
          %mul3A_554 = arith.constant 16 : i32
          %mul3A_555 = arith.muli %while3A_524, %mul3A_554 : i32
          %get3A_556 = arith.index_cast %mul3A_555 : i32 to index
          %get3A_557 = tpu.vector_load %arg11[%get3A_556] {strides = array<i32>} : memref<16384xi32, #tpu.memory_space<vmem>>, vector<16xi32>,
          %convert_element_type3A_558 = arith.extui %eq3A_534 : vector<16xi1> to vector<16xi32>
          %broadcast_in_dim3A_559 = arith.constant true
          %broadcast_in_dim3A_560 = vector.broadcast %broadcast_in_dim3A_559 : i1 to vector<16xi1>
          %masked_cumsum3A = tpu.scan <sum>, %convert_element_type3A_558 masked %broadcast_in_dim3A_560 : vector<16xi32>, vector<16xi1> -> vector<16xi32>
          %add3A_561 = vector.broadcast %while3A_525 : i32 to vector<16xi32>
          %add3A_562 = arith.addi %add3A_561, %masked_cumsum3A : vector<16xi32>
          %sub3A_563 = arith.constant 1 : i32
          %sub3A_564 = vector.broadcast %sub3A_563 : i32 to vector<16xi32>
          %sub3A_565 = arith.subi %add3A_562, %sub3A_564 : vector<16xi32>
          %jit3A_566 = arith.constant 152 : i32
          %broadcast_in_dim3A_567 = vector.broadcast %jit3A_566 : i32 to vector<16xi32>
          %select_n3A_568 = arith.select %eq3A_534, %sub3A_565, %broadcast_in_dim3A_567 : vector<16xi1>, vector<16xi32>
          tpu.vector_store_idx %arg18[%select_n3A_568], %get3A_557 : memref<384xi32, #tpu.memory_space<vmem>>[vector<16xi32>], vector<16xi32>,
          %scan3A_569 = arith.constant 0 : i32
          %scan3A_570 = arith.constant 0 : i32
          %scan3A_571 = arith.constant 64 : i32
          %scan3A_572 = arith.addi %scan3A_570, %scan3A_571 : i32
          %scan3A_573 = arith.constant 4 : i32
          %scan3A_574 = scf.for %scan3A_576 = %scan3A_570 to %scan3A_572 step %scan3A_573 iter_args(%scan3A_577 = %scan3A_569) -> (i32)  : i32 {
            %broadcast_in_dim3A_578 = arith.constant 0 : i32
            %broadcast_in_dim3A_579 = vector.broadcast %broadcast_in_dim3A_578 : i32 to vector<16xi32>
            %add3A_580 = vector.broadcast %scan3A_576 : i32 to vector<16xi32>
            %add3A_581 = arith.addi %broadcast_in_dim3A_579, %add3A_580 : vector<16xi32>
            %gather3A = tpu.vector_load_idx %arg16[%add3A_581, %and3A_553] : memref<64x128xf32, #tpu.memory_space<vmem>>[vector<16xi32>, vector<16xi32>], vector<16xf32>,
            tpu.vector_store_idx %arg17[%select_n3A_568, %add3A_581], %gather3A : memref<160x128xf32, #tpu.memory_space<vmem>>[vector<16xi32>, vector<16xi32>], vector<16xf32>,
            %scan3A_582 = arith.constant 0 : i32
            %scan3A_583 = arith.constant 1 : i32
            %scan3A_584 = arith.addi %scan3A_576, %scan3A_583 : i32
            %broadcast_in_dim3A_585 = arith.constant 0 : i32
            %broadcast_in_dim3A_586 = vector.broadcast %broadcast_in_dim3A_585 : i32 to vector<16xi32>
            %add3A_587 = vector.broadcast %scan3A_584 : i32 to vector<16xi32>
            %add3A_588 = arith.addi %broadcast_in_dim3A_586, %add3A_587 : vector<16xi32>
            %gather3A_589 = tpu.vector_load_idx %arg16[%add3A_588, %and3A_553] : memref<64x128xf32, #tpu.memory_space<vmem>>[vector<16xi32>, vector<16xi32>], vector<16xf32>,
            tpu.vector_store_idx %arg17[%select_n3A_568, %add3A_588], %gather3A_589 : memref<160x128xf32, #tpu.memory_space<vmem>>[vector<16xi32>, vector<16xi32>], vector<16xf32>,
            %scan3A_590 = arith.constant 0 : i32
            %scan3A_591 = arith.constant 2 : i32
            %scan3A_592 = arith.addi %scan3A_576, %scan3A_591 : i32
            %broadcast_in_dim3A_593 = arith.constant 0 : i32
            %broadcast_in_dim3A_594 = vector.broadcast %broadcast_in_dim3A_593 : i32 to vector<16xi32>
            %add3A_595 = vector.broadcast %scan3A_592 : i32 to vector<16xi32>
            %add3A_596 = arith.addi %broadcast_in_dim3A_594, %add3A_595 : vector<16xi32>
            %gather3A_597 = tpu.vector_load_idx %arg16[%add3A_596, %and3A_553] : memref<64x128xf32, #tpu.memory_space<vmem>>[vector<16xi32>, vector<16xi32>], vector<16xf32>,
            tpu.vector_store_idx %arg17[%select_n3A_568, %add3A_596], %gather3A_597 : memref<160x128xf32, #tpu.memory_space<vmem>>[vector<16xi32>, vector<16xi32>], vector<16xf32>,
            %scan3A_598 = arith.constant 0 : i32
            %scan3A_599 = arith.constant 3 : i32
            %scan3A_600 = arith.addi %scan3A_576, %scan3A_599 : i32
            %broadcast_in_dim3A_601 = arith.constant 0 : i32
            %broadcast_in_dim3A_602 = vector.broadcast %broadcast_in_dim3A_601 : i32 to vector<16xi32>
            %add3A_603 = vector.broadcast %scan3A_600 : i32 to vector<16xi32>
            %add3A_604 = arith.addi %broadcast_in_dim3A_602, %add3A_603 : vector<16xi32>
            %gather3A_605 = tpu.vector_load_idx %arg16[%add3A_604, %and3A_553] : memref<64x128xf32, #tpu.memory_space<vmem>>[vector<16xi32>, vector<16xi32>], vector<16xf32>,
            tpu.vector_store_idx %arg17[%select_n3A_568, %add3A_604], %gather3A_605 : memref<160x128xf32, #tpu.memory_space<vmem>>[vector<16xi32>, vector<16xi32>], vector<16xf32>,
            %scan3A_606 = arith.constant 0 : i32
            scf.yield %scan3A_606 : i32
          }
          %scan3A_575 = arith.constant 64 : i32
        } else {
        }
        %add3A_541 = arith.addi %while3A_525, %squeeze3A_536 : i32
        %ge3A = arith.constant 128 : i32
        %ge3A_542 = arith.cmpi sge, %add3A_541, %ge3A : i32
        %convert_element_type3A_543 = arith.extui %ge3A_542 : i1 to i32
        %cond3A_544 = arith.constant 0 : i32
        %cond3A_545 = arith.cmpi ne, %convert_element_type3A_543, %cond3A_544 : i32
        scf.if %cond3A_545 {
          %get3A_551 = arith.constant 0 : index
          %get3A_552 = tpu.vector_load %arg18[%get3A_551] {strides = array<i32>} : memref<384xi32, #tpu.memory_space<vmem>>, vector<16xi32>,
          %swap3A_553 = arith.constant 0 : i32
          %swap3A_554 = arith.index_cast %swap3A_553 : i32 to index
          %swap3A_555 = arith.constant 0 : index
          %swap3A_556 = tpu.vector_load %arg19[%swap3A_554, %swap3A_555] {strides = array<i32>} : memref<8x128xi32, #tpu.memory_space<vmem>>, vector<16xi32>,
          tpu.vector_store %arg19[%swap3A_554, %swap3A_555], %get3A_552 {strides = array<i32>} : memref<8x128xi32, #tpu.memory_space<vmem>>, vector<16xi32>,
          %get3A_557 = arith.constant 16 : index
          %get3A_558 = tpu.vector_load %arg18[%get3A_557] {strides = array<i32>} : memref<384xi32, #tpu.memory_space<vmem>>, vector<16xi32>,
          %swap3A_559 = arith.constant 0 : i32
          %swap3A_560 = arith.index_cast %swap3A_559 : i32 to index
          %swap3A_561 = arith.constant 16 : index
          %swap3A_562 = tpu.vector_load %arg19[%swap3A_560, %swap3A_561] {strides = array<i32>} : memref<8x128xi32, #tpu.memory_space<vmem>>, vector<16xi32>,
          tpu.vector_store %arg19[%swap3A_560, %swap3A_561], %get3A_558 {strides = array<i32>} : memref<8x128xi32, #tpu.memory_space<vmem>>, vector<16xi32>,
          %get3A_563 = arith.constant 32 : index
          %get3A_564 = tpu.vector_load %arg18[%get3A_563] {strides = array<i32>} : memref<384xi32, #tpu.memory_space<vmem>>, vector<16xi32>,
          %swap3A_565 = arith.constant 0 : i32
          %swap3A_566 = arith.index_cast %swap3A_565 : i32 to index
          %swap3A_567 = arith.constant 32 : index
          %swap3A_568 = tpu.vector_load %arg19[%swap3A_566, %swap3A_567] {strides = array<i32>} : memref<8x128xi32, #tpu.memory_space<vmem>>, vector<16xi32>,
          tpu.vector_store %arg19[%swap3A_566, %swap3A_567], %get3A_564 {strides = array<i32>} : memref<8x128xi32, #tpu.memory_space<vmem>>, vector<16xi32>,
          %get3A_569 = arith.constant 48 : index
          %get3A_570 = tpu.vector_load %arg18[%get3A_569] {strides = array<i32>} : memref<384xi32, #tpu.memory_space<vmem>>, vector<16xi32>,
          %swap3A_571 = arith.constant 0 : i32
          %swap3A_572 = arith.index_cast %swap3A_571 : i32 to index
          %swap3A_573 = arith.constant 48 : index
          %swap3A_574 = tpu.vector_load %arg19[%swap3A_572, %swap3A_573] {strides = array<i32>} : memref<8x128xi32, #tpu.memory_space<vmem>>, vector<16xi32>,
          tpu.vector_store %arg19[%swap3A_572, %swap3A_573], %get3A_570 {strides = array<i32>} : memref<8x128xi32, #tpu.memory_space<vmem>>, vector<16xi32>,
          %get3A_575 = arith.constant 64 : index
          %get3A_576 = tpu.vector_load %arg18[%get3A_575] {strides = array<i32>} : memref<384xi32, #tpu.memory_space<vmem>>, vector<16xi32>,
          %swap3A_577 = arith.constant 0 : i32
          %swap3A_578 = arith.index_cast %swap3A_577 : i32 to index
          %swap3A_579 = arith.constant 64 : index
          %swap3A_580 = tpu.vector_load %arg19[%swap3A_578, %swap3A_579] {strides = array<i32>} : memref<8x128xi32, #tpu.memory_space<vmem>>, vector<16xi32>,
          tpu.vector_store %arg19[%swap3A_578, %swap3A_579], %get3A_576 {strides = array<i32>} : memref<8x128xi32, #tpu.memory_space<vmem>>, vector<16xi32>,
          %get3A_581 = arith.constant 80 : index
          %get3A_582 = tpu.vector_load %arg18[%get3A_581] {strides = array<i32>} : memref<384xi32, #tpu.memory_space<vmem>>, vector<16xi32>,
          %swap3A_583 = arith.constant 0 : i32
          %swap3A_584 = arith.index_cast %swap3A_583 : i32 to index
          %swap3A_585 = arith.constant 80 : index
          %swap3A_586 = tpu.vector_load %arg19[%swap3A_584, %swap3A_585] {strides = array<i32>} : memref<8x128xi32, #tpu.memory_space<vmem>>, vector<16xi32>,
          tpu.vector_store %arg19[%swap3A_584, %swap3A_585], %get3A_582 {strides = array<i32>} : memref<8x128xi32, #tpu.memory_space<vmem>>, vector<16xi32>,
          %get3A_587 = arith.constant 96 : index
          %get3A_588 = tpu.vector_load %arg18[%get3A_587] {strides = array<i32>} : memref<384xi32, #tpu.memory_space<vmem>>, vector<16xi32>,
          %swap3A_589 = arith.constant 0 : i32
          %swap3A_590 = arith.index_cast %swap3A_589 : i32 to index
          %swap3A_591 = arith.constant 96 : index
          %swap3A_592 = tpu.vector_load %arg19[%swap3A_590, %swap3A_591] {strides = array<i32>} : memref<8x128xi32, #tpu.memory_space<vmem>>, vector<16xi32>,
          tpu.vector_store %arg19[%swap3A_590, %swap3A_591], %get3A_588 {strides = array<i32>} : memref<8x128xi32, #tpu.memory_space<vmem>>, vector<16xi32>,
          %get3A_593 = arith.constant 112 : index
          %get3A_594 = tpu.vector_load %arg18[%get3A_593] {strides = array<i32>} : memref<384xi32, #tpu.memory_space<vmem>>, vector<16xi32>,
          %swap3A_595 = arith.constant 0 : i32
          %swap3A_596 = arith.index_cast %swap3A_595 : i32 to index
          %swap3A_597 = arith.constant 112 : index
          %swap3A_598 = tpu.vector_load %arg19[%swap3A_596, %swap3A_597] {strides = array<i32>} : memref<8x128xi32, #tpu.memory_space<vmem>>, vector<16xi32>,
          tpu.vector_store %arg19[%swap3A_596, %swap3A_597], %get3A_594 {strides = array<i32>} : memref<8x128xi32, #tpu.memory_space<vmem>>, vector<16xi32>,
          %dma_start3A_599 = arith.constant 0 : i32
          %dma_start3A_600 = arith.constant 0 : i32
          %dma_start3A_601 = arith.constant 0 : i32
          %dma_start3A_602 = tpu.memref_slice %arg17[%dma_start3A_600, %dma_start3A_601] : memref<160x128xf32, #tpu.memory_space<vmem>> -> memref<128x128xf32, #tpu.memory_space<vmem>>
          %dma_start3A_603 = arith.constant 0 : i32
          %dma_start3A_604 = tpu.memref_slice %arg19[%dma_start3A_599, %dma_start3A_603] : memref<8x128xi32, #tpu.memory_space<vmem>> -> memref<1x128xi32, #tpu.memory_space<vmem>>
          %dma_start3A_605 = tpu.memref_squeeze %dma_start3A_604 : memref<1x128xi32, #tpu.memory_space<vmem>> -> memref<128xi32, #tpu.memory_space<vmem>>
          %dma_start3A_606 = arith.constant 0 : i32
          %dma_start3A_607 = arith.constant 0 : i32
          %dma_start3A_608 = tpu.memref_slice %arg9[%dma_start3A_606, %dma_start3A_607] : memref<16400x128xf32, #tpu.memory_space<hbm>> -> memref<16400x128xf32, #tpu.memory_space<hbm>>
          tpu.enqueue_indirect_dma source(%dma_start3A_602 : memref<128x128xf32, #tpu.memory_space<vmem>>) target(%dma_start3A_608 : memref<16400x128xf32, #tpu.memory_space<hbm>>) offsets(%dma_start3A_605 : memref<128xi32, #tpu.memory_space<vmem>>) semaphore(%arg22 : memref<!tpu.dma_semaphore, #tpu.memory_space<semaphore_mem>>)
          %dma_wait3A_609 = arith.constant 0 : i32
          %dma_wait3A_610 = arith.constant 0 : i32
          %dma_wait3A_611 = arith.constant 0 : i32
          %dma_wait3A_612 = tpu.memref_slice %arg17[%dma_wait3A_610, %dma_wait3A_611] : memref<160x128xf32, #tpu.memory_space<vmem>> -> memref<128x128xf32, #tpu.memory_space<vmem>>
          %dma_wait3A_613 = arith.constant 0 : i32
          %dma_wait3A_614 = tpu.memref_slice %arg19[%dma_wait3A_609, %dma_wait3A_613] : memref<8x128xi32, #tpu.memory_space<vmem>> -> memref<1x128xi32, #tpu.memory_space<vmem>>
          %dma_wait3A_615 = tpu.memref_squeeze %dma_wait3A_614 : memref<1x128xi32, #tpu.memory_space<vmem>> -> memref<128xi32, #tpu.memory_space<vmem>>
          %dma_wait3A_616 = arith.constant 0 : i32
          %dma_wait3A_617 = arith.constant 0 : i32
          %dma_wait3A_618 = tpu.memref_slice %arg9[%dma_wait3A_616, %dma_wait3A_617] : memref<16400x128xf32, #tpu.memory_space<hbm>> -> memref<16400x128xf32, #tpu.memory_space<hbm>>
          tpu.wait_indirect_dma semaphore(%arg22 : memref<!tpu.dma_semaphore, #tpu.memory_space<semaphore_mem>>) src(%dma_wait3A_612 : memref<128x128xf32, #tpu.memory_space<vmem>>) dst(%dma_wait3A_618 : memref<16400x128xf32, #tpu.memory_space<hbm>>)
          %sub3A_619 = arith.constant 128 : i32
          %sub3A_620 = arith.subi %add3A_541, %sub3A_619 : i32
          %while3A_621 = arith.constant 0 : i32
          %while3A_622 = arith.constant 0 : i32
          %while3A_623 = arith.subi %sub3A_620, %while3A_621 : i32
          %while3A_624 = arith.addi %while3A_621, %while3A_623 : i32
          %while3A_625 = arith.constant 1 : i32
          %while3A_626 = arith.divsi %while3A_623, %while3A_625 : i32
          %while3A_627 = arith.muli %while3A_626, %while3A_625 : i32
          %while3A_628 = arith.addi %while3A_621, %while3A_627 : i32
          %while3A_629 = arith.constant 1 : i32
          %while3A_630 = scf.for %while3A_637 = %while3A_621 to %while3A_628 step %while3A_629 iter_args(%while3A_638 = %while3A_622) -> (i32)  : i32 {
            %add3A_639 = arith.constant 128 : i32
            %add3A_640 = arith.addi %add3A_639, %while3A_637 : i32
            %get3A_641 = arith.index_cast %add3A_640 : i32 to index
            %get3A_642 = arith.constant 0 : index
            %get3A_643 = tpu.vector_load %arg17[%get3A_641, %get3A_642] {strides = array<i32>} : memref<160x128xf32, #tpu.memory_space<vmem>>, vector<16xf32>,
            %swap3A_644 = arith.index_cast %while3A_637 : i32 to index
            %swap3A_645 = arith.constant 0 : index
            %swap3A_646 = tpu.vector_load %arg17[%swap3A_644, %swap3A_645] {strides = array<i32>} : memref<160x128xf32, #tpu.memory_space<vmem>>, vector<16xf32>,
            tpu.vector_store %arg17[%swap3A_644, %swap3A_645], %get3A_643 {strides = array<i32>} : memref<160x128xf32, #tpu.memory_space<vmem>>, vector<16xf32>,
            %add3A_647 = arith.constant 128 : i32
            %add3A_648 = arith.addi %add3A_647, %while3A_637 : i32
            %get3A_649 = arith.index_cast %add3A_648 : i32 to index
            %get3A_650 = arith.constant 16 : index
            %get3A_651 = tpu.vector_load %arg17[%get3A_649, %get3A_650] {strides = array<i32>} : memref<160x128xf32, #tpu.memory_space<vmem>>, vector<16xf32>,
            %swap3A_652 = arith.index_cast %while3A_637 : i32 to index
            %swap3A_653 = arith.constant 16 : index
            %swap3A_654 = tpu.vector_load %arg17[%swap3A_652, %swap3A_653] {strides = array<i32>} : memref<160x128xf32, #tpu.memory_space<vmem>>, vector<16xf32>,
            tpu.vector_store %arg17[%swap3A_652, %swap3A_653], %get3A_651 {strides = array<i32>} : memref<160x128xf32, #tpu.memory_space<vmem>>, vector<16xf32>,
            %add3A_655 = arith.constant 128 : i32
            %add3A_656 = arith.addi %add3A_655, %while3A_637 : i32
            %get3A_657 = arith.index_cast %add3A_656 : i32 to index
            %get3A_658 = arith.constant 32 : index
            %get3A_659 = tpu.vector_load %arg17[%get3A_657, %get3A_658] {strides = array<i32>} : memref<160x128xf32, #tpu.memory_space<vmem>>, vector<16xf32>,
            %swap3A_660 = arith.index_cast %while3A_637 : i32 to index
            %swap3A_661 = arith.constant 32 : index
            %swap3A_662 = tpu.vector_load %arg17[%swap3A_660, %swap3A_661] {strides = array<i32>} : memref<160x128xf32, #tpu.memory_space<vmem>>, vector<16xf32>,
            tpu.vector_store %arg17[%swap3A_660, %swap3A_661], %get3A_659 {strides = array<i32>} : memref<160x128xf32, #tpu.memory_space<vmem>>, vector<16xf32>,
            %add3A_663 = arith.constant 128 : i32
            %add3A_664 = arith.addi %add3A_663, %while3A_637 : i32
            %get3A_665 = arith.index_cast %add3A_664 : i32 to index
            %get3A_666 = arith.constant 48 : index
            %get3A_667 = tpu.vector_load %arg17[%get3A_665, %get3A_666] {strides = array<i32>} : memref<160x128xf32, #tpu.memory_space<vmem>>, vector<16xf32>,
            %swap3A_668 = arith.index_cast %while3A_637 : i32 to index
            %swap3A_669 = arith.constant 48 : index
            %swap3A_670 = tpu.vector_load %arg17[%swap3A_668, %swap3A_669] {strides = array<i32>} : memref<160x128xf32, #tpu.memory_space<vmem>>, vector<16xf32>,
            tpu.vector_store %arg17[%swap3A_668, %swap3A_669], %get3A_667 {strides = array<i32>} : memref<160x128xf32, #tpu.memory_space<vmem>>, vector<16xf32>,
            %add3A_671 = arith.constant 128 : i32
            %add3A_672 = arith.addi %add3A_671, %while3A_637 : i32
            %get3A_673 = arith.index_cast %add3A_672 : i32 to index
            %get3A_674 = arith.constant 64 : index
            %get3A_675 = tpu.vector_load %arg17[%get3A_673, %get3A_674] {strides = array<i32>} : memref<160x128xf32, #tpu.memory_space<vmem>>, vector<16xf32>,
            %swap3A_676 = arith.index_cast %while3A_637 : i32 to index
            %swap3A_677 = arith.constant 64 : index
            %swap3A_678 = tpu.vector_load %arg17[%swap3A_676, %swap3A_677] {strides = array<i32>} : memref<160x128xf32, #tpu.memory_space<vmem>>, vector<16xf32>,
            tpu.vector_store %arg17[%swap3A_676, %swap3A_677], %get3A_675 {strides = array<i32>} : memref<160x128xf32, #tpu.memory_space<vmem>>, vector<16xf32>,
            %add3A_679 = arith.constant 128 : i32
            %add3A_680 = arith.addi %add3A_679, %while3A_637 : i32
            %get3A_681 = arith.index_cast %add3A_680 : i32 to index
            %get3A_682 = arith.constant 80 : index
            %get3A_683 = tpu.vector_load %arg17[%get3A_681, %get3A_682] {strides = array<i32>} : memref<160x128xf32, #tpu.memory_space<vmem>>, vector<16xf32>,
            %swap3A_684 = arith.index_cast %while3A_637 : i32 to index
            %swap3A_685 = arith.constant 80 : index
            %swap3A_686 = tpu.vector_load %arg17[%swap3A_684, %swap3A_685] {strides = array<i32>} : memref<160x128xf32, #tpu.memory_space<vmem>>, vector<16xf32>,
            tpu.vector_store %arg17[%swap3A_684, %swap3A_685], %get3A_683 {strides = array<i32>} : memref<160x128xf32, #tpu.memory_space<vmem>>, vector<16xf32>,
            %add3A_687 = arith.constant 128 : i32
            %add3A_688 = arith.addi %add3A_687, %while3A_637 : i32
            %get3A_689 = arith.index_cast %add3A_688 : i32 to index
            %get3A_690 = arith.constant 96 : index
            %get3A_691 = tpu.vector_load %arg17[%get3A_689, %get3A_690] {strides = array<i32>} : memref<160x128xf32, #tpu.memory_space<vmem>>, vector<16xf32>,
            %swap3A_692 = arith.index_cast %while3A_637 : i32 to index
            %swap3A_693 = arith.constant 96 : index
            %swap3A_694 = tpu.vector_load %arg17[%swap3A_692, %swap3A_693] {strides = array<i32>} : memref<160x128xf32, #tpu.memory_space<vmem>>, vector<16xf32>,
            tpu.vector_store %arg17[%swap3A_692, %swap3A_693], %get3A_691 {strides = array<i32>} : memref<160x128xf32, #tpu.memory_space<vmem>>, vector<16xf32>,
            %add3A_695 = arith.constant 128 : i32
            %add3A_696 = arith.addi %add3A_695, %while3A_637 : i32
            %get3A_697 = arith.index_cast %add3A_696 : i32 to index
            %get3A_698 = arith.constant 112 : index
            %get3A_699 = tpu.vector_load %arg17[%get3A_697, %get3A_698] {strides = array<i32>} : memref<160x128xf32, #tpu.memory_space<vmem>>, vector<16xf32>,
            %swap3A_700 = arith.index_cast %while3A_637 : i32 to index
            %swap3A_701 = arith.constant 112 : index
            %swap3A_702 = tpu.vector_load %arg17[%swap3A_700, %swap3A_701] {strides = array<i32>} : memref<160x128xf32, #tpu.memory_space<vmem>>, vector<16xf32>,
            tpu.vector_store %arg17[%swap3A_700, %swap3A_701], %get3A_699 {strides = array<i32>} : memref<160x128xf32, #tpu.memory_space<vmem>>, vector<16xf32>,
            %while3A_703 = arith.constant 0 : i32
            scf.yield %while3A_703 : i32
          }
          %while3A_631 = arith.constant 1 : i32
          %while3A_632 = scf.for %while3A_637 = %while3A_628 to %while3A_624 step %while3A_631 iter_args(%while3A_638 = %while3A_630) -> (i32)  : i32 {
            %add3A_639 = arith.constant 128 : i32
            %add3A_640 = arith.addi %add3A_639, %while3A_637 : i32
            %get3A_641 = arith.index_cast %add3A_640 : i32 to index
            %get3A_642 = arith.constant 0 : index
            %get3A_643 = tpu.vector_load %arg17[%get3A_641, %get3A_642] {strides = array<i32>} : memref<160x128xf32, #tpu.memory_space<vmem>>, vector<16xf32>,
            %swap3A_644 = arith.index_cast %while3A_637 : i32 to index
            %swap3A_645 = arith.constant 0 : index
            %swap3A_646 = tpu.vector_load %arg17[%swap3A_644, %swap3A_645] {strides = array<i32>} : memref<160x128xf32, #tpu.memory_space<vmem>>, vector<16xf32>,
            tpu.vector_store %arg17[%swap3A_644, %swap3A_645], %get3A_643 {strides = array<i32>} : memref<160x128xf32, #tpu.memory_space<vmem>>, vector<16xf32>,
            %add3A_647 = arith.constant 128 : i32
            %add3A_648 = arith.addi %add3A_647, %while3A_637 : i32
            %get3A_649 = arith.index_cast %add3A_648 : i32 to index
            %get3A_650 = arith.constant 16 : index
            %get3A_651 = tpu.vector_load %arg17[%get3A_649, %get3A_650] {strides = array<i32>} : memref<160x128xf32, #tpu.memory_space<vmem>>, vector<16xf32>,
            %swap3A_652 = arith.index_cast %while3A_637 : i32 to index
            %swap3A_653 = arith.constant 16 : index
            %swap3A_654 = tpu.vector_load %arg17[%swap3A_652, %swap3A_653] {strides = array<i32>} : memref<160x128xf32, #tpu.memory_space<vmem>>, vector<16xf32>,
            tpu.vector_store %arg17[%swap3A_652, %swap3A_653], %get3A_651 {strides = array<i32>} : memref<160x128xf32, #tpu.memory_space<vmem>>, vector<16xf32>,
            %add3A_655 = arith.constant 128 : i32
            %add3A_656 = arith.addi %add3A_655, %while3A_637 : i32
            %get3A_657 = arith.index_cast %add3A_656 : i32 to index
            %get3A_658 = arith.constant 32 : index
            %get3A_659 = tpu.vector_load %arg17[%get3A_657, %get3A_658] {strides = array<i32>} : memref<160x128xf32, #tpu.memory_space<vmem>>, vector<16xf32>,
            %swap3A_660 = arith.index_cast %while3A_637 : i32 to index
            %swap3A_661 = arith.constant 32 : index
            %swap3A_662 = tpu.vector_load %arg17[%swap3A_660, %swap3A_661] {strides = array<i32>} : memref<160x128xf32, #tpu.memory_space<vmem>>, vector<16xf32>,
            tpu.vector_store %arg17[%swap3A_660, %swap3A_661], %get3A_659 {strides = array<i32>} : memref<160x128xf32, #tpu.memory_space<vmem>>, vector<16xf32>,
            %add3A_663 = arith.constant 128 : i32
            %add3A_664 = arith.addi %add3A_663, %while3A_637 : i32
            %get3A_665 = arith.index_cast %add3A_664 : i32 to index
            %get3A_666 = arith.constant 48 : index
            %get3A_667 = tpu.vector_load %arg17[%get3A_665, %get3A_666] {strides = array<i32>} : memref<160x128xf32, #tpu.memory_space<vmem>>, vector<16xf32>,
            %swap3A_668 = arith.index_cast %while3A_637 : i32 to index
            %swap3A_669 = arith.constant 48 : index
            %swap3A_670 = tpu.vector_load %arg17[%swap3A_668, %swap3A_669] {strides = array<i32>} : memref<160x128xf32, #tpu.memory_space<vmem>>, vector<16xf32>,
            tpu.vector_store %arg17[%swap3A_668, %swap3A_669], %get3A_667 {strides = array<i32>} : memref<160x128xf32, #tpu.memory_space<vmem>>, vector<16xf32>,
            %add3A_671 = arith.constant 128 : i32
            %add3A_672 = arith.addi %add3A_671, %while3A_637 : i32
            %get3A_673 = arith.index_cast %add3A_672 : i32 to index
            %get3A_674 = arith.constant 64 : index
            %get3A_675 = tpu.vector_load %arg17[%get3A_673, %get3A_674] {strides = array<i32>} : memref<160x128xf32, #tpu.memory_space<vmem>>, vector<16xf32>,
            %swap3A_676 = arith.index_cast %while3A_637 : i32 to index
            %swap3A_677 = arith.constant 64 : index
            %swap3A_678 = tpu.vector_load %arg17[%swap3A_676, %swap3A_677] {strides = array<i32>} : memref<160x128xf32, #tpu.memory_space<vmem>>, vector<16xf32>,
            tpu.vector_store %arg17[%swap3A_676, %swap3A_677], %get3A_675 {strides = array<i32>} : memref<160x128xf32, #tpu.memory_space<vmem>>, vector<16xf32>,
            %add3A_679 = arith.constant 128 : i32
            %add3A_680 = arith.addi %add3A_679, %while3A_637 : i32
            %get3A_681 = arith.index_cast %add3A_680 : i32 to index
            %get3A_682 = arith.constant 80 : index
            %get3A_683 = tpu.vector_load %arg17[%get3A_681, %get3A_682] {strides = array<i32>} : memref<160x128xf32, #tpu.memory_space<vmem>>, vector<16xf32>,
            %swap3A_684 = arith.index_cast %while3A_637 : i32 to index
            %swap3A_685 = arith.constant 80 : index
            %swap3A_686 = tpu.vector_load %arg17[%swap3A_684, %swap3A_685] {strides = array<i32>} : memref<160x128xf32, #tpu.memory_space<vmem>>, vector<16xf32>,
            tpu.vector_store %arg17[%swap3A_684, %swap3A_685], %get3A_683 {strides = array<i32>} : memref<160x128xf32, #tpu.memory_space<vmem>>, vector<16xf32>,
            %add3A_687 = arith.constant 128 : i32
            %add3A_688 = arith.addi %add3A_687, %while3A_637 : i32
            %get3A_689 = arith.index_cast %add3A_688 : i32 to index
            %get3A_690 = arith.constant 96 : index
            %get3A_691 = tpu.vector_load %arg17[%get3A_689, %get3A_690] {strides = array<i32>} : memref<160x128xf32, #tpu.memory_space<vmem>>, vector<16xf32>,
            %swap3A_692 = arith.index_cast %while3A_637 : i32 to index
            %swap3A_693 = arith.constant 96 : index
            %swap3A_694 = tpu.vector_load %arg17[%swap3A_692, %swap3A_693] {strides = array<i32>} : memref<160x128xf32, #tpu.memory_space<vmem>>, vector<16xf32>,
            tpu.vector_store %arg17[%swap3A_692, %swap3A_693], %get3A_691 {strides = array<i32>} : memref<160x128xf32, #tpu.memory_space<vmem>>, vector<16xf32>,
            %add3A_695 = arith.constant 128 : i32
            %add3A_696 = arith.addi %add3A_695, %while3A_637 : i32
            %get3A_697 = arith.index_cast %add3A_696 : i32 to index
            %get3A_698 = arith.constant 112 : index
            %get3A_699 = tpu.vector_load %arg17[%get3A_697, %get3A_698] {strides = array<i32>} : memref<160x128xf32, #tpu.memory_space<vmem>>, vector<16xf32>,
            %swap3A_700 = arith.index_cast %while3A_637 : i32 to index
            %swap3A_701 = arith.constant 112 : index
            %swap3A_702 = tpu.vector_load %arg17[%swap3A_700, %swap3A_701] {strides = array<i32>} : memref<160x128xf32, #tpu.memory_space<vmem>>, vector<16xf32>,
            tpu.vector_store %arg17[%swap3A_700, %swap3A_701], %get3A_699 {strides = array<i32>} : memref<160x128xf32, #tpu.memory_space<vmem>>, vector<16xf32>,
            %while3A_703 = arith.constant 0 : i32
            scf.yield %while3A_703 : i32
          }
          %get3A_633 = arith.constant 128 : index
          %get3A_634 = tpu.vector_load %arg18[%get3A_633] {strides = array<i32>} : memref<384xi32, #tpu.memory_space<vmem>>, vector<16xi32>,
          %swap3A_635 = arith.constant 0 : index
          %swap3A_636 = tpu.vector_load %arg18[%swap3A_635] {strides = array<i32>} : memref<384xi32, #tpu.memory_space<vmem>>, vector<16xi32>,
          tpu.vector_store %arg18[%swap3A_635], %get3A_634 {strides = array<i32>} : memref<384xi32, #tpu.memory_space<vmem>>, vector<16xi32>,
        } else {
        }
        %ge3A_546 = arith.constant 128 : i32
        %ge3A_547 = arith.cmpi sge, %add3A_541, %ge3A_546 : i32
        %sub3A_548 = arith.constant 128 : i32
        %sub3A_549 = arith.subi %add3A_541, %sub3A_548 : i32
        %select_n3A_550 = arith.select %ge3A_547, %sub3A_549, %add3A_541 : i32
        scf.yield %select_n3A_550 : i32
      }
      %while3A_516 = arith.constant 1 : i32
      %while3A_517 = scf.for %while3A_524 = %while3A_513 to %while3A_509 step %while3A_516 iter_args(%while3A_525 = %while3A_515) -> (i32)  : i32 {
        %mul3A_526 = arith.constant 16 : i32
        %mul3A_527 = arith.muli %while3A_524, %mul3A_526 : i32
        %get3A_528 = arith.index_cast %mul3A_527 : i32 to index
        %get3A_529 = tpu.vector_load %arg10[%get3A_528] {strides = array<i32>} : memref<16384xi32, #tpu.memory_space<vmem>>, vector<16xi32>,
        %shift_right_arithmetic3A_530 = arith.constant 7 : i32
        %shift_right_arithmetic3A_531 = vector.broadcast %shift_right_arithmetic3A_530 : i32 to vector<16xi32>
        %shift_right_arithmetic3A_532 = arith.shrsi %get3A_529, %shift_right_arithmetic3A_531 : vector<16xi32>
        %eq3A_533 = vector.broadcast %add3A_487 : i32 to vector<16xi32>
        %eq3A_534 = arith.cmpi eq, %shift_right_arithmetic3A_532, %eq3A_533 : vector<16xi32>
        %all_reduce_population_count3A = tpu.all_reduce %eq3A_534 {dim = 0 : i64, kind = #tpu.reduction_kind<sum>} : vector<16xi1> -> vector<16xi32>
        %slice3A_535 = vector.extract_strided_slice %all_reduce_population_count3A {offsets = [0], sizes = [1], strides = [1]} : vector<16xi32> to vector<1xi32>
        %squeeze3A_536 = vector.extract %slice3A_535[0] : i32 from vector<1xi32>
        %gt3A = arith.constant 0 : i32
        %gt3A_537 = arith.cmpi sgt, %squeeze3A_536, %gt3A : i32
        %convert_element_type3A_538 = arith.extui %gt3A_537 : i1 to i32
        %cond3A_539 = arith.constant 0 : i32
        %cond3A_540 = arith.cmpi ne, %convert_element_type3A_538, %cond3A_539 : i32
        scf.if %cond3A_540 {
          %and3A_551 = arith.constant 127 : i32
          %and3A_552 = vector.broadcast %and3A_551 : i32 to vector<16xi32>
          %and3A_553 = arith.andi %get3A_529, %and3A_552 : vector<16xi32>
          %mul3A_554 = arith.constant 16 : i32
          %mul3A_555 = arith.muli %while3A_524, %mul3A_554 : i32
          %get3A_556 = arith.index_cast %mul3A_555 : i32 to index
          %get3A_557 = tpu.vector_load %arg11[%get3A_556] {strides = array<i32>} : memref<16384xi32, #tpu.memory_space<vmem>>, vector<16xi32>,
          %convert_element_type3A_558 = arith.extui %eq3A_534 : vector<16xi1> to vector<16xi32>
          %broadcast_in_dim3A_559 = arith.constant true
          %broadcast_in_dim3A_560 = vector.broadcast %broadcast_in_dim3A_559 : i1 to vector<16xi1>
          %masked_cumsum3A = tpu.scan <sum>, %convert_element_type3A_558 masked %broadcast_in_dim3A_560 : vector<16xi32>, vector<16xi1> -> vector<16xi32>
          %add3A_561 = vector.broadcast %while3A_525 : i32 to vector<16xi32>
          %add3A_562 = arith.addi %add3A_561, %masked_cumsum3A : vector<16xi32>
          %sub3A_563 = arith.constant 1 : i32
          %sub3A_564 = vector.broadcast %sub3A_563 : i32 to vector<16xi32>
          %sub3A_565 = arith.subi %add3A_562, %sub3A_564 : vector<16xi32>
          %jit3A_566 = arith.constant 152 : i32
          %broadcast_in_dim3A_567 = vector.broadcast %jit3A_566 : i32 to vector<16xi32>
          %select_n3A_568 = arith.select %eq3A_534, %sub3A_565, %broadcast_in_dim3A_567 : vector<16xi1>, vector<16xi32>
          tpu.vector_store_idx %arg18[%select_n3A_568], %get3A_557 : memref<384xi32, #tpu.memory_space<vmem>>[vector<16xi32>], vector<16xi32>,
          %scan3A_569 = arith.constant 0 : i32
          %scan3A_570 = arith.constant 0 : i32
          %scan3A_571 = arith.constant 64 : i32
          %scan3A_572 = arith.addi %scan3A_570, %scan3A_571 : i32
          %scan3A_573 = arith.constant 4 : i32
          %scan3A_574 = scf.for %scan3A_576 = %scan3A_570 to %scan3A_572 step %scan3A_573 iter_args(%scan3A_577 = %scan3A_569) -> (i32)  : i32 {
            %broadcast_in_dim3A_578 = arith.constant 0 : i32
            %broadcast_in_dim3A_579 = vector.broadcast %broadcast_in_dim3A_578 : i32 to vector<16xi32>
            %add3A_580 = vector.broadcast %scan3A_576 : i32 to vector<16xi32>
            %add3A_581 = arith.addi %broadcast_in_dim3A_579, %add3A_580 : vector<16xi32>
            %gather3A = tpu.vector_load_idx %arg16[%add3A_581, %and3A_553] : memref<64x128xf32, #tpu.memory_space<vmem>>[vector<16xi32>, vector<16xi32>], vector<16xf32>,
            tpu.vector_store_idx %arg17[%select_n3A_568, %add3A_581], %gather3A : memref<160x128xf32, #tpu.memory_space<vmem>>[vector<16xi32>, vector<16xi32>], vector<16xf32>,
            %scan3A_582 = arith.constant 0 : i32
            %scan3A_583 = arith.constant 1 : i32
            %scan3A_584 = arith.addi %scan3A_576, %scan3A_583 : i32
            %broadcast_in_dim3A_585 = arith.constant 0 : i32
            %broadcast_in_dim3A_586 = vector.broadcast %broadcast_in_dim3A_585 : i32 to vector<16xi32>
            %add3A_587 = vector.broadcast %scan3A_584 : i32 to vector<16xi32>
            %add3A_588 = arith.addi %broadcast_in_dim3A_586, %add3A_587 : vector<16xi32>
            %gather3A_589 = tpu.vector_load_idx %arg16[%add3A_588, %and3A_553] : memref<64x128xf32, #tpu.memory_space<vmem>>[vector<16xi32>, vector<16xi32>], vector<16xf32>,
            tpu.vector_store_idx %arg17[%select_n3A_568, %add3A_588], %gather3A_589 : memref<160x128xf32, #tpu.memory_space<vmem>>[vector<16xi32>, vector<16xi32>], vector<16xf32>,
            %scan3A_590 = arith.constant 0 : i32
            %scan3A_591 = arith.constant 2 : i32
            %scan3A_592 = arith.addi %scan3A_576, %scan3A_591 : i32
            %broadcast_in_dim3A_593 = arith.constant 0 : i32
            %broadcast_in_dim3A_594 = vector.broadcast %broadcast_in_dim3A_593 : i32 to vector<16xi32>
            %add3A_595 = vector.broadcast %scan3A_592 : i32 to vector<16xi32>
            %add3A_596 = arith.addi %broadcast_in_dim3A_594, %add3A_595 : vector<16xi32>
            %gather3A_597 = tpu.vector_load_idx %arg16[%add3A_596, %and3A_553] : memref<64x128xf32, #tpu.memory_space<vmem>>[vector<16xi32>, vector<16xi32>], vector<16xf32>,
            tpu.vector_store_idx %arg17[%select_n3A_568, %add3A_596], %gather3A_597 : memref<160x128xf32, #tpu.memory_space<vmem>>[vector<16xi32>, vector<16xi32>], vector<16xf32>,
            %scan3A_598 = arith.constant 0 : i32
            %scan3A_599 = arith.constant 3 : i32
            %scan3A_600 = arith.addi %scan3A_576, %scan3A_599 : i32
            %broadcast_in_dim3A_601 = arith.constant 0 : i32
            %broadcast_in_dim3A_602 = vector.broadcast %broadcast_in_dim3A_601 : i32 to vector<16xi32>
            %add3A_603 = vector.broadcast %scan3A_600 : i32 to vector<16xi32>
            %add3A_604 = arith.addi %broadcast_in_dim3A_602, %add3A_603 : vector<16xi32>
            %gather3A_605 = tpu.vector_load_idx %arg16[%add3A_604, %and3A_553] : memref<64x128xf32, #tpu.memory_space<vmem>>[vector<16xi32>, vector<16xi32>], vector<16xf32>,
            tpu.vector_store_idx %arg17[%select_n3A_568, %add3A_604], %gather3A_605 : memref<160x128xf32, #tpu.memory_space<vmem>>[vector<16xi32>, vector<16xi32>], vector<16xf32>,
            %scan3A_606 = arith.constant 0 : i32
            scf.yield %scan3A_606 : i32
          }
          %scan3A_575 = arith.constant 64 : i32
        } else {
        }
        %add3A_541 = arith.addi %while3A_525, %squeeze3A_536 : i32
        %ge3A = arith.constant 128 : i32
        %ge3A_542 = arith.cmpi sge, %add3A_541, %ge3A : i32
        %convert_element_type3A_543 = arith.extui %ge3A_542 : i1 to i32
        %cond3A_544 = arith.constant 0 : i32
        %cond3A_545 = arith.cmpi ne, %convert_element_type3A_543, %cond3A_544 : i32
        scf.if %cond3A_545 {
          %get3A_551 = arith.constant 0 : index
          %get3A_552 = tpu.vector_load %arg18[%get3A_551] {strides = array<i32>} : memref<384xi32, #tpu.memory_space<vmem>>, vector<16xi32>,
          %swap3A_553 = arith.constant 0 : i32
          %swap3A_554 = arith.index_cast %swap3A_553 : i32 to index
          %swap3A_555 = arith.constant 0 : index
          %swap3A_556 = tpu.vector_load %arg19[%swap3A_554, %swap3A_555] {strides = array<i32>} : memref<8x128xi32, #tpu.memory_space<vmem>>, vector<16xi32>,
          tpu.vector_store %arg19[%swap3A_554, %swap3A_555], %get3A_552 {strides = array<i32>} : memref<8x128xi32, #tpu.memory_space<vmem>>, vector<16xi32>,
          %get3A_557 = arith.constant 16 : index
          %get3A_558 = tpu.vector_load %arg18[%get3A_557] {strides = array<i32>} : memref<384xi32, #tpu.memory_space<vmem>>, vector<16xi32>,
          %swap3A_559 = arith.constant 0 : i32
          %swap3A_560 = arith.index_cast %swap3A_559 : i32 to index
          %swap3A_561 = arith.constant 16 : index
          %swap3A_562 = tpu.vector_load %arg19[%swap3A_560, %swap3A_561] {strides = array<i32>} : memref<8x128xi32, #tpu.memory_space<vmem>>, vector<16xi32>,
          tpu.vector_store %arg19[%swap3A_560, %swap3A_561], %get3A_558 {strides = array<i32>} : memref<8x128xi32, #tpu.memory_space<vmem>>, vector<16xi32>,
          %get3A_563 = arith.constant 32 : index
          %get3A_564 = tpu.vector_load %arg18[%get3A_563] {strides = array<i32>} : memref<384xi32, #tpu.memory_space<vmem>>, vector<16xi32>,
          %swap3A_565 = arith.constant 0 : i32
          %swap3A_566 = arith.index_cast %swap3A_565 : i32 to index
          %swap3A_567 = arith.constant 32 : index
          %swap3A_568 = tpu.vector_load %arg19[%swap3A_566, %swap3A_567] {strides = array<i32>} : memref<8x128xi32, #tpu.memory_space<vmem>>, vector<16xi32>,
          tpu.vector_store %arg19[%swap3A_566, %swap3A_567], %get3A_564 {strides = array<i32>} : memref<8x128xi32, #tpu.memory_space<vmem>>, vector<16xi32>,
          %get3A_569 = arith.constant 48 : index
          %get3A_570 = tpu.vector_load %arg18[%get3A_569] {strides = array<i32>} : memref<384xi32, #tpu.memory_space<vmem>>, vector<16xi32>,
          %swap3A_571 = arith.constant 0 : i32
          %swap3A_572 = arith.index_cast %swap3A_571 : i32 to index
          %swap3A_573 = arith.constant 48 : index
          %swap3A_574 = tpu.vector_load %arg19[%swap3A_572, %swap3A_573] {strides = array<i32>} : memref<8x128xi32, #tpu.memory_space<vmem>>, vector<16xi32>,
          tpu.vector_store %arg19[%swap3A_572, %swap3A_573], %get3A_570 {strides = array<i32>} : memref<8x128xi32, #tpu.memory_space<vmem>>, vector<16xi32>,
          %get3A_575 = arith.constant 64 : index
          %get3A_576 = tpu.vector_load %arg18[%get3A_575] {strides = array<i32>} : memref<384xi32, #tpu.memory_space<vmem>>, vector<16xi32>,
          %swap3A_577 = arith.constant 0 : i32
          %swap3A_578 = arith.index_cast %swap3A_577 : i32 to index
          %swap3A_579 = arith.constant 64 : index
          %swap3A_580 = tpu.vector_load %arg19[%swap3A_578, %swap3A_579] {strides = array<i32>} : memref<8x128xi32, #tpu.memory_space<vmem>>, vector<16xi32>,
          tpu.vector_store %arg19[%swap3A_578, %swap3A_579], %get3A_576 {strides = array<i32>} : memref<8x128xi32, #tpu.memory_space<vmem>>, vector<16xi32>,
          %get3A_581 = arith.constant 80 : index
          %get3A_582 = tpu.vector_load %arg18[%get3A_581] {strides = array<i32>} : memref<384xi32, #tpu.memory_space<vmem>>, vector<16xi32>,
          %swap3A_583 = arith.constant 0 : i32
          %swap3A_584 = arith.index_cast %swap3A_583 : i32 to index
          %swap3A_585 = arith.constant 80 : index
          %swap3A_586 = tpu.vector_load %arg19[%swap3A_584, %swap3A_585] {strides = array<i32>} : memref<8x128xi32, #tpu.memory_space<vmem>>, vector<16xi32>,
          tpu.vector_store %arg19[%swap3A_584, %swap3A_585], %get3A_582 {strides = array<i32>} : memref<8x128xi32, #tpu.memory_space<vmem>>, vector<16xi32>,
          %get3A_587 = arith.constant 96 : index
          %get3A_588 = tpu.vector_load %arg18[%get3A_587] {strides = array<i32>} : memref<384xi32, #tpu.memory_space<vmem>>, vector<16xi32>,
          %swap3A_589 = arith.constant 0 : i32
          %swap3A_590 = arith.index_cast %swap3A_589 : i32 to index
          %swap3A_591 = arith.constant 96 : index
          %swap3A_592 = tpu.vector_load %arg19[%swap3A_590, %swap3A_591] {strides = array<i32>} : memref<8x128xi32, #tpu.memory_space<vmem>>, vector<16xi32>,
          tpu.vector_store %arg19[%swap3A_590, %swap3A_591], %get3A_588 {strides = array<i32>} : memref<8x128xi32, #tpu.memory_space<vmem>>, vector<16xi32>,
          %get3A_593 = arith.constant 112 : index
          %get3A_594 = tpu.vector_load %arg18[%get3A_593] {strides = array<i32>} : memref<384xi32, #tpu.memory_space<vmem>>, vector<16xi32>,
          %swap3A_595 = arith.constant 0 : i32
          %swap3A_596 = arith.index_cast %swap3A_595 : i32 to index
          %swap3A_597 = arith.constant 112 : index
          %swap3A_598 = tpu.vector_load %arg19[%swap3A_596, %swap3A_597] {strides = array<i32>} : memref<8x128xi32, #tpu.memory_space<vmem>>, vector<16xi32>,
          tpu.vector_store %arg19[%swap3A_596, %swap3A_597], %get3A_594 {strides = array<i32>} : memref<8x128xi32, #tpu.memory_space<vmem>>, vector<16xi32>,
          %dma_start3A_599 = arith.constant 0 : i32
          %dma_start3A_600 = arith.constant 0 : i32
          %dma_start3A_601 = arith.constant 0 : i32
          %dma_start3A_602 = tpu.memref_slice %arg17[%dma_start3A_600, %dma_start3A_601] : memref<160x128xf32, #tpu.memory_space<vmem>> -> memref<128x128xf32, #tpu.memory_space<vmem>>
          %dma_start3A_603 = arith.constant 0 : i32
          %dma_start3A_604 = tpu.memref_slice %arg19[%dma_start3A_599, %dma_start3A_603] : memref<8x128xi32, #tpu.memory_space<vmem>> -> memref<1x128xi32, #tpu.memory_space<vmem>>
          %dma_start3A_605 = tpu.memref_squeeze %dma_start3A_604 : memref<1x128xi32, #tpu.memory_space<vmem>> -> memref<128xi32, #tpu.memory_space<vmem>>
          %dma_start3A_606 = arith.constant 0 : i32
          %dma_start3A_607 = arith.constant 0 : i32
          %dma_start3A_608 = tpu.memref_slice %arg9[%dma_start3A_606, %dma_start3A_607] : memref<16400x128xf32, #tpu.memory_space<hbm>> -> memref<16400x128xf32, #tpu.memory_space<hbm>>
          tpu.enqueue_indirect_dma source(%dma_start3A_602 : memref<128x128xf32, #tpu.memory_space<vmem>>) target(%dma_start3A_608 : memref<16400x128xf32, #tpu.memory_space<hbm>>) offsets(%dma_start3A_605 : memref<128xi32, #tpu.memory_space<vmem>>) semaphore(%arg22 : memref<!tpu.dma_semaphore, #tpu.memory_space<semaphore_mem>>)
          %dma_wait3A_609 = arith.constant 0 : i32
          %dma_wait3A_610 = arith.constant 0 : i32
          %dma_wait3A_611 = arith.constant 0 : i32
          %dma_wait3A_612 = tpu.memref_slice %arg17[%dma_wait3A_610, %dma_wait3A_611] : memref<160x128xf32, #tpu.memory_space<vmem>> -> memref<128x128xf32, #tpu.memory_space<vmem>>
          %dma_wait3A_613 = arith.constant 0 : i32
          %dma_wait3A_614 = tpu.memref_slice %arg19[%dma_wait3A_609, %dma_wait3A_613] : memref<8x128xi32, #tpu.memory_space<vmem>> -> memref<1x128xi32, #tpu.memory_space<vmem>>
          %dma_wait3A_615 = tpu.memref_squeeze %dma_wait3A_614 : memref<1x128xi32, #tpu.memory_space<vmem>> -> memref<128xi32, #tpu.memory_space<vmem>>
          %dma_wait3A_616 = arith.constant 0 : i32
          %dma_wait3A_617 = arith.constant 0 : i32
          %dma_wait3A_618 = tpu.memref_slice %arg9[%dma_wait3A_616, %dma_wait3A_617] : memref<16400x128xf32, #tpu.memory_space<hbm>> -> memref<16400x128xf32, #tpu.memory_space<hbm>>
          tpu.wait_indirect_dma semaphore(%arg22 : memref<!tpu.dma_semaphore, #tpu.memory_space<semaphore_mem>>) src(%dma_wait3A_612 : memref<128x128xf32, #tpu.memory_space<vmem>>) dst(%dma_wait3A_618 : memref<16400x128xf32, #tpu.memory_space<hbm>>)
          %sub3A_619 = arith.constant 128 : i32
          %sub3A_620 = arith.subi %add3A_541, %sub3A_619 : i32
          %while3A_621 = arith.constant 0 : i32
          %while3A_622 = arith.constant 0 : i32
          %while3A_623 = arith.subi %sub3A_620, %while3A_621 : i32
          %while3A_624 = arith.addi %while3A_621, %while3A_623 : i32
          %while3A_625 = arith.constant 1 : i32
          %while3A_626 = arith.divsi %while3A_623, %while3A_625 : i32
          %while3A_627 = arith.muli %while3A_626, %while3A_625 : i32
          %while3A_628 = arith.addi %while3A_621, %while3A_627 : i32
          %while3A_629 = arith.constant 1 : i32
          %while3A_630 = scf.for %while3A_637 = %while3A_621 to %while3A_628 step %while3A_629 iter_args(%while3A_638 = %while3A_622) -> (i32)  : i32 {
            %add3A_639 = arith.constant 128 : i32
            %add3A_640 = arith.addi %add3A_639, %while3A_637 : i32
            %get3A_641 = arith.index_cast %add3A_640 : i32 to index
            %get3A_642 = arith.constant 0 : index
            %get3A_643 = tpu.vector_load %arg17[%get3A_641, %get3A_642] {strides = array<i32>} : memref<160x128xf32, #tpu.memory_space<vmem>>, vector<16xf32>,
            %swap3A_644 = arith.index_cast %while3A_637 : i32 to index
            %swap3A_645 = arith.constant 0 : index
            %swap3A_646 = tpu.vector_load %arg17[%swap3A_644, %swap3A_645] {strides = array<i32>} : memref<160x128xf32, #tpu.memory_space<vmem>>, vector<16xf32>,
            tpu.vector_store %arg17[%swap3A_644, %swap3A_645], %get3A_643 {strides = array<i32>} : memref<160x128xf32, #tpu.memory_space<vmem>>, vector<16xf32>,
            %add3A_647 = arith.constant 128 : i32
            %add3A_648 = arith.addi %add3A_647, %while3A_637 : i32
            %get3A_649 = arith.index_cast %add3A_648 : i32 to index
            %get3A_650 = arith.constant 16 : index
            %get3A_651 = tpu.vector_load %arg17[%get3A_649, %get3A_650] {strides = array<i32>} : memref<160x128xf32, #tpu.memory_space<vmem>>, vector<16xf32>,
            %swap3A_652 = arith.index_cast %while3A_637 : i32 to index
            %swap3A_653 = arith.constant 16 : index
            %swap3A_654 = tpu.vector_load %arg17[%swap3A_652, %swap3A_653] {strides = array<i32>} : memref<160x128xf32, #tpu.memory_space<vmem>>, vector<16xf32>,
            tpu.vector_store %arg17[%swap3A_652, %swap3A_653], %get3A_651 {strides = array<i32>} : memref<160x128xf32, #tpu.memory_space<vmem>>, vector<16xf32>,
            %add3A_655 = arith.constant 128 : i32
            %add3A_656 = arith.addi %add3A_655, %while3A_637 : i32
            %get3A_657 = arith.index_cast %add3A_656 : i32 to index
            %get3A_658 = arith.constant 32 : index
            %get3A_659 = tpu.vector_load %arg17[%get3A_657, %get3A_658] {strides = array<i32>} : memref<160x128xf32, #tpu.memory_space<vmem>>, vector<16xf32>,
            %swap3A_660 = arith.index_cast %while3A_637 : i32 to index
            %swap3A_661 = arith.constant 32 : index
            %swap3A_662 = tpu.vector_load %arg17[%swap3A_660, %swap3A_661] {strides = array<i32>} : memref<160x128xf32, #tpu.memory_space<vmem>>, vector<16xf32>,
            tpu.vector_store %arg17[%swap3A_660, %swap3A_661], %get3A_659 {strides = array<i32>} : memref<160x128xf32, #tpu.memory_space<vmem>>, vector<16xf32>,
            %add3A_663 = arith.constant 128 : i32
            %add3A_664 = arith.addi %add3A_663, %while3A_637 : i32
            %get3A_665 = arith.index_cast %add3A_664 : i32 to index
            %get3A_666 = arith.constant 48 : index
            %get3A_667 = tpu.vector_load %arg17[%get3A_665, %get3A_666] {strides = array<i32>} : memref<160x128xf32, #tpu.memory_space<vmem>>, vector<16xf32>,
            %swap3A_668 = arith.index_cast %while3A_637 : i32 to index
            %swap3A_669 = arith.constant 48 : index
            %swap3A_670 = tpu.vector_load %arg17[%swap3A_668, %swap3A_669] {strides = array<i32>} : memref<160x128xf32, #tpu.memory_space<vmem>>, vector<16xf32>,
            tpu.vector_store %arg17[%swap3A_668, %swap3A_669], %get3A_667 {strides = array<i32>} : memref<160x128xf32, #tpu.memory_space<vmem>>, vector<16xf32>,
            %add3A_671 = arith.constant 128 : i32
            %add3A_672 = arith.addi %add3A_671, %while3A_637 : i32
            %get3A_673 = arith.index_cast %add3A_672 : i32 to index
            %get3A_674 = arith.constant 64 : index
            %get3A_675 = tpu.vector_load %arg17[%get3A_673, %get3A_674] {strides = array<i32>} : memref<160x128xf32, #tpu.memory_space<vmem>>, vector<16xf32>,
            %swap3A_676 = arith.index_cast %while3A_637 : i32 to index
            %swap3A_677 = arith.constant 64 : index
            %swap3A_678 = tpu.vector_load %arg17[%swap3A_676, %swap3A_677] {strides = array<i32>} : memref<160x128xf32, #tpu.memory_space<vmem>>, vector<16xf32>,
            tpu.vector_store %arg17[%swap3A_676, %swap3A_677], %get3A_675 {strides = array<i32>} : memref<160x128xf32, #tpu.memory_space<vmem>>, vector<16xf32>,
            %add3A_679 = arith.constant 128 : i32
            %add3A_680 = arith.addi %add3A_679, %while3A_637 : i32
            %get3A_681 = arith.index_cast %add3A_680 : i32 to index
            %get3A_682 = arith.constant 80 : index
            %get3A_683 = tpu.vector_load %arg17[%get3A_681, %get3A_682] {strides = array<i32>} : memref<160x128xf32, #tpu.memory_space<vmem>>, vector<16xf32>,
            %swap3A_684 = arith.index_cast %while3A_637 : i32 to index
            %swap3A_685 = arith.constant 80 : index
            %swap3A_686 = tpu.vector_load %arg17[%swap3A_684, %swap3A_685] {strides = array<i32>} : memref<160x128xf32, #tpu.memory_space<vmem>>, vector<16xf32>,
            tpu.vector_store %arg17[%swap3A_684, %swap3A_685], %get3A_683 {strides = array<i32>} : memref<160x128xf32, #tpu.memory_space<vmem>>, vector<16xf32>,
            %add3A_687 = arith.constant 128 : i32
            %add3A_688 = arith.addi %add3A_687, %while3A_637 : i32
            %get3A_689 = arith.index_cast %add3A_688 : i32 to index
            %get3A_690 = arith.constant 96 : index
            %get3A_691 = tpu.vector_load %arg17[%get3A_689, %get3A_690] {strides = array<i32>} : memref<160x128xf32, #tpu.memory_space<vmem>>, vector<16xf32>,
            %swap3A_692 = arith.index_cast %while3A_637 : i32 to index
            %swap3A_693 = arith.constant 96 : index
            %swap3A_694 = tpu.vector_load %arg17[%swap3A_692, %swap3A_693] {strides = array<i32>} : memref<160x128xf32, #tpu.memory_space<vmem>>, vector<16xf32>,
            tpu.vector_store %arg17[%swap3A_692, %swap3A_693], %get3A_691 {strides = array<i32>} : memref<160x128xf32, #tpu.memory_space<vmem>>, vector<16xf32>,
            %add3A_695 = arith.constant 128 : i32
            %add3A_696 = arith.addi %add3A_695, %while3A_637 : i32
            %get3A_697 = arith.index_cast %add3A_696 : i32 to index
            %get3A_698 = arith.constant 112 : index
            %get3A_699 = tpu.vector_load %arg17[%get3A_697, %get3A_698] {strides = array<i32>} : memref<160x128xf32, #tpu.memory_space<vmem>>, vector<16xf32>,
            %swap3A_700 = arith.index_cast %while3A_637 : i32 to index
            %swap3A_701 = arith.constant 112 : index
            %swap3A_702 = tpu.vector_load %arg17[%swap3A_700, %swap3A_701] {strides = array<i32>} : memref<160x128xf32, #tpu.memory_space<vmem>>, vector<16xf32>,
            tpu.vector_store %arg17[%swap3A_700, %swap3A_701], %get3A_699 {strides = array<i32>} : memref<160x128xf32, #tpu.memory_space<vmem>>, vector<16xf32>,
            %while3A_703 = arith.constant 0 : i32
            scf.yield %while3A_703 : i32
          }
          %while3A_631 = arith.constant 1 : i32
          %while3A_632 = scf.for %while3A_637 = %while3A_628 to %while3A_624 step %while3A_631 iter_args(%while3A_638 = %while3A_630) -> (i32)  : i32 {
            %add3A_639 = arith.constant 128 : i32
            %add3A_640 = arith.addi %add3A_639, %while3A_637 : i32
            %get3A_641 = arith.index_cast %add3A_640 : i32 to index
            %get3A_642 = arith.constant 0 : index
            %get3A_643 = tpu.vector_load %arg17[%get3A_641, %get3A_642] {strides = array<i32>} : memref<160x128xf32, #tpu.memory_space<vmem>>, vector<16xf32>,
            %swap3A_644 = arith.index_cast %while3A_637 : i32 to index
            %swap3A_645 = arith.constant 0 : index
            %swap3A_646 = tpu.vector_load %arg17[%swap3A_644, %swap3A_645] {strides = array<i32>} : memref<160x128xf32, #tpu.memory_space<vmem>>, vector<16xf32>,
            tpu.vector_store %arg17[%swap3A_644, %swap3A_645], %get3A_643 {strides = array<i32>} : memref<160x128xf32, #tpu.memory_space<vmem>>, vector<16xf32>,
            %add3A_647 = arith.constant 128 : i32
            %add3A_648 = arith.addi %add3A_647, %while3A_637 : i32
            %get3A_649 = arith.index_cast %add3A_648 : i32 to index
            %get3A_650 = arith.constant 16 : index
            %get3A_651 = tpu.vector_load %arg17[%get3A_649, %get3A_650] {strides = array<i32>} : memref<160x128xf32, #tpu.memory_space<vmem>>, vector<16xf32>,
            %swap3A_652 = arith.index_cast %while3A_637 : i32 to index
            %swap3A_653 = arith.constant 16 : index
            %swap3A_654 = tpu.vector_load %arg17[%swap3A_652, %swap3A_653] {strides = array<i32>} : memref<160x128xf32, #tpu.memory_space<vmem>>, vector<16xf32>,
            tpu.vector_store %arg17[%swap3A_652, %swap3A_653], %get3A_651 {strides = array<i32>} : memref<160x128xf32, #tpu.memory_space<vmem>>, vector<16xf32>,
            %add3A_655 = arith.constant 128 : i32
            %add3A_656 = arith.addi %add3A_655, %while3A_637 : i32
            %get3A_657 = arith.index_cast %add3A_656 : i32 to index
            %get3A_658 = arith.constant 32 : index
            %get3A_659 = tpu.vector_load %arg17[%get3A_657, %get3A_658] {strides = array<i32>} : memref<160x128xf32, #tpu.memory_space<vmem>>, vector<16xf32>,
            %swap3A_660 = arith.index_cast %while3A_637 : i32 to index
            %swap3A_661 = arith.constant 32 : index
            %swap3A_662 = tpu.vector_load %arg17[%swap3A_660, %swap3A_661] {strides = array<i32>} : memref<160x128xf32, #tpu.memory_space<vmem>>, vector<16xf32>,
            tpu.vector_store %arg17[%swap3A_660, %swap3A_661], %get3A_659 {strides = array<i32>} : memref<160x128xf32, #tpu.memory_space<vmem>>, vector<16xf32>,
            %add3A_663 = arith.constant 128 : i32
            %add3A_664 = arith.addi %add3A_663, %while3A_637 : i32
            %get3A_665 = arith.index_cast %add3A_664 : i32 to index
            %get3A_666 = arith.constant 48 : index
            %get3A_667 = tpu.vector_load %arg17[%get3A_665, %get3A_666] {strides = array<i32>} : memref<160x128xf32, #tpu.memory_space<vmem>>, vector<16xf32>,
            %swap3A_668 = arith.index_cast %while3A_637 : i32 to index
            %swap3A_669 = arith.constant 48 : index
            %swap3A_670 = tpu.vector_load %arg17[%swap3A_668, %swap3A_669] {strides = array<i32>} : memref<160x128xf32, #tpu.memory_space<vmem>>, vector<16xf32>,
            tpu.vector_store %arg17[%swap3A_668, %swap3A_669], %get3A_667 {strides = array<i32>} : memref<160x128xf32, #tpu.memory_space<vmem>>, vector<16xf32>,
            %add3A_671 = arith.constant 128 : i32
            %add3A_672 = arith.addi %add3A_671, %while3A_637 : i32
            %get3A_673 = arith.index_cast %add3A_672 : i32 to index
            %get3A_674 = arith.constant 64 : index
            %get3A_675 = tpu.vector_load %arg17[%get3A_673, %get3A_674] {strides = array<i32>} : memref<160x128xf32, #tpu.memory_space<vmem>>, vector<16xf32>,
            %swap3A_676 = arith.index_cast %while3A_637 : i32 to index
            %swap3A_677 = arith.constant 64 : index
            %swap3A_678 = tpu.vector_load %arg17[%swap3A_676, %swap3A_677] {strides = array<i32>} : memref<160x128xf32, #tpu.memory_space<vmem>>, vector<16xf32>,
            tpu.vector_store %arg17[%swap3A_676, %swap3A_677], %get3A_675 {strides = array<i32>} : memref<160x128xf32, #tpu.memory_space<vmem>>, vector<16xf32>,
            %add3A_679 = arith.constant 128 : i32
            %add3A_680 = arith.addi %add3A_679, %while3A_637 : i32
            %get3A_681 = arith.index_cast %add3A_680 : i32 to index
            %get3A_682 = arith.constant 80 : index
            %get3A_683 = tpu.vector_load %arg17[%get3A_681, %get3A_682] {strides = array<i32>} : memref<160x128xf32, #tpu.memory_space<vmem>>, vector<16xf32>,
            %swap3A_684 = arith.index_cast %while3A_637 : i32 to index
            %swap3A_685 = arith.constant 80 : index
            %swap3A_686 = tpu.vector_load %arg17[%swap3A_684, %swap3A_685] {strides = array<i32>} : memref<160x128xf32, #tpu.memory_space<vmem>>, vector<16xf32>,
            tpu.vector_store %arg17[%swap3A_684, %swap3A_685], %get3A_683 {strides = array<i32>} : memref<160x128xf32, #tpu.memory_space<vmem>>, vector<16xf32>,
            %add3A_687 = arith.constant 128 : i32
            %add3A_688 = arith.addi %add3A_687, %while3A_637 : i32
            %get3A_689 = arith.index_cast %add3A_688 : i32 to index
            %get3A_690 = arith.constant 96 : index
            %get3A_691 = tpu.vector_load %arg17[%get3A_689, %get3A_690] {strides = array<i32>} : memref<160x128xf32, #tpu.memory_space<vmem>>, vector<16xf32>,
            %swap3A_692 = arith.index_cast %while3A_637 : i32 to index
            %swap3A_693 = arith.constant 96 : index
            %swap3A_694 = tpu.vector_load %arg17[%swap3A_692, %swap3A_693] {strides = array<i32>} : memref<160x128xf32, #tpu.memory_space<vmem>>, vector<16xf32>,
            tpu.vector_store %arg17[%swap3A_692, %swap3A_693], %get3A_691 {strides = array<i32>} : memref<160x128xf32, #tpu.memory_space<vmem>>, vector<16xf32>,
            %add3A_695 = arith.constant 128 : i32
            %add3A_696 = arith.addi %add3A_695, %while3A_637 : i32
            %get3A_697 = arith.index_cast %add3A_696 : i32 to index
            %get3A_698 = arith.constant 112 : index
            %get3A_699 = tpu.vector_load %arg17[%get3A_697, %get3A_698] {strides = array<i32>} : memref<160x128xf32, #tpu.memory_space<vmem>>, vector<16xf32>,
            %swap3A_700 = arith.index_cast %while3A_637 : i32 to index
            %swap3A_701 = arith.constant 112 : index
            %swap3A_702 = tpu.vector_load %arg17[%swap3A_700, %swap3A_701] {strides = array<i32>} : memref<160x128xf32, #tpu.memory_space<vmem>>, vector<16xf32>,
            tpu.vector_store %arg17[%swap3A_700, %swap3A_701], %get3A_699 {strides = array<i32>} : memref<160x128xf32, #tpu.memory_space<vmem>>, vector<16xf32>,
            %while3A_703 = arith.constant 0 : i32
            scf.yield %while3A_703 : i32
          }
          %get3A_633 = arith.constant 128 : index
          %get3A_634 = tpu.vector_load %arg18[%get3A_633] {strides = array<i32>} : memref<384xi32, #tpu.memory_space<vmem>>, vector<16xi32>,
          %swap3A_635 = arith.constant 0 : index
          %swap3A_636 = tpu.vector_load %arg18[%swap3A_635] {strides = array<i32>} : memref<384xi32, #tpu.memory_space<vmem>>, vector<16xi32>,
          tpu.vector_store %arg18[%swap3A_635], %get3A_634 {strides = array<i32>} : memref<384xi32, #tpu.memory_space<vmem>>, vector<16xi32>,
        } else {
        }
        %ge3A_546 = arith.constant 128 : i32
        %ge3A_547 = arith.cmpi sge, %add3A_541, %ge3A_546 : i32
        %sub3A_548 = arith.constant 128 : i32
        %sub3A_549 = arith.subi %add3A_541, %sub3A_548 : i32
        %select_n3A_550 = arith.select %ge3A_547, %sub3A_549, %add3A_541 : i32
        scf.yield %select_n3A_550 : i32
      }
      %add3A_518 = arith.constant 1 : i32
      %add3A_519 = arith.addi %while3A_448, %add3A_518 : i32
      %lt3A_520 = arith.cmpi slt, %add3A_519, %select_n3A_341 : i32
      %convert_element_type3A_521 = arith.extui %lt3A_520 : i1 to i32
      %cond3A_522 = arith.constant 0 : i32
      %cond3A_523 = arith.cmpi ne, %convert_element_type3A_521, %cond3A_522 : i32
      scf.if %cond3A_523 {
        %add3A_524 = arith.constant 3 : i32
        %add3A_525 = arith.addi %add3A_452, %add3A_524 : i32
        %lt3A_526 = arith.constant 781 : i32
        %lt3A_527 = arith.cmpi slt, %add3A_525, %lt3A_526 : i32
        %convert_element_type3A_528 = arith.extui %lt3A_527 : i1 to i32
        %cond3A_529 = arith.constant 0 : i32
        %cond3A_530 = arith.cmpi ne, %convert_element_type3A_528, %cond3A_529 : i32
        scf.if %cond3A_530 {
          %eq3A_536 = arith.constant 0 : i32
          %eq3A_537 = arith.cmpi eq, %select_n3A_9, %eq3A_536 : i32
          %convert_element_type3A_538 = arith.extui %eq3A_537 : i1 to i32
          %cond3A_539 = arith.constant 0 : i32
          %cond3A_540 = arith.cmpi ne, %convert_element_type3A_538, %cond3A_539 : i32
          scf.if %cond3A_540 {
            %mul3A_556 = arith.constant 128 : i32
            %mul3A_557 = arith.muli %add3A_525, %mul3A_556 : i32
            %dma_start3A_558 = arith.constant 0 : i32
            %dma_start3A_559 = tpu.memref_slice %arg4[%dma_start3A_558, %mul3A_557] : memref<64x100000xf32, #tpu.memory_space<hbm>> -> memref<64x128xf32, #tpu.memory_space<hbm>>
            %dma_start3A_560 = arith.constant 0 : i32
            %dma_start3A_561 = tpu.memref_slice %arg4[%dma_start3A_560, %mul3A_557] : memref<64x100000xf32, #tpu.memory_space<hbm>> -> memref<64x128xf32, #tpu.memory_space<hbm>>
            tpu.enqueue_dma source(%dma_start3A_561 : memref<64x128xf32, #tpu.memory_space<hbm>>) target(%arg16 : memref<64x128xf32, #tpu.memory_space<vmem>>) target_semaphore(%arg21 : memref<!tpu.dma_semaphore, #tpu.memory_space<semaphore_mem>>)
          } else {
          }
          %eq3A_541 = arith.constant 1 : i32
          %eq3A_542 = arith.cmpi eq, %select_n3A_9, %eq3A_541 : i32
          %convert_element_type3A_543 = arith.extui %eq3A_542 : i1 to i32
          %cond3A_544 = arith.constant 0 : i32
          %cond3A_545 = arith.cmpi ne, %convert_element_type3A_543, %cond3A_544 : i32
          scf.if %cond3A_545 {
            %mul3A_556 = arith.constant 128 : i32
            %mul3A_557 = arith.muli %add3A_525, %mul3A_556 : i32
            %dma_start3A_558 = arith.constant 0 : i32
            %dma_start3A_559 = tpu.memref_slice %arg5[%dma_start3A_558, %mul3A_557] : memref<64x100000xf32, #tpu.memory_space<hbm>> -> memref<64x128xf32, #tpu.memory_space<hbm>>
            %dma_start3A_560 = arith.constant 0 : i32
            %dma_start3A_561 = tpu.memref_slice %arg5[%dma_start3A_560, %mul3A_557] : memref<64x100000xf32, #tpu.memory_space<hbm>> -> memref<64x128xf32, #tpu.memory_space<hbm>>
            tpu.enqueue_dma source(%dma_start3A_561 : memref<64x128xf32, #tpu.memory_space<hbm>>) target(%arg16 : memref<64x128xf32, #tpu.memory_space<vmem>>) target_semaphore(%arg21 : memref<!tpu.dma_semaphore, #tpu.memory_space<semaphore_mem>>)
          } else {
          }
          %eq3A_546 = arith.constant 2 : i32
          %eq3A_547 = arith.cmpi eq, %select_n3A_9, %eq3A_546 : i32
          %convert_element_type3A_548 = arith.extui %eq3A_547 : i1 to i32
          %cond3A_549 = arith.constant 0 : i32
          %cond3A_550 = arith.cmpi ne, %convert_element_type3A_548, %cond3A_549 : i32
          scf.if %cond3A_550 {
            %mul3A_556 = arith.constant 128 : i32
            %mul3A_557 = arith.muli %add3A_525, %mul3A_556 : i32
            %dma_start3A_558 = arith.constant 0 : i32
            %dma_start3A_559 = tpu.memref_slice %arg6[%dma_start3A_558, %mul3A_557] : memref<64x100000xf32, #tpu.memory_space<hbm>> -> memref<64x128xf32, #tpu.memory_space<hbm>>
            %dma_start3A_560 = arith.constant 0 : i32
            %dma_start3A_561 = tpu.memref_slice %arg6[%dma_start3A_560, %mul3A_557] : memref<64x100000xf32, #tpu.memory_space<hbm>> -> memref<64x128xf32, #tpu.memory_space<hbm>>
            tpu.enqueue_dma source(%dma_start3A_561 : memref<64x128xf32, #tpu.memory_space<hbm>>) target(%arg16 : memref<64x128xf32, #tpu.memory_space<vmem>>) target_semaphore(%arg21 : memref<!tpu.dma_semaphore, #tpu.memory_space<semaphore_mem>>)
          } else {
          }
          %eq3A_551 = arith.constant 3 : i32
          %eq3A_552 = arith.cmpi eq, %select_n3A_9, %eq3A_551 : i32
          %convert_element_type3A_553 = arith.extui %eq3A_552 : i1 to i32
          %cond3A_554 = arith.constant 0 : i32
          %cond3A_555 = arith.cmpi ne, %convert_element_type3A_553, %cond3A_554 : i32
          scf.if %cond3A_555 {
            %mul3A_556 = arith.constant 128 : i32
            %mul3A_557 = arith.muli %add3A_525, %mul3A_556 : i32
            %dma_start3A_558 = arith.constant 0 : i32
            %dma_start3A_559 = tpu.memref_slice %arg7[%dma_start3A_558, %mul3A_557] : memref<64x100000xf32, #tpu.memory_space<hbm>> -> memref<64x128xf32, #tpu.memory_space<hbm>>
            %dma_start3A_560 = arith.constant 0 : i32
            %dma_start3A_561 = tpu.memref_slice %arg7[%dma_start3A_560, %mul3A_557] : memref<64x100000xf32, #tpu.memory_space<hbm>> -> memref<64x128xf32, #tpu.memory_space<hbm>>
            tpu.enqueue_dma source(%dma_start3A_561 : memref<64x128xf32, #tpu.memory_space<hbm>>) target(%arg16 : memref<64x128xf32, #tpu.memory_space<vmem>>) target_semaphore(%arg21 : memref<!tpu.dma_semaphore, #tpu.memory_space<semaphore_mem>>)
          } else {
          }
        } else {
        }
        %eq3A_531 = arith.constant 781 : i32
        %eq3A_532 = arith.cmpi eq, %add3A_525, %eq3A_531 : i32
        %convert_element_type3A_533 = arith.extui %eq3A_532 : i1 to i32
        %cond3A_534 = arith.constant 0 : i32
        %cond3A_535 = arith.cmpi ne, %convert_element_type3A_533, %cond3A_534 : i32
        scf.if %cond3A_535 {
          tpu.enqueue_dma source(%arg8 : memref<64x128xf32, #tpu.memory_space<hbm>>) target(%arg16 : memref<64x128xf32, #tpu.memory_space<vmem>>) target_semaphore(%arg21 : memref<!tpu.dma_semaphore, #tpu.memory_space<semaphore_mem>>)
        } else {
        }
      } else {
      }
      scf.yield %while3A_517 : i32
    }
    %while3A_374 = arith.constant 1 : i32
    %while3A_375 = scf.for %while3A_448 = %while3A_371 to %while3A_367 step %while3A_374 iter_args(%while3A_449 = %while3A_373) -> (i32)  : i32 {
      %mul3A_450 = arith.constant 2 : i32
      %mul3A_451 = arith.muli %mul3A_450, %while3A_448 : i32
      %add3A_452 = arith.addi %mul3A_32, %mul3A_451 : i32
      tpu.wait_dma2 semaphore(%arg20 : memref<!tpu.dma_semaphore, #tpu.memory_space<semaphore_mem>>) src(%arg8 : memref<64x128xf32, #tpu.memory_space<hbm>>) dst(%arg15 : memref<64x128xf32, #tpu.memory_space<vmem>>)
      %and3A_453 = arith.constant 15 : i32
      %and3A_454 = arith.andi %add3A_452, %and3A_453 : i32
      %get3A_455 = arith.index_cast %and3A_454 : i32 to index
      %get3A_456 = tpu.vector_load %arg14[%get3A_455] {strides = array<i32>} : memref<128xi32, #tpu.memory_space<vmem>>, vector<16xi32>,
      %slice3A = vector.extract_strided_slice %get3A_456 {offsets = [0], sizes = [1], strides = [1]} : vector<16xi32> to vector<1xi32>
      %squeeze3A = vector.extract %slice3A[0] : i32 from vector<1xi32>
      %add3A_457 = arith.constant 16 : i32
      %add3A_458 = arith.addi %add3A_457, %and3A_454 : i32
      %get3A_459 = arith.index_cast %add3A_458 : i32 to index
      %get3A_460 = tpu.vector_load %arg14[%get3A_459] {strides = array<i32>} : memref<128xi32, #tpu.memory_space<vmem>>, vector<16xi32>,
      %slice3A_461 = vector.extract_strided_slice %get3A_460 {offsets = [0], sizes = [1], strides = [1]} : vector<16xi32> to vector<1xi32>
      %squeeze3A_462 = vector.extract %slice3A_461[0] : i32 from vector<1xi32>
      %shift_right_arithmetic3A = arith.constant 4 : i32
      %shift_right_arithmetic3A_463 = arith.shrsi %squeeze3A, %shift_right_arithmetic3A : i32
      %add3A_464 = arith.constant 16 : i32
      %add3A_465 = arith.addi %squeeze3A_462, %add3A_464 : i32
      %sub3A_466 = arith.constant 1 : i32
      %sub3A_467 = arith.subi %add3A_465, %sub3A_466 : i32
      %shift_right_arithmetic3A_468 = arith.constant 4 : i32
      %shift_right_arithmetic3A_469 = arith.shrsi %sub3A_467, %shift_right_arithmetic3A_468 : i32
      %while3A_470 = arith.subi %shift_right_arithmetic3A_469, %shift_right_arithmetic3A_463 : i32
      %while3A_471 = arith.addi %shift_right_arithmetic3A_463, %while3A_470 : i32
      %while3A_472 = arith.constant 1 : i32
      %while3A_473 = arith.divsi %while3A_470, %while3A_472 : i32
      %while3A_474 = arith.muli %while3A_473, %while3A_472 : i32
      %while3A_475 = arith.addi %shift_right_arithmetic3A_463, %while3A_474 : i32
      %while3A_476 = arith.constant 1 : i32
      %while3A_477 = scf.for %while3A_524 = %shift_right_arithmetic3A_463 to %while3A_475 step %while3A_476 iter_args(%while3A_525 = %while3A_449) -> (i32)  : i32 {
        %mul3A_526 = arith.constant 16 : i32
        %mul3A_527 = arith.muli %while3A_524, %mul3A_526 : i32
        %get3A_528 = arith.index_cast %mul3A_527 : i32 to index
        %get3A_529 = tpu.vector_load %arg10[%get3A_528] {strides = array<i32>} : memref<16384xi32, #tpu.memory_space<vmem>>, vector<16xi32>,
        %shift_right_arithmetic3A_530 = arith.constant 7 : i32
        %shift_right_arithmetic3A_531 = vector.broadcast %shift_right_arithmetic3A_530 : i32 to vector<16xi32>
        %shift_right_arithmetic3A_532 = arith.shrsi %get3A_529, %shift_right_arithmetic3A_531 : vector<16xi32>
        %eq3A_533 = vector.broadcast %add3A_452 : i32 to vector<16xi32>
        %eq3A_534 = arith.cmpi eq, %shift_right_arithmetic3A_532, %eq3A_533 : vector<16xi32>
        %all_reduce_population_count3A = tpu.all_reduce %eq3A_534 {dim = 0 : i64, kind = #tpu.reduction_kind<sum>} : vector<16xi1> -> vector<16xi32>
        %slice3A_535 = vector.extract_strided_slice %all_reduce_population_count3A {offsets = [0], sizes = [1], strides = [1]} : vector<16xi32> to vector<1xi32>
        %squeeze3A_536 = vector.extract %slice3A_535[0] : i32 from vector<1xi32>
        %gt3A = arith.constant 0 : i32
        %gt3A_537 = arith.cmpi sgt, %squeeze3A_536, %gt3A : i32
        %convert_element_type3A_538 = arith.extui %gt3A_537 : i1 to i32
        %cond3A_539 = arith.constant 0 : i32
        %cond3A_540 = arith.cmpi ne, %convert_element_type3A_538, %cond3A_539 : i32
        scf.if %cond3A_540 {
          %and3A_551 = arith.constant 127 : i32
          %and3A_552 = vector.broadcast %and3A_551 : i32 to vector<16xi32>
          %and3A_553 = arith.andi %get3A_529, %and3A_552 : vector<16xi32>
          %mul3A_554 = arith.constant 16 : i32
          %mul3A_555 = arith.muli %while3A_524, %mul3A_554 : i32
          %get3A_556 = arith.index_cast %mul3A_555 : i32 to index
          %get3A_557 = tpu.vector_load %arg11[%get3A_556] {strides = array<i32>} : memref<16384xi32, #tpu.memory_space<vmem>>, vector<16xi32>,
          %convert_element_type3A_558 = arith.extui %eq3A_534 : vector<16xi1> to vector<16xi32>
          %broadcast_in_dim3A_559 = arith.constant true
          %broadcast_in_dim3A_560 = vector.broadcast %broadcast_in_dim3A_559 : i1 to vector<16xi1>
          %masked_cumsum3A = tpu.scan <sum>, %convert_element_type3A_558 masked %broadcast_in_dim3A_560 : vector<16xi32>, vector<16xi1> -> vector<16xi32>
          %add3A_561 = vector.broadcast %while3A_525 : i32 to vector<16xi32>
          %add3A_562 = arith.addi %add3A_561, %masked_cumsum3A : vector<16xi32>
          %sub3A_563 = arith.constant 1 : i32
          %sub3A_564 = vector.broadcast %sub3A_563 : i32 to vector<16xi32>
          %sub3A_565 = arith.subi %add3A_562, %sub3A_564 : vector<16xi32>
          %jit3A_566 = arith.constant 152 : i32
          %broadcast_in_dim3A_567 = vector.broadcast %jit3A_566 : i32 to vector<16xi32>
          %select_n3A_568 = arith.select %eq3A_534, %sub3A_565, %broadcast_in_dim3A_567 : vector<16xi1>, vector<16xi32>
          tpu.vector_store_idx %arg18[%select_n3A_568], %get3A_557 : memref<384xi32, #tpu.memory_space<vmem>>[vector<16xi32>], vector<16xi32>,
          %scan3A_569 = arith.constant 0 : i32
          %scan3A_570 = arith.constant 0 : i32
          %scan3A_571 = arith.constant 64 : i32
          %scan3A_572 = arith.addi %scan3A_570, %scan3A_571 : i32
          %scan3A_573 = arith.constant 4 : i32
          %scan3A_574 = scf.for %scan3A_576 = %scan3A_570 to %scan3A_572 step %scan3A_573 iter_args(%scan3A_577 = %scan3A_569) -> (i32)  : i32 {
            %broadcast_in_dim3A_578 = arith.constant 0 : i32
            %broadcast_in_dim3A_579 = vector.broadcast %broadcast_in_dim3A_578 : i32 to vector<16xi32>
            %add3A_580 = vector.broadcast %scan3A_576 : i32 to vector<16xi32>
            %add3A_581 = arith.addi %broadcast_in_dim3A_579, %add3A_580 : vector<16xi32>
            %gather3A = tpu.vector_load_idx %arg15[%add3A_581, %and3A_553] : memref<64x128xf32, #tpu.memory_space<vmem>>[vector<16xi32>, vector<16xi32>], vector<16xf32>,
            tpu.vector_store_idx %arg17[%select_n3A_568, %add3A_581], %gather3A : memref<160x128xf32, #tpu.memory_space<vmem>>[vector<16xi32>, vector<16xi32>], vector<16xf32>,
            %scan3A_582 = arith.constant 0 : i32
            %scan3A_583 = arith.constant 1 : i32
            %scan3A_584 = arith.addi %scan3A_576, %scan3A_583 : i32
            %broadcast_in_dim3A_585 = arith.constant 0 : i32
            %broadcast_in_dim3A_586 = vector.broadcast %broadcast_in_dim3A_585 : i32 to vector<16xi32>
            %add3A_587 = vector.broadcast %scan3A_584 : i32 to vector<16xi32>
            %add3A_588 = arith.addi %broadcast_in_dim3A_586, %add3A_587 : vector<16xi32>
            %gather3A_589 = tpu.vector_load_idx %arg15[%add3A_588, %and3A_553] : memref<64x128xf32, #tpu.memory_space<vmem>>[vector<16xi32>, vector<16xi32>], vector<16xf32>,
            tpu.vector_store_idx %arg17[%select_n3A_568, %add3A_588], %gather3A_589 : memref<160x128xf32, #tpu.memory_space<vmem>>[vector<16xi32>, vector<16xi32>], vector<16xf32>,
            %scan3A_590 = arith.constant 0 : i32
            %scan3A_591 = arith.constant 2 : i32
            %scan3A_592 = arith.addi %scan3A_576, %scan3A_591 : i32
            %broadcast_in_dim3A_593 = arith.constant 0 : i32
            %broadcast_in_dim3A_594 = vector.broadcast %broadcast_in_dim3A_593 : i32 to vector<16xi32>
            %add3A_595 = vector.broadcast %scan3A_592 : i32 to vector<16xi32>
            %add3A_596 = arith.addi %broadcast_in_dim3A_594, %add3A_595 : vector<16xi32>
            %gather3A_597 = tpu.vector_load_idx %arg15[%add3A_596, %and3A_553] : memref<64x128xf32, #tpu.memory_space<vmem>>[vector<16xi32>, vector<16xi32>], vector<16xf32>,
            tpu.vector_store_idx %arg17[%select_n3A_568, %add3A_596], %gather3A_597 : memref<160x128xf32, #tpu.memory_space<vmem>>[vector<16xi32>, vector<16xi32>], vector<16xf32>,
            %scan3A_598 = arith.constant 0 : i32
            %scan3A_599 = arith.constant 3 : i32
            %scan3A_600 = arith.addi %scan3A_576, %scan3A_599 : i32
            %broadcast_in_dim3A_601 = arith.constant 0 : i32
            %broadcast_in_dim3A_602 = vector.broadcast %broadcast_in_dim3A_601 : i32 to vector<16xi32>
            %add3A_603 = vector.broadcast %scan3A_600 : i32 to vector<16xi32>
            %add3A_604 = arith.addi %broadcast_in_dim3A_602, %add3A_603 : vector<16xi32>
            %gather3A_605 = tpu.vector_load_idx %arg15[%add3A_604, %and3A_553] : memref<64x128xf32, #tpu.memory_space<vmem>>[vector<16xi32>, vector<16xi32>], vector<16xf32>,
            tpu.vector_store_idx %arg17[%select_n3A_568, %add3A_604], %gather3A_605 : memref<160x128xf32, #tpu.memory_space<vmem>>[vector<16xi32>, vector<16xi32>], vector<16xf32>,
            %scan3A_606 = arith.constant 0 : i32
            scf.yield %scan3A_606 : i32
          }
          %scan3A_575 = arith.constant 64 : i32
        } else {
        }
        %add3A_541 = arith.addi %while3A_525, %squeeze3A_536 : i32
        %ge3A = arith.constant 128 : i32
        %ge3A_542 = arith.cmpi sge, %add3A_541, %ge3A : i32
        %convert_element_type3A_543 = arith.extui %ge3A_542 : i1 to i32
        %cond3A_544 = arith.constant 0 : i32
        %cond3A_545 = arith.cmpi ne, %convert_element_type3A_543, %cond3A_544 : i32
        scf.if %cond3A_545 {
          %get3A_551 = arith.constant 0 : index
          %get3A_552 = tpu.vector_load %arg18[%get3A_551] {strides = array<i32>} : memref<384xi32, #tpu.memory_space<vmem>>, vector<16xi32>,
          %swap3A_553 = arith.constant 0 : i32
          %swap3A_554 = arith.index_cast %swap3A_553 : i32 to index
          %swap3A_555 = arith.constant 0 : index
          %swap3A_556 = tpu.vector_load %arg19[%swap3A_554, %swap3A_555] {strides = array<i32>} : memref<8x128xi32, #tpu.memory_space<vmem>>, vector<16xi32>,
          tpu.vector_store %arg19[%swap3A_554, %swap3A_555], %get3A_552 {strides = array<i32>} : memref<8x128xi32, #tpu.memory_space<vmem>>, vector<16xi32>,
          %get3A_557 = arith.constant 16 : index
          %get3A_558 = tpu.vector_load %arg18[%get3A_557] {strides = array<i32>} : memref<384xi32, #tpu.memory_space<vmem>>, vector<16xi32>,
          %swap3A_559 = arith.constant 0 : i32
          %swap3A_560 = arith.index_cast %swap3A_559 : i32 to index
          %swap3A_561 = arith.constant 16 : index
          %swap3A_562 = tpu.vector_load %arg19[%swap3A_560, %swap3A_561] {strides = array<i32>} : memref<8x128xi32, #tpu.memory_space<vmem>>, vector<16xi32>,
          tpu.vector_store %arg19[%swap3A_560, %swap3A_561], %get3A_558 {strides = array<i32>} : memref<8x128xi32, #tpu.memory_space<vmem>>, vector<16xi32>,
          %get3A_563 = arith.constant 32 : index
          %get3A_564 = tpu.vector_load %arg18[%get3A_563] {strides = array<i32>} : memref<384xi32, #tpu.memory_space<vmem>>, vector<16xi32>,
          %swap3A_565 = arith.constant 0 : i32
          %swap3A_566 = arith.index_cast %swap3A_565 : i32 to index
          %swap3A_567 = arith.constant 32 : index
          %swap3A_568 = tpu.vector_load %arg19[%swap3A_566, %swap3A_567] {strides = array<i32>} : memref<8x128xi32, #tpu.memory_space<vmem>>, vector<16xi32>,
          tpu.vector_store %arg19[%swap3A_566, %swap3A_567], %get3A_564 {strides = array<i32>} : memref<8x128xi32, #tpu.memory_space<vmem>>, vector<16xi32>,
          %get3A_569 = arith.constant 48 : index
          %get3A_570 = tpu.vector_load %arg18[%get3A_569] {strides = array<i32>} : memref<384xi32, #tpu.memory_space<vmem>>, vector<16xi32>,
          %swap3A_571 = arith.constant 0 : i32
          %swap3A_572 = arith.index_cast %swap3A_571 : i32 to index
          %swap3A_573 = arith.constant 48 : index
          %swap3A_574 = tpu.vector_load %arg19[%swap3A_572, %swap3A_573] {strides = array<i32>} : memref<8x128xi32, #tpu.memory_space<vmem>>, vector<16xi32>,
          tpu.vector_store %arg19[%swap3A_572, %swap3A_573], %get3A_570 {strides = array<i32>} : memref<8x128xi32, #tpu.memory_space<vmem>>, vector<16xi32>,
          %get3A_575 = arith.constant 64 : index
          %get3A_576 = tpu.vector_load %arg18[%get3A_575] {strides = array<i32>} : memref<384xi32, #tpu.memory_space<vmem>>, vector<16xi32>,
          %swap3A_577 = arith.constant 0 : i32
          %swap3A_578 = arith.index_cast %swap3A_577 : i32 to index
          %swap3A_579 = arith.constant 64 : index
          %swap3A_580 = tpu.vector_load %arg19[%swap3A_578, %swap3A_579] {strides = array<i32>} : memref<8x128xi32, #tpu.memory_space<vmem>>, vector<16xi32>,
          tpu.vector_store %arg19[%swap3A_578, %swap3A_579], %get3A_576 {strides = array<i32>} : memref<8x128xi32, #tpu.memory_space<vmem>>, vector<16xi32>,
          %get3A_581 = arith.constant 80 : index
          %get3A_582 = tpu.vector_load %arg18[%get3A_581] {strides = array<i32>} : memref<384xi32, #tpu.memory_space<vmem>>, vector<16xi32>,
          %swap3A_583 = arith.constant 0 : i32
          %swap3A_584 = arith.index_cast %swap3A_583 : i32 to index
          %swap3A_585 = arith.constant 80 : index
          %swap3A_586 = tpu.vector_load %arg19[%swap3A_584, %swap3A_585] {strides = array<i32>} : memref<8x128xi32, #tpu.memory_space<vmem>>, vector<16xi32>,
          tpu.vector_store %arg19[%swap3A_584, %swap3A_585], %get3A_582 {strides = array<i32>} : memref<8x128xi32, #tpu.memory_space<vmem>>, vector<16xi32>,
          %get3A_587 = arith.constant 96 : index
          %get3A_588 = tpu.vector_load %arg18[%get3A_587] {strides = array<i32>} : memref<384xi32, #tpu.memory_space<vmem>>, vector<16xi32>,
          %swap3A_589 = arith.constant 0 : i32
          %swap3A_590 = arith.index_cast %swap3A_589 : i32 to index
          %swap3A_591 = arith.constant 96 : index
          %swap3A_592 = tpu.vector_load %arg19[%swap3A_590, %swap3A_591] {strides = array<i32>} : memref<8x128xi32, #tpu.memory_space<vmem>>, vector<16xi32>,
          tpu.vector_store %arg19[%swap3A_590, %swap3A_591], %get3A_588 {strides = array<i32>} : memref<8x128xi32, #tpu.memory_space<vmem>>, vector<16xi32>,
          %get3A_593 = arith.constant 112 : index
          %get3A_594 = tpu.vector_load %arg18[%get3A_593] {strides = array<i32>} : memref<384xi32, #tpu.memory_space<vmem>>, vector<16xi32>,
          %swap3A_595 = arith.constant 0 : i32
          %swap3A_596 = arith.index_cast %swap3A_595 : i32 to index
          %swap3A_597 = arith.constant 112 : index
          %swap3A_598 = tpu.vector_load %arg19[%swap3A_596, %swap3A_597] {strides = array<i32>} : memref<8x128xi32, #tpu.memory_space<vmem>>, vector<16xi32>,
          tpu.vector_store %arg19[%swap3A_596, %swap3A_597], %get3A_594 {strides = array<i32>} : memref<8x128xi32, #tpu.memory_space<vmem>>, vector<16xi32>,
          %dma_start3A_599 = arith.constant 0 : i32
          %dma_start3A_600 = arith.constant 0 : i32
          %dma_start3A_601 = arith.constant 0 : i32
          %dma_start3A_602 = tpu.memref_slice %arg17[%dma_start3A_600, %dma_start3A_601] : memref<160x128xf32, #tpu.memory_space<vmem>> -> memref<128x128xf32, #tpu.memory_space<vmem>>
          %dma_start3A_603 = arith.constant 0 : i32
          %dma_start3A_604 = tpu.memref_slice %arg19[%dma_start3A_599, %dma_start3A_603] : memref<8x128xi32, #tpu.memory_space<vmem>> -> memref<1x128xi32, #tpu.memory_space<vmem>>
          %dma_start3A_605 = tpu.memref_squeeze %dma_start3A_604 : memref<1x128xi32, #tpu.memory_space<vmem>> -> memref<128xi32, #tpu.memory_space<vmem>>
          %dma_start3A_606 = arith.constant 0 : i32
          %dma_start3A_607 = arith.constant 0 : i32
          %dma_start3A_608 = tpu.memref_slice %arg9[%dma_start3A_606, %dma_start3A_607] : memref<16400x128xf32, #tpu.memory_space<hbm>> -> memref<16400x128xf32, #tpu.memory_space<hbm>>
          tpu.enqueue_indirect_dma source(%dma_start3A_602 : memref<128x128xf32, #tpu.memory_space<vmem>>) target(%dma_start3A_608 : memref<16400x128xf32, #tpu.memory_space<hbm>>) offsets(%dma_start3A_605 : memref<128xi32, #tpu.memory_space<vmem>>) semaphore(%arg22 : memref<!tpu.dma_semaphore, #tpu.memory_space<semaphore_mem>>)
          %dma_wait3A_609 = arith.constant 0 : i32
          %dma_wait3A_610 = arith.constant 0 : i32
          %dma_wait3A_611 = arith.constant 0 : i32
          %dma_wait3A_612 = tpu.memref_slice %arg17[%dma_wait3A_610, %dma_wait3A_611] : memref<160x128xf32, #tpu.memory_space<vmem>> -> memref<128x128xf32, #tpu.memory_space<vmem>>
          %dma_wait3A_613 = arith.constant 0 : i32
          %dma_wait3A_614 = tpu.memref_slice %arg19[%dma_wait3A_609, %dma_wait3A_613] : memref<8x128xi32, #tpu.memory_space<vmem>> -> memref<1x128xi32, #tpu.memory_space<vmem>>
          %dma_wait3A_615 = tpu.memref_squeeze %dma_wait3A_614 : memref<1x128xi32, #tpu.memory_space<vmem>> -> memref<128xi32, #tpu.memory_space<vmem>>
          %dma_wait3A_616 = arith.constant 0 : i32
          %dma_wait3A_617 = arith.constant 0 : i32
          %dma_wait3A_618 = tpu.memref_slice %arg9[%dma_wait3A_616, %dma_wait3A_617] : memref<16400x128xf32, #tpu.memory_space<hbm>> -> memref<16400x128xf32, #tpu.memory_space<hbm>>
          tpu.wait_indirect_dma semaphore(%arg22 : memref<!tpu.dma_semaphore, #tpu.memory_space<semaphore_mem>>) src(%dma_wait3A_612 : memref<128x128xf32, #tpu.memory_space<vmem>>) dst(%dma_wait3A_618 : memref<16400x128xf32, #tpu.memory_space<hbm>>)
          %sub3A_619 = arith.constant 128 : i32
          %sub3A_620 = arith.subi %add3A_541, %sub3A_619 : i32
          %while3A_621 = arith.constant 0 : i32
          %while3A_622 = arith.constant 0 : i32
          %while3A_623 = arith.subi %sub3A_620, %while3A_621 : i32
          %while3A_624 = arith.addi %while3A_621, %while3A_623 : i32
          %while3A_625 = arith.constant 1 : i32
          %while3A_626 = arith.divsi %while3A_623, %while3A_625 : i32
          %while3A_627 = arith.muli %while3A_626, %while3A_625 : i32
          %while3A_628 = arith.addi %while3A_621, %while3A_627 : i32
          %while3A_629 = arith.constant 1 : i32
          %while3A_630 = scf.for %while3A_637 = %while3A_621 to %while3A_628 step %while3A_629 iter_args(%while3A_638 = %while3A_622) -> (i32)  : i32 {
            %add3A_639 = arith.constant 128 : i32
            %add3A_640 = arith.addi %add3A_639, %while3A_637 : i32
            %get3A_641 = arith.index_cast %add3A_640 : i32 to index
            %get3A_642 = arith.constant 0 : index
            %get3A_643 = tpu.vector_load %arg17[%get3A_641, %get3A_642] {strides = array<i32>} : memref<160x128xf32, #tpu.memory_space<vmem>>, vector<16xf32>,
            %swap3A_644 = arith.index_cast %while3A_637 : i32 to index
            %swap3A_645 = arith.constant 0 : index
            %swap3A_646 = tpu.vector_load %arg17[%swap3A_644, %swap3A_645] {strides = array<i32>} : memref<160x128xf32, #tpu.memory_space<vmem>>, vector<16xf32>,
            tpu.vector_store %arg17[%swap3A_644, %swap3A_645], %get3A_643 {strides = array<i32>} : memref<160x128xf32, #tpu.memory_space<vmem>>, vector<16xf32>,
            %add3A_647 = arith.constant 128 : i32
            %add3A_648 = arith.addi %add3A_647, %while3A_637 : i32
            %get3A_649 = arith.index_cast %add3A_648 : i32 to index
            %get3A_650 = arith.constant 16 : index
            %get3A_651 = tpu.vector_load %arg17[%get3A_649, %get3A_650] {strides = array<i32>} : memref<160x128xf32, #tpu.memory_space<vmem>>, vector<16xf32>,
            %swap3A_652 = arith.index_cast %while3A_637 : i32 to index
            %swap3A_653 = arith.constant 16 : index
            %swap3A_654 = tpu.vector_load %arg17[%swap3A_652, %swap3A_653] {strides = array<i32>} : memref<160x128xf32, #tpu.memory_space<vmem>>, vector<16xf32>,
            tpu.vector_store %arg17[%swap3A_652, %swap3A_653], %get3A_651 {strides = array<i32>} : memref<160x128xf32, #tpu.memory_space<vmem>>, vector<16xf32>,
            %add3A_655 = arith.constant 128 : i32
            %add3A_656 = arith.addi %add3A_655, %while3A_637 : i32
            %get3A_657 = arith.index_cast %add3A_656 : i32 to index
            %get3A_658 = arith.constant 32 : index
            %get3A_659 = tpu.vector_load %arg17[%get3A_657, %get3A_658] {strides = array<i32>} : memref<160x128xf32, #tpu.memory_space<vmem>>, vector<16xf32>,
            %swap3A_660 = arith.index_cast %while3A_637 : i32 to index
            %swap3A_661 = arith.constant 32 : index
            %swap3A_662 = tpu.vector_load %arg17[%swap3A_660, %swap3A_661] {strides = array<i32>} : memref<160x128xf32, #tpu.memory_space<vmem>>, vector<16xf32>,
            tpu.vector_store %arg17[%swap3A_660, %swap3A_661], %get3A_659 {strides = array<i32>} : memref<160x128xf32, #tpu.memory_space<vmem>>, vector<16xf32>,
            %add3A_663 = arith.constant 128 : i32
            %add3A_664 = arith.addi %add3A_663, %while3A_637 : i32
            %get3A_665 = arith.index_cast %add3A_664 : i32 to index
            %get3A_666 = arith.constant 48 : index
            %get3A_667 = tpu.vector_load %arg17[%get3A_665, %get3A_666] {strides = array<i32>} : memref<160x128xf32, #tpu.memory_space<vmem>>, vector<16xf32>,
            %swap3A_668 = arith.index_cast %while3A_637 : i32 to index
            %swap3A_669 = arith.constant 48 : index
            %swap3A_670 = tpu.vector_load %arg17[%swap3A_668, %swap3A_669] {strides = array<i32>} : memref<160x128xf32, #tpu.memory_space<vmem>>, vector<16xf32>,
            tpu.vector_store %arg17[%swap3A_668, %swap3A_669], %get3A_667 {strides = array<i32>} : memref<160x128xf32, #tpu.memory_space<vmem>>, vector<16xf32>,
            %add3A_671 = arith.constant 128 : i32
            %add3A_672 = arith.addi %add3A_671, %while3A_637 : i32
            %get3A_673 = arith.index_cast %add3A_672 : i32 to index
            %get3A_674 = arith.constant 64 : index
            %get3A_675 = tpu.vector_load %arg17[%get3A_673, %get3A_674] {strides = array<i32>} : memref<160x128xf32, #tpu.memory_space<vmem>>, vector<16xf32>,
            %swap3A_676 = arith.index_cast %while3A_637 : i32 to index
            %swap3A_677 = arith.constant 64 : index
            %swap3A_678 = tpu.vector_load %arg17[%swap3A_676, %swap3A_677] {strides = array<i32>} : memref<160x128xf32, #tpu.memory_space<vmem>>, vector<16xf32>,
            tpu.vector_store %arg17[%swap3A_676, %swap3A_677], %get3A_675 {strides = array<i32>} : memref<160x128xf32, #tpu.memory_space<vmem>>, vector<16xf32>,
            %add3A_679 = arith.constant 128 : i32
            %add3A_680 = arith.addi %add3A_679, %while3A_637 : i32
            %get3A_681 = arith.index_cast %add3A_680 : i32 to index
            %get3A_682 = arith.constant 80 : index
            %get3A_683 = tpu.vector_load %arg17[%get3A_681, %get3A_682] {strides = array<i32>} : memref<160x128xf32, #tpu.memory_space<vmem>>, vector<16xf32>,
            %swap3A_684 = arith.index_cast %while3A_637 : i32 to index
            %swap3A_685 = arith.constant 80 : index
            %swap3A_686 = tpu.vector_load %arg17[%swap3A_684, %swap3A_685] {strides = array<i32>} : memref<160x128xf32, #tpu.memory_space<vmem>>, vector<16xf32>,
            tpu.vector_store %arg17[%swap3A_684, %swap3A_685], %get3A_683 {strides = array<i32>} : memref<160x128xf32, #tpu.memory_space<vmem>>, vector<16xf32>,
            %add3A_687 = arith.constant 128 : i32
            %add3A_688 = arith.addi %add3A_687, %while3A_637 : i32
            %get3A_689 = arith.index_cast %add3A_688 : i32 to index
            %get3A_690 = arith.constant 96 : index
            %get3A_691 = tpu.vector_load %arg17[%get3A_689, %get3A_690] {strides = array<i32>} : memref<160x128xf32, #tpu.memory_space<vmem>>, vector<16xf32>,
            %swap3A_692 = arith.index_cast %while3A_637 : i32 to index
            %swap3A_693 = arith.constant 96 : index
            %swap3A_694 = tpu.vector_load %arg17[%swap3A_692, %swap3A_693] {strides = array<i32>} : memref<160x128xf32, #tpu.memory_space<vmem>>, vector<16xf32>,
            tpu.vector_store %arg17[%swap3A_692, %swap3A_693], %get3A_691 {strides = array<i32>} : memref<160x128xf32, #tpu.memory_space<vmem>>, vector<16xf32>,
            %add3A_695 = arith.constant 128 : i32
            %add3A_696 = arith.addi %add3A_695, %while3A_637 : i32
            %get3A_697 = arith.index_cast %add3A_696 : i32 to index
            %get3A_698 = arith.constant 112 : index
            %get3A_699 = tpu.vector_load %arg17[%get3A_697, %get3A_698] {strides = array<i32>} : memref<160x128xf32, #tpu.memory_space<vmem>>, vector<16xf32>,
            %swap3A_700 = arith.index_cast %while3A_637 : i32 to index
            %swap3A_701 = arith.constant 112 : index
            %swap3A_702 = tpu.vector_load %arg17[%swap3A_700, %swap3A_701] {strides = array<i32>} : memref<160x128xf32, #tpu.memory_space<vmem>>, vector<16xf32>,
            tpu.vector_store %arg17[%swap3A_700, %swap3A_701], %get3A_699 {strides = array<i32>} : memref<160x128xf32, #tpu.memory_space<vmem>>, vector<16xf32>,
            %while3A_703 = arith.constant 0 : i32
            scf.yield %while3A_703 : i32
          }
          %while3A_631 = arith.constant 1 : i32
          %while3A_632 = scf.for %while3A_637 = %while3A_628 to %while3A_624 step %while3A_631 iter_args(%while3A_638 = %while3A_630) -> (i32)  : i32 {
            %add3A_639 = arith.constant 128 : i32
            %add3A_640 = arith.addi %add3A_639, %while3A_637 : i32
            %get3A_641 = arith.index_cast %add3A_640 : i32 to index
            %get3A_642 = arith.constant 0 : index
            %get3A_643 = tpu.vector_load %arg17[%get3A_641, %get3A_642] {strides = array<i32>} : memref<160x128xf32, #tpu.memory_space<vmem>>, vector<16xf32>,
            %swap3A_644 = arith.index_cast %while3A_637 : i32 to index
            %swap3A_645 = arith.constant 0 : index
            %swap3A_646 = tpu.vector_load %arg17[%swap3A_644, %swap3A_645] {strides = array<i32>} : memref<160x128xf32, #tpu.memory_space<vmem>>, vector<16xf32>,
            tpu.vector_store %arg17[%swap3A_644, %swap3A_645], %get3A_643 {strides = array<i32>} : memref<160x128xf32, #tpu.memory_space<vmem>>, vector<16xf32>,
            %add3A_647 = arith.constant 128 : i32
            %add3A_648 = arith.addi %add3A_647, %while3A_637 : i32
            %get3A_649 = arith.index_cast %add3A_648 : i32 to index
            %get3A_650 = arith.constant 16 : index
            %get3A_651 = tpu.vector_load %arg17[%get3A_649, %get3A_650] {strides = array<i32>} : memref<160x128xf32, #tpu.memory_space<vmem>>, vector<16xf32>,
            %swap3A_652 = arith.index_cast %while3A_637 : i32 to index
            %swap3A_653 = arith.constant 16 : index
            %swap3A_654 = tpu.vector_load %arg17[%swap3A_652, %swap3A_653] {strides = array<i32>} : memref<160x128xf32, #tpu.memory_space<vmem>>, vector<16xf32>,
            tpu.vector_store %arg17[%swap3A_652, %swap3A_653], %get3A_651 {strides = array<i32>} : memref<160x128xf32, #tpu.memory_space<vmem>>, vector<16xf32>,
            %add3A_655 = arith.constant 128 : i32
            %add3A_656 = arith.addi %add3A_655, %while3A_637 : i32
            %get3A_657 = arith.index_cast %add3A_656 : i32 to index
            %get3A_658 = arith.constant 32 : index
            %get3A_659 = tpu.vector_load %arg17[%get3A_657, %get3A_658] {strides = array<i32>} : memref<160x128xf32, #tpu.memory_space<vmem>>, vector<16xf32>,
            %swap3A_660 = arith.index_cast %while3A_637 : i32 to index
            %swap3A_661 = arith.constant 32 : index
            %swap3A_662 = tpu.vector_load %arg17[%swap3A_660, %swap3A_661] {strides = array<i32>} : memref<160x128xf32, #tpu.memory_space<vmem>>, vector<16xf32>,
            tpu.vector_store %arg17[%swap3A_660, %swap3A_661], %get3A_659 {strides = array<i32>} : memref<160x128xf32, #tpu.memory_space<vmem>>, vector<16xf32>,
            %add3A_663 = arith.constant 128 : i32
            %add3A_664 = arith.addi %add3A_663, %while3A_637 : i32
            %get3A_665 = arith.index_cast %add3A_664 : i32 to index
            %get3A_666 = arith.constant 48 : index
            %get3A_667 = tpu.vector_load %arg17[%get3A_665, %get3A_666] {strides = array<i32>} : memref<160x128xf32, #tpu.memory_space<vmem>>, vector<16xf32>,
            %swap3A_668 = arith.index_cast %while3A_637 : i32 to index
            %swap3A_669 = arith.constant 48 : index
            %swap3A_670 = tpu.vector_load %arg17[%swap3A_668, %swap3A_669] {strides = array<i32>} : memref<160x128xf32, #tpu.memory_space<vmem>>, vector<16xf32>,
            tpu.vector_store %arg17[%swap3A_668, %swap3A_669], %get3A_667 {strides = array<i32>} : memref<160x128xf32, #tpu.memory_space<vmem>>, vector<16xf32>,
            %add3A_671 = arith.constant 128 : i32
            %add3A_672 = arith.addi %add3A_671, %while3A_637 : i32
            %get3A_673 = arith.index_cast %add3A_672 : i32 to index
            %get3A_674 = arith.constant 64 : index
            %get3A_675 = tpu.vector_load %arg17[%get3A_673, %get3A_674] {strides = array<i32>} : memref<160x128xf32, #tpu.memory_space<vmem>>, vector<16xf32>,
            %swap3A_676 = arith.index_cast %while3A_637 : i32 to index
            %swap3A_677 = arith.constant 64 : index
            %swap3A_678 = tpu.vector_load %arg17[%swap3A_676, %swap3A_677] {strides = array<i32>} : memref<160x128xf32, #tpu.memory_space<vmem>>, vector<16xf32>,
            tpu.vector_store %arg17[%swap3A_676, %swap3A_677], %get3A_675 {strides = array<i32>} : memref<160x128xf32, #tpu.memory_space<vmem>>, vector<16xf32>,
            %add3A_679 = arith.constant 128 : i32
            %add3A_680 = arith.addi %add3A_679, %while3A_637 : i32
            %get3A_681 = arith.index_cast %add3A_680 : i32 to index
            %get3A_682 = arith.constant 80 : index
            %get3A_683 = tpu.vector_load %arg17[%get3A_681, %get3A_682] {strides = array<i32>} : memref<160x128xf32, #tpu.memory_space<vmem>>, vector<16xf32>,
            %swap3A_684 = arith.index_cast %while3A_637 : i32 to index
            %swap3A_685 = arith.constant 80 : index
            %swap3A_686 = tpu.vector_load %arg17[%swap3A_684, %swap3A_685] {strides = array<i32>} : memref<160x128xf32, #tpu.memory_space<vmem>>, vector<16xf32>,
            tpu.vector_store %arg17[%swap3A_684, %swap3A_685], %get3A_683 {strides = array<i32>} : memref<160x128xf32, #tpu.memory_space<vmem>>, vector<16xf32>,
            %add3A_687 = arith.constant 128 : i32
            %add3A_688 = arith.addi %add3A_687, %while3A_637 : i32
            %get3A_689 = arith.index_cast %add3A_688 : i32 to index
            %get3A_690 = arith.constant 96 : index
            %get3A_691 = tpu.vector_load %arg17[%get3A_689, %get3A_690] {strides = array<i32>} : memref<160x128xf32, #tpu.memory_space<vmem>>, vector<16xf32>,
            %swap3A_692 = arith.index_cast %while3A_637 : i32 to index
            %swap3A_693 = arith.constant 96 : index
            %swap3A_694 = tpu.vector_load %arg17[%swap3A_692, %swap3A_693] {strides = array<i32>} : memref<160x128xf32, #tpu.memory_space<vmem>>, vector<16xf32>,
            tpu.vector_store %arg17[%swap3A_692, %swap3A_693], %get3A_691 {strides = array<i32>} : memref<160x128xf32, #tpu.memory_space<vmem>>, vector<16xf32>,
            %add3A_695 = arith.constant 128 : i32
            %add3A_696 = arith.addi %add3A_695, %while3A_637 : i32
            %get3A_697 = arith.index_cast %add3A_696 : i32 to index
            %get3A_698 = arith.constant 112 : index
            %get3A_699 = tpu.vector_load %arg17[%get3A_697, %get3A_698] {strides = array<i32>} : memref<160x128xf32, #tpu.memory_space<vmem>>, vector<16xf32>,
            %swap3A_700 = arith.index_cast %while3A_637 : i32 to index
            %swap3A_701 = arith.constant 112 : index
            %swap3A_702 = tpu.vector_load %arg17[%swap3A_700, %swap3A_701] {strides = array<i32>} : memref<160x128xf32, #tpu.memory_space<vmem>>, vector<16xf32>,
            tpu.vector_store %arg17[%swap3A_700, %swap3A_701], %get3A_699 {strides = array<i32>} : memref<160x128xf32, #tpu.memory_space<vmem>>, vector<16xf32>,
            %while3A_703 = arith.constant 0 : i32
            scf.yield %while3A_703 : i32
          }
          %get3A_633 = arith.constant 128 : index
          %get3A_634 = tpu.vector_load %arg18[%get3A_633] {strides = array<i32>} : memref<384xi32, #tpu.memory_space<vmem>>, vector<16xi32>,
          %swap3A_635 = arith.constant 0 : index
          %swap3A_636 = tpu.vector_load %arg18[%swap3A_635] {strides = array<i32>} : memref<384xi32, #tpu.memory_space<vmem>>, vector<16xi32>,
          tpu.vector_store %arg18[%swap3A_635], %get3A_634 {strides = array<i32>} : memref<384xi32, #tpu.memory_space<vmem>>, vector<16xi32>,
        } else {
        }
        %ge3A_546 = arith.constant 128 : i32
        %ge3A_547 = arith.cmpi sge, %add3A_541, %ge3A_546 : i32
        %sub3A_548 = arith.constant 128 : i32
        %sub3A_549 = arith.subi %add3A_541, %sub3A_548 : i32
        %select_n3A_550 = arith.select %ge3A_547, %sub3A_549, %add3A_541 : i32
        scf.yield %select_n3A_550 : i32
      }
      %while3A_478 = arith.constant 1 : i32
      %while3A_479 = scf.for %while3A_524 = %while3A_475 to %while3A_471 step %while3A_478 iter_args(%while3A_525 = %while3A_477) -> (i32)  : i32 {
        %mul3A_526 = arith.constant 16 : i32
        %mul3A_527 = arith.muli %while3A_524, %mul3A_526 : i32
        %get3A_528 = arith.index_cast %mul3A_527 : i32 to index
        %get3A_529 = tpu.vector_load %arg10[%get3A_528] {strides = array<i32>} : memref<16384xi32, #tpu.memory_space<vmem>>, vector<16xi32>,
        %shift_right_arithmetic3A_530 = arith.constant 7 : i32
        %shift_right_arithmetic3A_531 = vector.broadcast %shift_right_arithmetic3A_530 : i32 to vector<16xi32>
        %shift_right_arithmetic3A_532 = arith.shrsi %get3A_529, %shift_right_arithmetic3A_531 : vector<16xi32>
        %eq3A_533 = vector.broadcast %add3A_452 : i32 to vector<16xi32>
        %eq3A_534 = arith.cmpi eq, %shift_right_arithmetic3A_532, %eq3A_533 : vector<16xi32>
        %all_reduce_population_count3A = tpu.all_reduce %eq3A_534 {dim = 0 : i64, kind = #tpu.reduction_kind<sum>} : vector<16xi1> -> vector<16xi32>
        %slice3A_535 = vector.extract_strided_slice %all_reduce_population_count3A {offsets = [0], sizes = [1], strides = [1]} : vector<16xi32> to vector<1xi32>
        %squeeze3A_536 = vector.extract %slice3A_535[0] : i32 from vector<1xi32>
        %gt3A = arith.constant 0 : i32
        %gt3A_537 = arith.cmpi sgt, %squeeze3A_536, %gt3A : i32
        %convert_element_type3A_538 = arith.extui %gt3A_537 : i1 to i32
        %cond3A_539 = arith.constant 0 : i32
        %cond3A_540 = arith.cmpi ne, %convert_element_type3A_538, %cond3A_539 : i32
        scf.if %cond3A_540 {
          %and3A_551 = arith.constant 127 : i32
          %and3A_552 = vector.broadcast %and3A_551 : i32 to vector<16xi32>
          %and3A_553 = arith.andi %get3A_529, %and3A_552 : vector<16xi32>
          %mul3A_554 = arith.constant 16 : i32
          %mul3A_555 = arith.muli %while3A_524, %mul3A_554 : i32
          %get3A_556 = arith.index_cast %mul3A_555 : i32 to index
          %get3A_557 = tpu.vector_load %arg11[%get3A_556] {strides = array<i32>} : memref<16384xi32, #tpu.memory_space<vmem>>, vector<16xi32>,
          %convert_element_type3A_558 = arith.extui %eq3A_534 : vector<16xi1> to vector<16xi32>
          %broadcast_in_dim3A_559 = arith.constant true
          %broadcast_in_dim3A_560 = vector.broadcast %broadcast_in_dim3A_559 : i1 to vector<16xi1>
          %masked_cumsum3A = tpu.scan <sum>, %convert_element_type3A_558 masked %broadcast_in_dim3A_560 : vector<16xi32>, vector<16xi1> -> vector<16xi32>
          %add3A_561 = vector.broadcast %while3A_525 : i32 to vector<16xi32>
          %add3A_562 = arith.addi %add3A_561, %masked_cumsum3A : vector<16xi32>
          %sub3A_563 = arith.constant 1 : i32
          %sub3A_564 = vector.broadcast %sub3A_563 : i32 to vector<16xi32>
          %sub3A_565 = arith.subi %add3A_562, %sub3A_564 : vector<16xi32>
          %jit3A_566 = arith.constant 152 : i32
          %broadcast_in_dim3A_567 = vector.broadcast %jit3A_566 : i32 to vector<16xi32>
          %select_n3A_568 = arith.select %eq3A_534, %sub3A_565, %broadcast_in_dim3A_567 : vector<16xi1>, vector<16xi32>
          tpu.vector_store_idx %arg18[%select_n3A_568], %get3A_557 : memref<384xi32, #tpu.memory_space<vmem>>[vector<16xi32>], vector<16xi32>,
          %scan3A_569 = arith.constant 0 : i32
          %scan3A_570 = arith.constant 0 : i32
          %scan3A_571 = arith.constant 64 : i32
          %scan3A_572 = arith.addi %scan3A_570, %scan3A_571 : i32
          %scan3A_573 = arith.constant 4 : i32
          %scan3A_574 = scf.for %scan3A_576 = %scan3A_570 to %scan3A_572 step %scan3A_573 iter_args(%scan3A_577 = %scan3A_569) -> (i32)  : i32 {
            %broadcast_in_dim3A_578 = arith.constant 0 : i32
            %broadcast_in_dim3A_579 = vector.broadcast %broadcast_in_dim3A_578 : i32 to vector<16xi32>
            %add3A_580 = vector.broadcast %scan3A_576 : i32 to vector<16xi32>
            %add3A_581 = arith.addi %broadcast_in_dim3A_579, %add3A_580 : vector<16xi32>
            %gather3A = tpu.vector_load_idx %arg15[%add3A_581, %and3A_553] : memref<64x128xf32, #tpu.memory_space<vmem>>[vector<16xi32>, vector<16xi32>], vector<16xf32>,
            tpu.vector_store_idx %arg17[%select_n3A_568, %add3A_581], %gather3A : memref<160x128xf32, #tpu.memory_space<vmem>>[vector<16xi32>, vector<16xi32>], vector<16xf32>,
            %scan3A_582 = arith.constant 0 : i32
            %scan3A_583 = arith.constant 1 : i32
            %scan3A_584 = arith.addi %scan3A_576, %scan3A_583 : i32
            %broadcast_in_dim3A_585 = arith.constant 0 : i32
            %broadcast_in_dim3A_586 = vector.broadcast %broadcast_in_dim3A_585 : i32 to vector<16xi32>
            %add3A_587 = vector.broadcast %scan3A_584 : i32 to vector<16xi32>
            %add3A_588 = arith.addi %broadcast_in_dim3A_586, %add3A_587 : vector<16xi32>
            %gather3A_589 = tpu.vector_load_idx %arg15[%add3A_588, %and3A_553] : memref<64x128xf32, #tpu.memory_space<vmem>>[vector<16xi32>, vector<16xi32>], vector<16xf32>,
            tpu.vector_store_idx %arg17[%select_n3A_568, %add3A_588], %gather3A_589 : memref<160x128xf32, #tpu.memory_space<vmem>>[vector<16xi32>, vector<16xi32>], vector<16xf32>,
            %scan3A_590 = arith.constant 0 : i32
            %scan3A_591 = arith.constant 2 : i32
            %scan3A_592 = arith.addi %scan3A_576, %scan3A_591 : i32
            %broadcast_in_dim3A_593 = arith.constant 0 : i32
            %broadcast_in_dim3A_594 = vector.broadcast %broadcast_in_dim3A_593 : i32 to vector<16xi32>
            %add3A_595 = vector.broadcast %scan3A_592 : i32 to vector<16xi32>
            %add3A_596 = arith.addi %broadcast_in_dim3A_594, %add3A_595 : vector<16xi32>
            %gather3A_597 = tpu.vector_load_idx %arg15[%add3A_596, %and3A_553] : memref<64x128xf32, #tpu.memory_space<vmem>>[vector<16xi32>, vector<16xi32>], vector<16xf32>,
            tpu.vector_store_idx %arg17[%select_n3A_568, %add3A_596], %gather3A_597 : memref<160x128xf32, #tpu.memory_space<vmem>>[vector<16xi32>, vector<16xi32>], vector<16xf32>,
            %scan3A_598 = arith.constant 0 : i32
            %scan3A_599 = arith.constant 3 : i32
            %scan3A_600 = arith.addi %scan3A_576, %scan3A_599 : i32
            %broadcast_in_dim3A_601 = arith.constant 0 : i32
            %broadcast_in_dim3A_602 = vector.broadcast %broadcast_in_dim3A_601 : i32 to vector<16xi32>
            %add3A_603 = vector.broadcast %scan3A_600 : i32 to vector<16xi32>
            %add3A_604 = arith.addi %broadcast_in_dim3A_602, %add3A_603 : vector<16xi32>
            %gather3A_605 = tpu.vector_load_idx %arg15[%add3A_604, %and3A_553] : memref<64x128xf32, #tpu.memory_space<vmem>>[vector<16xi32>, vector<16xi32>], vector<16xf32>,
            tpu.vector_store_idx %arg17[%select_n3A_568, %add3A_604], %gather3A_605 : memref<160x128xf32, #tpu.memory_space<vmem>>[vector<16xi32>, vector<16xi32>], vector<16xf32>,
            %scan3A_606 = arith.constant 0 : i32
            scf.yield %scan3A_606 : i32
          }
          %scan3A_575 = arith.constant 64 : i32
        } else {
        }
        %add3A_541 = arith.addi %while3A_525, %squeeze3A_536 : i32
        %ge3A = arith.constant 128 : i32
        %ge3A_542 = arith.cmpi sge, %add3A_541, %ge3A : i32
        %convert_element_type3A_543 = arith.extui %ge3A_542 : i1 to i32
        %cond3A_544 = arith.constant 0 : i32
        %cond3A_545 = arith.cmpi ne, %convert_element_type3A_543, %cond3A_544 : i32
        scf.if %cond3A_545 {
          %get3A_551 = arith.constant 0 : index
          %get3A_552 = tpu.vector_load %arg18[%get3A_551] {strides = array<i32>} : memref<384xi32, #tpu.memory_space<vmem>>, vector<16xi32>,
          %swap3A_553 = arith.constant 0 : i32
          %swap3A_554 = arith.index_cast %swap3A_553 : i32 to index
          %swap3A_555 = arith.constant 0 : index
          %swap3A_556 = tpu.vector_load %arg19[%swap3A_554, %swap3A_555] {strides = array<i32>} : memref<8x128xi32, #tpu.memory_space<vmem>>, vector<16xi32>,
          tpu.vector_store %arg19[%swap3A_554, %swap3A_555], %get3A_552 {strides = array<i32>} : memref<8x128xi32, #tpu.memory_space<vmem>>, vector<16xi32>,
          %get3A_557 = arith.constant 16 : index
          %get3A_558 = tpu.vector_load %arg18[%get3A_557] {strides = array<i32>} : memref<384xi32, #tpu.memory_space<vmem>>, vector<16xi32>,
          %swap3A_559 = arith.constant 0 : i32
          %swap3A_560 = arith.index_cast %swap3A_559 : i32 to index
          %swap3A_561 = arith.constant 16 : index
          %swap3A_562 = tpu.vector_load %arg19[%swap3A_560, %swap3A_561] {strides = array<i32>} : memref<8x128xi32, #tpu.memory_space<vmem>>, vector<16xi32>,
          tpu.vector_store %arg19[%swap3A_560, %swap3A_561], %get3A_558 {strides = array<i32>} : memref<8x128xi32, #tpu.memory_space<vmem>>, vector<16xi32>,
          %get3A_563 = arith.constant 32 : index
          %get3A_564 = tpu.vector_load %arg18[%get3A_563] {strides = array<i32>} : memref<384xi32, #tpu.memory_space<vmem>>, vector<16xi32>,
          %swap3A_565 = arith.constant 0 : i32
          %swap3A_566 = arith.index_cast %swap3A_565 : i32 to index
          %swap3A_567 = arith.constant 32 : index
          %swap3A_568 = tpu.vector_load %arg19[%swap3A_566, %swap3A_567] {strides = array<i32>} : memref<8x128xi32, #tpu.memory_space<vmem>>, vector<16xi32>,
          tpu.vector_store %arg19[%swap3A_566, %swap3A_567], %get3A_564 {strides = array<i32>} : memref<8x128xi32, #tpu.memory_space<vmem>>, vector<16xi32>,
          %get3A_569 = arith.constant 48 : index
          %get3A_570 = tpu.vector_load %arg18[%get3A_569] {strides = array<i32>} : memref<384xi32, #tpu.memory_space<vmem>>, vector<16xi32>,
          %swap3A_571 = arith.constant 0 : i32
          %swap3A_572 = arith.index_cast %swap3A_571 : i32 to index
          %swap3A_573 = arith.constant 48 : index
          %swap3A_574 = tpu.vector_load %arg19[%swap3A_572, %swap3A_573] {strides = array<i32>} : memref<8x128xi32, #tpu.memory_space<vmem>>, vector<16xi32>,
          tpu.vector_store %arg19[%swap3A_572, %swap3A_573], %get3A_570 {strides = array<i32>} : memref<8x128xi32, #tpu.memory_space<vmem>>, vector<16xi32>,
          %get3A_575 = arith.constant 64 : index
          %get3A_576 = tpu.vector_load %arg18[%get3A_575] {strides = array<i32>} : memref<384xi32, #tpu.memory_space<vmem>>, vector<16xi32>,
          %swap3A_577 = arith.constant 0 : i32
          %swap3A_578 = arith.index_cast %swap3A_577 : i32 to index
          %swap3A_579 = arith.constant 64 : index
          %swap3A_580 = tpu.vector_load %arg19[%swap3A_578, %swap3A_579] {strides = array<i32>} : memref<8x128xi32, #tpu.memory_space<vmem>>, vector<16xi32>,
          tpu.vector_store %arg19[%swap3A_578, %swap3A_579], %get3A_576 {strides = array<i32>} : memref<8x128xi32, #tpu.memory_space<vmem>>, vector<16xi32>,
          %get3A_581 = arith.constant 80 : index
          %get3A_582 = tpu.vector_load %arg18[%get3A_581] {strides = array<i32>} : memref<384xi32, #tpu.memory_space<vmem>>, vector<16xi32>,
          %swap3A_583 = arith.constant 0 : i32
          %swap3A_584 = arith.index_cast %swap3A_583 : i32 to index
          %swap3A_585 = arith.constant 80 : index
          %swap3A_586 = tpu.vector_load %arg19[%swap3A_584, %swap3A_585] {strides = array<i32>} : memref<8x128xi32, #tpu.memory_space<vmem>>, vector<16xi32>,
          tpu.vector_store %arg19[%swap3A_584, %swap3A_585], %get3A_582 {strides = array<i32>} : memref<8x128xi32, #tpu.memory_space<vmem>>, vector<16xi32>,
          %get3A_587 = arith.constant 96 : index
          %get3A_588 = tpu.vector_load %arg18[%get3A_587] {strides = array<i32>} : memref<384xi32, #tpu.memory_space<vmem>>, vector<16xi32>,
          %swap3A_589 = arith.constant 0 : i32
          %swap3A_590 = arith.index_cast %swap3A_589 : i32 to index
          %swap3A_591 = arith.constant 96 : index
          %swap3A_592 = tpu.vector_load %arg19[%swap3A_590, %swap3A_591] {strides = array<i32>} : memref<8x128xi32, #tpu.memory_space<vmem>>, vector<16xi32>,
          tpu.vector_store %arg19[%swap3A_590, %swap3A_591], %get3A_588 {strides = array<i32>} : memref<8x128xi32, #tpu.memory_space<vmem>>, vector<16xi32>,
          %get3A_593 = arith.constant 112 : index
          %get3A_594 = tpu.vector_load %arg18[%get3A_593] {strides = array<i32>} : memref<384xi32, #tpu.memory_space<vmem>>, vector<16xi32>,
          %swap3A_595 = arith.constant 0 : i32
          %swap3A_596 = arith.index_cast %swap3A_595 : i32 to index
          %swap3A_597 = arith.constant 112 : index
          %swap3A_598 = tpu.vector_load %arg19[%swap3A_596, %swap3A_597] {strides = array<i32>} : memref<8x128xi32, #tpu.memory_space<vmem>>, vector<16xi32>,
          tpu.vector_store %arg19[%swap3A_596, %swap3A_597], %get3A_594 {strides = array<i32>} : memref<8x128xi32, #tpu.memory_space<vmem>>, vector<16xi32>,
          %dma_start3A_599 = arith.constant 0 : i32
          %dma_start3A_600 = arith.constant 0 : i32
          %dma_start3A_601 = arith.constant 0 : i32
          %dma_start3A_602 = tpu.memref_slice %arg17[%dma_start3A_600, %dma_start3A_601] : memref<160x128xf32, #tpu.memory_space<vmem>> -> memref<128x128xf32, #tpu.memory_space<vmem>>
          %dma_start3A_603 = arith.constant 0 : i32
          %dma_start3A_604 = tpu.memref_slice %arg19[%dma_start3A_599, %dma_start3A_603] : memref<8x128xi32, #tpu.memory_space<vmem>> -> memref<1x128xi32, #tpu.memory_space<vmem>>
          %dma_start3A_605 = tpu.memref_squeeze %dma_start3A_604 : memref<1x128xi32, #tpu.memory_space<vmem>> -> memref<128xi32, #tpu.memory_space<vmem>>
          %dma_start3A_606 = arith.constant 0 : i32
          %dma_start3A_607 = arith.constant 0 : i32
          %dma_start3A_608 = tpu.memref_slice %arg9[%dma_start3A_606, %dma_start3A_607] : memref<16400x128xf32, #tpu.memory_space<hbm>> -> memref<16400x128xf32, #tpu.memory_space<hbm>>
          tpu.enqueue_indirect_dma source(%dma_start3A_602 : memref<128x128xf32, #tpu.memory_space<vmem>>) target(%dma_start3A_608 : memref<16400x128xf32, #tpu.memory_space<hbm>>) offsets(%dma_start3A_605 : memref<128xi32, #tpu.memory_space<vmem>>) semaphore(%arg22 : memref<!tpu.dma_semaphore, #tpu.memory_space<semaphore_mem>>)
          %dma_wait3A_609 = arith.constant 0 : i32
          %dma_wait3A_610 = arith.constant 0 : i32
          %dma_wait3A_611 = arith.constant 0 : i32
          %dma_wait3A_612 = tpu.memref_slice %arg17[%dma_wait3A_610, %dma_wait3A_611] : memref<160x128xf32, #tpu.memory_space<vmem>> -> memref<128x128xf32, #tpu.memory_space<vmem>>
          %dma_wait3A_613 = arith.constant 0 : i32
          %dma_wait3A_614 = tpu.memref_slice %arg19[%dma_wait3A_609, %dma_wait3A_613] : memref<8x128xi32, #tpu.memory_space<vmem>> -> memref<1x128xi32, #tpu.memory_space<vmem>>
          %dma_wait3A_615 = tpu.memref_squeeze %dma_wait3A_614 : memref<1x128xi32, #tpu.memory_space<vmem>> -> memref<128xi32, #tpu.memory_space<vmem>>
          %dma_wait3A_616 = arith.constant 0 : i32
          %dma_wait3A_617 = arith.constant 0 : i32
          %dma_wait3A_618 = tpu.memref_slice %arg9[%dma_wait3A_616, %dma_wait3A_617] : memref<16400x128xf32, #tpu.memory_space<hbm>> -> memref<16400x128xf32, #tpu.memory_space<hbm>>
          tpu.wait_indirect_dma semaphore(%arg22 : memref<!tpu.dma_semaphore, #tpu.memory_space<semaphore_mem>>) src(%dma_wait3A_612 : memref<128x128xf32, #tpu.memory_space<vmem>>) dst(%dma_wait3A_618 : memref<16400x128xf32, #tpu.memory_space<hbm>>)
          %sub3A_619 = arith.constant 128 : i32
          %sub3A_620 = arith.subi %add3A_541, %sub3A_619 : i32
          %while3A_621 = arith.constant 0 : i32
          %while3A_622 = arith.constant 0 : i32
          %while3A_623 = arith.subi %sub3A_620, %while3A_621 : i32
          %while3A_624 = arith.addi %while3A_621, %while3A_623 : i32
          %while3A_625 = arith.constant 1 : i32
          %while3A_626 = arith.divsi %while3A_623, %while3A_625 : i32
          %while3A_627 = arith.muli %while3A_626, %while3A_625 : i32
          %while3A_628 = arith.addi %while3A_621, %while3A_627 : i32
          %while3A_629 = arith.constant 1 : i32
          %while3A_630 = scf.for %while3A_637 = %while3A_621 to %while3A_628 step %while3A_629 iter_args(%while3A_638 = %while3A_622) -> (i32)  : i32 {
            %add3A_639 = arith.constant 128 : i32
            %add3A_640 = arith.addi %add3A_639, %while3A_637 : i32
            %get3A_641 = arith.index_cast %add3A_640 : i32 to index
            %get3A_642 = arith.constant 0 : index
            %get3A_643 = tpu.vector_load %arg17[%get3A_641, %get3A_642] {strides = array<i32>} : memref<160x128xf32, #tpu.memory_space<vmem>>, vector<16xf32>,
            %swap3A_644 = arith.index_cast %while3A_637 : i32 to index
            %swap3A_645 = arith.constant 0 : index
            %swap3A_646 = tpu.vector_load %arg17[%swap3A_644, %swap3A_645] {strides = array<i32>} : memref<160x128xf32, #tpu.memory_space<vmem>>, vector<16xf32>,
            tpu.vector_store %arg17[%swap3A_644, %swap3A_645], %get3A_643 {strides = array<i32>} : memref<160x128xf32, #tpu.memory_space<vmem>>, vector<16xf32>,
            %add3A_647 = arith.constant 128 : i32
            %add3A_648 = arith.addi %add3A_647, %while3A_637 : i32
            %get3A_649 = arith.index_cast %add3A_648 : i32 to index
            %get3A_650 = arith.constant 16 : index
            %get3A_651 = tpu.vector_load %arg17[%get3A_649, %get3A_650] {strides = array<i32>} : memref<160x128xf32, #tpu.memory_space<vmem>>, vector<16xf32>,
            %swap3A_652 = arith.index_cast %while3A_637 : i32 to index
            %swap3A_653 = arith.constant 16 : index
            %swap3A_654 = tpu.vector_load %arg17[%swap3A_652, %swap3A_653] {strides = array<i32>} : memref<160x128xf32, #tpu.memory_space<vmem>>, vector<16xf32>,
            tpu.vector_store %arg17[%swap3A_652, %swap3A_653], %get3A_651 {strides = array<i32>} : memref<160x128xf32, #tpu.memory_space<vmem>>, vector<16xf32>,
            %add3A_655 = arith.constant 128 : i32
            %add3A_656 = arith.addi %add3A_655, %while3A_637 : i32
            %get3A_657 = arith.index_cast %add3A_656 : i32 to index
            %get3A_658 = arith.constant 32 : index
            %get3A_659 = tpu.vector_load %arg17[%get3A_657, %get3A_658] {strides = array<i32>} : memref<160x128xf32, #tpu.memory_space<vmem>>, vector<16xf32>,
            %swap3A_660 = arith.index_cast %while3A_637 : i32 to index
            %swap3A_661 = arith.constant 32 : index
            %swap3A_662 = tpu.vector_load %arg17[%swap3A_660, %swap3A_661] {strides = array<i32>} : memref<160x128xf32, #tpu.memory_space<vmem>>, vector<16xf32>,
            tpu.vector_store %arg17[%swap3A_660, %swap3A_661], %get3A_659 {strides = array<i32>} : memref<160x128xf32, #tpu.memory_space<vmem>>, vector<16xf32>,
            %add3A_663 = arith.constant 128 : i32
            %add3A_664 = arith.addi %add3A_663, %while3A_637 : i32
            %get3A_665 = arith.index_cast %add3A_664 : i32 to index
            %get3A_666 = arith.constant 48 : index
            %get3A_667 = tpu.vector_load %arg17[%get3A_665, %get3A_666] {strides = array<i32>} : memref<160x128xf32, #tpu.memory_space<vmem>>, vector<16xf32>,
            %swap3A_668 = arith.index_cast %while3A_637 : i32 to index
            %swap3A_669 = arith.constant 48 : index
            %swap3A_670 = tpu.vector_load %arg17[%swap3A_668, %swap3A_669] {strides = array<i32>} : memref<160x128xf32, #tpu.memory_space<vmem>>, vector<16xf32>,
            tpu.vector_store %arg17[%swap3A_668, %swap3A_669], %get3A_667 {strides = array<i32>} : memref<160x128xf32, #tpu.memory_space<vmem>>, vector<16xf32>,
            %add3A_671 = arith.constant 128 : i32
            %add3A_672 = arith.addi %add3A_671, %while3A_637 : i32
            %get3A_673 = arith.index_cast %add3A_672 : i32 to index
            %get3A_674 = arith.constant 64 : index
            %get3A_675 = tpu.vector_load %arg17[%get3A_673, %get3A_674] {strides = array<i32>} : memref<160x128xf32, #tpu.memory_space<vmem>>, vector<16xf32>,
            %swap3A_676 = arith.index_cast %while3A_637 : i32 to index
            %swap3A_677 = arith.constant 64 : index
            %swap3A_678 = tpu.vector_load %arg17[%swap3A_676, %swap3A_677] {strides = array<i32>} : memref<160x128xf32, #tpu.memory_space<vmem>>, vector<16xf32>,
            tpu.vector_store %arg17[%swap3A_676, %swap3A_677], %get3A_675 {strides = array<i32>} : memref<160x128xf32, #tpu.memory_space<vmem>>, vector<16xf32>,
            %add3A_679 = arith.constant 128 : i32
            %add3A_680 = arith.addi %add3A_679, %while3A_637 : i32
            %get3A_681 = arith.index_cast %add3A_680 : i32 to index
            %get3A_682 = arith.constant 80 : index
            %get3A_683 = tpu.vector_load %arg17[%get3A_681, %get3A_682] {strides = array<i32>} : memref<160x128xf32, #tpu.memory_space<vmem>>, vector<16xf32>,
            %swap3A_684 = arith.index_cast %while3A_637 : i32 to index
            %swap3A_685 = arith.constant 80 : index
            %swap3A_686 = tpu.vector_load %arg17[%swap3A_684, %swap3A_685] {strides = array<i32>} : memref<160x128xf32, #tpu.memory_space<vmem>>, vector<16xf32>,
            tpu.vector_store %arg17[%swap3A_684, %swap3A_685], %get3A_683 {strides = array<i32>} : memref<160x128xf32, #tpu.memory_space<vmem>>, vector<16xf32>,
            %add3A_687 = arith.constant 128 : i32
            %add3A_688 = arith.addi %add3A_687, %while3A_637 : i32
            %get3A_689 = arith.index_cast %add3A_688 : i32 to index
            %get3A_690 = arith.constant 96 : index
            %get3A_691 = tpu.vector_load %arg17[%get3A_689, %get3A_690] {strides = array<i32>} : memref<160x128xf32, #tpu.memory_space<vmem>>, vector<16xf32>,
            %swap3A_692 = arith.index_cast %while3A_637 : i32 to index
            %swap3A_693 = arith.constant 96 : index
            %swap3A_694 = tpu.vector_load %arg17[%swap3A_692, %swap3A_693] {strides = array<i32>} : memref<160x128xf32, #tpu.memory_space<vmem>>, vector<16xf32>,
            tpu.vector_store %arg17[%swap3A_692, %swap3A_693], %get3A_691 {strides = array<i32>} : memref<160x128xf32, #tpu.memory_space<vmem>>, vector<16xf32>,
            %add3A_695 = arith.constant 128 : i32
            %add3A_696 = arith.addi %add3A_695, %while3A_637 : i32
            %get3A_697 = arith.index_cast %add3A_696 : i32 to index
            %get3A_698 = arith.constant 112 : index
            %get3A_699 = tpu.vector_load %arg17[%get3A_697, %get3A_698] {strides = array<i32>} : memref<160x128xf32, #tpu.memory_space<vmem>>, vector<16xf32>,
            %swap3A_700 = arith.index_cast %while3A_637 : i32 to index
            %swap3A_701 = arith.constant 112 : index
            %swap3A_702 = tpu.vector_load %arg17[%swap3A_700, %swap3A_701] {strides = array<i32>} : memref<160x128xf32, #tpu.memory_space<vmem>>, vector<16xf32>,
            tpu.vector_store %arg17[%swap3A_700, %swap3A_701], %get3A_699 {strides = array<i32>} : memref<160x128xf32, #tpu.memory_space<vmem>>, vector<16xf32>,
            %while3A_703 = arith.constant 0 : i32
            scf.yield %while3A_703 : i32
          }
          %while3A_631 = arith.constant 1 : i32
          %while3A_632 = scf.for %while3A_637 = %while3A_628 to %while3A_624 step %while3A_631 iter_args(%while3A_638 = %while3A_630) -> (i32)  : i32 {
            %add3A_639 = arith.constant 128 : i32
            %add3A_640 = arith.addi %add3A_639, %while3A_637 : i32
            %get3A_641 = arith.index_cast %add3A_640 : i32 to index
            %get3A_642 = arith.constant 0 : index
            %get3A_643 = tpu.vector_load %arg17[%get3A_641, %get3A_642] {strides = array<i32>} : memref<160x128xf32, #tpu.memory_space<vmem>>, vector<16xf32>,
            %swap3A_644 = arith.index_cast %while3A_637 : i32 to index
            %swap3A_645 = arith.constant 0 : index
            %swap3A_646 = tpu.vector_load %arg17[%swap3A_644, %swap3A_645] {strides = array<i32>} : memref<160x128xf32, #tpu.memory_space<vmem>>, vector<16xf32>,
            tpu.vector_store %arg17[%swap3A_644, %swap3A_645], %get3A_643 {strides = array<i32>} : memref<160x128xf32, #tpu.memory_space<vmem>>, vector<16xf32>,
            %add3A_647 = arith.constant 128 : i32
            %add3A_648 = arith.addi %add3A_647, %while3A_637 : i32
            %get3A_649 = arith.index_cast %add3A_648 : i32 to index
            %get3A_650 = arith.constant 16 : index
            %get3A_651 = tpu.vector_load %arg17[%get3A_649, %get3A_650] {strides = array<i32>} : memref<160x128xf32, #tpu.memory_space<vmem>>, vector<16xf32>,
            %swap3A_652 = arith.index_cast %while3A_637 : i32 to index
            %swap3A_653 = arith.constant 16 : index
            %swap3A_654 = tpu.vector_load %arg17[%swap3A_652, %swap3A_653] {strides = array<i32>} : memref<160x128xf32, #tpu.memory_space<vmem>>, vector<16xf32>,
            tpu.vector_store %arg17[%swap3A_652, %swap3A_653], %get3A_651 {strides = array<i32>} : memref<160x128xf32, #tpu.memory_space<vmem>>, vector<16xf32>,
            %add3A_655 = arith.constant 128 : i32
            %add3A_656 = arith.addi %add3A_655, %while3A_637 : i32
            %get3A_657 = arith.index_cast %add3A_656 : i32 to index
            %get3A_658 = arith.constant 32 : index
            %get3A_659 = tpu.vector_load %arg17[%get3A_657, %get3A_658] {strides = array<i32>} : memref<160x128xf32, #tpu.memory_space<vmem>>, vector<16xf32>,
            %swap3A_660 = arith.index_cast %while3A_637 : i32 to index
            %swap3A_661 = arith.constant 32 : index
            %swap3A_662 = tpu.vector_load %arg17[%swap3A_660, %swap3A_661] {strides = array<i32>} : memref<160x128xf32, #tpu.memory_space<vmem>>, vector<16xf32>,
            tpu.vector_store %arg17[%swap3A_660, %swap3A_661], %get3A_659 {strides = array<i32>} : memref<160x128xf32, #tpu.memory_space<vmem>>, vector<16xf32>,
            %add3A_663 = arith.constant 128 : i32
            %add3A_664 = arith.addi %add3A_663, %while3A_637 : i32
            %get3A_665 = arith.index_cast %add3A_664 : i32 to index
            %get3A_666 = arith.constant 48 : index
            %get3A_667 = tpu.vector_load %arg17[%get3A_665, %get3A_666] {strides = array<i32>} : memref<160x128xf32, #tpu.memory_space<vmem>>, vector<16xf32>,
            %swap3A_668 = arith.index_cast %while3A_637 : i32 to index
            %swap3A_669 = arith.constant 48 : index
            %swap3A_670 = tpu.vector_load %arg17[%swap3A_668, %swap3A_669] {strides = array<i32>} : memref<160x128xf32, #tpu.memory_space<vmem>>, vector<16xf32>,
            tpu.vector_store %arg17[%swap3A_668, %swap3A_669], %get3A_667 {strides = array<i32>} : memref<160x128xf32, #tpu.memory_space<vmem>>, vector<16xf32>,
            %add3A_671 = arith.constant 128 : i32
            %add3A_672 = arith.addi %add3A_671, %while3A_637 : i32
            %get3A_673 = arith.index_cast %add3A_672 : i32 to index
            %get3A_674 = arith.constant 64 : index
            %get3A_675 = tpu.vector_load %arg17[%get3A_673, %get3A_674] {strides = array<i32>} : memref<160x128xf32, #tpu.memory_space<vmem>>, vector<16xf32>,
            %swap3A_676 = arith.index_cast %while3A_637 : i32 to index
            %swap3A_677 = arith.constant 64 : index
            %swap3A_678 = tpu.vector_load %arg17[%swap3A_676, %swap3A_677] {strides = array<i32>} : memref<160x128xf32, #tpu.memory_space<vmem>>, vector<16xf32>,
            tpu.vector_store %arg17[%swap3A_676, %swap3A_677], %get3A_675 {strides = array<i32>} : memref<160x128xf32, #tpu.memory_space<vmem>>, vector<16xf32>,
            %add3A_679 = arith.constant 128 : i32
            %add3A_680 = arith.addi %add3A_679, %while3A_637 : i32
            %get3A_681 = arith.index_cast %add3A_680 : i32 to index
            %get3A_682 = arith.constant 80 : index
            %get3A_683 = tpu.vector_load %arg17[%get3A_681, %get3A_682] {strides = array<i32>} : memref<160x128xf32, #tpu.memory_space<vmem>>, vector<16xf32>,
            %swap3A_684 = arith.index_cast %while3A_637 : i32 to index
            %swap3A_685 = arith.constant 80 : index
            %swap3A_686 = tpu.vector_load %arg17[%swap3A_684, %swap3A_685] {strides = array<i32>} : memref<160x128xf32, #tpu.memory_space<vmem>>, vector<16xf32>,
            tpu.vector_store %arg17[%swap3A_684, %swap3A_685], %get3A_683 {strides = array<i32>} : memref<160x128xf32, #tpu.memory_space<vmem>>, vector<16xf32>,
            %add3A_687 = arith.constant 128 : i32
            %add3A_688 = arith.addi %add3A_687, %while3A_637 : i32
            %get3A_689 = arith.index_cast %add3A_688 : i32 to index
            %get3A_690 = arith.constant 96 : index
            %get3A_691 = tpu.vector_load %arg17[%get3A_689, %get3A_690] {strides = array<i32>} : memref<160x128xf32, #tpu.memory_space<vmem>>, vector<16xf32>,
            %swap3A_692 = arith.index_cast %while3A_637 : i32 to index
            %swap3A_693 = arith.constant 96 : index
            %swap3A_694 = tpu.vector_load %arg17[%swap3A_692, %swap3A_693] {strides = array<i32>} : memref<160x128xf32, #tpu.memory_space<vmem>>, vector<16xf32>,
            tpu.vector_store %arg17[%swap3A_692, %swap3A_693], %get3A_691 {strides = array<i32>} : memref<160x128xf32, #tpu.memory_space<vmem>>, vector<16xf32>,
            %add3A_695 = arith.constant 128 : i32
            %add3A_696 = arith.addi %add3A_695, %while3A_637 : i32
            %get3A_697 = arith.index_cast %add3A_696 : i32 to index
            %get3A_698 = arith.constant 112 : index
            %get3A_699 = tpu.vector_load %arg17[%get3A_697, %get3A_698] {strides = array<i32>} : memref<160x128xf32, #tpu.memory_space<vmem>>, vector<16xf32>,
            %swap3A_700 = arith.index_cast %while3A_637 : i32 to index
            %swap3A_701 = arith.constant 112 : index
            %swap3A_702 = tpu.vector_load %arg17[%swap3A_700, %swap3A_701] {strides = array<i32>} : memref<160x128xf32, #tpu.memory_space<vmem>>, vector<16xf32>,
            tpu.vector_store %arg17[%swap3A_700, %swap3A_701], %get3A_699 {strides = array<i32>} : memref<160x128xf32, #tpu.memory_space<vmem>>, vector<16xf32>,
            %while3A_703 = arith.constant 0 : i32
            scf.yield %while3A_703 : i32
          }
          %get3A_633 = arith.constant 128 : index
          %get3A_634 = tpu.vector_load %arg18[%get3A_633] {strides = array<i32>} : memref<384xi32, #tpu.memory_space<vmem>>, vector<16xi32>,
          %swap3A_635 = arith.constant 0 : index
          %swap3A_636 = tpu.vector_load %arg18[%swap3A_635] {strides = array<i32>} : memref<384xi32, #tpu.memory_space<vmem>>, vector<16xi32>,
          tpu.vector_store %arg18[%swap3A_635], %get3A_634 {strides = array<i32>} : memref<384xi32, #tpu.memory_space<vmem>>, vector<16xi32>,
        } else {
        }
        %ge3A_546 = arith.constant 128 : i32
        %ge3A_547 = arith.cmpi sge, %add3A_541, %ge3A_546 : i32
        %sub3A_548 = arith.constant 128 : i32
        %sub3A_549 = arith.subi %add3A_541, %sub3A_548 : i32
        %select_n3A_550 = arith.select %ge3A_547, %sub3A_549, %add3A_541 : i32
        scf.yield %select_n3A_550 : i32
      }
      %add3A_480 = arith.constant 1 : i32
      %add3A_481 = arith.addi %while3A_448, %add3A_480 : i32
      %lt3A_482 = arith.cmpi slt, %add3A_481, %select_n3A_341 : i32
      %convert_element_type3A_483 = arith.extui %lt3A_482 : i1 to i32
      %cond3A_484 = arith.constant 0 : i32
      %cond3A_485 = arith.cmpi ne, %convert_element_type3A_483, %cond3A_484 : i32
      scf.if %cond3A_485 {
        %add3A_524 = arith.constant 2 : i32
        %add3A_525 = arith.addi %add3A_452, %add3A_524 : i32
        %lt3A_526 = arith.constant 781 : i32
        %lt3A_527 = arith.cmpi slt, %add3A_525, %lt3A_526 : i32
        %convert_element_type3A_528 = arith.extui %lt3A_527 : i1 to i32
        %cond3A_529 = arith.constant 0 : i32
        %cond3A_530 = arith.cmpi ne, %convert_element_type3A_528, %cond3A_529 : i32
        scf.if %cond3A_530 {
          %eq3A_536 = arith.constant 0 : i32
          %eq3A_537 = arith.cmpi eq, %select_n3A_9, %eq3A_536 : i32
          %convert_element_type3A_538 = arith.extui %eq3A_537 : i1 to i32
          %cond3A_539 = arith.constant 0 : i32
          %cond3A_540 = arith.cmpi ne, %convert_element_type3A_538, %cond3A_539 : i32
          scf.if %cond3A_540 {
            %mul3A_556 = arith.constant 128 : i32
            %mul3A_557 = arith.muli %add3A_525, %mul3A_556 : i32
            %dma_start3A_558 = arith.constant 0 : i32
            %dma_start3A_559 = tpu.memref_slice %arg4[%dma_start3A_558, %mul3A_557] : memref<64x100000xf32, #tpu.memory_space<hbm>> -> memref<64x128xf32, #tpu.memory_space<hbm>>
            %dma_start3A_560 = arith.constant 0 : i32
            %dma_start3A_561 = tpu.memref_slice %arg4[%dma_start3A_560, %mul3A_557] : memref<64x100000xf32, #tpu.memory_space<hbm>> -> memref<64x128xf32, #tpu.memory_space<hbm>>
            tpu.enqueue_dma source(%dma_start3A_561 : memref<64x128xf32, #tpu.memory_space<hbm>>) target(%arg15 : memref<64x128xf32, #tpu.memory_space<vmem>>) target_semaphore(%arg20 : memref<!tpu.dma_semaphore, #tpu.memory_space<semaphore_mem>>)
          } else {
          }
          %eq3A_541 = arith.constant 1 : i32
          %eq3A_542 = arith.cmpi eq, %select_n3A_9, %eq3A_541 : i32
          %convert_element_type3A_543 = arith.extui %eq3A_542 : i1 to i32
          %cond3A_544 = arith.constant 0 : i32
          %cond3A_545 = arith.cmpi ne, %convert_element_type3A_543, %cond3A_544 : i32
          scf.if %cond3A_545 {
            %mul3A_556 = arith.constant 128 : i32
            %mul3A_557 = arith.muli %add3A_525, %mul3A_556 : i32
            %dma_start3A_558 = arith.constant 0 : i32
            %dma_start3A_559 = tpu.memref_slice %arg5[%dma_start3A_558, %mul3A_557] : memref<64x100000xf32, #tpu.memory_space<hbm>> -> memref<64x128xf32, #tpu.memory_space<hbm>>
            %dma_start3A_560 = arith.constant 0 : i32
            %dma_start3A_561 = tpu.memref_slice %arg5[%dma_start3A_560, %mul3A_557] : memref<64x100000xf32, #tpu.memory_space<hbm>> -> memref<64x128xf32, #tpu.memory_space<hbm>>
            tpu.enqueue_dma source(%dma_start3A_561 : memref<64x128xf32, #tpu.memory_space<hbm>>) target(%arg15 : memref<64x128xf32, #tpu.memory_space<vmem>>) target_semaphore(%arg20 : memref<!tpu.dma_semaphore, #tpu.memory_space<semaphore_mem>>)
          } else {
          }
          %eq3A_546 = arith.constant 2 : i32
          %eq3A_547 = arith.cmpi eq, %select_n3A_9, %eq3A_546 : i32
          %convert_element_type3A_548 = arith.extui %eq3A_547 : i1 to i32
          %cond3A_549 = arith.constant 0 : i32
          %cond3A_550 = arith.cmpi ne, %convert_element_type3A_548, %cond3A_549 : i32
          scf.if %cond3A_550 {
            %mul3A_556 = arith.constant 128 : i32
            %mul3A_557 = arith.muli %add3A_525, %mul3A_556 : i32
            %dma_start3A_558 = arith.constant 0 : i32
            %dma_start3A_559 = tpu.memref_slice %arg6[%dma_start3A_558, %mul3A_557] : memref<64x100000xf32, #tpu.memory_space<hbm>> -> memref<64x128xf32, #tpu.memory_space<hbm>>
            %dma_start3A_560 = arith.constant 0 : i32
            %dma_start3A_561 = tpu.memref_slice %arg6[%dma_start3A_560, %mul3A_557] : memref<64x100000xf32, #tpu.memory_space<hbm>> -> memref<64x128xf32, #tpu.memory_space<hbm>>
            tpu.enqueue_dma source(%dma_start3A_561 : memref<64x128xf32, #tpu.memory_space<hbm>>) target(%arg15 : memref<64x128xf32, #tpu.memory_space<vmem>>) target_semaphore(%arg20 : memref<!tpu.dma_semaphore, #tpu.memory_space<semaphore_mem>>)
          } else {
          }
          %eq3A_551 = arith.constant 3 : i32
          %eq3A_552 = arith.cmpi eq, %select_n3A_9, %eq3A_551 : i32
          %convert_element_type3A_553 = arith.extui %eq3A_552 : i1 to i32
          %cond3A_554 = arith.constant 0 : i32
          %cond3A_555 = arith.cmpi ne, %convert_element_type3A_553, %cond3A_554 : i32
          scf.if %cond3A_555 {
            %mul3A_556 = arith.constant 128 : i32
            %mul3A_557 = arith.muli %add3A_525, %mul3A_556 : i32
            %dma_start3A_558 = arith.constant 0 : i32
            %dma_start3A_559 = tpu.memref_slice %arg7[%dma_start3A_558, %mul3A_557] : memref<64x100000xf32, #tpu.memory_space<hbm>> -> memref<64x128xf32, #tpu.memory_space<hbm>>
            %dma_start3A_560 = arith.constant 0 : i32
            %dma_start3A_561 = tpu.memref_slice %arg7[%dma_start3A_560, %mul3A_557] : memref<64x100000xf32, #tpu.memory_space<hbm>> -> memref<64x128xf32, #tpu.memory_space<hbm>>
            tpu.enqueue_dma source(%dma_start3A_561 : memref<64x128xf32, #tpu.memory_space<hbm>>) target(%arg15 : memref<64x128xf32, #tpu.memory_space<vmem>>) target_semaphore(%arg20 : memref<!tpu.dma_semaphore, #tpu.memory_space<semaphore_mem>>)
          } else {
          }
        } else {
        }
        %eq3A_531 = arith.constant 781 : i32
        %eq3A_532 = arith.cmpi eq, %add3A_525, %eq3A_531 : i32
        %convert_element_type3A_533 = arith.extui %eq3A_532 : i1 to i32
        %cond3A_534 = arith.constant 0 : i32
        %cond3A_535 = arith.cmpi ne, %convert_element_type3A_533, %cond3A_534 : i32
        scf.if %cond3A_535 {
          tpu.enqueue_dma source(%arg8 : memref<64x128xf32, #tpu.memory_space<hbm>>) target(%arg15 : memref<64x128xf32, #tpu.memory_space<vmem>>) target_semaphore(%arg20 : memref<!tpu.dma_semaphore, #tpu.memory_space<semaphore_mem>>)
        } else {
        }
      } else {
      }
      tpu.wait_dma2 semaphore(%arg21 : memref<!tpu.dma_semaphore, #tpu.memory_space<semaphore_mem>>) src(%arg8 : memref<64x128xf32, #tpu.memory_space<hbm>>) dst(%arg16 : memref<64x128xf32, #tpu.memory_space<vmem>>)
      %add3A_486 = arith.constant 1 : i32
      %add3A_487 = arith.addi %add3A_452, %add3A_486 : i32
      %and3A_488 = arith.constant 15 : i32
      %and3A_489 = arith.andi %add3A_487, %and3A_488 : i32
      %get3A_490 = arith.index_cast %and3A_489 : i32 to index
      %get3A_491 = tpu.vector_load %arg14[%get3A_490] {strides = array<i32>} : memref<128xi32, #tpu.memory_space<vmem>>, vector<16xi32>,
      %slice3A_492 = vector.extract_strided_slice %get3A_491 {offsets = [0], sizes = [1], strides = [1]} : vector<16xi32> to vector<1xi32>
      %squeeze3A_493 = vector.extract %slice3A_492[0] : i32 from vector<1xi32>
      %add3A_494 = arith.constant 16 : i32
      %add3A_495 = arith.addi %add3A_494, %and3A_489 : i32
      %get3A_496 = arith.index_cast %add3A_495 : i32 to index
      %get3A_497 = tpu.vector_load %arg14[%get3A_496] {strides = array<i32>} : memref<128xi32, #tpu.memory_space<vmem>>, vector<16xi32>,
      %slice3A_498 = vector.extract_strided_slice %get3A_497 {offsets = [0], sizes = [1], strides = [1]} : vector<16xi32> to vector<1xi32>
      %squeeze3A_499 = vector.extract %slice3A_498[0] : i32 from vector<1xi32>
      %shift_right_arithmetic3A_500 = arith.constant 4 : i32
      %shift_right_arithmetic3A_501 = arith.shrsi %squeeze3A_493, %shift_right_arithmetic3A_500 : i32
      %add3A_502 = arith.constant 16 : i32
      %add3A_503 = arith.addi %squeeze3A_499, %add3A_502 : i32
      %sub3A_504 = arith.constant 1 : i32
      %sub3A_505 = arith.subi %add3A_503, %sub3A_504 : i32
      %shift_right_arithmetic3A_506 = arith.constant 4 : i32
      %shift_right_arithmetic3A_507 = arith.shrsi %sub3A_505, %shift_right_arithmetic3A_506 : i32
      %while3A_508 = arith.subi %shift_right_arithmetic3A_507, %shift_right_arithmetic3A_501 : i32
      %while3A_509 = arith.addi %shift_right_arithmetic3A_501, %while3A_508 : i32
      %while3A_510 = arith.constant 1 : i32
      %while3A_511 = arith.divsi %while3A_508, %while3A_510 : i32
      %while3A_512 = arith.muli %while3A_511, %while3A_510 : i32
      %while3A_513 = arith.addi %shift_right_arithmetic3A_501, %while3A_512 : i32
      %while3A_514 = arith.constant 1 : i32
      %while3A_515 = scf.for %while3A_524 = %shift_right_arithmetic3A_501 to %while3A_513 step %while3A_514 iter_args(%while3A_525 = %while3A_479) -> (i32)  : i32 {
        %mul3A_526 = arith.constant 16 : i32
        %mul3A_527 = arith.muli %while3A_524, %mul3A_526 : i32
        %get3A_528 = arith.index_cast %mul3A_527 : i32 to index
        %get3A_529 = tpu.vector_load %arg10[%get3A_528] {strides = array<i32>} : memref<16384xi32, #tpu.memory_space<vmem>>, vector<16xi32>,
        %shift_right_arithmetic3A_530 = arith.constant 7 : i32
        %shift_right_arithmetic3A_531 = vector.broadcast %shift_right_arithmetic3A_530 : i32 to vector<16xi32>
        %shift_right_arithmetic3A_532 = arith.shrsi %get3A_529, %shift_right_arithmetic3A_531 : vector<16xi32>
        %eq3A_533 = vector.broadcast %add3A_487 : i32 to vector<16xi32>
        %eq3A_534 = arith.cmpi eq, %shift_right_arithmetic3A_532, %eq3A_533 : vector<16xi32>
        %all_reduce_population_count3A = tpu.all_reduce %eq3A_534 {dim = 0 : i64, kind = #tpu.reduction_kind<sum>} : vector<16xi1> -> vector<16xi32>
        %slice3A_535 = vector.extract_strided_slice %all_reduce_population_count3A {offsets = [0], sizes = [1], strides = [1]} : vector<16xi32> to vector<1xi32>
        %squeeze3A_536 = vector.extract %slice3A_535[0] : i32 from vector<1xi32>
        %gt3A = arith.constant 0 : i32
        %gt3A_537 = arith.cmpi sgt, %squeeze3A_536, %gt3A : i32
        %convert_element_type3A_538 = arith.extui %gt3A_537 : i1 to i32
        %cond3A_539 = arith.constant 0 : i32
        %cond3A_540 = arith.cmpi ne, %convert_element_type3A_538, %cond3A_539 : i32
        scf.if %cond3A_540 {
          %and3A_551 = arith.constant 127 : i32
          %and3A_552 = vector.broadcast %and3A_551 : i32 to vector<16xi32>
          %and3A_553 = arith.andi %get3A_529, %and3A_552 : vector<16xi32>
          %mul3A_554 = arith.constant 16 : i32
          %mul3A_555 = arith.muli %while3A_524, %mul3A_554 : i32
          %get3A_556 = arith.index_cast %mul3A_555 : i32 to index
          %get3A_557 = tpu.vector_load %arg11[%get3A_556] {strides = array<i32>} : memref<16384xi32, #tpu.memory_space<vmem>>, vector<16xi32>,
          %convert_element_type3A_558 = arith.extui %eq3A_534 : vector<16xi1> to vector<16xi32>
          %broadcast_in_dim3A_559 = arith.constant true
          %broadcast_in_dim3A_560 = vector.broadcast %broadcast_in_dim3A_559 : i1 to vector<16xi1>
          %masked_cumsum3A = tpu.scan <sum>, %convert_element_type3A_558 masked %broadcast_in_dim3A_560 : vector<16xi32>, vector<16xi1> -> vector<16xi32>
          %add3A_561 = vector.broadcast %while3A_525 : i32 to vector<16xi32>
          %add3A_562 = arith.addi %add3A_561, %masked_cumsum3A : vector<16xi32>
          %sub3A_563 = arith.constant 1 : i32
          %sub3A_564 = vector.broadcast %sub3A_563 : i32 to vector<16xi32>
          %sub3A_565 = arith.subi %add3A_562, %sub3A_564 : vector<16xi32>
          %jit3A_566 = arith.constant 152 : i32
          %broadcast_in_dim3A_567 = vector.broadcast %jit3A_566 : i32 to vector<16xi32>
          %select_n3A_568 = arith.select %eq3A_534, %sub3A_565, %broadcast_in_dim3A_567 : vector<16xi1>, vector<16xi32>
          tpu.vector_store_idx %arg18[%select_n3A_568], %get3A_557 : memref<384xi32, #tpu.memory_space<vmem>>[vector<16xi32>], vector<16xi32>,
          %scan3A_569 = arith.constant 0 : i32
          %scan3A_570 = arith.constant 0 : i32
          %scan3A_571 = arith.constant 64 : i32
          %scan3A_572 = arith.addi %scan3A_570, %scan3A_571 : i32
          %scan3A_573 = arith.constant 4 : i32
          %scan3A_574 = scf.for %scan3A_576 = %scan3A_570 to %scan3A_572 step %scan3A_573 iter_args(%scan3A_577 = %scan3A_569) -> (i32)  : i32 {
            %broadcast_in_dim3A_578 = arith.constant 0 : i32
            %broadcast_in_dim3A_579 = vector.broadcast %broadcast_in_dim3A_578 : i32 to vector<16xi32>
            %add3A_580 = vector.broadcast %scan3A_576 : i32 to vector<16xi32>
            %add3A_581 = arith.addi %broadcast_in_dim3A_579, %add3A_580 : vector<16xi32>
            %gather3A = tpu.vector_load_idx %arg16[%add3A_581, %and3A_553] : memref<64x128xf32, #tpu.memory_space<vmem>>[vector<16xi32>, vector<16xi32>], vector<16xf32>,
            tpu.vector_store_idx %arg17[%select_n3A_568, %add3A_581], %gather3A : memref<160x128xf32, #tpu.memory_space<vmem>>[vector<16xi32>, vector<16xi32>], vector<16xf32>,
            %scan3A_582 = arith.constant 0 : i32
            %scan3A_583 = arith.constant 1 : i32
            %scan3A_584 = arith.addi %scan3A_576, %scan3A_583 : i32
            %broadcast_in_dim3A_585 = arith.constant 0 : i32
            %broadcast_in_dim3A_586 = vector.broadcast %broadcast_in_dim3A_585 : i32 to vector<16xi32>
            %add3A_587 = vector.broadcast %scan3A_584 : i32 to vector<16xi32>
            %add3A_588 = arith.addi %broadcast_in_dim3A_586, %add3A_587 : vector<16xi32>
            %gather3A_589 = tpu.vector_load_idx %arg16[%add3A_588, %and3A_553] : memref<64x128xf32, #tpu.memory_space<vmem>>[vector<16xi32>, vector<16xi32>], vector<16xf32>,
            tpu.vector_store_idx %arg17[%select_n3A_568, %add3A_588], %gather3A_589 : memref<160x128xf32, #tpu.memory_space<vmem>>[vector<16xi32>, vector<16xi32>], vector<16xf32>,
            %scan3A_590 = arith.constant 0 : i32
            %scan3A_591 = arith.constant 2 : i32
            %scan3A_592 = arith.addi %scan3A_576, %scan3A_591 : i32
            %broadcast_in_dim3A_593 = arith.constant 0 : i32
            %broadcast_in_dim3A_594 = vector.broadcast %broadcast_in_dim3A_593 : i32 to vector<16xi32>
            %add3A_595 = vector.broadcast %scan3A_592 : i32 to vector<16xi32>
            %add3A_596 = arith.addi %broadcast_in_dim3A_594, %add3A_595 : vector<16xi32>
            %gather3A_597 = tpu.vector_load_idx %arg16[%add3A_596, %and3A_553] : memref<64x128xf32, #tpu.memory_space<vmem>>[vector<16xi32>, vector<16xi32>], vector<16xf32>,
            tpu.vector_store_idx %arg17[%select_n3A_568, %add3A_596], %gather3A_597 : memref<160x128xf32, #tpu.memory_space<vmem>>[vector<16xi32>, vector<16xi32>], vector<16xf32>,
            %scan3A_598 = arith.constant 0 : i32
            %scan3A_599 = arith.constant 3 : i32
            %scan3A_600 = arith.addi %scan3A_576, %scan3A_599 : i32
            %broadcast_in_dim3A_601 = arith.constant 0 : i32
            %broadcast_in_dim3A_602 = vector.broadcast %broadcast_in_dim3A_601 : i32 to vector<16xi32>
            %add3A_603 = vector.broadcast %scan3A_600 : i32 to vector<16xi32>
            %add3A_604 = arith.addi %broadcast_in_dim3A_602, %add3A_603 : vector<16xi32>
            %gather3A_605 = tpu.vector_load_idx %arg16[%add3A_604, %and3A_553] : memref<64x128xf32, #tpu.memory_space<vmem>>[vector<16xi32>, vector<16xi32>], vector<16xf32>,
            tpu.vector_store_idx %arg17[%select_n3A_568, %add3A_604], %gather3A_605 : memref<160x128xf32, #tpu.memory_space<vmem>>[vector<16xi32>, vector<16xi32>], vector<16xf32>,
            %scan3A_606 = arith.constant 0 : i32
            scf.yield %scan3A_606 : i32
          }
          %scan3A_575 = arith.constant 64 : i32
        } else {
        }
        %add3A_541 = arith.addi %while3A_525, %squeeze3A_536 : i32
        %ge3A = arith.constant 128 : i32
        %ge3A_542 = arith.cmpi sge, %add3A_541, %ge3A : i32
        %convert_element_type3A_543 = arith.extui %ge3A_542 : i1 to i32
        %cond3A_544 = arith.constant 0 : i32
        %cond3A_545 = arith.cmpi ne, %convert_element_type3A_543, %cond3A_544 : i32
        scf.if %cond3A_545 {
          %get3A_551 = arith.constant 0 : index
          %get3A_552 = tpu.vector_load %arg18[%get3A_551] {strides = array<i32>} : memref<384xi32, #tpu.memory_space<vmem>>, vector<16xi32>,
          %swap3A_553 = arith.constant 0 : i32
          %swap3A_554 = arith.index_cast %swap3A_553 : i32 to index
          %swap3A_555 = arith.constant 0 : index
          %swap3A_556 = tpu.vector_load %arg19[%swap3A_554, %swap3A_555] {strides = array<i32>} : memref<8x128xi32, #tpu.memory_space<vmem>>, vector<16xi32>,
          tpu.vector_store %arg19[%swap3A_554, %swap3A_555], %get3A_552 {strides = array<i32>} : memref<8x128xi32, #tpu.memory_space<vmem>>, vector<16xi32>,
          %get3A_557 = arith.constant 16 : index
          %get3A_558 = tpu.vector_load %arg18[%get3A_557] {strides = array<i32>} : memref<384xi32, #tpu.memory_space<vmem>>, vector<16xi32>,
          %swap3A_559 = arith.constant 0 : i32
          %swap3A_560 = arith.index_cast %swap3A_559 : i32 to index
          %swap3A_561 = arith.constant 16 : index
          %swap3A_562 = tpu.vector_load %arg19[%swap3A_560, %swap3A_561] {strides = array<i32>} : memref<8x128xi32, #tpu.memory_space<vmem>>, vector<16xi32>,
          tpu.vector_store %arg19[%swap3A_560, %swap3A_561], %get3A_558 {strides = array<i32>} : memref<8x128xi32, #tpu.memory_space<vmem>>, vector<16xi32>,
          %get3A_563 = arith.constant 32 : index
          %get3A_564 = tpu.vector_load %arg18[%get3A_563] {strides = array<i32>} : memref<384xi32, #tpu.memory_space<vmem>>, vector<16xi32>,
          %swap3A_565 = arith.constant 0 : i32
          %swap3A_566 = arith.index_cast %swap3A_565 : i32 to index
          %swap3A_567 = arith.constant 32 : index
          %swap3A_568 = tpu.vector_load %arg19[%swap3A_566, %swap3A_567] {strides = array<i32>} : memref<8x128xi32, #tpu.memory_space<vmem>>, vector<16xi32>,
          tpu.vector_store %arg19[%swap3A_566, %swap3A_567], %get3A_564 {strides = array<i32>} : memref<8x128xi32, #tpu.memory_space<vmem>>, vector<16xi32>,
          %get3A_569 = arith.constant 48 : index
          %get3A_570 = tpu.vector_load %arg18[%get3A_569] {strides = array<i32>} : memref<384xi32, #tpu.memory_space<vmem>>, vector<16xi32>,
          %swap3A_571 = arith.constant 0 : i32
          %swap3A_572 = arith.index_cast %swap3A_571 : i32 to index
          %swap3A_573 = arith.constant 48 : index
          %swap3A_574 = tpu.vector_load %arg19[%swap3A_572, %swap3A_573] {strides = array<i32>} : memref<8x128xi32, #tpu.memory_space<vmem>>, vector<16xi32>,
          tpu.vector_store %arg19[%swap3A_572, %swap3A_573], %get3A_570 {strides = array<i32>} : memref<8x128xi32, #tpu.memory_space<vmem>>, vector<16xi32>,
          %get3A_575 = arith.constant 64 : index
          %get3A_576 = tpu.vector_load %arg18[%get3A_575] {strides = array<i32>} : memref<384xi32, #tpu.memory_space<vmem>>, vector<16xi32>,
          %swap3A_577 = arith.constant 0 : i32
          %swap3A_578 = arith.index_cast %swap3A_577 : i32 to index
          %swap3A_579 = arith.constant 64 : index
          %swap3A_580 = tpu.vector_load %arg19[%swap3A_578, %swap3A_579] {strides = array<i32>} : memref<8x128xi32, #tpu.memory_space<vmem>>, vector<16xi32>,
          tpu.vector_store %arg19[%swap3A_578, %swap3A_579], %get3A_576 {strides = array<i32>} : memref<8x128xi32, #tpu.memory_space<vmem>>, vector<16xi32>,
          %get3A_581 = arith.constant 80 : index
          %get3A_582 = tpu.vector_load %arg18[%get3A_581] {strides = array<i32>} : memref<384xi32, #tpu.memory_space<vmem>>, vector<16xi32>,
          %swap3A_583 = arith.constant 0 : i32
          %swap3A_584 = arith.index_cast %swap3A_583 : i32 to index
          %swap3A_585 = arith.constant 80 : index
          %swap3A_586 = tpu.vector_load %arg19[%swap3A_584, %swap3A_585] {strides = array<i32>} : memref<8x128xi32, #tpu.memory_space<vmem>>, vector<16xi32>,
          tpu.vector_store %arg19[%swap3A_584, %swap3A_585], %get3A_582 {strides = array<i32>} : memref<8x128xi32, #tpu.memory_space<vmem>>, vector<16xi32>,
          %get3A_587 = arith.constant 96 : index
          %get3A_588 = tpu.vector_load %arg18[%get3A_587] {strides = array<i32>} : memref<384xi32, #tpu.memory_space<vmem>>, vector<16xi32>,
          %swap3A_589 = arith.constant 0 : i32
          %swap3A_590 = arith.index_cast %swap3A_589 : i32 to index
          %swap3A_591 = arith.constant 96 : index
          %swap3A_592 = tpu.vector_load %arg19[%swap3A_590, %swap3A_591] {strides = array<i32>} : memref<8x128xi32, #tpu.memory_space<vmem>>, vector<16xi32>,
          tpu.vector_store %arg19[%swap3A_590, %swap3A_591], %get3A_588 {strides = array<i32>} : memref<8x128xi32, #tpu.memory_space<vmem>>, vector<16xi32>,
          %get3A_593 = arith.constant 112 : index
          %get3A_594 = tpu.vector_load %arg18[%get3A_593] {strides = array<i32>} : memref<384xi32, #tpu.memory_space<vmem>>, vector<16xi32>,
          %swap3A_595 = arith.constant 0 : i32
          %swap3A_596 = arith.index_cast %swap3A_595 : i32 to index
          %swap3A_597 = arith.constant 112 : index
          %swap3A_598 = tpu.vector_load %arg19[%swap3A_596, %swap3A_597] {strides = array<i32>} : memref<8x128xi32, #tpu.memory_space<vmem>>, vector<16xi32>,
          tpu.vector_store %arg19[%swap3A_596, %swap3A_597], %get3A_594 {strides = array<i32>} : memref<8x128xi32, #tpu.memory_space<vmem>>, vector<16xi32>,
          %dma_start3A_599 = arith.constant 0 : i32
          %dma_start3A_600 = arith.constant 0 : i32
          %dma_start3A_601 = arith.constant 0 : i32
          %dma_start3A_602 = tpu.memref_slice %arg17[%dma_start3A_600, %dma_start3A_601] : memref<160x128xf32, #tpu.memory_space<vmem>> -> memref<128x128xf32, #tpu.memory_space<vmem>>
          %dma_start3A_603 = arith.constant 0 : i32
          %dma_start3A_604 = tpu.memref_slice %arg19[%dma_start3A_599, %dma_start3A_603] : memref<8x128xi32, #tpu.memory_space<vmem>> -> memref<1x128xi32, #tpu.memory_space<vmem>>
          %dma_start3A_605 = tpu.memref_squeeze %dma_start3A_604 : memref<1x128xi32, #tpu.memory_space<vmem>> -> memref<128xi32, #tpu.memory_space<vmem>>
          %dma_start3A_606 = arith.constant 0 : i32
          %dma_start3A_607 = arith.constant 0 : i32
          %dma_start3A_608 = tpu.memref_slice %arg9[%dma_start3A_606, %dma_start3A_607] : memref<16400x128xf32, #tpu.memory_space<hbm>> -> memref<16400x128xf32, #tpu.memory_space<hbm>>
          tpu.enqueue_indirect_dma source(%dma_start3A_602 : memref<128x128xf32, #tpu.memory_space<vmem>>) target(%dma_start3A_608 : memref<16400x128xf32, #tpu.memory_space<hbm>>) offsets(%dma_start3A_605 : memref<128xi32, #tpu.memory_space<vmem>>) semaphore(%arg22 : memref<!tpu.dma_semaphore, #tpu.memory_space<semaphore_mem>>)
          %dma_wait3A_609 = arith.constant 0 : i32
          %dma_wait3A_610 = arith.constant 0 : i32
          %dma_wait3A_611 = arith.constant 0 : i32
          %dma_wait3A_612 = tpu.memref_slice %arg17[%dma_wait3A_610, %dma_wait3A_611] : memref<160x128xf32, #tpu.memory_space<vmem>> -> memref<128x128xf32, #tpu.memory_space<vmem>>
          %dma_wait3A_613 = arith.constant 0 : i32
          %dma_wait3A_614 = tpu.memref_slice %arg19[%dma_wait3A_609, %dma_wait3A_613] : memref<8x128xi32, #tpu.memory_space<vmem>> -> memref<1x128xi32, #tpu.memory_space<vmem>>
          %dma_wait3A_615 = tpu.memref_squeeze %dma_wait3A_614 : memref<1x128xi32, #tpu.memory_space<vmem>> -> memref<128xi32, #tpu.memory_space<vmem>>
          %dma_wait3A_616 = arith.constant 0 : i32
          %dma_wait3A_617 = arith.constant 0 : i32
          %dma_wait3A_618 = tpu.memref_slice %arg9[%dma_wait3A_616, %dma_wait3A_617] : memref<16400x128xf32, #tpu.memory_space<hbm>> -> memref<16400x128xf32, #tpu.memory_space<hbm>>
          tpu.wait_indirect_dma semaphore(%arg22 : memref<!tpu.dma_semaphore, #tpu.memory_space<semaphore_mem>>) src(%dma_wait3A_612 : memref<128x128xf32, #tpu.memory_space<vmem>>) dst(%dma_wait3A_618 : memref<16400x128xf32, #tpu.memory_space<hbm>>)
          %sub3A_619 = arith.constant 128 : i32
          %sub3A_620 = arith.subi %add3A_541, %sub3A_619 : i32
          %while3A_621 = arith.constant 0 : i32
          %while3A_622 = arith.constant 0 : i32
          %while3A_623 = arith.subi %sub3A_620, %while3A_621 : i32
          %while3A_624 = arith.addi %while3A_621, %while3A_623 : i32
          %while3A_625 = arith.constant 1 : i32
          %while3A_626 = arith.divsi %while3A_623, %while3A_625 : i32
          %while3A_627 = arith.muli %while3A_626, %while3A_625 : i32
          %while3A_628 = arith.addi %while3A_621, %while3A_627 : i32
          %while3A_629 = arith.constant 1 : i32
          %while3A_630 = scf.for %while3A_637 = %while3A_621 to %while3A_628 step %while3A_629 iter_args(%while3A_638 = %while3A_622) -> (i32)  : i32 {
            %add3A_639 = arith.constant 128 : i32
            %add3A_640 = arith.addi %add3A_639, %while3A_637 : i32
            %get3A_641 = arith.index_cast %add3A_640 : i32 to index
            %get3A_642 = arith.constant 0 : index
            %get3A_643 = tpu.vector_load %arg17[%get3A_641, %get3A_642] {strides = array<i32>} : memref<160x128xf32, #tpu.memory_space<vmem>>, vector<16xf32>,
            %swap3A_644 = arith.index_cast %while3A_637 : i32 to index
            %swap3A_645 = arith.constant 0 : index
            %swap3A_646 = tpu.vector_load %arg17[%swap3A_644, %swap3A_645] {strides = array<i32>} : memref<160x128xf32, #tpu.memory_space<vmem>>, vector<16xf32>,
            tpu.vector_store %arg17[%swap3A_644, %swap3A_645], %get3A_643 {strides = array<i32>} : memref<160x128xf32, #tpu.memory_space<vmem>>, vector<16xf32>,
            %add3A_647 = arith.constant 128 : i32
            %add3A_648 = arith.addi %add3A_647, %while3A_637 : i32
            %get3A_649 = arith.index_cast %add3A_648 : i32 to index
            %get3A_650 = arith.constant 16 : index
            %get3A_651 = tpu.vector_load %arg17[%get3A_649, %get3A_650] {strides = array<i32>} : memref<160x128xf32, #tpu.memory_space<vmem>>, vector<16xf32>,
            %swap3A_652 = arith.index_cast %while3A_637 : i32 to index
            %swap3A_653 = arith.constant 16 : index
            %swap3A_654 = tpu.vector_load %arg17[%swap3A_652, %swap3A_653] {strides = array<i32>} : memref<160x128xf32, #tpu.memory_space<vmem>>, vector<16xf32>,
            tpu.vector_store %arg17[%swap3A_652, %swap3A_653], %get3A_651 {strides = array<i32>} : memref<160x128xf32, #tpu.memory_space<vmem>>, vector<16xf32>,
            %add3A_655 = arith.constant 128 : i32
            %add3A_656 = arith.addi %add3A_655, %while3A_637 : i32
            %get3A_657 = arith.index_cast %add3A_656 : i32 to index
            %get3A_658 = arith.constant 32 : index
            %get3A_659 = tpu.vector_load %arg17[%get3A_657, %get3A_658] {strides = array<i32>} : memref<160x128xf32, #tpu.memory_space<vmem>>, vector<16xf32>,
            %swap3A_660 = arith.index_cast %while3A_637 : i32 to index
            %swap3A_661 = arith.constant 32 : index
            %swap3A_662 = tpu.vector_load %arg17[%swap3A_660, %swap3A_661] {strides = array<i32>} : memref<160x128xf32, #tpu.memory_space<vmem>>, vector<16xf32>,
            tpu.vector_store %arg17[%swap3A_660, %swap3A_661], %get3A_659 {strides = array<i32>} : memref<160x128xf32, #tpu.memory_space<vmem>>, vector<16xf32>,
            %add3A_663 = arith.constant 128 : i32
            %add3A_664 = arith.addi %add3A_663, %while3A_637 : i32
            %get3A_665 = arith.index_cast %add3A_664 : i32 to index
            %get3A_666 = arith.constant 48 : index
            %get3A_667 = tpu.vector_load %arg17[%get3A_665, %get3A_666] {strides = array<i32>} : memref<160x128xf32, #tpu.memory_space<vmem>>, vector<16xf32>,
            %swap3A_668 = arith.index_cast %while3A_637 : i32 to index
            %swap3A_669 = arith.constant 48 : index
            %swap3A_670 = tpu.vector_load %arg17[%swap3A_668, %swap3A_669] {strides = array<i32>} : memref<160x128xf32, #tpu.memory_space<vmem>>, vector<16xf32>,
            tpu.vector_store %arg17[%swap3A_668, %swap3A_669], %get3A_667 {strides = array<i32>} : memref<160x128xf32, #tpu.memory_space<vmem>>, vector<16xf32>,
            %add3A_671 = arith.constant 128 : i32
            %add3A_672 = arith.addi %add3A_671, %while3A_637 : i32
            %get3A_673 = arith.index_cast %add3A_672 : i32 to index
            %get3A_674 = arith.constant 64 : index
            %get3A_675 = tpu.vector_load %arg17[%get3A_673, %get3A_674] {strides = array<i32>} : memref<160x128xf32, #tpu.memory_space<vmem>>, vector<16xf32>,
            %swap3A_676 = arith.index_cast %while3A_637 : i32 to index
            %swap3A_677 = arith.constant 64 : index
            %swap3A_678 = tpu.vector_load %arg17[%swap3A_676, %swap3A_677] {strides = array<i32>} : memref<160x128xf32, #tpu.memory_space<vmem>>, vector<16xf32>,
            tpu.vector_store %arg17[%swap3A_676, %swap3A_677], %get3A_675 {strides = array<i32>} : memref<160x128xf32, #tpu.memory_space<vmem>>, vector<16xf32>,
            %add3A_679 = arith.constant 128 : i32
            %add3A_680 = arith.addi %add3A_679, %while3A_637 : i32
            %get3A_681 = arith.index_cast %add3A_680 : i32 to index
            %get3A_682 = arith.constant 80 : index
            %get3A_683 = tpu.vector_load %arg17[%get3A_681, %get3A_682] {strides = array<i32>} : memref<160x128xf32, #tpu.memory_space<vmem>>, vector<16xf32>,
            %swap3A_684 = arith.index_cast %while3A_637 : i32 to index
            %swap3A_685 = arith.constant 80 : index
            %swap3A_686 = tpu.vector_load %arg17[%swap3A_684, %swap3A_685] {strides = array<i32>} : memref<160x128xf32, #tpu.memory_space<vmem>>, vector<16xf32>,
            tpu.vector_store %arg17[%swap3A_684, %swap3A_685], %get3A_683 {strides = array<i32>} : memref<160x128xf32, #tpu.memory_space<vmem>>, vector<16xf32>,
            %add3A_687 = arith.constant 128 : i32
            %add3A_688 = arith.addi %add3A_687, %while3A_637 : i32
            %get3A_689 = arith.index_cast %add3A_688 : i32 to index
            %get3A_690 = arith.constant 96 : index
            %get3A_691 = tpu.vector_load %arg17[%get3A_689, %get3A_690] {strides = array<i32>} : memref<160x128xf32, #tpu.memory_space<vmem>>, vector<16xf32>,
            %swap3A_692 = arith.index_cast %while3A_637 : i32 to index
            %swap3A_693 = arith.constant 96 : index
            %swap3A_694 = tpu.vector_load %arg17[%swap3A_692, %swap3A_693] {strides = array<i32>} : memref<160x128xf32, #tpu.memory_space<vmem>>, vector<16xf32>,
            tpu.vector_store %arg17[%swap3A_692, %swap3A_693], %get3A_691 {strides = array<i32>} : memref<160x128xf32, #tpu.memory_space<vmem>>, vector<16xf32>,
            %add3A_695 = arith.constant 128 : i32
            %add3A_696 = arith.addi %add3A_695, %while3A_637 : i32
            %get3A_697 = arith.index_cast %add3A_696 : i32 to index
            %get3A_698 = arith.constant 112 : index
            %get3A_699 = tpu.vector_load %arg17[%get3A_697, %get3A_698] {strides = array<i32>} : memref<160x128xf32, #tpu.memory_space<vmem>>, vector<16xf32>,
            %swap3A_700 = arith.index_cast %while3A_637 : i32 to index
            %swap3A_701 = arith.constant 112 : index
            %swap3A_702 = tpu.vector_load %arg17[%swap3A_700, %swap3A_701] {strides = array<i32>} : memref<160x128xf32, #tpu.memory_space<vmem>>, vector<16xf32>,
            tpu.vector_store %arg17[%swap3A_700, %swap3A_701], %get3A_699 {strides = array<i32>} : memref<160x128xf32, #tpu.memory_space<vmem>>, vector<16xf32>,
            %while3A_703 = arith.constant 0 : i32
            scf.yield %while3A_703 : i32
          }
          %while3A_631 = arith.constant 1 : i32
          %while3A_632 = scf.for %while3A_637 = %while3A_628 to %while3A_624 step %while3A_631 iter_args(%while3A_638 = %while3A_630) -> (i32)  : i32 {
            %add3A_639 = arith.constant 128 : i32
            %add3A_640 = arith.addi %add3A_639, %while3A_637 : i32
            %get3A_641 = arith.index_cast %add3A_640 : i32 to index
            %get3A_642 = arith.constant 0 : index
            %get3A_643 = tpu.vector_load %arg17[%get3A_641, %get3A_642] {strides = array<i32>} : memref<160x128xf32, #tpu.memory_space<vmem>>, vector<16xf32>,
            %swap3A_644 = arith.index_cast %while3A_637 : i32 to index
            %swap3A_645 = arith.constant 0 : index
            %swap3A_646 = tpu.vector_load %arg17[%swap3A_644, %swap3A_645] {strides = array<i32>} : memref<160x128xf32, #tpu.memory_space<vmem>>, vector<16xf32>,
            tpu.vector_store %arg17[%swap3A_644, %swap3A_645], %get3A_643 {strides = array<i32>} : memref<160x128xf32, #tpu.memory_space<vmem>>, vector<16xf32>,
            %add3A_647 = arith.constant 128 : i32
            %add3A_648 = arith.addi %add3A_647, %while3A_637 : i32
            %get3A_649 = arith.index_cast %add3A_648 : i32 to index
            %get3A_650 = arith.constant 16 : index
            %get3A_651 = tpu.vector_load %arg17[%get3A_649, %get3A_650] {strides = array<i32>} : memref<160x128xf32, #tpu.memory_space<vmem>>, vector<16xf32>,
            %swap3A_652 = arith.index_cast %while3A_637 : i32 to index
            %swap3A_653 = arith.constant 16 : index
            %swap3A_654 = tpu.vector_load %arg17[%swap3A_652, %swap3A_653] {strides = array<i32>} : memref<160x128xf32, #tpu.memory_space<vmem>>, vector<16xf32>,
            tpu.vector_store %arg17[%swap3A_652, %swap3A_653], %get3A_651 {strides = array<i32>} : memref<160x128xf32, #tpu.memory_space<vmem>>, vector<16xf32>,
            %add3A_655 = arith.constant 128 : i32
            %add3A_656 = arith.addi %add3A_655, %while3A_637 : i32
            %get3A_657 = arith.index_cast %add3A_656 : i32 to index
            %get3A_658 = arith.constant 32 : index
            %get3A_659 = tpu.vector_load %arg17[%get3A_657, %get3A_658] {strides = array<i32>} : memref<160x128xf32, #tpu.memory_space<vmem>>, vector<16xf32>,
            %swap3A_660 = arith.index_cast %while3A_637 : i32 to index
            %swap3A_661 = arith.constant 32 : index
            %swap3A_662 = tpu.vector_load %arg17[%swap3A_660, %swap3A_661] {strides = array<i32>} : memref<160x128xf32, #tpu.memory_space<vmem>>, vector<16xf32>,
            tpu.vector_store %arg17[%swap3A_660, %swap3A_661], %get3A_659 {strides = array<i32>} : memref<160x128xf32, #tpu.memory_space<vmem>>, vector<16xf32>,
            %add3A_663 = arith.constant 128 : i32
            %add3A_664 = arith.addi %add3A_663, %while3A_637 : i32
            %get3A_665 = arith.index_cast %add3A_664 : i32 to index
            %get3A_666 = arith.constant 48 : index
            %get3A_667 = tpu.vector_load %arg17[%get3A_665, %get3A_666] {strides = array<i32>} : memref<160x128xf32, #tpu.memory_space<vmem>>, vector<16xf32>,
            %swap3A_668 = arith.index_cast %while3A_637 : i32 to index
            %swap3A_669 = arith.constant 48 : index
            %swap3A_670 = tpu.vector_load %arg17[%swap3A_668, %swap3A_669] {strides = array<i32>} : memref<160x128xf32, #tpu.memory_space<vmem>>, vector<16xf32>,
            tpu.vector_store %arg17[%swap3A_668, %swap3A_669], %get3A_667 {strides = array<i32>} : memref<160x128xf32, #tpu.memory_space<vmem>>, vector<16xf32>,
            %add3A_671 = arith.constant 128 : i32
            %add3A_672 = arith.addi %add3A_671, %while3A_637 : i32
            %get3A_673 = arith.index_cast %add3A_672 : i32 to index
            %get3A_674 = arith.constant 64 : index
            %get3A_675 = tpu.vector_load %arg17[%get3A_673, %get3A_674] {strides = array<i32>} : memref<160x128xf32, #tpu.memory_space<vmem>>, vector<16xf32>,
            %swap3A_676 = arith.index_cast %while3A_637 : i32 to index
            %swap3A_677 = arith.constant 64 : index
            %swap3A_678 = tpu.vector_load %arg17[%swap3A_676, %swap3A_677] {strides = array<i32>} : memref<160x128xf32, #tpu.memory_space<vmem>>, vector<16xf32>,
            tpu.vector_store %arg17[%swap3A_676, %swap3A_677], %get3A_675 {strides = array<i32>} : memref<160x128xf32, #tpu.memory_space<vmem>>, vector<16xf32>,
            %add3A_679 = arith.constant 128 : i32
            %add3A_680 = arith.addi %add3A_679, %while3A_637 : i32
            %get3A_681 = arith.index_cast %add3A_680 : i32 to index
            %get3A_682 = arith.constant 80 : index
            %get3A_683 = tpu.vector_load %arg17[%get3A_681, %get3A_682] {strides = array<i32>} : memref<160x128xf32, #tpu.memory_space<vmem>>, vector<16xf32>,
            %swap3A_684 = arith.index_cast %while3A_637 : i32 to index
            %swap3A_685 = arith.constant 80 : index
            %swap3A_686 = tpu.vector_load %arg17[%swap3A_684, %swap3A_685] {strides = array<i32>} : memref<160x128xf32, #tpu.memory_space<vmem>>, vector<16xf32>,
            tpu.vector_store %arg17[%swap3A_684, %swap3A_685], %get3A_683 {strides = array<i32>} : memref<160x128xf32, #tpu.memory_space<vmem>>, vector<16xf32>,
            %add3A_687 = arith.constant 128 : i32
            %add3A_688 = arith.addi %add3A_687, %while3A_637 : i32
            %get3A_689 = arith.index_cast %add3A_688 : i32 to index
            %get3A_690 = arith.constant 96 : index
            %get3A_691 = tpu.vector_load %arg17[%get3A_689, %get3A_690] {strides = array<i32>} : memref<160x128xf32, #tpu.memory_space<vmem>>, vector<16xf32>,
            %swap3A_692 = arith.index_cast %while3A_637 : i32 to index
            %swap3A_693 = arith.constant 96 : index
            %swap3A_694 = tpu.vector_load %arg17[%swap3A_692, %swap3A_693] {strides = array<i32>} : memref<160x128xf32, #tpu.memory_space<vmem>>, vector<16xf32>,
            tpu.vector_store %arg17[%swap3A_692, %swap3A_693], %get3A_691 {strides = array<i32>} : memref<160x128xf32, #tpu.memory_space<vmem>>, vector<16xf32>,
            %add3A_695 = arith.constant 128 : i32
            %add3A_696 = arith.addi %add3A_695, %while3A_637 : i32
            %get3A_697 = arith.index_cast %add3A_696 : i32 to index
            %get3A_698 = arith.constant 112 : index
            %get3A_699 = tpu.vector_load %arg17[%get3A_697, %get3A_698] {strides = array<i32>} : memref<160x128xf32, #tpu.memory_space<vmem>>, vector<16xf32>,
            %swap3A_700 = arith.index_cast %while3A_637 : i32 to index
            %swap3A_701 = arith.constant 112 : index
            %swap3A_702 = tpu.vector_load %arg17[%swap3A_700, %swap3A_701] {strides = array<i32>} : memref<160x128xf32, #tpu.memory_space<vmem>>, vector<16xf32>,
            tpu.vector_store %arg17[%swap3A_700, %swap3A_701], %get3A_699 {strides = array<i32>} : memref<160x128xf32, #tpu.memory_space<vmem>>, vector<16xf32>,
            %while3A_703 = arith.constant 0 : i32
            scf.yield %while3A_703 : i32
          }
          %get3A_633 = arith.constant 128 : index
          %get3A_634 = tpu.vector_load %arg18[%get3A_633] {strides = array<i32>} : memref<384xi32, #tpu.memory_space<vmem>>, vector<16xi32>,
          %swap3A_635 = arith.constant 0 : index
          %swap3A_636 = tpu.vector_load %arg18[%swap3A_635] {strides = array<i32>} : memref<384xi32, #tpu.memory_space<vmem>>, vector<16xi32>,
          tpu.vector_store %arg18[%swap3A_635], %get3A_634 {strides = array<i32>} : memref<384xi32, #tpu.memory_space<vmem>>, vector<16xi32>,
        } else {
        }
        %ge3A_546 = arith.constant 128 : i32
        %ge3A_547 = arith.cmpi sge, %add3A_541, %ge3A_546 : i32
        %sub3A_548 = arith.constant 128 : i32
        %sub3A_549 = arith.subi %add3A_541, %sub3A_548 : i32
        %select_n3A_550 = arith.select %ge3A_547, %sub3A_549, %add3A_541 : i32
        scf.yield %select_n3A_550 : i32
      }
      %while3A_516 = arith.constant 1 : i32
      %while3A_517 = scf.for %while3A_524 = %while3A_513 to %while3A_509 step %while3A_516 iter_args(%while3A_525 = %while3A_515) -> (i32)  : i32 {
        %mul3A_526 = arith.constant 16 : i32
        %mul3A_527 = arith.muli %while3A_524, %mul3A_526 : i32
        %get3A_528 = arith.index_cast %mul3A_527 : i32 to index
        %get3A_529 = tpu.vector_load %arg10[%get3A_528] {strides = array<i32>} : memref<16384xi32, #tpu.memory_space<vmem>>, vector<16xi32>,
        %shift_right_arithmetic3A_530 = arith.constant 7 : i32
        %shift_right_arithmetic3A_531 = vector.broadcast %shift_right_arithmetic3A_530 : i32 to vector<16xi32>
        %shift_right_arithmetic3A_532 = arith.shrsi %get3A_529, %shift_right_arithmetic3A_531 : vector<16xi32>
        %eq3A_533 = vector.broadcast %add3A_487 : i32 to vector<16xi32>
        %eq3A_534 = arith.cmpi eq, %shift_right_arithmetic3A_532, %eq3A_533 : vector<16xi32>
        %all_reduce_population_count3A = tpu.all_reduce %eq3A_534 {dim = 0 : i64, kind = #tpu.reduction_kind<sum>} : vector<16xi1> -> vector<16xi32>
        %slice3A_535 = vector.extract_strided_slice %all_reduce_population_count3A {offsets = [0], sizes = [1], strides = [1]} : vector<16xi32> to vector<1xi32>
        %squeeze3A_536 = vector.extract %slice3A_535[0] : i32 from vector<1xi32>
        %gt3A = arith.constant 0 : i32
        %gt3A_537 = arith.cmpi sgt, %squeeze3A_536, %gt3A : i32
        %convert_element_type3A_538 = arith.extui %gt3A_537 : i1 to i32
        %cond3A_539 = arith.constant 0 : i32
        %cond3A_540 = arith.cmpi ne, %convert_element_type3A_538, %cond3A_539 : i32
        scf.if %cond3A_540 {
          %and3A_551 = arith.constant 127 : i32
          %and3A_552 = vector.broadcast %and3A_551 : i32 to vector<16xi32>
          %and3A_553 = arith.andi %get3A_529, %and3A_552 : vector<16xi32>
          %mul3A_554 = arith.constant 16 : i32
          %mul3A_555 = arith.muli %while3A_524, %mul3A_554 : i32
          %get3A_556 = arith.index_cast %mul3A_555 : i32 to index
          %get3A_557 = tpu.vector_load %arg11[%get3A_556] {strides = array<i32>} : memref<16384xi32, #tpu.memory_space<vmem>>, vector<16xi32>,
          %convert_element_type3A_558 = arith.extui %eq3A_534 : vector<16xi1> to vector<16xi32>
          %broadcast_in_dim3A_559 = arith.constant true
          %broadcast_in_dim3A_560 = vector.broadcast %broadcast_in_dim3A_559 : i1 to vector<16xi1>
          %masked_cumsum3A = tpu.scan <sum>, %convert_element_type3A_558 masked %broadcast_in_dim3A_560 : vector<16xi32>, vector<16xi1> -> vector<16xi32>
          %add3A_561 = vector.broadcast %while3A_525 : i32 to vector<16xi32>
          %add3A_562 = arith.addi %add3A_561, %masked_cumsum3A : vector<16xi32>
          %sub3A_563 = arith.constant 1 : i32
          %sub3A_564 = vector.broadcast %sub3A_563 : i32 to vector<16xi32>
          %sub3A_565 = arith.subi %add3A_562, %sub3A_564 : vector<16xi32>
          %jit3A_566 = arith.constant 152 : i32
          %broadcast_in_dim3A_567 = vector.broadcast %jit3A_566 : i32 to vector<16xi32>
          %select_n3A_568 = arith.select %eq3A_534, %sub3A_565, %broadcast_in_dim3A_567 : vector<16xi1>, vector<16xi32>
          tpu.vector_store_idx %arg18[%select_n3A_568], %get3A_557 : memref<384xi32, #tpu.memory_space<vmem>>[vector<16xi32>], vector<16xi32>,
          %scan3A_569 = arith.constant 0 : i32
          %scan3A_570 = arith.constant 0 : i32
          %scan3A_571 = arith.constant 64 : i32
          %scan3A_572 = arith.addi %scan3A_570, %scan3A_571 : i32
          %scan3A_573 = arith.constant 4 : i32
          %scan3A_574 = scf.for %scan3A_576 = %scan3A_570 to %scan3A_572 step %scan3A_573 iter_args(%scan3A_577 = %scan3A_569) -> (i32)  : i32 {
            %broadcast_in_dim3A_578 = arith.constant 0 : i32
            %broadcast_in_dim3A_579 = vector.broadcast %broadcast_in_dim3A_578 : i32 to vector<16xi32>
            %add3A_580 = vector.broadcast %scan3A_576 : i32 to vector<16xi32>
            %add3A_581 = arith.addi %broadcast_in_dim3A_579, %add3A_580 : vector<16xi32>
            %gather3A = tpu.vector_load_idx %arg16[%add3A_581, %and3A_553] : memref<64x128xf32, #tpu.memory_space<vmem>>[vector<16xi32>, vector<16xi32>], vector<16xf32>,
            tpu.vector_store_idx %arg17[%select_n3A_568, %add3A_581], %gather3A : memref<160x128xf32, #tpu.memory_space<vmem>>[vector<16xi32>, vector<16xi32>], vector<16xf32>,
            %scan3A_582 = arith.constant 0 : i32
            %scan3A_583 = arith.constant 1 : i32
            %scan3A_584 = arith.addi %scan3A_576, %scan3A_583 : i32
            %broadcast_in_dim3A_585 = arith.constant 0 : i32
            %broadcast_in_dim3A_586 = vector.broadcast %broadcast_in_dim3A_585 : i32 to vector<16xi32>
            %add3A_587 = vector.broadcast %scan3A_584 : i32 to vector<16xi32>
            %add3A_588 = arith.addi %broadcast_in_dim3A_586, %add3A_587 : vector<16xi32>
            %gather3A_589 = tpu.vector_load_idx %arg16[%add3A_588, %and3A_553] : memref<64x128xf32, #tpu.memory_space<vmem>>[vector<16xi32>, vector<16xi32>], vector<16xf32>,
            tpu.vector_store_idx %arg17[%select_n3A_568, %add3A_588], %gather3A_589 : memref<160x128xf32, #tpu.memory_space<vmem>>[vector<16xi32>, vector<16xi32>], vector<16xf32>,
            %scan3A_590 = arith.constant 0 : i32
            %scan3A_591 = arith.constant 2 : i32
            %scan3A_592 = arith.addi %scan3A_576, %scan3A_591 : i32
            %broadcast_in_dim3A_593 = arith.constant 0 : i32
            %broadcast_in_dim3A_594 = vector.broadcast %broadcast_in_dim3A_593 : i32 to vector<16xi32>
            %add3A_595 = vector.broadcast %scan3A_592 : i32 to vector<16xi32>
            %add3A_596 = arith.addi %broadcast_in_dim3A_594, %add3A_595 : vector<16xi32>
            %gather3A_597 = tpu.vector_load_idx %arg16[%add3A_596, %and3A_553] : memref<64x128xf32, #tpu.memory_space<vmem>>[vector<16xi32>, vector<16xi32>], vector<16xf32>,
            tpu.vector_store_idx %arg17[%select_n3A_568, %add3A_596], %gather3A_597 : memref<160x128xf32, #tpu.memory_space<vmem>>[vector<16xi32>, vector<16xi32>], vector<16xf32>,
            %scan3A_598 = arith.constant 0 : i32
            %scan3A_599 = arith.constant 3 : i32
            %scan3A_600 = arith.addi %scan3A_576, %scan3A_599 : i32
            %broadcast_in_dim3A_601 = arith.constant 0 : i32
            %broadcast_in_dim3A_602 = vector.broadcast %broadcast_in_dim3A_601 : i32 to vector<16xi32>
            %add3A_603 = vector.broadcast %scan3A_600 : i32 to vector<16xi32>
            %add3A_604 = arith.addi %broadcast_in_dim3A_602, %add3A_603 : vector<16xi32>
            %gather3A_605 = tpu.vector_load_idx %arg16[%add3A_604, %and3A_553] : memref<64x128xf32, #tpu.memory_space<vmem>>[vector<16xi32>, vector<16xi32>], vector<16xf32>,
            tpu.vector_store_idx %arg17[%select_n3A_568, %add3A_604], %gather3A_605 : memref<160x128xf32, #tpu.memory_space<vmem>>[vector<16xi32>, vector<16xi32>], vector<16xf32>,
            %scan3A_606 = arith.constant 0 : i32
            scf.yield %scan3A_606 : i32
          }
          %scan3A_575 = arith.constant 64 : i32
        } else {
        }
        %add3A_541 = arith.addi %while3A_525, %squeeze3A_536 : i32
        %ge3A = arith.constant 128 : i32
        %ge3A_542 = arith.cmpi sge, %add3A_541, %ge3A : i32
        %convert_element_type3A_543 = arith.extui %ge3A_542 : i1 to i32
        %cond3A_544 = arith.constant 0 : i32
        %cond3A_545 = arith.cmpi ne, %convert_element_type3A_543, %cond3A_544 : i32
        scf.if %cond3A_545 {
          %get3A_551 = arith.constant 0 : index
          %get3A_552 = tpu.vector_load %arg18[%get3A_551] {strides = array<i32>} : memref<384xi32, #tpu.memory_space<vmem>>, vector<16xi32>,
          %swap3A_553 = arith.constant 0 : i32
          %swap3A_554 = arith.index_cast %swap3A_553 : i32 to index
          %swap3A_555 = arith.constant 0 : index
          %swap3A_556 = tpu.vector_load %arg19[%swap3A_554, %swap3A_555] {strides = array<i32>} : memref<8x128xi32, #tpu.memory_space<vmem>>, vector<16xi32>,
          tpu.vector_store %arg19[%swap3A_554, %swap3A_555], %get3A_552 {strides = array<i32>} : memref<8x128xi32, #tpu.memory_space<vmem>>, vector<16xi32>,
          %get3A_557 = arith.constant 16 : index
          %get3A_558 = tpu.vector_load %arg18[%get3A_557] {strides = array<i32>} : memref<384xi32, #tpu.memory_space<vmem>>, vector<16xi32>,
          %swap3A_559 = arith.constant 0 : i32
          %swap3A_560 = arith.index_cast %swap3A_559 : i32 to index
          %swap3A_561 = arith.constant 16 : index
          %swap3A_562 = tpu.vector_load %arg19[%swap3A_560, %swap3A_561] {strides = array<i32>} : memref<8x128xi32, #tpu.memory_space<vmem>>, vector<16xi32>,
          tpu.vector_store %arg19[%swap3A_560, %swap3A_561], %get3A_558 {strides = array<i32>} : memref<8x128xi32, #tpu.memory_space<vmem>>, vector<16xi32>,
          %get3A_563 = arith.constant 32 : index
          %get3A_564 = tpu.vector_load %arg18[%get3A_563] {strides = array<i32>} : memref<384xi32, #tpu.memory_space<vmem>>, vector<16xi32>,
          %swap3A_565 = arith.constant 0 : i32
          %swap3A_566 = arith.index_cast %swap3A_565 : i32 to index
          %swap3A_567 = arith.constant 32 : index
          %swap3A_568 = tpu.vector_load %arg19[%swap3A_566, %swap3A_567] {strides = array<i32>} : memref<8x128xi32, #tpu.memory_space<vmem>>, vector<16xi32>,
          tpu.vector_store %arg19[%swap3A_566, %swap3A_567], %get3A_564 {strides = array<i32>} : memref<8x128xi32, #tpu.memory_space<vmem>>, vector<16xi32>,
          %get3A_569 = arith.constant 48 : index
          %get3A_570 = tpu.vector_load %arg18[%get3A_569] {strides = array<i32>} : memref<384xi32, #tpu.memory_space<vmem>>, vector<16xi32>,
          %swap3A_571 = arith.constant 0 : i32
          %swap3A_572 = arith.index_cast %swap3A_571 : i32 to index
          %swap3A_573 = arith.constant 48 : index
          %swap3A_574 = tpu.vector_load %arg19[%swap3A_572, %swap3A_573] {strides = array<i32>} : memref<8x128xi32, #tpu.memory_space<vmem>>, vector<16xi32>,
          tpu.vector_store %arg19[%swap3A_572, %swap3A_573], %get3A_570 {strides = array<i32>} : memref<8x128xi32, #tpu.memory_space<vmem>>, vector<16xi32>,
          %get3A_575 = arith.constant 64 : index
          %get3A_576 = tpu.vector_load %arg18[%get3A_575] {strides = array<i32>} : memref<384xi32, #tpu.memory_space<vmem>>, vector<16xi32>,
          %swap3A_577 = arith.constant 0 : i32
          %swap3A_578 = arith.index_cast %swap3A_577 : i32 to index
          %swap3A_579 = arith.constant 64 : index
          %swap3A_580 = tpu.vector_load %arg19[%swap3A_578, %swap3A_579] {strides = array<i32>} : memref<8x128xi32, #tpu.memory_space<vmem>>, vector<16xi32>,
          tpu.vector_store %arg19[%swap3A_578, %swap3A_579], %get3A_576 {strides = array<i32>} : memref<8x128xi32, #tpu.memory_space<vmem>>, vector<16xi32>,
          %get3A_581 = arith.constant 80 : index
          %get3A_582 = tpu.vector_load %arg18[%get3A_581] {strides = array<i32>} : memref<384xi32, #tpu.memory_space<vmem>>, vector<16xi32>,
          %swap3A_583 = arith.constant 0 : i32
          %swap3A_584 = arith.index_cast %swap3A_583 : i32 to index
          %swap3A_585 = arith.constant 80 : index
          %swap3A_586 = tpu.vector_load %arg19[%swap3A_584, %swap3A_585] {strides = array<i32>} : memref<8x128xi32, #tpu.memory_space<vmem>>, vector<16xi32>,
          tpu.vector_store %arg19[%swap3A_584, %swap3A_585], %get3A_582 {strides = array<i32>} : memref<8x128xi32, #tpu.memory_space<vmem>>, vector<16xi32>,
          %get3A_587 = arith.constant 96 : index
          %get3A_588 = tpu.vector_load %arg18[%get3A_587] {strides = array<i32>} : memref<384xi32, #tpu.memory_space<vmem>>, vector<16xi32>,
          %swap3A_589 = arith.constant 0 : i32
          %swap3A_590 = arith.index_cast %swap3A_589 : i32 to index
          %swap3A_591 = arith.constant 96 : index
          %swap3A_592 = tpu.vector_load %arg19[%swap3A_590, %swap3A_591] {strides = array<i32>} : memref<8x128xi32, #tpu.memory_space<vmem>>, vector<16xi32>,
          tpu.vector_store %arg19[%swap3A_590, %swap3A_591], %get3A_588 {strides = array<i32>} : memref<8x128xi32, #tpu.memory_space<vmem>>, vector<16xi32>,
          %get3A_593 = arith.constant 112 : index
          %get3A_594 = tpu.vector_load %arg18[%get3A_593] {strides = array<i32>} : memref<384xi32, #tpu.memory_space<vmem>>, vector<16xi32>,
          %swap3A_595 = arith.constant 0 : i32
          %swap3A_596 = arith.index_cast %swap3A_595 : i32 to index
          %swap3A_597 = arith.constant 112 : index
          %swap3A_598 = tpu.vector_load %arg19[%swap3A_596, %swap3A_597] {strides = array<i32>} : memref<8x128xi32, #tpu.memory_space<vmem>>, vector<16xi32>,
          tpu.vector_store %arg19[%swap3A_596, %swap3A_597], %get3A_594 {strides = array<i32>} : memref<8x128xi32, #tpu.memory_space<vmem>>, vector<16xi32>,
          %dma_start3A_599 = arith.constant 0 : i32
          %dma_start3A_600 = arith.constant 0 : i32
          %dma_start3A_601 = arith.constant 0 : i32
          %dma_start3A_602 = tpu.memref_slice %arg17[%dma_start3A_600, %dma_start3A_601] : memref<160x128xf32, #tpu.memory_space<vmem>> -> memref<128x128xf32, #tpu.memory_space<vmem>>
          %dma_start3A_603 = arith.constant 0 : i32
          %dma_start3A_604 = tpu.memref_slice %arg19[%dma_start3A_599, %dma_start3A_603] : memref<8x128xi32, #tpu.memory_space<vmem>> -> memref<1x128xi32, #tpu.memory_space<vmem>>
          %dma_start3A_605 = tpu.memref_squeeze %dma_start3A_604 : memref<1x128xi32, #tpu.memory_space<vmem>> -> memref<128xi32, #tpu.memory_space<vmem>>
          %dma_start3A_606 = arith.constant 0 : i32
          %dma_start3A_607 = arith.constant 0 : i32
          %dma_start3A_608 = tpu.memref_slice %arg9[%dma_start3A_606, %dma_start3A_607] : memref<16400x128xf32, #tpu.memory_space<hbm>> -> memref<16400x128xf32, #tpu.memory_space<hbm>>
          tpu.enqueue_indirect_dma source(%dma_start3A_602 : memref<128x128xf32, #tpu.memory_space<vmem>>) target(%dma_start3A_608 : memref<16400x128xf32, #tpu.memory_space<hbm>>) offsets(%dma_start3A_605 : memref<128xi32, #tpu.memory_space<vmem>>) semaphore(%arg22 : memref<!tpu.dma_semaphore, #tpu.memory_space<semaphore_mem>>)
          %dma_wait3A_609 = arith.constant 0 : i32
          %dma_wait3A_610 = arith.constant 0 : i32
          %dma_wait3A_611 = arith.constant 0 : i32
          %dma_wait3A_612 = tpu.memref_slice %arg17[%dma_wait3A_610, %dma_wait3A_611] : memref<160x128xf32, #tpu.memory_space<vmem>> -> memref<128x128xf32, #tpu.memory_space<vmem>>
          %dma_wait3A_613 = arith.constant 0 : i32
          %dma_wait3A_614 = tpu.memref_slice %arg19[%dma_wait3A_609, %dma_wait3A_613] : memref<8x128xi32, #tpu.memory_space<vmem>> -> memref<1x128xi32, #tpu.memory_space<vmem>>
          %dma_wait3A_615 = tpu.memref_squeeze %dma_wait3A_614 : memref<1x128xi32, #tpu.memory_space<vmem>> -> memref<128xi32, #tpu.memory_space<vmem>>
          %dma_wait3A_616 = arith.constant 0 : i32
          %dma_wait3A_617 = arith.constant 0 : i32
          %dma_wait3A_618 = tpu.memref_slice %arg9[%dma_wait3A_616, %dma_wait3A_617] : memref<16400x128xf32, #tpu.memory_space<hbm>> -> memref<16400x128xf32, #tpu.memory_space<hbm>>
          tpu.wait_indirect_dma semaphore(%arg22 : memref<!tpu.dma_semaphore, #tpu.memory_space<semaphore_mem>>) src(%dma_wait3A_612 : memref<128x128xf32, #tpu.memory_space<vmem>>) dst(%dma_wait3A_618 : memref<16400x128xf32, #tpu.memory_space<hbm>>)
          %sub3A_619 = arith.constant 128 : i32
          %sub3A_620 = arith.subi %add3A_541, %sub3A_619 : i32
          %while3A_621 = arith.constant 0 : i32
          %while3A_622 = arith.constant 0 : i32
          %while3A_623 = arith.subi %sub3A_620, %while3A_621 : i32
          %while3A_624 = arith.addi %while3A_621, %while3A_623 : i32
          %while3A_625 = arith.constant 1 : i32
          %while3A_626 = arith.divsi %while3A_623, %while3A_625 : i32
          %while3A_627 = arith.muli %while3A_626, %while3A_625 : i32
          %while3A_628 = arith.addi %while3A_621, %while3A_627 : i32
          %while3A_629 = arith.constant 1 : i32
          %while3A_630 = scf.for %while3A_637 = %while3A_621 to %while3A_628 step %while3A_629 iter_args(%while3A_638 = %while3A_622) -> (i32)  : i32 {
            %add3A_639 = arith.constant 128 : i32
            %add3A_640 = arith.addi %add3A_639, %while3A_637 : i32
            %get3A_641 = arith.index_cast %add3A_640 : i32 to index
            %get3A_642 = arith.constant 0 : index
            %get3A_643 = tpu.vector_load %arg17[%get3A_641, %get3A_642] {strides = array<i32>} : memref<160x128xf32, #tpu.memory_space<vmem>>, vector<16xf32>,
            %swap3A_644 = arith.index_cast %while3A_637 : i32 to index
            %swap3A_645 = arith.constant 0 : index
            %swap3A_646 = tpu.vector_load %arg17[%swap3A_644, %swap3A_645] {strides = array<i32>} : memref<160x128xf32, #tpu.memory_space<vmem>>, vector<16xf32>,
            tpu.vector_store %arg17[%swap3A_644, %swap3A_645], %get3A_643 {strides = array<i32>} : memref<160x128xf32, #tpu.memory_space<vmem>>, vector<16xf32>,
            %add3A_647 = arith.constant 128 : i32
            %add3A_648 = arith.addi %add3A_647, %while3A_637 : i32
            %get3A_649 = arith.index_cast %add3A_648 : i32 to index
            %get3A_650 = arith.constant 16 : index
            %get3A_651 = tpu.vector_load %arg17[%get3A_649, %get3A_650] {strides = array<i32>} : memref<160x128xf32, #tpu.memory_space<vmem>>, vector<16xf32>,
            %swap3A_652 = arith.index_cast %while3A_637 : i32 to index
            %swap3A_653 = arith.constant 16 : index
            %swap3A_654 = tpu.vector_load %arg17[%swap3A_652, %swap3A_653] {strides = array<i32>} : memref<160x128xf32, #tpu.memory_space<vmem>>, vector<16xf32>,
            tpu.vector_store %arg17[%swap3A_652, %swap3A_653], %get3A_651 {strides = array<i32>} : memref<160x128xf32, #tpu.memory_space<vmem>>, vector<16xf32>,
            %add3A_655 = arith.constant 128 : i32
            %add3A_656 = arith.addi %add3A_655, %while3A_637 : i32
            %get3A_657 = arith.index_cast %add3A_656 : i32 to index
            %get3A_658 = arith.constant 32 : index
            %get3A_659 = tpu.vector_load %arg17[%get3A_657, %get3A_658] {strides = array<i32>} : memref<160x128xf32, #tpu.memory_space<vmem>>, vector<16xf32>,
            %swap3A_660 = arith.index_cast %while3A_637 : i32 to index
            %swap3A_661 = arith.constant 32 : index
            %swap3A_662 = tpu.vector_load %arg17[%swap3A_660, %swap3A_661] {strides = array<i32>} : memref<160x128xf32, #tpu.memory_space<vmem>>, vector<16xf32>,
            tpu.vector_store %arg17[%swap3A_660, %swap3A_661], %get3A_659 {strides = array<i32>} : memref<160x128xf32, #tpu.memory_space<vmem>>, vector<16xf32>,
            %add3A_663 = arith.constant 128 : i32
            %add3A_664 = arith.addi %add3A_663, %while3A_637 : i32
            %get3A_665 = arith.index_cast %add3A_664 : i32 to index
            %get3A_666 = arith.constant 48 : index
            %get3A_667 = tpu.vector_load %arg17[%get3A_665, %get3A_666] {strides = array<i32>} : memref<160x128xf32, #tpu.memory_space<vmem>>, vector<16xf32>,
            %swap3A_668 = arith.index_cast %while3A_637 : i32 to index
            %swap3A_669 = arith.constant 48 : index
            %swap3A_670 = tpu.vector_load %arg17[%swap3A_668, %swap3A_669] {strides = array<i32>} : memref<160x128xf32, #tpu.memory_space<vmem>>, vector<16xf32>,
            tpu.vector_store %arg17[%swap3A_668, %swap3A_669], %get3A_667 {strides = array<i32>} : memref<160x128xf32, #tpu.memory_space<vmem>>, vector<16xf32>,
            %add3A_671 = arith.constant 128 : i32
            %add3A_672 = arith.addi %add3A_671, %while3A_637 : i32
            %get3A_673 = arith.index_cast %add3A_672 : i32 to index
            %get3A_674 = arith.constant 64 : index
            %get3A_675 = tpu.vector_load %arg17[%get3A_673, %get3A_674] {strides = array<i32>} : memref<160x128xf32, #tpu.memory_space<vmem>>, vector<16xf32>,
            %swap3A_676 = arith.index_cast %while3A_637 : i32 to index
            %swap3A_677 = arith.constant 64 : index
            %swap3A_678 = tpu.vector_load %arg17[%swap3A_676, %swap3A_677] {strides = array<i32>} : memref<160x128xf32, #tpu.memory_space<vmem>>, vector<16xf32>,
            tpu.vector_store %arg17[%swap3A_676, %swap3A_677], %get3A_675 {strides = array<i32>} : memref<160x128xf32, #tpu.memory_space<vmem>>, vector<16xf32>,
            %add3A_679 = arith.constant 128 : i32
            %add3A_680 = arith.addi %add3A_679, %while3A_637 : i32
            %get3A_681 = arith.index_cast %add3A_680 : i32 to index
            %get3A_682 = arith.constant 80 : index
            %get3A_683 = tpu.vector_load %arg17[%get3A_681, %get3A_682] {strides = array<i32>} : memref<160x128xf32, #tpu.memory_space<vmem>>, vector<16xf32>,
            %swap3A_684 = arith.index_cast %while3A_637 : i32 to index
            %swap3A_685 = arith.constant 80 : index
            %swap3A_686 = tpu.vector_load %arg17[%swap3A_684, %swap3A_685] {strides = array<i32>} : memref<160x128xf32, #tpu.memory_space<vmem>>, vector<16xf32>,
            tpu.vector_store %arg17[%swap3A_684, %swap3A_685], %get3A_683 {strides = array<i32>} : memref<160x128xf32, #tpu.memory_space<vmem>>, vector<16xf32>,
            %add3A_687 = arith.constant 128 : i32
            %add3A_688 = arith.addi %add3A_687, %while3A_637 : i32
            %get3A_689 = arith.index_cast %add3A_688 : i32 to index
            %get3A_690 = arith.constant 96 : index
            %get3A_691 = tpu.vector_load %arg17[%get3A_689, %get3A_690] {strides = array<i32>} : memref<160x128xf32, #tpu.memory_space<vmem>>, vector<16xf32>,
            %swap3A_692 = arith.index_cast %while3A_637 : i32 to index
            %swap3A_693 = arith.constant 96 : index
            %swap3A_694 = tpu.vector_load %arg17[%swap3A_692, %swap3A_693] {strides = array<i32>} : memref<160x128xf32, #tpu.memory_space<vmem>>, vector<16xf32>,
            tpu.vector_store %arg17[%swap3A_692, %swap3A_693], %get3A_691 {strides = array<i32>} : memref<160x128xf32, #tpu.memory_space<vmem>>, vector<16xf32>,
            %add3A_695 = arith.constant 128 : i32
            %add3A_696 = arith.addi %add3A_695, %while3A_637 : i32
            %get3A_697 = arith.index_cast %add3A_696 : i32 to index
            %get3A_698 = arith.constant 112 : index
            %get3A_699 = tpu.vector_load %arg17[%get3A_697, %get3A_698] {strides = array<i32>} : memref<160x128xf32, #tpu.memory_space<vmem>>, vector<16xf32>,
            %swap3A_700 = arith.index_cast %while3A_637 : i32 to index
            %swap3A_701 = arith.constant 112 : index
            %swap3A_702 = tpu.vector_load %arg17[%swap3A_700, %swap3A_701] {strides = array<i32>} : memref<160x128xf32, #tpu.memory_space<vmem>>, vector<16xf32>,
            tpu.vector_store %arg17[%swap3A_700, %swap3A_701], %get3A_699 {strides = array<i32>} : memref<160x128xf32, #tpu.memory_space<vmem>>, vector<16xf32>,
            %while3A_703 = arith.constant 0 : i32
            scf.yield %while3A_703 : i32
          }
          %while3A_631 = arith.constant 1 : i32
          %while3A_632 = scf.for %while3A_637 = %while3A_628 to %while3A_624 step %while3A_631 iter_args(%while3A_638 = %while3A_630) -> (i32)  : i32 {
            %add3A_639 = arith.constant 128 : i32
            %add3A_640 = arith.addi %add3A_639, %while3A_637 : i32
            %get3A_641 = arith.index_cast %add3A_640 : i32 to index
            %get3A_642 = arith.constant 0 : index
            %get3A_643 = tpu.vector_load %arg17[%get3A_641, %get3A_642] {strides = array<i32>} : memref<160x128xf32, #tpu.memory_space<vmem>>, vector<16xf32>,
            %swap3A_644 = arith.index_cast %while3A_637 : i32 to index
            %swap3A_645 = arith.constant 0 : index
            %swap3A_646 = tpu.vector_load %arg17[%swap3A_644, %swap3A_645] {strides = array<i32>} : memref<160x128xf32, #tpu.memory_space<vmem>>, vector<16xf32>,
            tpu.vector_store %arg17[%swap3A_644, %swap3A_645], %get3A_643 {strides = array<i32>} : memref<160x128xf32, #tpu.memory_space<vmem>>, vector<16xf32>,
            %add3A_647 = arith.constant 128 : i32
            %add3A_648 = arith.addi %add3A_647, %while3A_637 : i32
            %get3A_649 = arith.index_cast %add3A_648 : i32 to index
            %get3A_650 = arith.constant 16 : index
            %get3A_651 = tpu.vector_load %arg17[%get3A_649, %get3A_650] {strides = array<i32>} : memref<160x128xf32, #tpu.memory_space<vmem>>, vector<16xf32>,
            %swap3A_652 = arith.index_cast %while3A_637 : i32 to index
            %swap3A_653 = arith.constant 16 : index
            %swap3A_654 = tpu.vector_load %arg17[%swap3A_652, %swap3A_653] {strides = array<i32>} : memref<160x128xf32, #tpu.memory_space<vmem>>, vector<16xf32>,
            tpu.vector_store %arg17[%swap3A_652, %swap3A_653], %get3A_651 {strides = array<i32>} : memref<160x128xf32, #tpu.memory_space<vmem>>, vector<16xf32>,
            %add3A_655 = arith.constant 128 : i32
            %add3A_656 = arith.addi %add3A_655, %while3A_637 : i32
            %get3A_657 = arith.index_cast %add3A_656 : i32 to index
            %get3A_658 = arith.constant 32 : index
            %get3A_659 = tpu.vector_load %arg17[%get3A_657, %get3A_658] {strides = array<i32>} : memref<160x128xf32, #tpu.memory_space<vmem>>, vector<16xf32>,
            %swap3A_660 = arith.index_cast %while3A_637 : i32 to index
            %swap3A_661 = arith.constant 32 : index
            %swap3A_662 = tpu.vector_load %arg17[%swap3A_660, %swap3A_661] {strides = array<i32>} : memref<160x128xf32, #tpu.memory_space<vmem>>, vector<16xf32>,
            tpu.vector_store %arg17[%swap3A_660, %swap3A_661], %get3A_659 {strides = array<i32>} : memref<160x128xf32, #tpu.memory_space<vmem>>, vector<16xf32>,
            %add3A_663 = arith.constant 128 : i32
            %add3A_664 = arith.addi %add3A_663, %while3A_637 : i32
            %get3A_665 = arith.index_cast %add3A_664 : i32 to index
            %get3A_666 = arith.constant 48 : index
            %get3A_667 = tpu.vector_load %arg17[%get3A_665, %get3A_666] {strides = array<i32>} : memref<160x128xf32, #tpu.memory_space<vmem>>, vector<16xf32>,
            %swap3A_668 = arith.index_cast %while3A_637 : i32 to index
            %swap3A_669 = arith.constant 48 : index
            %swap3A_670 = tpu.vector_load %arg17[%swap3A_668, %swap3A_669] {strides = array<i32>} : memref<160x128xf32, #tpu.memory_space<vmem>>, vector<16xf32>,
            tpu.vector_store %arg17[%swap3A_668, %swap3A_669], %get3A_667 {strides = array<i32>} : memref<160x128xf32, #tpu.memory_space<vmem>>, vector<16xf32>,
            %add3A_671 = arith.constant 128 : i32
            %add3A_672 = arith.addi %add3A_671, %while3A_637 : i32
            %get3A_673 = arith.index_cast %add3A_672 : i32 to index
            %get3A_674 = arith.constant 64 : index
            %get3A_675 = tpu.vector_load %arg17[%get3A_673, %get3A_674] {strides = array<i32>} : memref<160x128xf32, #tpu.memory_space<vmem>>, vector<16xf32>,
            %swap3A_676 = arith.index_cast %while3A_637 : i32 to index
            %swap3A_677 = arith.constant 64 : index
            %swap3A_678 = tpu.vector_load %arg17[%swap3A_676, %swap3A_677] {strides = array<i32>} : memref<160x128xf32, #tpu.memory_space<vmem>>, vector<16xf32>,
            tpu.vector_store %arg17[%swap3A_676, %swap3A_677], %get3A_675 {strides = array<i32>} : memref<160x128xf32, #tpu.memory_space<vmem>>, vector<16xf32>,
            %add3A_679 = arith.constant 128 : i32
            %add3A_680 = arith.addi %add3A_679, %while3A_637 : i32
            %get3A_681 = arith.index_cast %add3A_680 : i32 to index
            %get3A_682 = arith.constant 80 : index
            %get3A_683 = tpu.vector_load %arg17[%get3A_681, %get3A_682] {strides = array<i32>} : memref<160x128xf32, #tpu.memory_space<vmem>>, vector<16xf32>,
            %swap3A_684 = arith.index_cast %while3A_637 : i32 to index
            %swap3A_685 = arith.constant 80 : index
            %swap3A_686 = tpu.vector_load %arg17[%swap3A_684, %swap3A_685] {strides = array<i32>} : memref<160x128xf32, #tpu.memory_space<vmem>>, vector<16xf32>,
            tpu.vector_store %arg17[%swap3A_684, %swap3A_685], %get3A_683 {strides = array<i32>} : memref<160x128xf32, #tpu.memory_space<vmem>>, vector<16xf32>,
            %add3A_687 = arith.constant 128 : i32
            %add3A_688 = arith.addi %add3A_687, %while3A_637 : i32
            %get3A_689 = arith.index_cast %add3A_688 : i32 to index
            %get3A_690 = arith.constant 96 : index
            %get3A_691 = tpu.vector_load %arg17[%get3A_689, %get3A_690] {strides = array<i32>} : memref<160x128xf32, #tpu.memory_space<vmem>>, vector<16xf32>,
            %swap3A_692 = arith.index_cast %while3A_637 : i32 to index
            %swap3A_693 = arith.constant 96 : index
            %swap3A_694 = tpu.vector_load %arg17[%swap3A_692, %swap3A_693] {strides = array<i32>} : memref<160x128xf32, #tpu.memory_space<vmem>>, vector<16xf32>,
            tpu.vector_store %arg17[%swap3A_692, %swap3A_693], %get3A_691 {strides = array<i32>} : memref<160x128xf32, #tpu.memory_space<vmem>>, vector<16xf32>,
            %add3A_695 = arith.constant 128 : i32
            %add3A_696 = arith.addi %add3A_695, %while3A_637 : i32
            %get3A_697 = arith.index_cast %add3A_696 : i32 to index
            %get3A_698 = arith.constant 112 : index
            %get3A_699 = tpu.vector_load %arg17[%get3A_697, %get3A_698] {strides = array<i32>} : memref<160x128xf32, #tpu.memory_space<vmem>>, vector<16xf32>,
            %swap3A_700 = arith.index_cast %while3A_637 : i32 to index
            %swap3A_701 = arith.constant 112 : index
            %swap3A_702 = tpu.vector_load %arg17[%swap3A_700, %swap3A_701] {strides = array<i32>} : memref<160x128xf32, #tpu.memory_space<vmem>>, vector<16xf32>,
            tpu.vector_store %arg17[%swap3A_700, %swap3A_701], %get3A_699 {strides = array<i32>} : memref<160x128xf32, #tpu.memory_space<vmem>>, vector<16xf32>,
            %while3A_703 = arith.constant 0 : i32
            scf.yield %while3A_703 : i32
          }
          %get3A_633 = arith.constant 128 : index
          %get3A_634 = tpu.vector_load %arg18[%get3A_633] {strides = array<i32>} : memref<384xi32, #tpu.memory_space<vmem>>, vector<16xi32>,
          %swap3A_635 = arith.constant 0 : index
          %swap3A_636 = tpu.vector_load %arg18[%swap3A_635] {strides = array<i32>} : memref<384xi32, #tpu.memory_space<vmem>>, vector<16xi32>,
          tpu.vector_store %arg18[%swap3A_635], %get3A_634 {strides = array<i32>} : memref<384xi32, #tpu.memory_space<vmem>>, vector<16xi32>,
        } else {
        }
        %ge3A_546 = arith.constant 128 : i32
        %ge3A_547 = arith.cmpi sge, %add3A_541, %ge3A_546 : i32
        %sub3A_548 = arith.constant 128 : i32
        %sub3A_549 = arith.subi %add3A_541, %sub3A_548 : i32
        %select_n3A_550 = arith.select %ge3A_547, %sub3A_549, %add3A_541 : i32
        scf.yield %select_n3A_550 : i32
      }
      %add3A_518 = arith.constant 1 : i32
      %add3A_519 = arith.addi %while3A_448, %add3A_518 : i32
      %lt3A_520 = arith.cmpi slt, %add3A_519, %select_n3A_341 : i32
      %convert_element_type3A_521 = arith.extui %lt3A_520 : i1 to i32
      %cond3A_522 = arith.constant 0 : i32
      %cond3A_523 = arith.cmpi ne, %convert_element_type3A_521, %cond3A_522 : i32
      scf.if %cond3A_523 {
        %add3A_524 = arith.constant 3 : i32
        %add3A_525 = arith.addi %add3A_452, %add3A_524 : i32
        %lt3A_526 = arith.constant 781 : i32
        %lt3A_527 = arith.cmpi slt, %add3A_525, %lt3A_526 : i32
        %convert_element_type3A_528 = arith.extui %lt3A_527 : i1 to i32
        %cond3A_529 = arith.constant 0 : i32
        %cond3A_530 = arith.cmpi ne, %convert_element_type3A_528, %cond3A_529 : i32
        scf.if %cond3A_530 {
          %eq3A_536 = arith.constant 0 : i32
          %eq3A_537 = arith.cmpi eq, %select_n3A_9, %eq3A_536 : i32
          %convert_element_type3A_538 = arith.extui %eq3A_537 : i1 to i32
          %cond3A_539 = arith.constant 0 : i32
          %cond3A_540 = arith.cmpi ne, %convert_element_type3A_538, %cond3A_539 : i32
          scf.if %cond3A_540 {
            %mul3A_556 = arith.constant 128 : i32
            %mul3A_557 = arith.muli %add3A_525, %mul3A_556 : i32
            %dma_start3A_558 = arith.constant 0 : i32
            %dma_start3A_559 = tpu.memref_slice %arg4[%dma_start3A_558, %mul3A_557] : memref<64x100000xf32, #tpu.memory_space<hbm>> -> memref<64x128xf32, #tpu.memory_space<hbm>>
            %dma_start3A_560 = arith.constant 0 : i32
            %dma_start3A_561 = tpu.memref_slice %arg4[%dma_start3A_560, %mul3A_557] : memref<64x100000xf32, #tpu.memory_space<hbm>> -> memref<64x128xf32, #tpu.memory_space<hbm>>
            tpu.enqueue_dma source(%dma_start3A_561 : memref<64x128xf32, #tpu.memory_space<hbm>>) target(%arg16 : memref<64x128xf32, #tpu.memory_space<vmem>>) target_semaphore(%arg21 : memref<!tpu.dma_semaphore, #tpu.memory_space<semaphore_mem>>)
          } else {
          }
          %eq3A_541 = arith.constant 1 : i32
          %eq3A_542 = arith.cmpi eq, %select_n3A_9, %eq3A_541 : i32
          %convert_element_type3A_543 = arith.extui %eq3A_542 : i1 to i32
          %cond3A_544 = arith.constant 0 : i32
          %cond3A_545 = arith.cmpi ne, %convert_element_type3A_543, %cond3A_544 : i32
          scf.if %cond3A_545 {
            %mul3A_556 = arith.constant 128 : i32
            %mul3A_557 = arith.muli %add3A_525, %mul3A_556 : i32
            %dma_start3A_558 = arith.constant 0 : i32
            %dma_start3A_559 = tpu.memref_slice %arg5[%dma_start3A_558, %mul3A_557] : memref<64x100000xf32, #tpu.memory_space<hbm>> -> memref<64x128xf32, #tpu.memory_space<hbm>>
            %dma_start3A_560 = arith.constant 0 : i32
            %dma_start3A_561 = tpu.memref_slice %arg5[%dma_start3A_560, %mul3A_557] : memref<64x100000xf32, #tpu.memory_space<hbm>> -> memref<64x128xf32, #tpu.memory_space<hbm>>
            tpu.enqueue_dma source(%dma_start3A_561 : memref<64x128xf32, #tpu.memory_space<hbm>>) target(%arg16 : memref<64x128xf32, #tpu.memory_space<vmem>>) target_semaphore(%arg21 : memref<!tpu.dma_semaphore, #tpu.memory_space<semaphore_mem>>)
          } else {
          }
          %eq3A_546 = arith.constant 2 : i32
          %eq3A_547 = arith.cmpi eq, %select_n3A_9, %eq3A_546 : i32
          %convert_element_type3A_548 = arith.extui %eq3A_547 : i1 to i32
          %cond3A_549 = arith.constant 0 : i32
          %cond3A_550 = arith.cmpi ne, %convert_element_type3A_548, %cond3A_549 : i32
          scf.if %cond3A_550 {
            %mul3A_556 = arith.constant 128 : i32
            %mul3A_557 = arith.muli %add3A_525, %mul3A_556 : i32
            %dma_start3A_558 = arith.constant 0 : i32
            %dma_start3A_559 = tpu.memref_slice %arg6[%dma_start3A_558, %mul3A_557] : memref<64x100000xf32, #tpu.memory_space<hbm>> -> memref<64x128xf32, #tpu.memory_space<hbm>>
            %dma_start3A_560 = arith.constant 0 : i32
            %dma_start3A_561 = tpu.memref_slice %arg6[%dma_start3A_560, %mul3A_557] : memref<64x100000xf32, #tpu.memory_space<hbm>> -> memref<64x128xf32, #tpu.memory_space<hbm>>
            tpu.enqueue_dma source(%dma_start3A_561 : memref<64x128xf32, #tpu.memory_space<hbm>>) target(%arg16 : memref<64x128xf32, #tpu.memory_space<vmem>>) target_semaphore(%arg21 : memref<!tpu.dma_semaphore, #tpu.memory_space<semaphore_mem>>)
          } else {
          }
          %eq3A_551 = arith.constant 3 : i32
          %eq3A_552 = arith.cmpi eq, %select_n3A_9, %eq3A_551 : i32
          %convert_element_type3A_553 = arith.extui %eq3A_552 : i1 to i32
          %cond3A_554 = arith.constant 0 : i32
          %cond3A_555 = arith.cmpi ne, %convert_element_type3A_553, %cond3A_554 : i32
          scf.if %cond3A_555 {
            %mul3A_556 = arith.constant 128 : i32
            %mul3A_557 = arith.muli %add3A_525, %mul3A_556 : i32
            %dma_start3A_558 = arith.constant 0 : i32
            %dma_start3A_559 = tpu.memref_slice %arg7[%dma_start3A_558, %mul3A_557] : memref<64x100000xf32, #tpu.memory_space<hbm>> -> memref<64x128xf32, #tpu.memory_space<hbm>>
            %dma_start3A_560 = arith.constant 0 : i32
            %dma_start3A_561 = tpu.memref_slice %arg7[%dma_start3A_560, %mul3A_557] : memref<64x100000xf32, #tpu.memory_space<hbm>> -> memref<64x128xf32, #tpu.memory_space<hbm>>
            tpu.enqueue_dma source(%dma_start3A_561 : memref<64x128xf32, #tpu.memory_space<hbm>>) target(%arg16 : memref<64x128xf32, #tpu.memory_space<vmem>>) target_semaphore(%arg21 : memref<!tpu.dma_semaphore, #tpu.memory_space<semaphore_mem>>)
          } else {
          }
        } else {
        }
        %eq3A_531 = arith.constant 781 : i32
        %eq3A_532 = arith.cmpi eq, %add3A_525, %eq3A_531 : i32
        %convert_element_type3A_533 = arith.extui %eq3A_532 : i1 to i32
        %cond3A_534 = arith.constant 0 : i32
        %cond3A_535 = arith.cmpi ne, %convert_element_type3A_533, %cond3A_534 : i32
        scf.if %cond3A_535 {
          tpu.enqueue_dma source(%arg8 : memref<64x128xf32, #tpu.memory_space<hbm>>) target(%arg16 : memref<64x128xf32, #tpu.memory_space<vmem>>) target_semaphore(%arg21 : memref<!tpu.dma_semaphore, #tpu.memory_space<semaphore_mem>>)
        } else {
        }
      } else {
      }
      scf.yield %while3A_517 : i32
    }
    %scan3A_376 = arith.constant 0 : i32
    %scan3A_377 = arith.constant 0 : i32
    %scan3A_378 = arith.constant 8 : i32
    %scan3A_379 = arith.addi %scan3A_377, %scan3A_378 : i32
    %scan3A_380 = arith.constant 1 : i32
    %scan3A_381 = scf.for %scan3A_448 = %scan3A_377 to %scan3A_379 step %scan3A_380 iter_args(%scan3A_449 = %scan3A_376) -> (i32)  : i32 {
      %and3A_450 = arith.constant 15 : i32
      %and3A_451 = vector.broadcast %and3A_450 : i32 to vector<16xi32>
      %and3A_452 = arith.andi %iota3A, %and3A_451 : vector<16xi32>
      %add3A_453 = arith.constant 16384 : i32
      %add3A_454 = vector.broadcast %add3A_453 : i32 to vector<16xi32>
      %add3A_455 = arith.addi %add3A_454, %and3A_452 : vector<16xi32>
      %mul3A_456 = arith.constant 16 : i32
      %mul3A_457 = arith.muli %scan3A_448, %mul3A_456 : i32
      %add3A_458 = arith.addi %while3A_375, %mul3A_457 : i32
      %swap3A_459 = arith.index_cast %add3A_458 : i32 to index
      %swap3A_460 = tpu.vector_load %arg18[%swap3A_459] {strides = array<i32>} : memref<384xi32, #tpu.memory_space<vmem>>, vector<16xi32>,
      tpu.vector_store %arg18[%swap3A_459], %add3A_455 {strides = array<i32>} : memref<384xi32, #tpu.memory_space<vmem>>, vector<16xi32>,
      %scan3A_461 = arith.constant 0 : i32
      scf.yield %scan3A_461 : i32
    }
    %scan3A_382 = arith.constant 8 : i32
    %get3A = arith.constant 0 : index
    %get3A_383 = tpu.vector_load %arg18[%get3A] {strides = array<i32>} : memref<384xi32, #tpu.memory_space<vmem>>, vector<16xi32>,
    %swap3A_384 = arith.constant 0 : i32
    %swap3A_385 = arith.index_cast %swap3A_384 : i32 to index
    %swap3A_386 = arith.constant 0 : index
    %swap3A_387 = tpu.vector_load %arg19[%swap3A_385, %swap3A_386] {strides = array<i32>} : memref<8x128xi32, #tpu.memory_space<vmem>>, vector<16xi32>,
    tpu.vector_store %arg19[%swap3A_385, %swap3A_386], %get3A_383 {strides = array<i32>} : memref<8x128xi32, #tpu.memory_space<vmem>>, vector<16xi32>,
    %get3A_388 = arith.constant 16 : index
    %get3A_389 = tpu.vector_load %arg18[%get3A_388] {strides = array<i32>} : memref<384xi32, #tpu.memory_space<vmem>>, vector<16xi32>,
    %swap3A_390 = arith.constant 0 : i32
    %swap3A_391 = arith.index_cast %swap3A_390 : i32 to index
    %swap3A_392 = arith.constant 16 : index
    %swap3A_393 = tpu.vector_load %arg19[%swap3A_391, %swap3A_392] {strides = array<i32>} : memref<8x128xi32, #tpu.memory_space<vmem>>, vector<16xi32>,
    tpu.vector_store %arg19[%swap3A_391, %swap3A_392], %get3A_389 {strides = array<i32>} : memref<8x128xi32, #tpu.memory_space<vmem>>, vector<16xi32>,
    %get3A_394 = arith.constant 32 : index
    %get3A_395 = tpu.vector_load %arg18[%get3A_394] {strides = array<i32>} : memref<384xi32, #tpu.memory_space<vmem>>, vector<16xi32>,
    %swap3A_396 = arith.constant 0 : i32
    %swap3A_397 = arith.index_cast %swap3A_396 : i32 to index
    %swap3A_398 = arith.constant 32 : index
    %swap3A_399 = tpu.vector_load %arg19[%swap3A_397, %swap3A_398] {strides = array<i32>} : memref<8x128xi32, #tpu.memory_space<vmem>>, vector<16xi32>,
    tpu.vector_store %arg19[%swap3A_397, %swap3A_398], %get3A_395 {strides = array<i32>} : memref<8x128xi32, #tpu.memory_space<vmem>>, vector<16xi32>,
    %get3A_400 = arith.constant 48 : index
    %get3A_401 = tpu.vector_load %arg18[%get3A_400] {strides = array<i32>} : memref<384xi32, #tpu.memory_space<vmem>>, vector<16xi32>,
    %swap3A_402 = arith.constant 0 : i32
    %swap3A_403 = arith.index_cast %swap3A_402 : i32 to index
    %swap3A_404 = arith.constant 48 : index
    %swap3A_405 = tpu.vector_load %arg19[%swap3A_403, %swap3A_404] {strides = array<i32>} : memref<8x128xi32, #tpu.memory_space<vmem>>, vector<16xi32>,
    tpu.vector_store %arg19[%swap3A_403, %swap3A_404], %get3A_401 {strides = array<i32>} : memref<8x128xi32, #tpu.memory_space<vmem>>, vector<16xi32>,
    %get3A_406 = arith.constant 64 : index
    %get3A_407 = tpu.vector_load %arg18[%get3A_406] {strides = array<i32>} : memref<384xi32, #tpu.memory_space<vmem>>, vector<16xi32>,
    %swap3A_408 = arith.constant 0 : i32
    %swap3A_409 = arith.index_cast %swap3A_408 : i32 to index
    %swap3A_410 = arith.constant 64 : index
    %swap3A_411 = tpu.vector_load %arg19[%swap3A_409, %swap3A_410] {strides = array<i32>} : memref<8x128xi32, #tpu.memory_space<vmem>>, vector<16xi32>,
    tpu.vector_store %arg19[%swap3A_409, %swap3A_410], %get3A_407 {strides = array<i32>} : memref<8x128xi32, #tpu.memory_space<vmem>>, vector<16xi32>,
    %get3A_412 = arith.constant 80 : index
    %get3A_413 = tpu.vector_load %arg18[%get3A_412] {strides = array<i32>} : memref<384xi32, #tpu.memory_space<vmem>>, vector<16xi32>,
    %swap3A_414 = arith.constant 0 : i32
    %swap3A_415 = arith.index_cast %swap3A_414 : i32 to index
    %swap3A_416 = arith.constant 80 : index
    %swap3A_417 = tpu.vector_load %arg19[%swap3A_415, %swap3A_416] {strides = array<i32>} : memref<8x128xi32, #tpu.memory_space<vmem>>, vector<16xi32>,
    tpu.vector_store %arg19[%swap3A_415, %swap3A_416], %get3A_413 {strides = array<i32>} : memref<8x128xi32, #tpu.memory_space<vmem>>, vector<16xi32>,
    %get3A_418 = arith.constant 96 : index
    %get3A_419 = tpu.vector_load %arg18[%get3A_418] {strides = array<i32>} : memref<384xi32, #tpu.memory_space<vmem>>, vector<16xi32>,
    %swap3A_420 = arith.constant 0 : i32
    %swap3A_421 = arith.index_cast %swap3A_420 : i32 to index
    %swap3A_422 = arith.constant 96 : index
    %swap3A_423 = tpu.vector_load %arg19[%swap3A_421, %swap3A_422] {strides = array<i32>} : memref<8x128xi32, #tpu.memory_space<vmem>>, vector<16xi32>,
    tpu.vector_store %arg19[%swap3A_421, %swap3A_422], %get3A_419 {strides = array<i32>} : memref<8x128xi32, #tpu.memory_space<vmem>>, vector<16xi32>,
    %get3A_424 = arith.constant 112 : index
    %get3A_425 = tpu.vector_load %arg18[%get3A_424] {strides = array<i32>} : memref<384xi32, #tpu.memory_space<vmem>>, vector<16xi32>,
    %swap3A_426 = arith.constant 0 : i32
    %swap3A_427 = arith.index_cast %swap3A_426 : i32 to index
    %swap3A_428 = arith.constant 112 : index
    %swap3A_429 = tpu.vector_load %arg19[%swap3A_427, %swap3A_428] {strides = array<i32>} : memref<8x128xi32, #tpu.memory_space<vmem>>, vector<16xi32>,
    tpu.vector_store %arg19[%swap3A_427, %swap3A_428], %get3A_425 {strides = array<i32>} : memref<8x128xi32, #tpu.memory_space<vmem>>, vector<16xi32>,
    %dma_start3A = arith.constant 0 : i32
    %dma_start3A_430 = arith.constant 0 : i32
    %dma_start3A_431 = arith.constant 0 : i32
    %dma_start3A_432 = tpu.memref_slice %arg17[%dma_start3A_430, %dma_start3A_431] : memref<160x128xf32, #tpu.memory_space<vmem>> -> memref<128x128xf32, #tpu.memory_space<vmem>>
    %dma_start3A_433 = arith.constant 0 : i32
    %dma_start3A_434 = tpu.memref_slice %arg19[%dma_start3A, %dma_start3A_433] : memref<8x128xi32, #tpu.memory_space<vmem>> -> memref<1x128xi32, #tpu.memory_space<vmem>>
    %dma_start3A_435 = tpu.memref_squeeze %dma_start3A_434 : memref<1x128xi32, #tpu.memory_space<vmem>> -> memref<128xi32, #tpu.memory_space<vmem>>
    %dma_start3A_436 = arith.constant 0 : i32
    %dma_start3A_437 = arith.constant 0 : i32
    %dma_start3A_438 = tpu.memref_slice %arg9[%dma_start3A_436, %dma_start3A_437] : memref<16400x128xf32, #tpu.memory_space<hbm>> -> memref<16400x128xf32, #tpu.memory_space<hbm>>
    tpu.enqueue_indirect_dma source(%dma_start3A_432 : memref<128x128xf32, #tpu.memory_space<vmem>>) target(%dma_start3A_438 : memref<16400x128xf32, #tpu.memory_space<hbm>>) offsets(%dma_start3A_435 : memref<128xi32, #tpu.memory_space<vmem>>) semaphore(%arg22 : memref<!tpu.dma_semaphore, #tpu.memory_space<semaphore_mem>>)
    %dma_wait3A = arith.constant 0 : i32
    %dma_wait3A_439 = arith.constant 0 : i32
    %dma_wait3A_440 = arith.constant 0 : i32
    %dma_wait3A_441 = tpu.memref_slice %arg17[%dma_wait3A_439, %dma_wait3A_440] : memref<160x128xf32, #tpu.memory_space<vmem>> -> memref<128x128xf32, #tpu.memory_space<vmem>>
    %dma_wait3A_442 = arith.constant 0 : i32
    %dma_wait3A_443 = tpu.memref_slice %arg19[%dma_wait3A, %dma_wait3A_442] : memref<8x128xi32, #tpu.memory_space<vmem>> -> memref<1x128xi32, #tpu.memory_space<vmem>>
    %dma_wait3A_444 = tpu.memref_squeeze %dma_wait3A_443 : memref<1x128xi32, #tpu.memory_space<vmem>> -> memref<128xi32, #tpu.memory_space<vmem>>
    %dma_wait3A_445 = arith.constant 0 : i32
    %dma_wait3A_446 = arith.constant 0 : i32
    %dma_wait3A_447 = tpu.memref_slice %arg9[%dma_wait3A_445, %dma_wait3A_446] : memref<16400x128xf32, #tpu.memory_space<hbm>> -> memref<16400x128xf32, #tpu.memory_space<hbm>>
    tpu.wait_indirect_dma semaphore(%arg22 : memref<!tpu.dma_semaphore, #tpu.memory_space<semaphore_mem>>) src(%dma_wait3A_441 : memref<128x128xf32, #tpu.memory_space<vmem>>) dst(%dma_wait3A_447 : memref<16400x128xf32, #tpu.memory_space<hbm>>)
    return
  }
}

</mosaic_0001>

<sc_bundles>
// kernel: kernel.3.cloned.1.call-start
scs
__scs_entry_jumppad:
0x0: {  	(pc) =	sbr.rel $0x88, $3  }
0x1: {  	(tag) =	ssettag $0x0;
	lr =	simm.s32 $0x1  }
0x2: {  	[smem:$0x3F9B] =	sst lr;
	_ =	strace $0xD0000000  }
0x3: {  	_ = 	snop  }
0x4: {  	_ = 	snop  }
0x5: {  	_ = 	snop  }
0x6: {  	_ = 	snop  }
0x7: {  	_ = 	snop  }
__scs_overlays_trampoline_lowered:
0x8: {  	[smem:$0x3FAA] =	sst s0  }
0x9: {  	[smem:$0x3FAB] =	sst s1  }
0xa: {  	[smem:$0x3FAC] =	sst s2  }
0xb: {  	[smem:$0x3FAD] =	sst s3  }
0xc: {  	[smem:$0x3FAE] =	sst s4  }
0xd: {  	[smem:$0x3FAF] =	sst s5  }
0xe: {  	[smem:$0x3FB0] =	sst s6  }
0xf: {  	[smem:$0x3FB1] =	sst s7  }
0x10: {  	[smem:$0x3FB2] =	sst s8  }
0x11: {  	[smem:$0x3FB3] =	sst s9;
	s0 =	simm.s32 @!p0 $0x0  }
0x12: {  	s1 =	sld [smem:$0x3F99];
	s0 =	simm.s32 @p0 $0x1  }
0x13: {  	[smem:$0x3FB4] =	sst s0;
	s0 =	simm.s32 @!p1 $0x0  }
0x14: {  	s2 =	sld [smem:$0x3F98];
	s0 =	simm.s32 @p1 $0x1  }
0x15: {  	[smem:$0x3FB5] =	sst s0;
	s0 =	simm.s32 @!p2 $0x0  }
0x16: {  	s3 =	sld [smem:$0x3FDB];
	s0 =	simm.s32 @p2 $0x1  }
0x17: {  	s4 =	simm.s32 $0x1BF5;
	[smem:$0x3FB7] =	sst s0  }
0x18: {  	s0 =	sld [smem:$0x3F9A];
	_ =	swait.ge [sflag:s4], $0x0  }
0x19: {  	s7 =	sld [smem:$0x3F9B]  }
0x1a: {  	s8 =	sadd.s32 $0xFFFFE003, lr  }
0x1b: {  	s9 =	sadd.s32 $0xFFFFFEF7, lr;
	s5 =	simm.s32 $0xFFFFFFFF;
	p2 =	slt.u32 s8, $0xFFFFF086  }
0x1c: {  	p1 =	slt.u32 s9, $0xF7A;
	s5 =	simm.s32 @!p2 $0x0  }
0x1d: {  	s5 =	simm.s32 @p1 $0x1;
	p0 =	seq.s32 s7, s2  }
0x1e: {  	s7 =	smul.u32 @!p0 $0xF7A, s2;
	p2 =	seq.s32 @!p0 s5, $0x0  }
0x1f: {  	s9 =	smul.u32 $0xF7A, s1;
	s8 =	simm.s32 @!p0 $0x1BF5;
	p2 =	por !p2, p0  }
0x20: {  	[sflag:s8] =	ssyncset.s32 @!p0 $0xFFFFF086;
	s6 =	sadd.s32 @!p0 s3, s7;
	s7 =	simm.s32 @!p0 $0x108  }
0x21: {  	s3 =	sadd.s32 s3, s9;
	s6 =	sadd.s32 @!p0 $0x88, s6;
	s7 =	simm.s32 @p2 $0x1082  }
0x22: {  	[simem:s7], [sflag:s8] =	dma.local @!p0 [hbm:s6], $0xF7A  }
0x23: {  	s9 =	sor.u32 $0xD0000000, s2;
	s6 =	simm.s32 $0x108;
	_ =	swait.ge @!p0 [sflag:s8], $0x0  }
0x24: {  	s3 =	sadd.s32 $0x88, s3;
	s6 =	simm.s32 @!p1 $0x1082;
	[sflag:s4] =	ssyncset.s32 $0xFFFFF086  }
0x25: {  	[simem:s6], [sflag:s4] =	dma.local [hbm:s3], $0xF7A  }
0x26: {  	[smem:$0x3F9B] =	sst s1;
	(tag) =	ssettag s2;
	_ =	strace s9  }
0x27: {  	s1 =	sld [smem:$0x3FAB]  }
0x28: {  	s2 =	sld [smem:$0x3FAC]  }
0x29: {  	s4 =	sld [smem:$0x3FAE]  }
0x2a: {  	p0 =	seq.s32 s5, $0x0;
	s5 =	sld [smem:$0x3FAF]  }
0x2b: {  	s6 =	sld [smem:$0x3FB0]  }
0x2c: {  	s7 =	sld [smem:$0x3FB1]  }
0x2d: {  	s3 =	simm.s32 $0x108;
	s8 =	sld [smem:$0x3FB2]  }
0x2e: {  	s3 =	simm.s32 @!p0 $0x1082;
	s9 =	sld [smem:$0x3FB3]  }
0x2f: {  	lr =	sadd.s32 s0, s3;
	s0 =	sld [smem:$0x3FAA]  }
0x30: {  	s3 =	sld [smem:$0x3FAD]  }
0x31: {  	[smem:$0x3FB6] =	sst s10  }
0x32: {  	s10 =	sld [smem:$0x3FB4];
	_ =	sdelay $0x3  }
0x33: {  	p0 =	seq.s32 s10, $0x1;
	s10 =	sld [smem:$0x3FB6];
	_ =	sdelay $0x3  }
0x34: {  	[smem:$0x3FB6] =	sst s10  }
0x35: {  	s10 =	sld [smem:$0x3FB5];
	_ =	sdelay $0x3  }
0x36: {  	p1 =	seq.s32 s10, $0x1;
	s10 =	sld [smem:$0x3FB6];
	_ =	sdelay $0x3  }
0x37: {  	[smem:$0x3FB6] =	sst s10  }
0x38: {  	s10 =	sld [smem:$0x3FB7]  }
0x39: {  	_ = 	snop;
	(pc) =	sbr.ind lr, $3  }
0x3a: {  	_ = 	snop  }
0x3b: {  	_ = 	snop  }
0x3c: {  	p2 =	seq.s32 s10, $0x1;
	s10 =	sld [smem:$0x3FB6]  }
0x3d: {  	_ =	shalt  }
0x3e: {  	_ =	shalt  }
0x3f: {  	_ =	shalt  }
0x40: {  	_ =	shalt  }
0x41: {  	_ =	shalt  }
0x42: {  	_ =	shalt  }
0x43: {  	_ =	shalt  }
0x44: {  	_ =	shalt  }
0x45: {  	_ =	shalt  }
0x46: {  	_ =	shalt  }
0x47: {  	_ =	shalt  }
0x48: {  	_ =	shalt  }
0x49: {  	_ =	shalt  }
0x4a: {  	_ =	shalt  }
0x4b: {  	_ =	shalt  }
0x4c: {  	_ =	shalt  }
0x4d: {  	_ =	shalt  }
0x4e: {  	_ =	shalt  }
0x4f: {  	_ =	shalt  }
0x50: {  	_ =	shalt  }
0x51: {  	_ =	shalt  }
0x52: {  	_ =	shalt  }
0x53: {  	_ =	shalt  }
0x54: {  	_ =	shalt  }
0x55: {  	_ =	shalt  }
0x56: {  	_ =	shalt  }
0x57: {  	_ =	shalt  }
0x58: {  	_ =	shalt  }
0x59: {  	_ =	shalt  }
0x5a: {  	_ =	shalt  }
0x5b: {  	_ =	shalt  }
0x5c: {  	_ =	shalt  }
0x5d: {  	_ =	shalt  }
0x5e: {  	_ =	shalt  }
0x5f: {  	_ =	shalt  }
0x60: {  	_ =	shalt  }
0x61: {  	_ =	shalt  }
0x62: {  	_ =	shalt  }
0x63: {  	_ =	shalt  }
0x64: {  	_ =	shalt  }
0x65: {  	_ =	shalt  }
0x66: {  	_ =	shalt  }
0x67: {  	_ =	shalt  }
0x68: {  	_ =	shalt  }
0x69: {  	_ =	shalt  }
0x6a: {  	_ =	shalt  }
0x6b: {  	_ =	shalt  }
0x6c: {  	_ =	shalt  }
0x6d: {  	_ =	shalt  }
0x6e: {  	_ =	shalt  }
0x6f: {  	_ =	shalt  }
0x70: {  	_ =	shalt  }
0x71: {  	_ =	shalt  }
0x72: {  	_ =	shalt  }
0x73: {  	_ =	shalt  }
0x74: {  	_ =	shalt  }
0x75: {  	_ =	shalt  }
0x76: {  	_ =	shalt  }
0x77: {  	_ =	shalt  }
0x78: {  	_ =	shalt  }
0x79: {  	_ =	shalt  }
0x7a: {  	_ =	shalt  }
0x7b: {  	_ =	shalt  }
0x7c: {  	_ =	shalt  }
0x7d: {  	_ =	shalt  }
0x7e: {  	_ =	shalt  }
0x7f: {  	_ =	shalt  }
0x80: {  	_ =	shalt  }
0x81: {  	_ =	shalt  }
0x82: {  	_ =	shalt  }
0x83: {  	_ =	shalt  }
0x84: {  	_ =	shalt  }
0x85: {  	_ =	shalt  }
0x86: {  	_ =	shalt  }
0x87: {  	_ =	shalt  }
.Lfunc_end0:
.L_simem_size_0:
called_computation_lowered:
.L_overlay_start_0:
0x88: {  	s2 =	sld [smem:$0x3FD9]  }
0x89: {  	s3 =	sld [smem:$0x3FFE];
	_ =	sdelay $0x1  }
0x8a: {  	s1 =	srdreg.scid  }
0x8b: {  	s0 =	sand.u32 $0x1, s1  }
0x8c: {  	s17 =	sshll.u32 s0, $0xA;
	s2 =	sadd.s32 s3, s2  }
0x8d: {  	s2 =	sadd.s32 s2, s17  }
0x8e: {  	[smem:$0x3FC2] =	sst s2  }
0x8f: {  	_ = 	snop  }
0x90: {  	s2 =	sld [smem:$0x3FC9]  }
0x91: {  	s18 =	sld [smem:$0x3FC8]  }
0x92: {  	s4 =	sld [smem:$0x3FC7]  }
0x93: {  	s5 =	sld [smem:$0x3FC6]  }
0x94: {  	s6 =	sld [smem:$0x3FC5]  }
0x95: {  	s7 =	sld [smem:$0x3FC4]  }
0x96: {  	s8 =	sld [smem:$0x3FD0];
	(tm) =	ssettm $0x1  }
0x97: {  	s9 =	sld [smem:$0x3FFB];
	_ =	sdelay $0x3  }
0x98: {  	_ =	strace s9  }
0x99: {  	s9 =	sld [smem:$0x3FFC];
	_ =	sdelay $0x3  }
0x9a: {  	_ =	strace s9  }
0x9b: {  	s9 =	sld [smem:$0x3FFD];
	_ =	sdelay $0x3  }
0x9c: {  	_ =	strace s9  }
0x9d: {  	_ =	strace $0x8FFFFFFF  }
0x9e: {  	s19 =	sld [smem:$0x3FDB];
	_ =	sdelay $0x1  }
0x9f: {  	s10 =	simm.s32 $_scs_section_size  }
0xa0: {  	s11 =	simm.s32 $_size__tile_overlayer_lowered;
	s12 =	simm.s32 $_tile_overlayer_lowered  }
0xa1: {  	s22 =	simm.s32 $0x1BFF;
	s21 =	sshll.u32 s12, $0x1;
	s9 =	sadd.s32 s10, s19  }
0xa2: {  	s13 =	simm.s32 $0x0;
	s20 =	sshll.u32 s11, $0x1;
	s11 =	sadd.s32 s21, s9  }
0xa3: {  	[timem:s13], [sflag:s22] =	dma.local [hbm:s11], s20  }
0xa4: {  	_ =	swait.ge [sflag:s22], s20  }
0xa5: {  	s10 =	ssub.s32 $0x0, s20;
	[sflag:s22] =	ssyncset.done $0x0  }
0xa6: {  	[sflag:s22] =	ssyncadd.s32 s10;
	_ =	sdelay $0x1  }
0xa7: {  	s23 =	simm.s32 $0x1B8B  }
0xa8: {  	_ =	swait.ge [sflag:s23], $0x1  }
0xa9: {  	[sflag:s23] =	ssyncset.done $0x0  }
0xaa: {  	s25 =	simm.s32 $0x1B8E;
	s24 =	sld [smem:$0x3FFE];
	[sflag:s23] =	ssyncadd.s32 $0xFFFFFFFF  }
0xab: {  	s26 =	simm.s32 $execute0_lowered;
	[smem:$0x3FD2] =	sst s25  }
0xac: {  	s11 =	sshll.u32 s26, $0x1;
	_ =	strace $0x80000046;
	[dreg:$0x1] =	wrdreg $0xFFFFFFFF  }
0xad: {  	s28 =	simm.s32 $_size_execute0_lowered;
	s9 =	sadd.s32 s9, s11;
	[dreg:$0x0] =	wrdreg $0x0  }
0xae: {  	s11 =	sshll.u32 s28, $0x1;
	[dreg:$0x2] =	wrdreg s9  }
0xaf: {  	[dreg:$0x3] =	wrdreg s11  }
0xb0: {  	[dreg:$0x4] =	wrdreg $0xC0  }
0xb1: {  	_ =	task [dreg:s13], $0x5FFFF  }
0xb2: {  	[dreg:$0x1] =	wrdreg $0xFFFFFFFF  }
0xb3: {  	[dreg:$0x0] =	wrdreg $0x60  }
0xb4: {  	[dreg:$0x2] =	wrdreg s2  }
0xb5: {  	[dreg:$0x3] =	wrdreg s18  }
0xb6: {  	[dreg:$0x4] =	wrdreg s4  }
0xb7: {  	[dreg:$0x5] =	wrdreg s5  }
0xb8: {  	[dreg:$0x6] =	wrdreg s6  }
0xb9: {  	[dreg:$0x7] =	wrdreg s7  }
0xba: {  	[dreg:$0x8] =	wrdreg s8  }
0xbb: {  	[dreg:$0x9] =	wrdreg s24  }
0xbc: {  	[dreg:$0xa] =	wrdreg $0x9  }
0xbd: {  	_ =	task.clear_ibuf [dreg:s13], $0xBFFFF;
	_ =	strace $0x90000046  }
0xbe: {  	s29 =	simm.s32 $0x9;
	_ =	strace $0x80000048  }
0xbf: {  	_ =	swait.ge [sflag:s29], $0x1  }
0xc0: {  	[sflag:s29] =	ssyncadd.s32 $0xFFFFFFFF  }
0xc1: {  	_ =	strace $0x90000048  }
0xc2: {  	_ =	sfence  }
0xc3: {  	s30 =	sld [smem:$0x0];
	_ =	sdelay $0x2  }
0xc4: {  	s31 =	sshll.u32 s1, $0xD;
	s1 =	sshrl.u32 s1, $0x2  }
0xc5: {  	s3 =	sand.u32 $0x4000, s31;
	s1 =	sadd.s32 s1, s30  }
0xc6: {  	s0 =	sor.u32 s3, s0;
	s1 =	sshll.u32 s1, $0x11  }
0xc7: {  	s0 =	sor.u32 s1, s0  }
0xc8: {  	s0 =	sadd.s32 $0x8F2B, s0  }
0xc9: {  	[sflag:s0] =	ssyncadd.remote.s32 $0x1  }
0xca: {  	_ =	sfence.sel $0xFFFF  }
0xcb: {  	[dreg:$0x0] =	wrdreg $0xFFFFFFFF;
	(pc) =	sbr.abs _section_cstart, $3  }
0xcc: {  	[dreg:$0x1] =	wrdreg $0xFFFFFFFF  }
0xcd: {  	_ =	task.clear_ibuf [dreg:s13], $0x2FFFF;
	_ =	strace $0x9FFFFFFF  }
0xce: {  	(tm) =	ssettm $0x7FFFFFFF  }
0xcf: {  	_ =	shalt  }
tec
execute0_lowered:
.L_overlay_start_1:
0x0: {  	(tag) =	ssettag $0x1  }
0x1: {  	s9 =	rddreg [dreg:$0x2];
	s2 =	stileid.u32  }
0x2: {  	s0 =	srdreg.scid;
	s3 =	rddreg [dreg:$0x7]  }
0x3: {  	s4 =	simm.s32 $0x0;
	s18 =	simm.s32 $0x1;
	s19 =	simm.s32 $0x2;
	vm0 =	vmmov $0x7;
	v5 =	vimm.s32 $0x0  }
0x4: {  	s22 =	simm.s32 $0x10180;
	s23 =	simm.s32 $0x12180;
	[smem:$0x7FF] =	sst s4;
	v5 =	vsel vm0, $0xFFFFFFFF, v5  }
0x5: {  	vm4 =	vmmov $0xf;
	s24 =	simm.s32 $0x19180;
	s25 =	simm.s32 $0x14180;
	_ =	strace $0x80000047;
	[tilespmem:$0x1FF70] =	vst v5;
	v5 =	vimm.s32 $0x0  }
0x6: {  	s28 =	simm.s32 $0x19300;
	s1 =	sshll.u32 s2, $0x1;
	s2 =	sshrl.u32 s2, $0x1;
	v5 =	vsel vm4, $0xFFFFFFFF, v5  }
0x7: {  	vm5 =	vmmov $0x1f;
	s0 =	sand.u32 $0x1, s0;
	s1 =	sand.u32 $0x2, s1;
	s16 =	smul.u32 $0x62, s2;
	[tilespmem:$0x1FF80] =	vst v5;
	v5 =	vimm.s32 $0x0  }
0x8: {  	s2 =	smul.u32 $0x3100, s2;
	s15 =	sor.u32 s0, s1;
	s0 =	ssub.s32 $0x2, s0;
	v5 =	vsel vm5, $0xFFFFFFFF, v5  }
0x9: {  	vm6 =	vmmov $0x3f;
	s1 =	sshll.u32 s15, $0x5;
	s26 =	smin.u32 s16, $0x2AC;
	s30 =	sshrl.u32 s0, $0x1;
	[tilespmem:$0x1FF90] =	vst v5;
	v5 =	vimm.s32 $0x0  }
0xa: {  	[dreg:$0xb] =	wrdreg s2;
	s31 =	sor.u32 $0x80, s2;
	p0 =	sgt.s32 s15, $0x1;
	v5 =	vsel vm6, $0xFFFFFFFF, v5  }
0xb: {  	vm7 =	vmmov $0x7f;
	[dreg:$0x9] =	wrdreg s15;
	s0 =	ssub.s32 s0, s30;
	p1 =	seq.s32 @p0 s15, $0x2;
	[tilespmem:$0x1FFA0] =	vst v5;
	v5 =	vimm.s32 $0x0  }
0xc: {  	[dreg:$0xa] =	wrdreg s16;
	s0 =	smax.u32 s0, $0x1;
	p1 =	por !p1, !p0;
	v5 =	vsel vm7, $0xFFFFFFFF, v5  }
0xd: {  	vm4 =	vmmov $0xff;
	s1 =	sor.u32 $0x18680, s1;
	[dreg:$0xe] =	wrdreg s0;
	s0 =	simm.s32 @!p1 $0x0;
	[tilespmem:$0x1FFB0] =	vst v5;
	v5 =	vimm.s32 $0x0  }
0xe: {  	v4 =	vlaneseq.u32;
	s4 =	sadd.s32 $0x62, s26;
	p2 =	seq.s32 @!p0 s15, $0x0;
	s0 =	simm.s32 @p1 $0x1;
	v5 =	vsel vm4, $0xFFFFFFFF, v5  }
0xf: {  	vm10 =	vmmov $0x7ff;
	vm5 =	vmmov $0x1ff;
	s5 =	ssub.s32 s4, s16;
	[smem:$0x7FA] =	sst s0;
	s0 =	simm.s32 @!p0 $0x0;
	[tilespmem:$0x1FFC0] =	vst v5;
	v5 =	vimm.s32 $0x0  }
0x10: {  	vm11 =	vmmov $0xfff;
	vm12 =	vmmov $0x1fff;
	s17 =	sshra.s32 s5, $0x1;
	s0 =	simm.s32 @p0 $0x1;
	p0 =	por !p2, p0;
	v5 =	vsel vm5, $0xFFFFFFFF, v5  }
.Ltmp0:
0x11: {  	vm13 =	vmmov $0x3fff;
	vm6 =	vmmov $0x3ff;
	[smem:$0x7FB] =	sst s0;
	s0 =	simm.s32 @!p0 $0x0;
	[tilespmem:$0x1FFD0] =	vst v5;
	v5 =	vimm.s32 $0x0;
	(pc) =	sbr.rel .LBB2_1-.Ltmp0, $4  }
0x12: {  	v6 =	vor.u32 $0x4000, v4;
	v1 =	vmov s15;
	[dreg:$0xd] =	wrdreg s31;
	s0 =	simm.s32 @p0 $0x1;
	p0 =	sgt.s32 s17, $0x0;
	v5 =	vsel vm6, $0xFFFFFFFF, v5  }
0x13: {  	s29 =	simm.s32 $0x3;
	v0 =	vmov s1;
	vm7 =	vmmov $0x7fff;
	[smem:$0x7FC] =	sst s0;
	s0 =	simm.s32 @!p0 $0x0;
	[tilespmem:$0x1FFE0] =	vst v5;
	v5 =	vimm.s32 $0x0  }
0x14: {  	s13 =	sadd.s32 $0x400, s3;
	v2 =	vmov s16;
	v0 =	vadd.s32 $0xFFFE7980, v0;
	[dreg:$0xc] =	wrdreg s17;
	s0 =	simm.s32 @p0 $0x1;
	v5 =	vsel vm7, $0xFFFFFFFF, v5  }
0x15: {  	s26 =	simm.s32 $0x80;
	v3 =	vmov s4;
	s1 =	simm.s32 $0x0;
	v0 =	vbroadcast v0, $0x0;
	[smem:$0x7FD] =	sst s0;
	[tilespmem:$0x1FFF0] =	vst v5;
	v5 =	vimm.s32 $0x0  }
.LBB2_16:
0x16: {  	[tilespmem:s8+$0x19180] =	vst v6  }
0x17: {  	[tilespmem:s8+$0x19190] =	vst v6  }
0x18: {  	[tilespmem:s8+$0x191A0] =	vst v6  }
0x19: {  	[tilespmem:s8+$0x191B0] =	vst v6  }
0x1a: {  	[tilespmem:s8+$0x191C0] =	vst v6  }
0x1b: {  	[tilespmem:s8+$0x191D0] =	vst v6  }
0x1c: {  	[tilespmem:s8+$0x191E0] =	vst v6  }
0x1d: {  	[tilespmem:s8+$0x191F0] =	vst v6  }
0x1e: {  	v7 =	vld [tilespmem:$0x19180]  }
0x1f: {  	v8 =	vld [tilespmem:$0x19190]  }
0x20: {  	v9 =	vld [tilespmem:$0x191A0]  }
0x21: {  	v10 =	vld [tilespmem:$0x191B0]  }
0x22: {  	v11 =	vld [tilespmem:$0x191C0]  }
0x23: {  	v63 =	vld [tilespmem:$0x191F0];
	[tilespmem:$0x19300] =	vst v7  }
0x24: {  	v7 =	vld [tilespmem:$0x191D0];
	[tilespmem:$0x19310] =	vst v8  }
0x25: {  	v8 =	vld [tilespmem:$0x191E0];
	[tilespmem:$0x19320] =	vst v9  }
0x26: {  	[tilespmem:$0x19330] =	vst v10  }
0x27: {  	[tilespmem:$0x19340] =	vst v11  }
0x28: {  	[tilespmem:$0x19370] =	vst v63  }
0x29: {  	[tilespmem:$0x19350] =	vst v7  }
0x2a: {  	[tilespmem:$0x19360] =	vst v8  }
0x2b: {  	[hbm4b:s13+s26] =	stream.indirect.scatter [tilespmem:s25], [sflag:$0x3], $0x80, s28, s26, $0xb8;
	[tilespmem:$0x19700] =	vst v63  }
0x2c: {  	_ =	swait.ge [sflag:s29], $0x4000  }
0x2d: {  	s1 =	rddreg [dreg:$0xf]  }
0x2e: {  	s0 =	rddreg [dreg:$0xe];
	s1 =	sadd.s32 $0x1, s1  }
0x2f: {  	p4 =	seq.s32 s1, s0  }
.Ltmp1:
0x30: {  	_ = 	snop;
	(pc) =	sbr.rel @p4 .LBB2_17-.Ltmp1, $3  }
0x31: {  	_ =	sdelay $0x1  }
0x32: {  	[sflag:s29] =	ssyncset.done $0x0  }
0x33: {  	[sflag:s29] =	ssyncadd.s32 $0xFFFFC000  }
.LBB2_1:
0x34: {  	[dreg:$0xf] =	wrdreg s1  }
0x35: {  	s0 =	rddreg [dreg:$0x0];
	s3 =	simm.s32 $0x0  }
0x36: {  	[tilespmem:s3], [sflag:$0x1] =	stream.linear.gather [hbm4b:s0+s3], $0x4000, $0x38;
	[tilespmem:$0x19700] =	vst v63  }
0x37: {  	s17 =	rddreg [dreg:$0x1];
	s20 =	simm.s32 $0x4000  }
0x38: {  	[tilespmem:s20], [sflag:$0x2] =	stream.linear.gather [hbm4b:s17+s3], $0x4000, $0x38;
	[tilespmem:$0x19700] =	vst v63  }
0x39: {  	_ =	swait.ge [sflag:s18], $0x4000  }
0x3a: {  	[sflag:s18] =	ssyncset.done $0x0  }
0x3b: {  	[sflag:s18] =	ssyncadd.s32 $0xFFFFC000  }
0x3c: {  	_ =	swait.ge [sflag:s19], $0x4000  }
0x3d: {  	[sflag:s19] =	ssyncset.done $0x0  }
0x3e: {  	s21 =	simm.s32 $0x10;
	[sflag:s19] =	ssyncadd.s32 $0xFFFFC000  }
0x3f: {  	v7 =	vld [tilespmem:s21+$0xFFFFFFF0];
	_ =	sdelay $0x2  }
0x40: {  	s30 =	simm.s32 $0x4010  }
0x41: {  	v8 =	vld [tilespmem:s30+$0xFFFFFFF0]  }
0x42: {  	vm0 =	vlt.s32 v7, $0x18680  }
0x43: {  	v9 =	vsel vm0, $0x0, v0  }
0x44: {  	v7 =	vadd.s32 v9, v7  }
0x45: {  	v9 =	vshra.s32 v7, $0x7  }
0x46: {  	vm0 =	veq.s32 v8, v1;
	vm1 =	vge.s32 v9, v2  }
0x47: {  	vm0 =	vmand vm0, vm1;
	vm1 =	vlt.s32 v9, v3  }
0x48: {  	s2 =	simm.s32 $0x0;
	vm0 =	vmand vm1, vm0  }
0x49: {  	[tilespmem:s3+$0x8000] =	vst.msk vm0, v7;
	v7 =	vor.u32 s2, v4;
	v8 =	vmpcnt.ones.xlane vm0  }
0x4a: {  	[tilespmem:s3+$0xC080] =	vst.msk vm0, v7  }
0x4b: {  	v7 =	vld [tilespmem:s21+$0x0];
	(v2sf) =	vpush v8, $0x0;
	_ =	sdelay $0x3  }
0x4c: {  	v8 =	vld [tilespmem:s30+$0x0]  }
0x4d: {  	vm0 =	vlt.s32 v7, $0x18680  }
0x4e: {  	v62 =	vsel vm0, $0x0, v0  }
0x4f: {  	v7 =	vadd.s32 v62, v7  }
0x50: {  	v9 =	vshra.s32 v7, $0x7  }
0x51: {  	vm0 =	veq.s32 v8, v1;
	vm1 =	vge.s32 v9, v2  }
0x52: {  	vm0 =	vmand vm0, vm1;
	vm1 =	vlt.s32 v9, v3  }
0x53: {  	vm0 =	vmand vm1, vm0  }
0x54: {  	v8 =	vmpcnt.ones.xlane vm0;
	_ =	sdelay $0x1  }
0x55: {  	(v2sf) =	vpush v8, $0x0  }
0x56: {  	s31 =	spop (v2sf)  }
0x57: {  	s4 =	sadd.s32 $0x0, s31  }
0x58: {  	[tilespmem:s4+$0x8000] =	vst.msk vm0, v7;
	v7 =	vor.u32 s21, v4  }
0x59: {  	s0 =	simm.s32 $0x30;
	[tilespmem:s4+$0xC080] =	vst.msk vm0, v7  }
0x5a: {  	v7 =	vld [tilespmem:s0+$0xFFFFFFF0];
	_ =	sdelay $0x2  }
0x5b: {  	s1 =	simm.s32 $0x4030  }
0x5c: {  	v8 =	vld [tilespmem:s1+$0xFFFFFFF0]  }
0x5d: {  	vm0 =	vlt.s32 v7, $0x18680  }
0x5e: {  	v63 =	vsel vm0, $0x0, v0  }
0x5f: {  	v7 =	vadd.s32 v63, v7  }
0x60: {  	v9 =	vshra.s32 v7, $0x7  }
0x61: {  	vm0 =	veq.s32 v8, v1;
	vm1 =	vge.s32 v9, v2  }
0x62: {  	s2 =	simm.s32 $0x30;
	s3 =	simm.s32 $0x2;
	vm0 =	vmand vm0, vm1;
	vm1 =	vlt.s32 v9, v3;
	s5 =	spop (v2sf)  }
.LBB2_2:
0x63: {  	s3 =	sadd.s32 $0x2, s3;
	s6 =	sadd.s32 $0xFFFFFFF0, s0;
	vm0 =	vmand vm1, vm0;
	s4 =	sadd.s32 s4, s5  }
0x64: {  	p4 =	slt.u32 s3, $0x3FE;
	[tilespmem:s4+$0x8000] =	vst.msk vm0, v7;
	v7 =	vor.u32 s6, v4;
	v8 =	vmpcnt.ones.xlane vm0  }
0x65: {  	[tilespmem:s4+$0xC080] =	vst.msk vm0, v7  }
0x66: {  	v7 =	vld [tilespmem:s2+$0x0];
	(v2sf) =	vpush v8, $0x0;
	_ =	sdelay $0x3  }
0x67: {  	v8 =	vld [tilespmem:s1+$0x0]  }
0x68: {  	vm0 =	vlt.s32 v7, $0x18680  }
0x69: {  	v9 =	vsel vm0, $0x0, v0  }
0x6a: {  	v7 =	vadd.s32 v9, v7  }
0x6b: {  	v9 =	vshra.s32 v7, $0x7  }
0x6c: {  	vm0 =	veq.s32 v8, v1;
	vm1 =	vge.s32 v9, v2  }
0x6d: {  	vm0 =	vmand vm0, vm1;
	vm1 =	vlt.s32 v9, v3  }
0x6e: {  	vm0 =	vmand vm1, vm0  }
0x6f: {  	v8 =	vmpcnt.ones.xlane vm0;
	_ =	sdelay $0x1  }
0x70: {  	(v2sf) =	vpush v8, $0x0  }
0x71: {  	s5 =	spop (v2sf)  }
0x72: {  	s4 =	sadd.s32 s4, s5  }
0x73: {  	[tilespmem:s4+$0x8000] =	vst.msk vm0, v7;
	v7 =	vor.u32 s0, v4  }
0x74: {  	s2 =	sadd.s32 $0x20, s2;
	[tilespmem:s4+$0xC080] =	vst.msk vm0, v7  }
0x75: {  	v7 =	vld [tilespmem:s2+$0xFFFFFFF0];
	_ =	sdelay $0x2  }
0x76: {  	s1 =	sadd.s32 $0x20, s1  }
0x77: {  	v8 =	vld [tilespmem:s1+$0xFFFFFFF0]  }
0x78: {  	vm0 =	vlt.s32 v7, $0x18680  }
.Ltmp2:
0x79: {  	v9 =	vsel vm0, $0x0, v0;
	(pc) =	sbr.rel @p4 .LBB2_2-.Ltmp2, $4  }
0x7a: {  	v7 =	vadd.s32 v9, v7  }
0x7b: {  	v9 =	vshra.s32 v7, $0x7  }
0x7c: {  	vm0 =	veq.s32 v8, v1;
	vm1 =	vge.s32 v9, v2  }
0x7d: {  	s0 =	sadd.s32 $0x20, s0;
	vm0 =	vmand vm0, vm1;
	vm1 =	vlt.s32 v9, v3;
	s5 =	spop (v2sf)  }
0x7e: {  	s3 =	sadd.s32 $0xFFFFFFF0, s0;
	vm0 =	vmand vm1, vm0;
	s4 =	sadd.s32 s4, s5  }
0x7f: {  	[tilespmem:s4+$0x8000] =	vst.msk vm0, v7;
	v7 =	vor.u32 s3, v4  }
0x80: {  	[tilespmem:s4+$0xC080] =	vst.msk vm0, v7  }
0x81: {  	v7 =	vld [tilespmem:s2+$0x0];
	_ =	sdelay $0x3  }
0x82: {  	v8 =	vld [tilespmem:s1+$0x0]  }
0x83: {  	vm4 =	vlt.s32 v7, $0x18680  }
0x84: {  	v9 =	vsel vm4, $0x0, v0  }
0x85: {  	v7 =	vadd.s32 v9, v7  }
0x86: {  	v9 =	vshra.s32 v7, $0x7  }
0x87: {  	vm5 =	veq.s32 v8, v1;
	vm2 =	vge.s32 v9, v2  }
0x88: {  	vm6 =	vlt.s32 v9, v3;
	vm1 =	vmand vm5, vm2  }
0x89: {  	v8 =	vmpcnt.ones.xlane vm0;
	vm7 =	vmand vm6, vm1  }
0x8a: {  	v63 =	vmpcnt.ones.xlane vm7  }
0x8b: {  	(v2sf) =	vpush v8, $0x0  }
0x8c: {  	(v2sf) =	vpush v63, $0x0;
	_ =	sdelay $0xd  }
0x8d: {  	s18 =	spop (v2sf)  }
0x8e: {  	s6 =	sadd.s32 s4, s18;
	s19 =	spop (v2sf)  }
0x8f: {  	s7 =	sadd.s32 s6, s19  }
0x90: {  	s1 =	sadd.s32 $0xF, s7  }
0x91: {  	s20 =	sand.u32 $0xF, s1  }
0x92: {  	s21 =	sshra.s32 s1, $0x1F;
	p4 =	slt.s32 s1, $0x1;
	p5 =	sne.s32 s20, $0x0  }
0x93: {  	s31 =	sshrl.u32 s21, $0x1C;
	p4 =	por !p4, !p5  }
0x94: {  	s2 =	simm.s32 $0x1;
	s1 =	sadd.s32 s31, s1;
	p4 =	por !p4, !p4  }
0x95: {  	s5 =	simm.s32 $0x0;
	s1 =	sshra.s32 s1, $0x4;
	s2 =	simm.s32 @!p4 $0x0  }
0x96: {  	s10 =	simm.s32 $0x0;
	s12 =	simm.s32 $0x0;
	s1 =	ssub.s32 s1, s2  }
0x97: {  	s17 =	simm.s32 $0x0;
	s16 =	simm.s32 $0x0;
	p4 =	slt.s32 s1, $0x1  }
.Ltmp3:
0x98: {  	s15 =	simm.s32 $0x0;
	s30 =	simm.s32 $0x0;
	(pc) =	sbr.rel @p4 .LBB2_11-.Ltmp3, $4  }
0x99: {  	s14 =	simm.s32 $0x0;
	s3 =	simm.s32 $0x8000;
	[tilespmem:s6+$0x8000] =	vst.msk vm7, v7;
	v7 =	vor.u32 s0, v4;
	p5 =	sgt.s32 s7, $0x3FFF  }
0x9a: {  	s4 =	simm.s32 $0x0;
	s18 =	simm.s32 $0x0;
	[tilespmem:s6+$0xC080] =	vst.msk vm7, v7;
	s19 =	simm.s32 $0x0;
	v7 =	vimm.s32 @!p5 $0x100000  }
0x9b: {  	s6 =	simm.s32 $0x0;
	s21 =	simm.s32 $0x0;
	[tilespmem:s7+$0x8000] =	vst @!p5 v7;
	s7 =	simm.s32 $0x0  }
0x9c: {  	s2 =	simm.s32 $0x0;
	[dreg:$0x10] =	wrdreg s1;
	s1 =	simm.s32 $0x0  }
0x9d: {  	v7 =	vld [tilespmem:s3+$0x0];
	_ =	sdelay $0x4  }
0x9e: {  	v7 =	vshrl.u32 v7, $0x7  }
0x9f: {  	v7 =	vand.u32 $0xF, v7  }
0xa0: {  	s0 =	rddreg [dreg:$0x10];
	vm15 =	veq.s32 v7, $0x0;
	vm6 =	veq.s32 v7, $0x1  }
0xa1: {  	p6 =	sne.s32 s0, $0x1;
	vm5 =	veq.s32 v7, $0x3;
	vm2 =	veq.s32 v7, $0x4;
	vm7 =	veq.s32 v7, $0x6  }
.Ltmp4:
0xa2: {  	vm8 =	veq.s32 v7, $0x7;
	vm0 =	veq.s32 v7, $0x9;
	vm1 =	veq.s32 v7, $0xA;
	(pc) =	sbr.rel @!p6 .LBB2_5-.Ltmp4, $4  }
0xa3: {  	vm4 =	veq.s32 v7, $0x5;
	vm3 =	veq.s32 v7, $0xC;
	vm9 =	veq.s32 v7, $0xD  }
0xa4: {  	vm14 =	veq.s32 v7, $0xB;
	v10 =	vmpcnt.ones.xlane vm7;
	v8 =	vmpcnt.ones.xlane vm9  }
0xa5: {  	v12 =	vmpcnt.ones.xlane vm5;
	v11 =	vmpcnt.ones.xlane vm8;
	vm7 =	veq.s32 v7, $0x8  }
0xa6: {  	s1 =	sadd.s32 $0x10, s3;
	p5 =	por $0x0, $0x0;
	s0 =	sadd.s32 $0xFFFFFFFF, s0;
	vm5 =	veq.s32 v7, $0xF;
	v16 =	vmpcnt.ones.xlane vm6;
	v9 =	vmpcnt.ones.xlane vm7  }
0xa7: {  	_ = 	snop  }
0xa8: {  	(v2sf) =	vpush v16, $0x0;
	_ =	sdelay $0x2  }
0xa9: {  	v13 =	vld [tilespmem:s1+$0x0];
	v14 =	vmpcnt.ones.xlane vm2  }
0xaa: {  	v15 =	vmpcnt.ones.xlane vm0;
	vm0 =	veq.s32 v7, $0xE;
	v18 =	vmpcnt.ones.xlane vm1  }
0xab: {  	v19 =	vmpcnt.ones.xlane vm15;
	v16 =	vmpcnt.ones.xlane vm4;
	(v2sf) =	vpush v14, $0x0  }
0xac: {  	v17 =	vmpcnt.ones.xlane vm0;
	vm0 =	veq.s32 v7, $0x2;
	(v2sf) =	vpush v10, $0x0  }
0xad: {  	v14 =	vmpcnt.ones.xlane vm3;
	v10 =	vmpcnt.ones.xlane vm5;
	(v2sf) =	vpush v16, $0x0  }
0xae: {  	v16 =	vmpcnt.ones.xlane vm0;
	v7 =	vshrl.u32 v13, $0x7;
	(v2sf) =	vpush v8, $0x0  }
0xaf: {  	v8 =	vmpcnt.ones.xlane vm14;
	v7 =	vand.u32 $0xF, v7;
	(v2sf) =	vpush v14, $0x0  }
0xb0: {  	vm15 =	veq.s32 v7, $0x0;
	vm6 =	veq.s32 v7, $0x1;
	(v2sf) =	vpush v10, $0x0  }
0xb1: {  	vm5 =	veq.s32 v7, $0x3;
	vm2 =	veq.s32 v7, $0x4;
	(v2sf) =	vpush v8, $0x0  }
0xb2: {  	p6 =	sne.s32 s0, $0x1;
	vm7 =	veq.s32 v7, $0x6;
	vm8 =	veq.s32 v7, $0x7;
	(v2sf) =	vpush v18, $0x0  }
0xb3: {  	s6 =	sadd.s32 $0xFFFFFFFF, s0;
	s10 =	sadd.s32 $0x10, s1;
	p5 =	por $0x1, $0x1;
	vm0 =	veq.s32 v7, $0x9;
	vm1 =	veq.s32 v7, $0xA;
	(v2sf) =	vpush v16, $0x0  }
0xb4: {  	s0 =	simm.s32 $0x0;
	s8 =	simm.s32 $0x0;
	s1 =	simm.s32 $0x0;
	vm4 =	veq.s32 v7, $0x5;
	vm3 =	veq.s32 v7, $0xC;
	(v2sf) =	vpush v15, $0x0  }
.Ltmp5:
0xb5: {  	s11 =	simm.s32 $0x0;
	vm14 =	veq.s32 v7, $0xB;
	v10 =	vmpcnt.ones.xlane vm7;
	s2 =	spop (v2sf);
	(v2sf) =	vpush v17, $0x0;
	(pc) =	sbr.rel @!p6 .LBB2_7-.Ltmp5, $4  }
0xb6: {  	s15 =	simm.s32 $0x0;
	s16 =	simm.s32 $0x0;
	s12 =	simm.s32 $0x0;
	vm7 =	veq.s32 v7, $0xD;
	v13 =	vmpcnt.ones.xlane vm5;
	(v2sf) =	vpush v19, $0x0  }
0xb7: {  	s17 =	simm.s32 $0x0;
	s7 =	simm.s32 $0x0;
	s20 =	simm.s32 $0x0;
	vm5 =	veq.s32 v7, $0xF;
	v14 =	vmpcnt.ones.xlane vm8;
	(v2sf) =	vpush v12, $0x0  }
0xb8: {  	s21 =	simm.s32 $0x0;
	s30 =	simm.s32 $0x0;
	s31 =	simm.s32 $0x0;
	v8 =	vmpcnt.ones.xlane vm7;
	vm7 =	veq.s32 v7, $0x8;
	(v2sf) =	vpush v11, $0x0  }
0xb9: {  	s3 =	simm.s32 $0x0;
	s4 =	simm.s32 $0x0;
	s5 =	simm.s32 $0x0;
	v16 =	vmpcnt.ones.xlane vm6;
	v15 =	vmpcnt.ones.xlane vm7;
	(v2sf) =	vpush v9, $0x0  }
.LBB2_8:
0xba: {  	v9 =	vld [tilespmem:s10+$0x0];
	p6 =	sne.s32 s6, $0x1;
	s6 =	sadd.s32 $0xFFFFFFFF, s6;
	v11 =	vmpcnt.ones.xlane vm2;
	v12 =	vmpcnt.ones.xlane vm0;
	vm0 =	veq.s32 v7, $0xE;
	s14 =	spop (v2sf)  }
0xbb: {  	v17 =	vmpcnt.ones.xlane vm4;
	v18 =	vmpcnt.ones.xlane vm0;
	(v2sf) =	vpush v16, $0x0;
	s0 =	sadd.s32 s0, s14;
	s14 =	spop (v2sf)  }
0xbc: {  	v19 =	vmpcnt.ones.xlane vm3;
	v16 =	vmpcnt.ones.xlane vm1;
	(v2sf) =	vpush v11, $0x0;
	s8 =	sadd.s32 s8, s14;
	s14 =	spop (v2sf)  }
0xbd: {  	vm0 =	veq.s32 v7, $0x2;
	v11 =	vmpcnt.ones.xlane vm5;
	(v2sf) =	vpush v10, $0x0;
	s1 =	sadd.s32 s1, s14;
	s14 =	spop (v2sf)  }
0xbe: {  	v20 =	vmpcnt.ones.xlane vm15;
	v10 =	vmpcnt.ones.xlane vm0;
	(v2sf) =	vpush v17, $0x0;
	s11 =	sadd.s32 s11, s14;
	s14 =	spop (v2sf)  }
0xbf: {  	v7 =	vshrl.u32 v9, $0x7;
	(v2sf) =	vpush v8, $0x0;
	s15 =	sadd.s32 s15, s14;
	s14 =	spop (v2sf)  }
0xc0: {  	v8 =	vmpcnt.ones.xlane vm14;
	v7 =	vand.u32 $0xF, v7;
	(v2sf) =	vpush v19, $0x0;
	s16 =	sadd.s32 s16, s14;
	s14 =	spop (v2sf)  }
0xc1: {  	vm15 =	veq.s32 v7, $0x0;
	vm6 =	veq.s32 v7, $0x1;
	(v2sf) =	vpush v11, $0x0;
	s12 =	sadd.s32 s12, s14;
	s14 =	spop (v2sf)  }
0xc2: {  	vm7 =	veq.s32 v7, $0x3;
	vm2 =	veq.s32 v7, $0x4;
	(v2sf) =	vpush v8, $0x0;
	s17 =	sadd.s32 s17, s14;
	s14 =	spop (v2sf)  }
0xc3: {  	vm5 =	veq.s32 v7, $0x6;
	vm8 =	veq.s32 v7, $0x7;
	(v2sf) =	vpush v16, $0x0;
	s7 =	sadd.s32 s7, s14;
	s14 =	spop (v2sf)  }
0xc4: {  	vm0 =	veq.s32 v7, $0x9;
	vm1 =	veq.s32 v7, $0xA;
	(v2sf) =	vpush v10, $0x0;
	s20 =	sadd.s32 s20, s14;
	s14 =	spop (v2sf)  }
0xc5: {  	s21 =	sadd.s32 s21, s2;
	vm4 =	veq.s32 v7, $0x5;
	vm3 =	veq.s32 v7, $0xC;
	(v2sf) =	vpush v12, $0x0;
	s30 =	sadd.s32 s30, s14;
	s2 =	spop (v2sf)  }
.Ltmp6:
0xc6: {  	v10 =	vmpcnt.ones.xlane vm5;
	vm5 =	veq.s32 v7, $0xD;
	(v2sf) =	vpush v18, $0x0;
	s14 =	spop (v2sf);
	(pc) =	sbr.rel @p6 .LBB2_8-.Ltmp6, $4  }
0xc7: {  	vm14 =	veq.s32 v7, $0xB;
	v8 =	vmpcnt.ones.xlane vm5;
	s31 =	sadd.s32 s31, s2;
	(v2sf) =	vpush v20, $0x0;
	s3 =	sadd.s32 s3, s14;
	s2 =	spop (v2sf)  }
0xc8: {  	vm5 =	veq.s32 v7, $0xF;
	(v2sf) =	vpush v13, $0x0;
	v13 =	vmpcnt.ones.xlane vm7;
	s4 =	sadd.s32 s4, s2;
	s2 =	spop (v2sf)  }
0xc9: {  	vm7 =	veq.s32 v7, $0x8;
	(v2sf) =	vpush v14, $0x0;
	v14 =	vmpcnt.ones.xlane vm8;
	s5 =	sadd.s32 s5, s2  }
0xca: {  	s10 =	sadd.s32 $0x10, s10;
	v16 =	vmpcnt.ones.xlane vm6;
	s2 =	spop (v2sf);
	(v2sf) =	vpush v15, $0x0;
	v15 =	vmpcnt.ones.xlane vm7  }
0xcb: {  	_ = 	snop  }
0xcc: {  	v12 =	vmov v13;
	v11 =	vmov v14;
	v9 =	vmov v15  }
.LBB2_10:
0xcd: {  	s6 =	spop @p5 (v2sf)  }
0xce: {  	s10 =	spop @p5 (v2sf)  }
0xcf: {  	s14 =	spop @p5 (v2sf)  }
0xd0: {  	s2 =	sadd.s32 @p5 s21, s2;
	s18 =	spop @p5 (v2sf)  }
0xd1: {  	s21 =	simm.s32 $0x0;
	s0 =	sadd.s32 @p5 s0, s6;
	s19 =	spop @p5 (v2sf)  }
0xd2: {  	(v2sf) =	vpush v16, $0x0;
	s6 =	sadd.s32 @p5 s8, s10;
	s1 =	sadd.s32 @p5 s1, s14;
	s9 =	spop @p5 (v2sf)  }
0xd3: {  	v13 =	vmpcnt.ones.xlane vm2;
	s10 =	sadd.s32 @p5 s11, s18;
	[dreg:$0x19] =	wrdreg s9;
	s9 =	spop @p5 (v2sf)  }
0xd4: {  	s14 =	sadd.s32 @p5 s15, s19;
	[dreg:$0x17] =	wrdreg s9;
	s9 =	spop @p5 (v2sf)  }
0xd5: {  	(v2sf) =	vpush v13, $0x0;
	s21 =	smov.u32 @p5 s14;
	[dreg:$0x16] =	wrdreg s9;
	s8 =	spop @p5 (v2sf)  }
0xd6: {  	v14 =	vmpcnt.ones.xlane vm4;
	(v2sf) =	vpush v10, $0x0;
	s14 =	simm.s32 $0x0;
	s9 =	rddreg [dreg:$0x19];
	s11 =	spop @p5 (v2sf)  }
0xd7: {  	s15 =	sadd.s32 @p5 s16, s9;
	s9 =	rddreg [dreg:$0x17];
	s7 =	sadd.s32 @p5 s7, s8  }
0xd8: {  	v59 =	vmpcnt.ones.xlane vm3;
	(v2sf) =	vpush v14, $0x0;
	s16 =	spop @p5 (v2sf);
	s12 =	sadd.s32 @p5 s12, s9;
	s9 =	rddreg [dreg:$0x16]  }
0xd9: {  	v60 =	vmpcnt.ones.xlane vm5;
	(v2sf) =	vpush v8, $0x0;
	s8 =	sadd.s32 @p5 s20, s11;
	s20 =	simm.s32 $0x0;
	s14 =	smov.u32 @p5 s15  }
0xda: {  	v8 =	vmpcnt.ones.xlane vm14;
	(v2sf) =	vpush v59, $0x0;
	s15 =	simm.s32 $0x0;
	s17 =	sadd.s32 @p5 s17, s9;
	s18 =	spop @p5 (v2sf)  }
0xdb: {  	v61 =	vmpcnt.ones.xlane vm1;
	vm6 =	veq.s32 v7, $0x2;
	(v2sf) =	vpush v60, $0x0;
	s16 =	sadd.s32 @p5 s30, s16;
	s20 =	smov.u32 @p5 s10;
	s30 =	simm.s32 $0x0  }
0xdc: {  	v62 =	vmpcnt.ones.xlane vm6;
	(v2sf) =	vpush v8, $0x0;
	s11 =	spop @p5 (v2sf);
	s18 =	sadd.s32 @p5 s31, s18;
	s30 =	smov.u32 @p5 s12  }
0xdd: {  	vm7 =	veq.s32 v7, $0xE;
	v8 =	vmpcnt.ones.xlane vm0;
	(v2sf) =	vpush v61, $0x0;
	s15 =	smov.u32 @p5 s17;
	s17 =	simm.s32 $0x0;
	s31 =	simm.s32 $0x0  }
0xde: {  	v7 =	vmpcnt.ones.xlane vm7;
	(v2sf) =	vpush v62, $0x0;
	s19 =	spop @p5 (v2sf);
	s3 =	sadd.s32 @p5 s3, s11;
	s17 =	smov.u32 @p5 s7  }
0xdf: {  	v63 =	vmpcnt.ones.xlane vm15;
	(v2sf) =	vpush v8, $0x0;
	s31 =	smov.u32 @p5 s8;
	[dreg:$0x13] =	wrdreg s3;
	s11 =	spop @p5 (v2sf)  }
0xe0: {  	(v2sf) =	vpush v7, $0x0;
	s4 =	sadd.s32 @p5 s4, s19;
	s3 =	simm.s32 $0x0;
	s9 =	sadd.s32 @p5 s5, s11  }
0xe1: {  	s11 =	simm.s32 $0x0;
	s5 =	spop (v2sf);
	(v2sf) =	vpush v63, $0x0;
	s3 =	smov.u32 @p5 s6  }
0xe2: {  	s6 =	simm.s32 $0x0;
	[dreg:$0x12] =	wrdreg s5;
	s11 =	smov.u32 @p5 s0;
	(v2sf) =	vpush v12, $0x0  }
0xe3: {  	s6 =	smov.u32 @p5 s1;
	s1 =	simm.s32 $0x0;
	s0 =	rddreg [dreg:$0x13];
	(v2sf) =	vpush v11, $0x0  }
0xe4: {  	s10 =	spop (v2sf);
	s1 =	smov.u32 @p5 s18;
	s18 =	simm.s32 $0x0;
	(v2sf) =	vpush v9, $0x0  }
0xe5: {  	s7 =	spop (v2sf);
	s18 =	smov.u32 @p5 s0;
	s0 =	simm.s32 $0x0  }
0xe6: {  	s10 =	sadd.s32 s11, s10;
	[dreg:$0x14] =	wrdreg s7;
	s7 =	simm.s32 $0x0  }
0xe7: {  	s12 =	spop (v2sf);
	s0 =	smov.u32 @p5 s9;
	s7 =	smov.u32 @p5 s2  }
0xe8: {  	s2 =	simm.s32 $0x0;
	s8 =	spop (v2sf);
	s9 =	rddreg [dreg:$0x14]  }
0xe9: {  	s12 =	sadd.s32 s6, s12;
	[dreg:$0x18] =	wrdreg s8;
	s19 =	spop (v2sf)  }
0xea: {  	s2 =	smov.u32 @p5 s16;
	s3 =	sadd.s32 s3, s9;
	s16 =	spop (v2sf)  }
0xeb: {  	s8 =	simm.s32 $0x0;
	[dreg:$0x15] =	wrdreg s3;
	s5 =	spop (v2sf)  }
0xec: {  	s8 =	smov.u32 @p5 s4;
	s9 =	rddreg [dreg:$0x18];
	s4 =	spop (v2sf)  }
0xed: {  	s6 =	sadd.s32 s21, s19;
	s9 =	sadd.s32 s20, s9;
	s11 =	spop (v2sf)  }
0xee: {  	s14 =	sadd.s32 s14, s16;
	s30 =	sadd.s32 s30, s5;
	s3 =	spop (v2sf)  }
0xef: {  	s5 =	rddreg [dreg:$0x12];
	s15 =	sadd.s32 s15, s4;
	s21 =	spop (v2sf)  }
0xf0: {  	s5 =	sadd.s32 s7, s5;
	s7 =	smov.u32 s9;
	s20 =	spop (v2sf)  }
0xf1: {  	s9 =	rddreg [dreg:$0x2];
	s4 =	sadd.s32 s17, s11;
	s11 =	spop (v2sf)  }
0xf2: {  	s16 =	sadd.s32 s31, s3;
	s21 =	sadd.s32 s2, s21;
	s17 =	spop (v2sf)  }
0xf3: {  	s2 =	sadd.s32 s1, s20;
	s1 =	rddreg [dreg:$0x15];
	s31 =	spop (v2sf)  }
0xf4: {  	s19 =	sadd.s32 s18, s11;
	s18 =	sadd.s32 s8, s17;
	s17 =	sadd.s32 s0, s31  }
.LBB2_11:
0xf5: {  	v9 =	vld [tilespmem:$0x1FF70]  }
0xf6: {  	v56 =	vld [tilespmem:$0x1FF80]  }
0xf7: {  	v57 =	vld [tilespmem:$0x1FF90]  }
0xf8: {  	s5 =	sadd.s32 s2, s5;
	v7 =	vmov s2;
	vm0 =	vcmask $0x704;
	vm4 =	veq.s32 v4, $0x0;
	v58 =	vld [tilespmem:$0x1FFA0]  }
0xf9: {  	vm5 =	vcmask $0xB08;
	v59 =	vld [tilespmem:$0x1FFB0];
	v7 =	vnsel vm0, $0x0, v7;
	v8 =	vmov s5  }
0xfa: {  	v60 =	vld [tilespmem:$0x1FFC0];
	s4 =	sadd.s32 s4, s5;
	v8 =	vsel vm4, s2, v8;
	v7 =	vsel vm5, s5, v7;
	vm6 =	vnez.u8 v9  }
0xfb: {  	v61 =	vld [tilespmem:$0x1FFD0];
	s3 =	sadd.s32 s19, s4;
	v8 =	vsel vm5, s4, v8;
	vm7 =	vnez.u8 v56;
	v7 =	vnsel vm6, s4, v7  }
0xfc: {  	v62 =	vld [tilespmem:$0x1FFE0];
	s10 =	sadd.s32 s10, s3;
	vm4 =	vnez.u8 v57;
	v8 =	vnsel vm6, s3, v8;
	v7 =	vnsel vm7, s3, v7  }
0xfd: {  	s31 =	sadd.s32 s12, s10;
	vm5 =	vnez.u8 v58;
	v8 =	vnsel vm7, s10, v8;
	v7 =	vnsel vm4, s10, v7  }
0xfe: {  	s0 =	sadd.s32 s1, s31;
	vm6 =	vnez.u8 v59;
	v8 =	vnsel vm4, s31, v8;
	v7 =	vnsel vm5, s31, v7  }
0xff: {  	s1 =	sadd.s32 s18, s0;
	vm7 =	vnez.u8 v60;
	v8 =	vnsel vm5, s0, v8;
	v7 =	vnsel vm6, s0, v7  }
0x100: {  	s17 =	sadd.s32 s17, s1;
	vm4 =	vnez.u8 v61;
	v8 =	vnsel vm6, s1, v8;
	v7 =	vnsel vm7, s1, v7  }
0x101: {  	v63 =	vld [tilespmem:$0x1FFF0];
	s20 =	sadd.s32 s16, s17;
	vm5 =	vnez.u8 v62;
	v8 =	vnsel vm7, s17, v8;
	v7 =	vnsel vm4, s17, v7  }
0x102: {  	s15 =	sadd.s32 s15, s20;
	v8 =	vnsel vm4, s20, v8;
	v7 =	vnsel vm5, s20, v7  }
0x103: {  	s16 =	sadd.s32 s30, s15;
	v8 =	vnsel vm5, s15, v8;
	v7 =	vnsel vm10, s15, v7  }
0x104: {  	s18 =	sadd.s32 s6, s16;
	v8 =	vnsel vm10, s16, v8;
	v7 =	vnsel vm11, s16, v7  }
.Ltmp7:
0x105: {  	s19 =	sadd.s32 s7, s18;
	v8 =	vnsel vm11, s18, v8;
	v7 =	vnsel vm12, s18, v7;
	(pc) =	sbr.rel @p4 .LBB2_15-.Ltmp7, $4  }
0x106: {  	vm6 =	vnez.u8 v63;
	s11 =	sadd.s32 s21, s19;
	v8 =	vnsel vm12, s19, v8;
	v7 =	vnsel vm13, s19, v7  }
0x107: {  	vm7 =	veq.s32 v4, $0xF;
	s6 =	sadd.s32 s14, s11;
	v8 =	vnsel vm13, s11, v8;
	v7 =	vnsel vm6, s11, v7  }
0x108: {  	v8 =	vsel vm7, s6, v8;
	[tilespmem:$0x10100] =	vst v7  }
0x109: {  	[tilespmem:$0x10110] =	vst v8  }
0x10a: {  	s12 =	simm.s32 $0x8000  }
0x10b: {  	v8 =	vld [tilespmem:s12+$0x0];
	_ =	sdelay $0x2  }
0x10c: {  	s8 =	simm.s32 $0xC080  }
0x10d: {  	v7 =	vld [tilespmem:s8+$0x0]  }
0x10e: {  	v9 =	vshrl.u32 v8, $0x7  }
0x10f: {  	v9 =	vand.u32 $0xF, v9  }
0x110: {  	s14 =	simm.s32 $0x0;
	vm0 =	veq.s32 v9, $0x0  }
0x111: {  	[tilespmem:s14+$0x0] =	vst.msk vm0, v8  }
0x112: {  	vm1 =	veq.s32 v9, $0x1;
	[tilespmem:s14+$0x4000] =	vst.msk vm0, v7  }
0x113: {  	[tilespmem:s2+$0x0] =	vst.msk vm1, v8  }
0x114: {  	v10 =	vmpcnt.ones.xlane vm0;
	vm0 =	veq.s32 v9, $0x2;
	[tilespmem:s2+$0x4000] =	vst.msk vm1, v7  }
0x115: {  	[tilespmem:s5+$0x0] =	vst.msk vm0, v8  }
0x116: {  	v11 =	vmpcnt.ones.xlane vm1;
	v51 =	vmpcnt.ones.xlane vm0;
	[tilespmem:s5+$0x4000] =	vst.msk vm0, v7;
	vm0 =	veq.s32 v9, $0x3  }
0x117: {  	(v2sf) =	vpush v10, $0x0;
	[tilespmem:s4+$0x0] =	vst.msk vm0, v8  }
0x118: {  	(v2sf) =	vpush v11, $0x0;
	v52 =	vmpcnt.ones.xlane vm0;
	[tilespmem:s4+$0x4000] =	vst.msk vm0, v7;
	vm0 =	veq.s32 v9, $0x4  }
0x119: {  	vm2 =	veq.s32 v9, $0xD;
	(v2sf) =	vpush v51, $0x0;
	v53 =	vmpcnt.ones.xlane vm0  }
0x11a: {  	v54 =	vmpcnt.ones.xlane vm2;
	(v2sf) =	vpush v52, $0x0  }
0x11b: {  	(v2sf) =	vpush v53, $0x0  }
0x11c: {  	(v2sf) =	vpush v54, $0x0;
	_ =	sdelay $0x1  }
0x11d: {  	[tilespmem:s3+$0x0] =	vst.msk vm0, v8  }
0x11e: {  	vm3 =	veq.s32 v9, $0x5;
	vm1 =	veq.s32 v9, $0xE;
	[tilespmem:s3+$0x4000] =	vst.msk vm0, v7  }
0x11f: {  	vm6 =	veq.s32 v9, $0x6;
	v12 =	vmpcnt.ones.xlane vm1;
	[tilespmem:s10+$0x0] =	vst.msk vm3, v8  }
0x120: {  	vm5 =	veq.s32 v9, $0xC;
	v55 =	vmpcnt.ones.xlane vm3;
	vm0 =	veq.s32 v9, $0xF;
	[tilespmem:s10+$0x4000] =	vst.msk vm3, v7  }
0x121: {  	vm8 =	veq.s32 v9, $0xA;
	v56 =	vmpcnt.ones.xlane vm0;
	[tilespmem:s31+$0x0] =	vst.msk vm6, v8;
	(v2sf) =	vpush v12, $0x0  }
0x122: {  	v57 =	vmpcnt.ones.xlane vm5;
	vm3 =	veq.s32 v9, $0x7;
	[tilespmem:s31+$0x4000] =	vst.msk vm6, v7;
	(v2sf) =	vpush v55, $0x0  }
0x123: {  	vm7 =	veq.s32 v9, $0x9;
	v58 =	vmpcnt.ones.xlane vm8;
	[tilespmem:s0+$0x0] =	vst.msk vm3, v8;
	(v2sf) =	vpush v56, $0x0  }
0x124: {  	vm4 =	veq.s32 v9, $0x8;
	v59 =	vmpcnt.ones.xlane vm7;
	[tilespmem:s0+$0x4000] =	vst.msk vm3, v7;
	(v2sf) =	vpush v57, $0x0  }
0x125: {  	[dreg:$0x11] =	wrdreg s6;
	vm9 =	veq.s32 v9, $0xB;
	v60 =	vmpcnt.ones.xlane vm6;
	[tilespmem:s1+$0x0] =	vst.msk vm4, v8;
	s6 =	spop (v2sf);
	(v2sf) =	vpush v58, $0x0  }
0x126: {  	v61 =	vmpcnt.ones.xlane vm9;
	[tilespmem:s1+$0x4000] =	vst.msk vm4, v7;
	s7 =	spop (v2sf);
	(v2sf) =	vpush v59, $0x0  }
0x127: {  	v62 =	vmpcnt.ones.xlane vm3;
	[tilespmem:s17+$0x0] =	vst.msk vm7, v8;
	s14 =	spop (v2sf);
	(v2sf) =	vpush v60, $0x0  }
0x128: {  	v63 =	vmpcnt.ones.xlane vm4;
	[tilespmem:s17+$0x4000] =	vst.msk vm7, v7;
	s21 =	spop (v2sf);
	(v2sf) =	vpush v61, $0x0  }
0x129: {  	[tilespmem:s20+$0x0] =	vst.msk vm8, v8;
	s9 =	spop (v2sf);
	(v2sf) =	vpush v62, $0x0  }
0x12a: {  	s30 =	sadd.s32 s5, s14;
	[tilespmem:s20+$0x4000] =	vst.msk vm8, v7;
	s14 =	spop (v2sf);
	(v2sf) =	vpush v63, $0x0  }
0x12b: {  	[tilespmem:s15+$0x0] =	vst.msk vm9, v8  }
0x12c: {  	[tilespmem:s15+$0x4000] =	vst.msk vm9, v7  }
0x12d: {  	s7 =	sadd.s32 s2, s7;
	s2 =	rddreg [dreg:$0x10];
	[tilespmem:s16+$0x0] =	vst.msk vm5, v8  }
0x12e: {  	p4 =	sne.s32 s2, $0x1;
	[tilespmem:s16+$0x4000] =	vst.msk vm5, v7  }
.Ltmp8:
0x12f: {  	[tilespmem:s18+$0x0] =	vst.msk vm2, v8;
	(pc) =	sbr.rel @!p4 .LBB2_14-.Ltmp8, $4  }
0x130: {  	s6 =	sadd.s32 $0x0, s6;
	s4 =	sadd.s32 s4, s21;
	[tilespmem:s18+$0x4000] =	vst.msk vm2, v7;
	s21 =	spop (v2sf)  }
0x131: {  	s2 =	sadd.s32 $0xFFFFFFFF, s2;
	s3 =	sadd.s32 s3, s9;
	[tilespmem:s19+$0x0] =	vst.msk vm1, v8;
	s9 =	spop (v2sf)  }
0x132: {  	s5 =	sadd.s32 s19, s21;
	s10 =	sadd.s32 s10, s9;
	[tilespmem:s19+$0x4000] =	vst.msk vm1, v7;
	s9 =	spop (v2sf)  }
0x133: {  	s21 =	sadd.s32 s18, s14;
	[tilespmem:s11+$0x0] =	vst.msk vm0, v8;
	s18 =	sadd.s32 s11, s9;
	s14 =	spop (v2sf)  }
.LBB2_13:
0x134: {  	[tilespmem:s11+$0x4000] =	vst.msk vm0, v7;
	s12 =	sadd.s32 $0x10, s12;
	s8 =	sadd.s32 $0x10, s8;
	s11 =	spop (v2sf)  }
0x135: {  	p4 =	sne.s32 s2, $0x1;
	v8 =	vld [tilespmem:s12+$0x0];
	s20 =	sadd.s32 s20, s11;
	s11 =	spop (v2sf)  }
0x136: {  	s2 =	sadd.s32 $0xFFFFFFFF, s2;
	s17 =	sadd.s32 s17, s11;
	s11 =	spop (v2sf)  }
0x137: {  	s19 =	smov.u32 s5;
	s31 =	sadd.s32 s31, s11;
	s11 =	spop (v2sf)  }
0x138: {  	s15 =	sadd.s32 s15, s11;
	s9 =	spop (v2sf);
	s11 =	smov.u32 s18  }
0x139: {  	s16 =	sadd.s32 s16, s14;
	v7 =	vld [tilespmem:s8+$0x0];
	s0 =	sadd.s32 s0, s9;
	s9 =	spop (v2sf)  }
0x13a: {  	v9 =	vshrl.u32 v8, $0x7;
	s1 =	sadd.s32 s1, s9  }
0x13b: {  	v9 =	vand.u32 $0xF, v9  }
0x13c: {  	vm0 =	veq.s32 v9, $0x0  }
0x13d: {  	[tilespmem:s6+$0x0] =	vst.msk vm0, v8;
	v10 =	vmpcnt.ones.xlane vm0  }
0x13e: {  	[tilespmem:s6+$0x4000] =	vst.msk vm0, v7;
	vm0 =	veq.s32 v9, $0x1  }
0x13f: {  	[tilespmem:s7+$0x0] =	vst.msk vm0, v8;
	v11 =	vmpcnt.ones.xlane vm0;
	(v2sf) =	vpush v10, $0x0  }
0x140: {  	[tilespmem:s7+$0x4000] =	vst.msk vm0, v7;
	vm0 =	veq.s32 v9, $0x2  }
0x141: {  	[tilespmem:s30+$0x0] =	vst.msk vm0, v8;
	v10 =	vmpcnt.ones.xlane vm0;
	(v2sf) =	vpush v11, $0x0  }
0x142: {  	vm1 =	veq.s32 v9, $0x3;
	vm3 =	veq.s32 v9, $0xB;
	[tilespmem:s30+$0x4000] =	vst.msk vm0, v7;
	vm0 =	veq.s32 v9, $0xF  }
0x143: {  	v11 =	vmpcnt.ones.xlane vm1;
	[tilespmem:s4+$0x0] =	vst.msk vm1, v8;
	v12 =	vmpcnt.ones.xlane vm0;
	(v2sf) =	vpush v10, $0x0  }
0x144: {  	vm4 =	veq.s32 v9, $0x4;
	vm2 =	veq.s32 v9, $0xD;
	[tilespmem:s4+$0x4000] =	vst.msk vm1, v7;
	vm1 =	veq.s32 v9, $0xE  }
0x145: {  	v10 =	vmpcnt.ones.xlane vm4;
	[tilespmem:s3+$0x0] =	vst.msk vm4, v8;
	v13 =	vmpcnt.ones.xlane vm1;
	(v2sf) =	vpush v11, $0x0  }
0x146: {  	vm6 =	veq.s32 v9, $0x5;
	vm5 =	veq.s32 v9, $0x9;
	v11 =	vmpcnt.ones.xlane vm2;
	[tilespmem:s3+$0x4000] =	vst.msk vm4, v7  }
0x147: {  	v14 =	vmpcnt.ones.xlane vm6;
	vm4 =	veq.s32 v9, $0xC;
	[tilespmem:s10+$0x0] =	vst.msk vm6, v8;
	(v2sf) =	vpush v10, $0x0  }
0x148: {  	vm7 =	veq.s32 v9, $0x6;
	[tilespmem:s10+$0x4000] =	vst.msk vm6, v7;
	vm6 =	veq.s32 v9, $0xA;
	(v2sf) =	vpush v11, $0x0  }
0x149: {  	vm8 =	veq.s32 v9, $0x7;
	vm9 =	veq.s32 v9, $0x8;
	[tilespmem:s31+$0x0] =	vst.msk vm7, v8;
	(v2sf) =	vpush v13, $0x0  }
0x14a: {  	v10 =	vmpcnt.ones.xlane vm4;
	v9 =	vmpcnt.ones.xlane vm3;
	[tilespmem:s31+$0x4000] =	vst.msk vm7, v7;
	(v2sf) =	vpush v14, $0x0  }
0x14b: {  	v11 =	vmpcnt.ones.xlane vm9;
	v13 =	vmpcnt.ones.xlane vm6;
	[tilespmem:s0+$0x0] =	vst.msk vm8, v8;
	(v2sf) =	vpush v12, $0x0  }
0x14c: {  	v14 =	vmpcnt.ones.xlane vm5;
	v12 =	vmpcnt.ones.xlane vm8;
	[tilespmem:s0+$0x4000] =	vst.msk vm8, v7;
	(v2sf) =	vpush v10, $0x0  }
0x14d: {  	v10 =	vmpcnt.ones.xlane vm7;
	[tilespmem:s1+$0x0] =	vst.msk vm9, v8;
	(v2sf) =	vpush v13, $0x0  }
0x14e: {  	[tilespmem:s1+$0x4000] =	vst.msk vm9, v7;
	s9 =	spop (v2sf);
	(v2sf) =	vpush v14, $0x0  }
0x14f: {  	s6 =	sadd.s32 s6, s9;
	[tilespmem:s17+$0x0] =	vst.msk vm5, v8;
	(v2sf) =	vpush v10, $0x0  }
0x150: {  	[tilespmem:s17+$0x4000] =	vst.msk vm5, v7;
	s9 =	spop (v2sf);
	(v2sf) =	vpush v9, $0x0  }
0x151: {  	s7 =	sadd.s32 s7, s9;
	[tilespmem:s20+$0x0] =	vst.msk vm6, v8;
	(v2sf) =	vpush v12, $0x0  }
0x152: {  	[tilespmem:s20+$0x4000] =	vst.msk vm6, v7;
	s9 =	spop (v2sf);
	(v2sf) =	vpush v11, $0x0  }
0x153: {  	s30 =	sadd.s32 s30, s9;
	[tilespmem:s15+$0x0] =	vst.msk vm3, v8  }
0x154: {  	[tilespmem:s15+$0x4000] =	vst.msk vm3, v7;
	s9 =	spop (v2sf)  }
0x155: {  	s4 =	sadd.s32 s4, s9;
	[tilespmem:s16+$0x0] =	vst.msk vm4, v8  }
0x156: {  	[tilespmem:s16+$0x4000] =	vst.msk vm4, v7;
	s9 =	spop (v2sf)  }
.Ltmp9:
0x157: {  	s3 =	sadd.s32 s3, s9;
	[tilespmem:s21+$0x0] =	vst.msk vm2, v8;
	s9 =	spop (v2sf);
	(pc) =	sbr.rel @p4 .LBB2_13-.Ltmp9, $4  }
0x158: {  	[tilespmem:s21+$0x4000] =	vst.msk vm2, v7;
	s14 =	spop (v2sf)  }
0x159: {  	[tilespmem:s19+$0x0] =	vst.msk vm1, v8;
	s5 =	sadd.s32 s5, s14;
	s14 =	spop (v2sf)  }
0x15a: {  	s10 =	sadd.s32 s10, s14;
	[tilespmem:s19+$0x4000] =	vst.msk vm1, v7;
	s14 =	spop (v2sf)  }
0x15b: {  	s21 =	sadd.s32 s21, s9;
	[tilespmem:s11+$0x0] =	vst.msk vm0, v8;
	s18 =	sadd.s32 s18, s14;
	s14 =	spop (v2sf)  }
.LBB2_14:
0x15c: {  	s0 =	spop (v2sf)  }
0x15d: {  	s0 =	spop (v2sf)  }
0x15e: {  	s0 =	spop (v2sf)  }
0x15f: {  	s0 =	spop (v2sf)  }
0x160: {  	s9 =	rddreg [dreg:$0x2];
	s0 =	spop (v2sf)  }
0x161: {  	[tilespmem:s11+$0x4000] =	vst.msk vm0, v7;
	s6 =	rddreg [dreg:$0x11];
	s0 =	spop (v2sf)  }
.LBB2_15:
0x162: {  	s11 =	rddreg [dreg:$0x4]  }
0x163: {  	s12 =	rddreg [dreg:$0x5]  }
0x164: {  	s2 =	sld [smem:$0x7FA]  }
0x165: {  	s10 =	rddreg [dreg:$0x3]  }
0x166: {  	s17 =	sld [smem:$0x7FC]  }
0x167: {  	s18 =	sld [smem:$0x7FB]  }
0x168: {  	p4 =	sgt.s32 s6, $0x3FFF;
	s0 =	smov.u32 s9;
	s19 =	rddreg [dreg:$0xb]  }
0x169: {  	s20 =	simm.s32 $0x400;
	s3 =	simm.s32 $0xC3800;
	s21 =	rddreg [dreg:$0xd]  }
0x16a: {  	s30 =	sld [smem:$0x7FD];
	s1 =	smov.u32 s11;
	p0 =	seq.s32 s2, $0x1  }
0x16b: {  	s8 =	simm.s32 $0x0;
	s1 =	smov.u32 @p0 s12;
	p0 =	seq.s32 s17, $0x1  }
0x16c: {  	s14 =	rddreg [dreg:$0x6];
	s0 =	smov.u32 @p0 s10;
	p0 =	seq.s32 s18, $0x1  }
0x16d: {  	s15 =	rddreg [dreg:$0x9];
	s0 =	smov.u32 @p0 s1;
	p0 =	seq.s32 s30, $0x1  }
.Ltmp10:
0x16e: {  	s31 =	simm.s32 $0x0;
	s16 =	rddreg [dreg:$0xa];
	v7 =	vimm.s32 @!p4 $0x100000;
	(pc) =	sbr.rel @p0 .LBB2_18-.Ltmp10, $4  }
.Ltmp11:
0x16f: {  	[tilespmem:s6+$0x0] =	vst @!p4 v7;
	s17 =	rddreg [dreg:$0xc];
	s1 =	sadd.s32 s0, s19;
	(pc) =	sbr.rel @!p0 .LBB2_16-.Ltmp11, $4  }
0x170: {  	[tilespmem:s22], [sflag:$0x1] =	stream.strided.gather [hbm4b:s1+s20], $0x2000, s3, s20, $0x38;
	[tilespmem:$0x19700] =	vst v63  }
0x171: {  	s18 =	simm.s32 $0x1;
	s0 =	sadd.s32 s0, s21;
	s19 =	simm.s32 $0x2  }
0x172: {  	[tilespmem:s23], [sflag:$0x2] =	stream.strided.gather [hbm4b:s0+s20], $0x2000, s3, s20, $0x38;
	[tilespmem:$0x19700] =	vst v63  }
0x173: {  	_ = 	snop  }
.LBB2_50:
0x174: {  	p0 =	seq.s32 s31, s17  }
.Ltmp12:
0x175: {  	_ = 	snop;
	(pc) =	sbr.rel @p0 .LBB2_16-.Ltmp12, $1  }
0x176: {  	_ =	sdelay $0x3  }
.LBB2_18:
0x177: {  	s0 =	sshll.u32 s31, $0x1;
	_ =	swait.ge [sflag:s18], $0x2000  }
0x178: {  	s2 =	sadd.s32 s16, s0;
	[sflag:s18] =	ssyncset.done $0x0  }
0x179: {  	[sflag:s18] =	ssyncadd.s32 $0xFFFFE000;
	s0 =	sand.u32 $0xE, s2  }
0x17a: {  	v7 =	vld [tilespmem:s0+$0x10100]  }
0x17b: {  	v8 =	vld [tilespmem:s0+$0x10110];
	_ =	sdelay $0x3  }
0x17c: {  	(v2sf) =	vpush v7, $0x0  }
0x17d: {  	(v2sf) =	vpush v8, $0x0;
	_ =	sdelay $0xd  }
0x17e: {  	s30 =	spop (v2sf)  }
0x17f: {  	s1 =	spop (v2sf)  }
0x180: {  	s1 =	sadd.s32 $0xF, s1  }
0x181: {  	s0 =	sshra.s32 s30, $0x4;
	s1 =	sshra.s32 s1, $0x4  }
0x182: {  	p4 =	sge.s32 s0, s1  }
.Ltmp13:
0x183: {  	_ = 	snop;
	(pc) =	sbr.rel @p4 .LBB2_33-.Ltmp13, $1  }
0x184: {  	_ =	sdelay $0x3  }
.Ltmp14:
0x185: {  	(pc) =	sbr.rel .LBB2_20-.Ltmp14, $2  }
0x186: {  	_ =	sdelay $0x2  }
0x187: {  	v7 =	vmov s2  }
.LBB2_27:
0x188: {  	s4 =	simm.s32 $0x18180  }
.LBB2_30:
0x189: {  	v13 =	vld [tilespmem:s4+$0x10];
	[tilespmem:s3+$0xFFFFC040] =	vst @p4 v9  }
0x18a: {  	v59 =	vld [tilespmem:s4+$0x20];
	[tilespmem:s3+$0xFFFFC050] =	vst @p4 v10  }
0x18b: {  	v60 =	vld [tilespmem:s4+$0x30];
	[tilespmem:s3+$0xFFFFC060] =	vst @p4 v11  }
0x18c: {  	v61 =	vld [tilespmem:s4+$0x40];
	[tilespmem:s3+$0xFFFFC000] =	vst @p4 v12  }
0x18d: {  	v62 =	vld [tilespmem:s4+$0x50];
	[tilespmem:s4+$0xFFFFC070] =	vst v8  }
0x18e: {  	v63 =	vld [tilespmem:s4+$0x0];
	[tilespmem:s4+$0xFFFFC010] =	vst v13  }
0x18f: {  	v8 =	vld [tilespmem:s4+$0x60];
	[tilespmem:s4+$0xFFFFC020] =	vst v59  }
0x190: {  	[tilespmem:s4+$0xFFFFC030] =	vst v60  }
0x191: {  	[tilespmem:s4+$0xFFFFC040] =	vst v61  }
0x192: {  	[tilespmem:s4+$0xFFFFC050] =	vst v62  }
0x193: {  	[tilespmem:s4+$0xFFFFC000] =	vst v63  }
0x194: {  	[tilespmem:s4+$0xFFFFC060] =	vst v8  }
.LBB2_31:
0x195: {  	v8 =	vld [tilespmem:$0x19200];
	_ =	sdelay $0x4  }
0x196: {  	[tilespmem:$0x19180] =	vst v8  }
.LBB2_32:
0x197: {  	s0 =	sadd.s32 $0x1, s0  }
0x198: {  	p4 =	sne.s32 s0, s1  }
.Ltmp15:
0x199: {  	_ = 	snop;
	(pc) =	sbr.rel @!p4 .LBB2_33-.Ltmp15, $1  }
0x19a: {  	_ =	sdelay $0x3  }
.LBB2_20:
0x19b: {  	s4 =	sshll.u32 s0, $0x4  }
0x19c: {  	v8 =	vld [tilespmem:s4+$0x0];
	_ =	sdelay $0x4  }
0x19d: {  	v9 =	vshra.s32 v8, $0x7  }
0x19e: {  	vm0 =	veq.s32 v9, v7  }
0x19f: {  	v9 =	vmpcnt.ones.xlane vm0;
	_ =	sdelay $0x1  }
0x1a0: {  	(v2sf) =	vpush v9, $0x0;
	_ =	sdelay $0xe  }
0x1a1: {  	s3 =	spop (v2sf)  }
0x1a2: {  	p4 =	slt.s32 s3, $0x1  }
.Ltmp16:
0x1a3: {  	_ = 	snop;
	(pc) =	sbr.rel @p4 .LBB2_24-.Ltmp16, $1  }
0x1a4: {  	_ =	sdelay $0x3  }
0x1a5: {  	v9 =	vsel vm0, $0x1, v5  }
0x1a6: {  	(xrf0) =	vadd.scan.msk.s32 $0xffff, v9;
	_ =	sdelay $0x2  }
0x1a7: {  	v9 =	vmov s8  }
0x1a8: {  	v9 =	vadd.s32 $0xFFFFFFFF, v9  }
0x1a9: {  	v9 =	vbroadcast v9, $0x0  }
0x1aa: {  	s5 =	simm.s32 $0x0;
	v10, _, _ =	vpop (xrf0)  }
0x1ab: {  	v9 =	vadd.s32 v10, v9;
	v10 =	vmov s5  }
0x1ac: {  	v8 =	vand.u32 $0x7F, v8;
	v11 =	vld [tilespmem:s4+$0x4000];
	v9 =	vnsel vm0, $0x98, v9;
	v10 =	vshll.u32 v10, $0x7  }
0x1ad: {  	v10 =	vor.u32 v8, v10;
	_ =	sdelay $0x2  }
0x1ae: {  	s21 =	simm.s32 $0x1  }
0x1af: {  	[tilespmem:v9+s24+$0x0] =	vst.idx.msk $0xffff, v11;
	v9 =	vshll.u32 v9, $0x7;
	v11 =	vmov s21  }
0x1b0: {  	v10 =	vld.idx.msk [tilespmem:v10+s22+$0x0], $0xffff;
	v12 =	vor.u32 s5, v9;
	v11 =	vshll.u32 v11, $0x7  }
0x1b1: {  	v11 =	vor.u32 v8, v11;
	_ =	sdelay $0x2  }
0x1b2: {  	s30 =	simm.s32 $0x2  }
0x1b3: {  	[tilespmem:v12+s25+$0x0] =	vst.idx.msk $0xffff, v10;
	v10 =	vmov s30  }
0x1b4: {  	v62 =	vor.u32 s21, v9;
	v11 =	vld.idx.msk [tilespmem:v11+s22+$0x0], $0xffff;
	v10 =	vshll.u32 v10, $0x7  }
0x1b5: {  	v10 =	vor.u32 v8, v10;
	_ =	sdelay $0x2  }
0x1b6: {  	s6 =	simm.s32 $0x3  }
0x1b7: {  	[tilespmem:v62+s25+$0x0] =	vst.idx.msk $0xffff, v11;
	v11 =	vmov s6  }
0x1b8: {  	v63 =	vor.u32 s30, v9;
	v10 =	vld.idx.msk [tilespmem:v10+s22+$0x0], $0xffff;
	v11 =	vshll.u32 v11, $0x7  }
0x1b9: {  	v13 =	vor.u32 v8, v11;
	_ =	sdelay $0x3  }
0x1ba: {  	s4 =	simm.s32 $0x4;
	[tilespmem:v63+s25+$0x0] =	vst.idx.msk $0xffff, v10  }
0x1bb: {  	s5 =	simm.s32 $0x8;
	v11 =	vmov s4;
	v10 =	vld.idx.msk [tilespmem:v13+s22+$0x0], $0xffff  }
.LBB2_22:
0x1bc: {  	p4 =	slt.u32 s5, $0x3C;
	v11 =	vshll.u32 v11, $0x7;
	v12 =	vor.u32 s6, v9  }
0x1bd: {  	v11 =	vor.u32 v8, v11;
	_ =	sdelay $0x3  }
0x1be: {  	s6 =	sadd.s32 $0x1, s4;
	[tilespmem:v12+s25+$0x0] =	vst.idx.msk $0xffff, v10  }
0x1bf: {  	v10 =	vld.idx.msk [tilespmem:v11+s22+$0x0], $0xffff;
	v11 =	vmov s6  }
0x1c0: {  	v12 =	vor.u32 s4, v9;
	v11 =	vshll.u32 v11, $0x7  }
0x1c1: {  	v11 =	vor.u32 v8, v11;
	_ =	sdelay $0x3  }
0x1c2: {  	s7 =	sadd.s32 $0x2, s4;
	[tilespmem:v12+s25+$0x0] =	vst.idx.msk $0xffff, v10  }
0x1c3: {  	v10 =	vld.idx.msk [tilespmem:v11+s22+$0x0], $0xffff;
	v11 =	vmov s7  }
0x1c4: {  	v12 =	vor.u32 s6, v9;
	v11 =	vshll.u32 v11, $0x7  }
0x1c5: {  	v11 =	vor.u32 v8, v11;
	_ =	sdelay $0x3  }
0x1c6: {  	s6 =	sadd.s32 $0x3, s4;
	s4 =	smov.u32 s5;
	[tilespmem:v12+s25+$0x0] =	vst.idx.msk $0xffff, v10  }
0x1c7: {  	v10 =	vld.idx.msk [tilespmem:v11+s22+$0x0], $0xffff;
	v11 =	vmov s6  }
0x1c8: {  	v12 =	vor.u32 s7, v9;
	v11 =	vshll.u32 v11, $0x7  }
0x1c9: {  	v13 =	vor.u32 v8, v11  }
.Ltmp17:
0x1ca: {  	(pc) =	sbr.rel @p4 .LBB2_22-.Ltmp17, $3  }
0x1cb: {  	_ =	sdelay $0x1  }
0x1cc: {  	[tilespmem:v12+s25+$0x0] =	vst.idx.msk $0xffff, v10  }
0x1cd: {  	s5 =	sadd.s32 $0x4, s5;
	v11 =	vmov s4;
	v10 =	vld.idx.msk [tilespmem:v13+s22+$0x0], $0xffff  }
0x1ce: {  	v11 =	vshll.u32 v11, $0x7;
	v12 =	vor.u32 s6, v9  }
0x1cf: {  	v11 =	vor.u32 v8, v11;
	_ =	sdelay $0x2  }
0x1d0: {  	s5 =	sadd.s32 $0x1, s4  }
0x1d1: {  	v57 =	vmov s5;
	[tilespmem:v12+s25+$0x0] =	vst.idx.msk $0xffff, v10  }
0x1d2: {  	v58 =	vor.u32 s4, v9;
	v10 =	vshll.u32 v57, $0x7;
	v11 =	vld.idx.msk [tilespmem:v11+s22+$0x0], $0xffff  }
0x1d3: {  	v10 =	vor.u32 v8, v10;
	_ =	sdelay $0x2  }
0x1d4: {  	s21 =	sadd.s32 $0x2, s4  }
0x1d5: {  	v59 =	vmov s21;
	[tilespmem:v58+s25+$0x0] =	vst.idx.msk $0xffff, v11  }
0x1d6: {  	v60 =	vor.u32 s5, v9;
	v11 =	vshll.u32 v59, $0x7;
	v10 =	vld.idx.msk [tilespmem:v10+s22+$0x0], $0xffff  }
0x1d7: {  	v11 =	vor.u32 v8, v11;
	_ =	sdelay $0x2  }
0x1d8: {  	s30 =	sadd.s32 $0x3, s4  }
0x1d9: {  	v61 =	vmov s30;
	[tilespmem:v60+s25+$0x0] =	vst.idx.msk $0xffff, v10  }
0x1da: {  	v62 =	vor.u32 s21, v9;
	v10 =	vshll.u32 v61, $0x7;
	v11 =	vld.idx.msk [tilespmem:v11+s22+$0x0], $0xffff  }
0x1db: {  	v8 =	vor.u32 v8, v10;
	_ =	sdelay $0x3  }
0x1dc: {  	[tilespmem:v62+s25+$0x0] =	vst.idx.msk $0xffff, v11  }
0x1dd: {  	v63 =	vor.u32 s30, v9;
	v8 =	vld.idx.msk [tilespmem:v8+s22+$0x0], $0xffff;
	_ =	sdelay $0x4  }
0x1de: {  	[tilespmem:v63+s25+$0x0] =	vst.idx.msk $0xffff, v8  }
.LBB2_24:
0x1df: {  	s8 =	sadd.s32 s8, s3  }
0x1e0: {  	p4 =	slt.s32 s8, $0x80  }
.Ltmp18:
0x1e1: {  	_ = 	snop;
	(pc) =	sbr.rel @p4 .LBB2_32-.Ltmp18, $1  }
0x1e2: {  	_ =	sdelay $0x3  }
0x1e3: {  	v8 =	vld [tilespmem:$0x19180]  }
0x1e4: {  	v9 =	vld [tilespmem:$0x19190]  }
0x1e5: {  	v10 =	vld [tilespmem:$0x191A0]  }
0x1e6: {  	v11 =	vld [tilespmem:$0x191B0]  }
0x1e7: {  	v12 =	vld [tilespmem:$0x191C0]  }
0x1e8: {  	v62 =	vld [tilespmem:$0x191E0];
	[tilespmem:$0x19300] =	vst v8  }
0x1e9: {  	v63 =	vld [tilespmem:$0x191F0];
	[tilespmem:$0x19310] =	vst v9  }
0x1ea: {  	v8 =	vld [tilespmem:$0x191D0];
	[tilespmem:$0x19320] =	vst v10  }
0x1eb: {  	[tilespmem:$0x19330] =	vst v11  }
0x1ec: {  	[tilespmem:$0x19340] =	vst v12  }
0x1ed: {  	[tilespmem:$0x19360] =	vst v62  }
0x1ee: {  	p4 =	seq.s32 s8, $0x80;
	[tilespmem:$0x19370] =	vst v63  }
.Ltmp19:
0x1ef: {  	[tilespmem:$0x19350] =	vst v8;
	(pc) =	sbr.rel @p4 .LBB2_31-.Ltmp19, $4  }
0x1f0: {  	[hbm4b:s13+s26] =	stream.indirect.scatter [tilespmem:s25], [sflag:$0x3], $0x80, s28, s26, $0xb8;
	[tilespmem:$0x19700] =	vst v63  }
0x1f1: {  	_ =	swait.ge [sflag:s29], $0x4000  }
0x1f2: {  	[sflag:s29] =	ssyncset.done $0x0  }
0x1f3: {  	s8 =	sadd.s32 $0xFFFFFF80, s8;
	s3 =	simm.s32 $0x18180;
	[sflag:s29] =	ssyncadd.s32 $0xFFFFC000  }
0x1f4: {  	p5 =	sne.s32 s8, $0x1  }
.Ltmp20:
0x1f5: {  	_ = 	snop;
	(pc) =	sbr.rel @!p5 .LBB2_27-.Ltmp20, $2  }
0x1f6: {  	_ =	sdelay $0x2  }
0x1f7: {  	v8 =	vld [tilespmem:s3+$0x70];
	s5 =	sadd.s32 $0xFFFFFFFF, s8;
	p4 =	por $0x0, $0x0  }
0x1f8: {  	v11 =	vld [tilespmem:s3+$0x10]  }
0x1f9: {  	v13 =	vld [tilespmem:s3+$0x20]  }
0x1fa: {  	v14 =	vld [tilespmem:s3+$0x30];
	p5 =	sne.s32 s5, $0x1  }
.Ltmp21:
0x1fb: {  	v9 =	vld [tilespmem:s3+$0x40];
	(pc) =	sbr.rel @!p5 .LBB2_30-.Ltmp21, $4  }
0x1fc: {  	v10 =	vld [tilespmem:s3+$0x50];
	[tilespmem:s3+$0xFFFFC070] =	vst v8  }
0x1fd: {  	[tilespmem:s3+$0xFFFFC010] =	vst v11;
	v11 =	vld [tilespmem:s3+$0x60]  }
0x1fe: {  	v12 =	vld [tilespmem:s3+$0x0];
	s4 =	simm.s32 $0x18200;
	[tilespmem:s3+$0xFFFFC020] =	vst v13  }
0x1ff: {  	s5 =	sadd.s32 $0xFFFFFFFF, s5;
	p4 =	por $0x1, $0x1;
	v8 =	vld [tilespmem:s4+$0x70];
	[tilespmem:s3+$0xFFFFC030] =	vst v14  }
.LBB2_29:
0x200: {  	p5 =	sne.s32 s5, $0x1;
	v13 =	vld [tilespmem:s4+$0x10];
	[tilespmem:s3+$0xFFFFC040] =	vst v9  }
0x201: {  	v14 =	vld [tilespmem:s4+$0x20];
	[tilespmem:s3+$0xFFFFC050] =	vst v10  }
0x202: {  	v15 =	vld [tilespmem:s4+$0x30];
	[tilespmem:s3+$0xFFFFC060] =	vst v11  }
.Ltmp22:
0x203: {  	v9 =	vld [tilespmem:s4+$0x40];
	[tilespmem:s3+$0xFFFFC000] =	vst v12;
	s3 =	smov.u32 s4;
	(pc) =	sbr.rel @p5 .LBB2_29-.Ltmp22, $4  }
0x204: {  	v10 =	vld [tilespmem:s4+$0x50];
	[tilespmem:s4+$0xFFFFC070] =	vst v8  }
0x205: {  	[tilespmem:s4+$0xFFFFC010] =	vst v13;
	v11 =	vld [tilespmem:s4+$0x60]  }
0x206: {  	s4 =	sadd.s32 $0x80, s4;
	v12 =	vld [tilespmem:s3+$0x0];
	[tilespmem:s3+$0xFFFFC020] =	vst v14  }
0x207: {  	s5 =	sadd.s32 $0xFFFFFFFF, s5;
	v8 =	vld [tilespmem:s4+$0x70];
	[tilespmem:s3+$0xFFFFC030] =	vst v15  }
.Ltmp23:
0x208: {  	_ = 	snop;
	(pc) =	sbr.rel .LBB2_30-.Ltmp23, $1  }
0x209: {  	_ =	sdelay $0x3  }
.LBB2_33:
0x20a: {  	s31 =	sadd.s32 $0x1, s31  }
0x20b: {  	p4 =	sge.s32 s31, s17  }
0x20c: {  	p1 =	sgt.u32 @!p4 s2, $0x30A  }
0x20d: {  	p5 =	por p1, p4  }
0x20e: {  	p2 =	sgt.s32 @!p5 s15, $0x1  }
0x20f: {  	p6 =	por @!p4 !p2, p1;
	p3 =	por @!p4 p2, p1  }
0x210: {  	p0 =	por p6, p4;
	p3 =	por p3, p4  }
0x211: {  	p0 =	seq.s32 @!p0 s15, $0x2;
	p3 =	seq.s32 @!p3 s15, $0x0  }
0x212: {  	s1 =	smov.u32 s11;
	p0 =	por @!p5 !p0, !p2;
	p2 =	por @!p5 !p3, p2  }
0x213: {  	s3 =	smov.u32 s9;
	p0 =	por @!p4 !p0, p1;
	p1 =	por @!p4 !p2, p1  }
0x214: {  	s0 =	sshll.u32 @!p5 s2, $0x7;
	p0 =	por !p0, p4;
	p1 =	por !p1, p4  }
0x215: {  	s1 =	smov.u32 @p0 s12;
	s3 =	smov.u32 @p1 s10;
	p0 =	por !p6, p4  }
0x216: {  	s4 =	simm.s32 @!p5 $0x10180;
	s0 =	sadd.s32 @!p5 $0x100, s0;
	s3 =	smov.u32 @p0 s1  }
0x217: {  	s1 =	simm.s32 @!p5 $0x400;
	s0 =	sadd.s32 @!p5 s3, s0;
	s3 =	simm.s32 @!p5 $0xC3800  }
0x218: {  	[tilespmem:s4], [sflag:$0x1] =	stream.strided.gather @!p5 [hbm4b:s0+s1], $0x2000, s3, s1, $0x38;
	[tilespmem:$0x19700] =	vst v63  }
0x219: {  	_ =	swait.ge [sflag:s19], $0x2000  }
0x21a: {  	s3 =	sor.u32 $0x1, s2;
	[sflag:s19] =	ssyncset.done $0x0  }
0x21b: {  	s20 =	sand.u32 $0xF, s3;
	[sflag:s19] =	ssyncadd.s32 $0xFFFFE000  }
0x21c: {  	v7 =	vld [tilespmem:s20+$0x10100]  }
0x21d: {  	v8 =	vld [tilespmem:s20+$0x10110];
	_ =	sdelay $0x3  }
0x21e: {  	(v2sf) =	vpush v7, $0x0  }
0x21f: {  	(v2sf) =	vpush v8, $0x0;
	_ =	sdelay $0xd  }
0x220: {  	s21 =	spop (v2sf)  }
0x221: {  	s30 =	spop (v2sf)  }
0x222: {  	s1 =	sadd.s32 $0xF, s30  }
0x223: {  	s0 =	sshra.s32 s21, $0x4;
	s1 =	sshra.s32 s1, $0x4  }
0x224: {  	p0 =	sge.s32 s0, s1  }
.Ltmp24:
0x225: {  	_ = 	snop;
	(pc) =	sbr.rel @p0 .LBB2_48-.Ltmp24, $1  }
0x226: {  	_ =	sdelay $0x3  }
.Ltmp25:
0x227: {  	(pc) =	sbr.rel .LBB2_35-.Ltmp25, $2  }
0x228: {  	_ =	sdelay $0x2  }
0x229: {  	v7 =	vmov s3  }
.LBB2_42:
0x22a: {  	s4 =	simm.s32 $0x18180  }
.LBB2_45:
0x22b: {  	v13 =	vld [tilespmem:s4+$0x10];
	[tilespmem:s3+$0xFFFFC040] =	vst @p5 v9  }
0x22c: {  	v59 =	vld [tilespmem:s4+$0x20];
	[tilespmem:s3+$0xFFFFC050] =	vst @p5 v10  }
0x22d: {  	v60 =	vld [tilespmem:s4+$0x30];
	[tilespmem:s3+$0xFFFFC060] =	vst @p5 v11  }
0x22e: {  	v61 =	vld [tilespmem:s4+$0x40];
	[tilespmem:s3+$0xFFFFC000] =	vst @p5 v12  }
0x22f: {  	v62 =	vld [tilespmem:s4+$0x50];
	[tilespmem:s4+$0xFFFFC070] =	vst v8  }
0x230: {  	v63 =	vld [tilespmem:s4+$0x0];
	[tilespmem:s4+$0xFFFFC010] =	vst v13  }
0x231: {  	v8 =	vld [tilespmem:s4+$0x60];
	[tilespmem:s4+$0xFFFFC020] =	vst v59  }
0x232: {  	[tilespmem:s4+$0xFFFFC030] =	vst v60  }
0x233: {  	[tilespmem:s4+$0xFFFFC040] =	vst v61  }
0x234: {  	[tilespmem:s4+$0xFFFFC050] =	vst v62  }
0x235: {  	[tilespmem:s4+$0xFFFFC000] =	vst v63  }
0x236: {  	[tilespmem:s4+$0xFFFFC060] =	vst v8  }
.LBB2_46:
0x237: {  	v8 =	vld [tilespmem:$0x19200];
	_ =	sdelay $0x4  }
0x238: {  	[tilespmem:$0x19180] =	vst v8  }
.LBB2_47:
0x239: {  	s0 =	sadd.s32 $0x1, s0  }
0x23a: {  	p0 =	sne.s32 s0, s1  }
.Ltmp26:
0x23b: {  	_ = 	snop;
	(pc) =	sbr.rel @!p0 .LBB2_48-.Ltmp26, $1  }
0x23c: {  	_ =	sdelay $0x3  }
.LBB2_35:
0x23d: {  	s4 =	sshll.u32 s0, $0x4  }
0x23e: {  	v8 =	vld [tilespmem:s4+$0x0];
	_ =	sdelay $0x4  }
0x23f: {  	v9 =	vshra.s32 v8, $0x7  }
0x240: {  	vm0 =	veq.s32 v9, v7  }
0x241: {  	v9 =	vmpcnt.ones.xlane vm0;
	_ =	sdelay $0x1  }
0x242: {  	(v2sf) =	vpush v9, $0x0;
	_ =	sdelay $0xe  }
0x243: {  	s3 =	spop (v2sf)  }
0x244: {  	p0 =	slt.s32 s3, $0x1  }
.Ltmp27:
0x245: {  	_ = 	snop;
	(pc) =	sbr.rel @p0 .LBB2_39-.Ltmp27, $1  }
0x246: {  	_ =	sdelay $0x3  }
0x247: {  	v9 =	vsel vm0, $0x1, v5  }
0x248: {  	(xrf0) =	vadd.scan.msk.s32 $0xffff, v9;
	_ =	sdelay $0x2  }
0x249: {  	v9 =	vmov s8  }
0x24a: {  	v9 =	vadd.s32 $0xFFFFFFFF, v9  }
0x24b: {  	v9 =	vbroadcast v9, $0x0  }
0x24c: {  	s5 =	simm.s32 $0x0;
	v10, _, _ =	vpop (xrf0)  }
0x24d: {  	v9 =	vadd.s32 v10, v9;
	v10 =	vmov s5  }
0x24e: {  	v8 =	vand.u32 $0x7F, v8;
	v11 =	vld [tilespmem:s4+$0x4000];
	v9 =	vnsel vm0, $0x98, v9;
	v10 =	vshll.u32 v10, $0x7  }
0x24f: {  	v10 =	vor.u32 v8, v10;
	_ =	sdelay $0x2  }
0x250: {  	s21 =	simm.s32 $0x1  }
0x251: {  	[tilespmem:v9+s24+$0x0] =	vst.idx.msk $0xffff, v11;
	v9 =	vshll.u32 v9, $0x7;
	v11 =	vmov s21  }
0x252: {  	v10 =	vld.idx.msk [tilespmem:v10+s23+$0x0], $0xffff;
	v12 =	vor.u32 s5, v9;
	v11 =	vshll.u32 v11, $0x7  }
0x253: {  	v11 =	vor.u32 v8, v11;
	_ =	sdelay $0x2  }
0x254: {  	s30 =	simm.s32 $0x2  }
0x255: {  	[tilespmem:v12+s25+$0x0] =	vst.idx.msk $0xffff, v10;
	v10 =	vmov s30  }
0x256: {  	v62 =	vor.u32 s21, v9;
	v11 =	vld.idx.msk [tilespmem:v11+s23+$0x0], $0xffff;
	v10 =	vshll.u32 v10, $0x7  }
0x257: {  	v10 =	vor.u32 v8, v10;
	_ =	sdelay $0x2  }
0x258: {  	s6 =	simm.s32 $0x3  }
0x259: {  	[tilespmem:v62+s25+$0x0] =	vst.idx.msk $0xffff, v11;
	v11 =	vmov s6  }
0x25a: {  	v63 =	vor.u32 s30, v9;
	v10 =	vld.idx.msk [tilespmem:v10+s23+$0x0], $0xffff;
	v11 =	vshll.u32 v11, $0x7  }
0x25b: {  	v13 =	vor.u32 v8, v11;
	_ =	sdelay $0x3  }
0x25c: {  	s4 =	simm.s32 $0x4;
	[tilespmem:v63+s25+$0x0] =	vst.idx.msk $0xffff, v10  }
0x25d: {  	s5 =	simm.s32 $0x8;
	v11 =	vmov s4;
	v10 =	vld.idx.msk [tilespmem:v13+s23+$0x0], $0xffff  }
.LBB2_37:
0x25e: {  	p5 =	slt.u32 s5, $0x3C;
	v11 =	vshll.u32 v11, $0x7;
	v12 =	vor.u32 s6, v9  }
0x25f: {  	v11 =	vor.u32 v8, v11;
	_ =	sdelay $0x3  }
0x260: {  	s6 =	sadd.s32 $0x1, s4;
	[tilespmem:v12+s25+$0x0] =	vst.idx.msk $0xffff, v10  }
0x261: {  	v10 =	vld.idx.msk [tilespmem:v11+s23+$0x0], $0xffff;
	v11 =	vmov s6  }
0x262: {  	v12 =	vor.u32 s4, v9;
	v11 =	vshll.u32 v11, $0x7  }
0x263: {  	v11 =	vor.u32 v8, v11;
	_ =	sdelay $0x3  }
0x264: {  	s7 =	sadd.s32 $0x2, s4;
	[tilespmem:v12+s25+$0x0] =	vst.idx.msk $0xffff, v10  }
0x265: {  	v10 =	vld.idx.msk [tilespmem:v11+s23+$0x0], $0xffff;
	v11 =	vmov s7  }
0x266: {  	v12 =	vor.u32 s6, v9;
	v11 =	vshll.u32 v11, $0x7  }
0x267: {  	v11 =	vor.u32 v8, v11;
	_ =	sdelay $0x3  }
0x268: {  	s6 =	sadd.s32 $0x3, s4;
	s4 =	smov.u32 s5;
	[tilespmem:v12+s25+$0x0] =	vst.idx.msk $0xffff, v10  }
0x269: {  	v10 =	vld.idx.msk [tilespmem:v11+s23+$0x0], $0xffff;
	v11 =	vmov s6  }
0x26a: {  	v12 =	vor.u32 s7, v9;
	v11 =	vshll.u32 v11, $0x7  }
0x26b: {  	v13 =	vor.u32 v8, v11  }
.Ltmp28:
0x26c: {  	(pc) =	sbr.rel @p5 .LBB2_37-.Ltmp28, $3  }
0x26d: {  	_ =	sdelay $0x1  }
0x26e: {  	[tilespmem:v12+s25+$0x0] =	vst.idx.msk $0xffff, v10  }
0x26f: {  	s5 =	sadd.s32 $0x4, s5;
	v11 =	vmov s4;
	v10 =	vld.idx.msk [tilespmem:v13+s23+$0x0], $0xffff  }
0x270: {  	v11 =	vshll.u32 v11, $0x7;
	v12 =	vor.u32 s6, v9  }
0x271: {  	v11 =	vor.u32 v8, v11;
	_ =	sdelay $0x2  }
0x272: {  	s5 =	sadd.s32 $0x1, s4  }
0x273: {  	v57 =	vmov s5;
	[tilespmem:v12+s25+$0x0] =	vst.idx.msk $0xffff, v10  }
0x274: {  	v58 =	vor.u32 s4, v9;
	v10 =	vshll.u32 v57, $0x7;
	v11 =	vld.idx.msk [tilespmem:v11+s23+$0x0], $0xffff  }
0x275: {  	v10 =	vor.u32 v8, v10;
	_ =	sdelay $0x2  }
0x276: {  	s21 =	sadd.s32 $0x2, s4  }
0x277: {  	v59 =	vmov s21;
	[tilespmem:v58+s25+$0x0] =	vst.idx.msk $0xffff, v11  }
0x278: {  	v60 =	vor.u32 s5, v9;
	v11 =	vshll.u32 v59, $0x7;
	v10 =	vld.idx.msk [tilespmem:v10+s23+$0x0], $0xffff  }
0x279: {  	v11 =	vor.u32 v8, v11;
	_ =	sdelay $0x2  }
0x27a: {  	s30 =	sadd.s32 $0x3, s4  }
0x27b: {  	v61 =	vmov s30;
	[tilespmem:v60+s25+$0x0] =	vst.idx.msk $0xffff, v10  }
0x27c: {  	v62 =	vor.u32 s21, v9;
	v10 =	vshll.u32 v61, $0x7;
	v11 =	vld.idx.msk [tilespmem:v11+s23+$0x0], $0xffff  }
0x27d: {  	v8 =	vor.u32 v8, v10;
	_ =	sdelay $0x3  }
0x27e: {  	[tilespmem:v62+s25+$0x0] =	vst.idx.msk $0xffff, v11  }
0x27f: {  	v63 =	vor.u32 s30, v9;
	v8 =	vld.idx.msk [tilespmem:v8+s23+$0x0], $0xffff;
	_ =	sdelay $0x4  }
0x280: {  	[tilespmem:v63+s25+$0x0] =	vst.idx.msk $0xffff, v8  }
.LBB2_39:
0x281: {  	s8 =	sadd.s32 s8, s3  }
0x282: {  	p0 =	slt.s32 s8, $0x80  }
.Ltmp29:
0x283: {  	_ = 	snop;
	(pc) =	sbr.rel @p0 .LBB2_47-.Ltmp29, $1  }
0x284: {  	_ =	sdelay $0x3  }
0x285: {  	v8 =	vld [tilespmem:$0x19180]  }
0x286: {  	v9 =	vld [tilespmem:$0x19190]  }
0x287: {  	v10 =	vld [tilespmem:$0x191A0]  }
0x288: {  	v11 =	vld [tilespmem:$0x191B0]  }
0x289: {  	v12 =	vld [tilespmem:$0x191C0]  }
0x28a: {  	v62 =	vld [tilespmem:$0x191E0];
	[tilespmem:$0x19300] =	vst v8  }
0x28b: {  	v63 =	vld [tilespmem:$0x191F0];
	[tilespmem:$0x19310] =	vst v9  }
0x28c: {  	v8 =	vld [tilespmem:$0x191D0];
	[tilespmem:$0x19320] =	vst v10  }
0x28d: {  	[tilespmem:$0x19330] =	vst v11  }
0x28e: {  	[tilespmem:$0x19340] =	vst v12  }
0x28f: {  	[tilespmem:$0x19360] =	vst v62  }
0x290: {  	p0 =	seq.s32 s8, $0x80;
	[tilespmem:$0x19370] =	vst v63  }
.Ltmp30:
0x291: {  	[tilespmem:$0x19350] =	vst v8;
	(pc) =	sbr.rel @p0 .LBB2_46-.Ltmp30, $4  }
0x292: {  	[hbm4b:s13+s26] =	stream.indirect.scatter [tilespmem:s25], [sflag:$0x3], $0x80, s28, s26, $0xb8;
	[tilespmem:$0x19700] =	vst v63  }
0x293: {  	_ =	swait.ge [sflag:s29], $0x4000  }
0x294: {  	[sflag:s29] =	ssyncset.done $0x0  }
0x295: {  	s8 =	sadd.s32 $0xFFFFFF80, s8;
	s3 =	simm.s32 $0x18180;
	[sflag:s29] =	ssyncadd.s32 $0xFFFFC000  }
0x296: {  	p0 =	sne.s32 s8, $0x1  }
.Ltmp31:
0x297: {  	_ = 	snop;
	(pc) =	sbr.rel @!p0 .LBB2_42-.Ltmp31, $2  }
0x298: {  	_ =	sdelay $0x2  }
0x299: {  	v8 =	vld [tilespmem:s3+$0x70];
	s5 =	sadd.s32 $0xFFFFFFFF, s8;
	p5 =	por $0x0, $0x0  }
0x29a: {  	v11 =	vld [tilespmem:s3+$0x10]  }
0x29b: {  	v13 =	vld [tilespmem:s3+$0x20]  }
0x29c: {  	v14 =	vld [tilespmem:s3+$0x30];
	p0 =	sne.s32 s5, $0x1  }
.Ltmp32:
0x29d: {  	v9 =	vld [tilespmem:s3+$0x40];
	(pc) =	sbr.rel @!p0 .LBB2_45-.Ltmp32, $4  }
0x29e: {  	v10 =	vld [tilespmem:s3+$0x50];
	[tilespmem:s3+$0xFFFFC070] =	vst v8  }
0x29f: {  	[tilespmem:s3+$0xFFFFC010] =	vst v11;
	v11 =	vld [tilespmem:s3+$0x60]  }
0x2a0: {  	v12 =	vld [tilespmem:s3+$0x0];
	s4 =	simm.s32 $0x18200;
	[tilespmem:s3+$0xFFFFC020] =	vst v13  }
0x2a1: {  	s5 =	sadd.s32 $0xFFFFFFFF, s5;
	p5 =	por $0x1, $0x1;
	v8 =	vld [tilespmem:s4+$0x70];
	[tilespmem:s3+$0xFFFFC030] =	vst v14  }
.LBB2_44:
0x2a2: {  	p6 =	sne.s32 s5, $0x1;
	v13 =	vld [tilespmem:s4+$0x10];
	[tilespmem:s3+$0xFFFFC040] =	vst v9  }
0x2a3: {  	v14 =	vld [tilespmem:s4+$0x20];
	[tilespmem:s3+$0xFFFFC050] =	vst v10  }
0x2a4: {  	v15 =	vld [tilespmem:s4+$0x30];
	[tilespmem:s3+$0xFFFFC060] =	vst v11  }
.Ltmp33:
0x2a5: {  	v9 =	vld [tilespmem:s4+$0x40];
	[tilespmem:s3+$0xFFFFC000] =	vst v12;
	s3 =	smov.u32 s4;
	(pc) =	sbr.rel @p6 .LBB2_44-.Ltmp33, $4  }
0x2a6: {  	v10 =	vld [tilespmem:s4+$0x50];
	[tilespmem:s4+$0xFFFFC070] =	vst v8  }
0x2a7: {  	[tilespmem:s4+$0xFFFFC010] =	vst v13;
	v11 =	vld [tilespmem:s4+$0x60]  }
0x2a8: {  	s4 =	sadd.s32 $0x80, s4;
	v12 =	vld [tilespmem:s3+$0x0];
	[tilespmem:s3+$0xFFFFC020] =	vst v14  }
0x2a9: {  	s5 =	sadd.s32 $0xFFFFFFFF, s5;
	v8 =	vld [tilespmem:s4+$0x70];
	[tilespmem:s3+$0xFFFFC030] =	vst v15  }
.Ltmp34:
0x2aa: {  	_ = 	snop;
	(pc) =	sbr.rel .LBB2_45-.Ltmp34, $1  }
0x2ab: {  	_ =	sdelay $0x3  }
.LBB2_48:
.Ltmp35:
0x2ac: {  	(pc) =	sbr.rel @p4 .LBB2_50-.Ltmp35, $1  }
0x2ad: {  	_ =	sdelay $0x3  }
0x2ae: {  	s0 =	sadd.s32 $0x3, s2;
	p4 =	sgt.u32 s2, $0x309  }
0x2af: {  	p0 =	sne.s32 @p4 s0, $0x30D  }
0x2b0: {  	p0 =	por p0, !p4  }
0x2b1: {  	p5 =	sgt.s32 @!p4 s15, $0x1;
	s1 =	simm.s32 @!p0 $0x0;
	s2 =	simm.s32 @!p0 $0x12180  }
0x2b2: {  	[tilespmem:s2], [sflag:$0x2] =	stream.linear.gather @!p0 [hbm4b:s14+s1], $0x2000, $0x38;
	[tilespmem:$0x19700] =	vst v63  }
0x2b3: {  	p0 =	por !p5, p4  }
0x2b4: {  	p0 =	seq.s32 @!p0 s15, $0x2  }
0x2b5: {  	p1 =	por @!p4 !p0, !p5  }
0x2b6: {  	s0 =	sshll.u32 @!p4 s0, $0x7;
	p0 =	por @!p4 p0, !p5;
	p1 =	por p1, p4  }
0x2b7: {  	p0 =	por p0, p4;
	s1 =	sadd.s32 @!p1 s11, s0  }
0x2b8: {  	s2 =	simm.s32 @!p1 $0x400;
	s3 =	simm.s32 @!p1 $0xC3800;
	s4 =	simm.s32 @!p1 $0x12180  }
0x2b9: {  	[tilespmem:s4], [sflag:$0x2] =	stream.strided.gather @!p1 [hbm4b:s1+s2], $0x2000, s3, s2, $0x38;
	[tilespmem:$0x19700] =	vst v63  }
0x2ba: {  	s1 =	sadd.s32 @!p0 s12, s0  }
0x2bb: {  	s2 =	simm.s32 @!p0 $0x400;
	s3 =	simm.s32 @!p0 $0xC3800;
	s4 =	simm.s32 @!p0 $0x12180  }
0x2bc: {  	[tilespmem:s4], [sflag:$0x2] =	stream.strided.gather @!p0 [hbm4b:s1+s2], $0x2000, s3, s2, $0x38;
	[tilespmem:$0x19700] =	vst v63  }
0x2bd: {  	p0 =	por p5, p4  }
0x2be: {  	p0 =	seq.s32 @!p0 s15, $0x0  }
0x2bf: {  	p1 =	por @!p4 !p0, p5;
	p0 =	por @!p4 p0, p5  }
0x2c0: {  	p1 =	por p1, p4;
	p0 =	por p0, p4  }
.Ltmp36:
0x2c1: {  	s1 =	sadd.s32 @!p1 s9, s0;
	s2 =	simm.s32 @!p1 $0x400;
	(pc) =	sbr.rel .LBB2_50-.Ltmp36, $4  }
0x2c2: {  	s3 =	simm.s32 @!p1 $0xC3800;
	s4 =	simm.s32 @!p1 $0x12180;
	s0 =	sadd.s32 @!p0 s10, s0  }
0x2c3: {  	[tilespmem:s4], [sflag:$0x2] =	stream.strided.gather @!p1 [hbm4b:s1+s2], $0x2000, s3, s2, $0x38;
	[tilespmem:$0x19700] =	vst v63  }
0x2c4: {  	s1 =	simm.s32 @!p0 $0x400;
	s2 =	simm.s32 @!p0 $0xC3800;
	s3 =	simm.s32 @!p0 $0x12180  }
0x2c5: {  	[tilespmem:s3], [sflag:$0x2] =	stream.strided.gather @!p0 [hbm4b:s0+s1], $0x2000, s2, s1, $0x38;
	[tilespmem:$0x19700] =	vst v63  }
.LBB2_5:
0x2c6: {  	s0 =	simm.s32 $0x0;
	s8 =	simm.s32 $0x0  }
.Ltmp37:
0x2c7: {  	s1 =	simm.s32 $0x0;
	s11 =	simm.s32 $0x0;
	(pc) =	sbr.rel .LBB2_10-.Ltmp37, $4  }
0x2c8: {  	s15 =	simm.s32 $0x0;
	s16 =	simm.s32 $0x0;
	s12 =	simm.s32 $0x0  }
0x2c9: {  	s17 =	simm.s32 $0x0;
	s7 =	simm.s32 $0x0;
	s20 =	simm.s32 $0x0  }
0x2ca: {  	s21 =	simm.s32 $0x0;
	s30 =	simm.s32 $0x0;
	s31 =	simm.s32 $0x0  }
0x2cb: {  	s3 =	simm.s32 $0x0;
	s4 =	simm.s32 $0x0;
	s5 =	simm.s32 $0x0  }
.LBB2_7:
0x2cc: {  	s0 =	simm.s32 $0x0;
	s8 =	simm.s32 $0x0  }
.Ltmp38:
0x2cd: {  	s1 =	simm.s32 $0x0;
	s11 =	simm.s32 $0x0;
	(pc) =	sbr.rel .LBB2_10-.Ltmp38, $4  }
0x2ce: {  	s15 =	simm.s32 $0x0;
	s16 =	simm.s32 $0x0;
	s12 =	simm.s32 $0x0  }
0x2cf: {  	s17 =	simm.s32 $0x0;
	s7 =	simm.s32 $0x0;
	s20 =	simm.s32 $0x0  }
0x2d0: {  	s21 =	simm.s32 $0x0;
	s30 =	simm.s32 $0x0;
	s31 =	simm.s32 $0x0  }
0x2d1: {  	s3 =	simm.s32 $0x0;
	v12 =	vmov v13;
	s4 =	simm.s32 $0x0;
	v11 =	vmov v14;
	s5 =	simm.s32 $0x0;
	v9 =	vmov v15  }
.LBB2_17:
0x2d2: {  	_ =	sfence.sel $0x180000  }
0x2d3: {  	[bflag:$0x0] =	sbarrier.arrive $0xFFFF  }
0x2d4: {  	_ =	strace $0x90000047  }
0x2d5: {  	s0 =	stileid.u32;
	[bflag:$0x2] =	sbarrier.arrive $0xFFFF  }
0x2d6: {  	p0 =	sne.s32 s0, $0x0;
	s0 =	rddreg [dreg:$0x8]  }
0x2d7: {  	s0 =	sadd.s32 @!p0 $0x100000, s0  }
0x2d8: {  	[sflag:s0] =	ssyncadd.tile.s32 @!p0 $0x1;
	_ =	shalt  }
.Lfunc_end2:
_tile_overlayer_lowered:
.L_overlay_start_2:
0x2d9: {  	(tag) =	ssettag $0x2  }
0x2da: {  	s0 =	rddreg [dreg:$0x0];
	s2 =	stileid.u32  }
0x2db: {  	s1 =	rddreg [dreg:$0x1];
	p0 =	sne.s32 s2, $0x0  }
0x2dc: {  	s3 =	rddreg [dreg:$0x2];
	[bflag:$0x3] =	sbarrier.arrive $0xFFFF;
	s2 =	simm.s32 @!p0 $0x1C04  }
0x2dd: {  	[timem:s3], [sflag:s2] =	dma.local @!p0 [hbm:s0], s1  }
0x2de: {  	s0 =	simm.s32 @!p0 $0x4  }
0x2df: {  	_ =	swait.ge @!p0 [sflag:s0], s1  }
0x2e0: {  	s1 =	ssub.s32 @!p0 $0x0, s1;
	[sflag:s0] =	ssyncset.done @!p0 $0x0  }
0x2e1: {  	[sflag:s0] =	ssyncadd.s32 @!p0 s1  }
0x2e2: {  	[bflag:$0x3] =	sbarrier.arrive $0xFFFF  }
0x2e3: {  	_ =	shalt  }

</sc_bundles>
